<compile_context>
chip_gen: v7x
topology: tpu7x:2x2x1
jax: 0.10.2.dev20260603
libtpu: 0.0.44.dev20260713+nightly
codegen_flags: <defaults>
</compile_context>

<pallas_src>
import jax
import jax.numpy as jnp
from jax import lax
from jax.experimental import pallas as pl
from jax.experimental.pallas import tpu as pltpu
from jax.experimental.pallas import tpu_sc as plsc

_VOCAB = 100000
_M = 10
_K = 256
_SUB = 30
_NTOK = 4096 * 50
_NW = 32
_TPW = _NTOK // _NW
_CH = 64
_NCH = _TPW // _CH
_SPB = 4
_BLK = _SPB * 50
_NBLK = _TPW // _BLK
_CBW = _M * _K * _SUB
_D = _M * _SUB


def _gather_body(ids_hbm, vec_hbm, codes_hbm, ids_v, c0, c1, c2, c3,
                 sg0, sg1, sg2, sg3, so0, so1, so2, so3):
    cid = lax.axis_index("c")
    sid = lax.axis_index("s")
    wid = sid * 2 + cid
    tok0 = wid * _TPW
    cb = (c0, c1, c2, c3)
    sg = (sg0, sg1, sg2, sg3)
    so = (so0, so1, so2, so3)

    pltpu.sync_copy(ids_hbm.at[pl.ds(tok0, _TPW)], ids_v)

    def issue(c, p):
        pltpu.async_copy(
            vec_hbm.at[ids_v.at[pl.ds(c * _CH, _CH)]], cb[p], sg[p])

    issue(0, 0)
    issue(1, 1)

    def step(c, p):
        q = (p + 2) % 4
        pltpu.make_async_copy(
            vec_hbm.at[ids_v.at[pl.ds(0, _CH)]], cb[p], sg[p]).wait()

        @pl.when((c >= 2) & (c + 2 < _NCH))
        def _():
            pltpu.make_async_copy(
                cb[q], codes_hbm.at[pl.ds(0, _CH)], so[q]).wait()

        @pl.when(c + 2 < _NCH)
        def _():
            issue(c + 2, q)

        pltpu.async_copy(
            cb[p], codes_hbm.at[pl.ds(tok0 + c * _CH, _CH)], so[p])

    def quad(cq, carry):
        for p in range(4):
            step(cq * 4 + p, p)
        return carry

    lax.fori_loop(0, _NCH // 4, quad, 0)
    for p in range(4):
        pltpu.make_async_copy(
            cb[p], codes_hbm.at[pl.ds(0, _CH)], so[p]).wait()


def _assemble_body(codes_hbm, cw_hbm, out_hbm,
                   cb_v, cod0, cod1, out_v, sc0, sc1, so0, so1):
    cid = lax.axis_index("c")
    sid = lax.axis_index("s")
    wid = sid * 2 + cid
    tok0 = wid * _TPW
    sent0 = wid * (_TPW // 50)
    lane = lax.iota(jnp.int32, 16)
    codb, scb = (cod0, cod1), (sc0, sc1)

    pltpu.sync_copy(cw_hbm, cb_v)
    pltpu.async_copy(codes_hbm.at[pl.ds(tok0 * 16, _BLK * 16)], cod0, sc0)

    def group(blk, pb, kp, j, cod_ref):
        k = kp * 2 + j
        act = jnp.where((k & 3) == 3, 2, 16)
        m = lane < act
        base = pb * 100 + (k >> 2) * 50 + (k & 3) * 16
        slot = kp >> 1
        s_loc = blk * _SPB + pb * 2 + (k >> 2)

        if j == 0:
            @pl.when((kp == 0) & (s_loc >= 2))
            def _():
                pltpu.make_async_copy(
                    out_v.at[pl.ds(0, 1)],
                    out_hbm.at[pl.ds(sent0, 1)], so0).wait()

            @pl.when((kp == 2) & (s_loc >= 2))
            def _():
                pltpu.make_async_copy(
                    out_v.at[pl.ds(1, 1)],
                    out_hbm.at[pl.ds(sent0, 1)], so1).wait()

        crow = (base + lane) * 16
        lvec = (k & 3) * 16 + lane
        slotv = jnp.full((16,), slot, jnp.int32)
        for i in range(_M):
            c16 = plsc.load_gather(cod_ref, [crow + i], mask=m) & 255
            bvec = c16 * _SUB + i * (_K * _SUB)
            col0 = jnp.full((16,), i * _SUB, jnp.int32)

            @plsc.parallel_loop(0, _SUB, unroll=6)
            def _dl(d):
                vals = plsc.load_gather(cb_v, [bvec + d])
                plsc.store_scatter(out_v, [slotv, lvec, col0 + d], vals,
                                   mask=m)

        if j == 1:
            @pl.when(kp == 1)
            def _():
                pltpu.async_copy(out_v.at[pl.ds(0, 1)],
                                 out_hbm.at[pl.ds(sent0 + s_loc, 1)], so0)

            @pl.when(kp == 3)
            def _():
                pltpu.async_copy(out_v.at[pl.ds(1, 1)],
                                 out_hbm.at[pl.ds(sent0 + s_loc, 1)], so1)

    def block(blk, bi):
        pltpu.make_async_copy(
            codes_hbm.at[pl.ds(tok0 * 16, _BLK * 16)], codb[bi],
            scb[bi]).wait()

        @pl.when(blk + 1 < _NBLK)
        def _():
            pltpu.async_copy(
                codes_hbm.at[pl.ds((tok0 + (blk + 1) * _BLK) * 16, _BLK * 16)],
                codb[1 - bi], scb[1 - bi])

        def q_body(q, carry):
            pb = q >> 2
            kp = q & 3
            group(blk, pb, kp, 0, codb[bi])
            group(blk, pb, kp, 1, codb[bi])
            return carry

        lax.fori_loop(0, _SPB * 2, q_body, 0)

    def bp_body(bp, carry):
        block(bp * 2, 0)
        block(bp * 2 + 1, 1)
        return carry

    lax.fori_loop(0, _NBLK // 2, bp_body, 0)

    pltpu.make_async_copy(out_v.at[pl.ds(0, 1)],
                          out_hbm.at[pl.ds(sent0, 1)], so0).wait()
    pltpu.make_async_copy(out_v.at[pl.ds(1, 1)],
                          out_hbm.at[pl.ds(sent0, 1)], so1).wait()


def kernel(input_ids, codewords, vectors):
    ids = input_ids.reshape(_NTOK)
    cw = codewords.reshape(_CBW)
    vec16 = jnp.pad(vectors, ((0, 0), (0, 16 - _M)))
    mesh = plsc.VectorSubcoreMesh(core_axis_name="c", subcore_axis_name="s")
    codes = pl.kernel(
        _gather_body,
        out_type=jax.ShapeDtypeStruct((_NTOK, 16), jnp.int32),
        mesh=mesh,
        compiler_params=pltpu.CompilerParams(
            use_tc_tiling_on_sc=False, needs_layout_passes=False),
        scratch_types=[
            pltpu.VMEM((_TPW,), jnp.int32),
            pltpu.VMEM((_CH, 16), jnp.int32),
            pltpu.VMEM((_CH, 16), jnp.int32),
            pltpu.VMEM((_CH, 16), jnp.int32),
            pltpu.VMEM((_CH, 16), jnp.int32),
        ] + [pltpu.SemaphoreType.DMA] * 8,
    )(ids, vec16)
    out = pl.kernel(
        _assemble_body,
        out_type=jax.ShapeDtypeStruct((4096, 50, _D), jnp.float32),
        mesh=mesh,
        compiler_params=pltpu.CompilerParams(
            use_tc_tiling_on_sc=False, needs_layout_passes=False),
        scratch_types=[
            pltpu.VMEM((_CBW,), jnp.float32),
            pltpu.VMEM((_BLK * 16,), jnp.int32),
            pltpu.VMEM((_BLK * 16,), jnp.int32),
            pltpu.VMEM((2, 50, _D), jnp.float32),
        ] + [pltpu.SemaphoreType.DMA] * 4,
    )(codes.reshape(_NTOK * 16), cw)
    return out

# --- scband reference (transcript-rebuilt; emitter-appended) ---
"""Pipeline reference for scband-glo-ve-pqembedding-1821066133506 (READ-ONLY COPY).

The authoritative reference and input builder live on the scoring server;
editing this copy changes nothing except your own understanding.
"""

import jax, jax.numpy as jnp
import numpy as np

VOCAB = 100000
M = 10
K = 256
SUB = 30

def setup_inputs(seed: int = 0) -> dict:
    key = jax.random.key(seed)
    k1, k2, k3 = jax.random.split(key, 3)
    codewords = jax.random.normal(k1, (M, K, SUB), dtype=jnp.float32)
    vectors = jax.random.randint(k2, (VOCAB, M), 0, K, dtype=jnp.int32)
    input_ids = jax.random.randint(k3, (4096, 50), 0, VOCAB, dtype=jnp.int32)
    return {"input_ids": input_ids, "codewords": codewords, "vectors": vectors}

def reference(input_ids, codewords, vectors):
    # codes = self.vectors[input_ids]  -> gather PQ codes per token
    codes = jnp.take(vectors, input_ids, axis=0)  # [B, L, M]
    # per-subspace codebook gather, then concat along feature dim
    parts = []
    for i in range(codes.shape[-1]):
        parts.append(jnp.take(codewords[i], codes[..., i], axis=0))  # [B, L, SUB]
    return jnp.concatenate(parts, axis=-1)  # [B, L, M*SUB] = [4096, 50, 300]

if __name__ == "__main__":
    import jax
    _d = setup_inputs()
    print(jax.jit(kernel)(*tuple(_d.values())))

</pallas_src>

<mosaic_0001>
#map = affine_map<(d0, d1) -> (0)>
#map1 = affine_map<(d0, d1) -> (0, 0)>
module attributes {stable_mosaic.version = 14 : i64} {
  func.func @_gather_body(%arg0: i32, %arg1: i32, %arg2: memref<204800xi32, #tpu.memory_space<hbm>>, %arg3: memref<100000x16xi32, #tpu.memory_space<hbm>>, %arg4: memref<204800x16xi32, #tpu.memory_space<hbm>>, %arg5: memref<6400xi32, #tpu.memory_space<vmem>>, %arg6: memref<64x16xi32, #tpu.memory_space<vmem>>, %arg7: memref<64x16xi32, #tpu.memory_space<vmem>>, %arg8: memref<64x16xi32, #tpu.memory_space<vmem>>, %arg9: memref<64x16xi32, #tpu.memory_space<vmem>>, %arg10: memref<!tpu.dma_semaphore, #tpu.memory_space<semaphore_mem>>, %arg11: memref<!tpu.dma_semaphore, #tpu.memory_space<semaphore_mem>>, %arg12: memref<!tpu.dma_semaphore, #tpu.memory_space<semaphore_mem>>, %arg13: memref<!tpu.dma_semaphore, #tpu.memory_space<semaphore_mem>>, %arg14: memref<!tpu.dma_semaphore, #tpu.memory_space<semaphore_mem>>, %arg15: memref<!tpu.dma_semaphore, #tpu.memory_space<semaphore_mem>>, %arg16: memref<!tpu.dma_semaphore, #tpu.memory_space<semaphore_mem>>, %arg17: memref<!tpu.dma_semaphore, #tpu.memory_space<semaphore_mem>>) attributes {dimension_semantics = [#tpu.dimension_semantics<core_parallel>, #tpu.dimension_semantics<subcore_parallel>], iteration_bounds = array<i64: 2, 16>, scalar_prefetch = 0 : i64, scratch_operands = 13 : i64, tpu.core_type = #tpu.core_type<sc_vector_subcore>, window_params = [{transform_indices = #map}, {transform_indices = #map1}, {transform_indices = #map1}]} {
    %mul3A = arith.constant 2 : i32
    %mul3A_0 = arith.muli %arg1, %mul3A : i32
    %add3A = arith.addi %mul3A_0, %arg0 : i32
    %mul3A_1 = arith.constant 6400 : i32
    %mul3A_2 = arith.muli %add3A, %mul3A_1 : i32
    "tpu.region"() ({
      %run_scoped3A = tpu.sem_alloc : memref<!tpu.dma_semaphore, #tpu.memory_space<semaphore_mem>>
      %dma_start3A_40 = tpu.memref_slice %arg2[%mul3A_2] : memref<204800xi32, #tpu.memory_space<hbm>> -> memref<6400xi32, #tpu.memory_space<hbm>>
      %dma_start3A_41 = tpu.memref_slice %arg2[%mul3A_2] : memref<204800xi32, #tpu.memory_space<hbm>> -> memref<6400xi32, #tpu.memory_space<hbm>>
      tpu.enqueue_dma source(%dma_start3A_41 : memref<6400xi32, #tpu.memory_space<hbm>>) target(%arg5 : memref<6400xi32, #tpu.memory_space<vmem>>) target_semaphore(%run_scoped3A : memref<!tpu.dma_semaphore, #tpu.memory_space<semaphore_mem>>)
      %dma_wait3A_42 = tpu.memref_slice %arg2[%mul3A_2] : memref<204800xi32, #tpu.memory_space<hbm>> -> memref<6400xi32, #tpu.memory_space<hbm>>
      %dma_wait3A_43 = tpu.memref_slice %arg2[%mul3A_2] : memref<204800xi32, #tpu.memory_space<hbm>> -> memref<6400xi32, #tpu.memory_space<hbm>>
      tpu.wait_dma2 semaphore(%run_scoped3A : memref<!tpu.dma_semaphore, #tpu.memory_space<semaphore_mem>>) src(%dma_wait3A_43 : memref<6400xi32, #tpu.memory_space<hbm>>) dst(%arg5 : memref<6400xi32, #tpu.memory_space<vmem>>)
      tpu.yield
    }) : () -> ()
    %dma_start3A = arith.constant 0 : i32
    %dma_start3A_3 = tpu.memref_slice %arg5[%dma_start3A] : memref<6400xi32, #tpu.memory_space<vmem>> -> memref<64xi32, #tpu.memory_space<vmem>>
    %dma_start3A_4 = arith.constant 0 : i32
    %dma_start3A_5 = arith.constant 0 : i32
    %dma_start3A_6 = tpu.memref_slice %arg3[%dma_start3A_4, %dma_start3A_5] : memref<100000x16xi32, #tpu.memory_space<hbm>> -> memref<100000x16xi32, #tpu.memory_space<hbm>>
    tpu.enqueue_indirect_dma source(%dma_start3A_6 : memref<100000x16xi32, #tpu.memory_space<hbm>>) target(%arg6 : memref<64x16xi32, #tpu.memory_space<vmem>>) offsets(%dma_start3A_3 : memref<64xi32, #tpu.memory_space<vmem>>) semaphore(%arg10 : memref<!tpu.dma_semaphore, #tpu.memory_space<semaphore_mem>>)
    %dma_start3A_7 = arith.constant 64 : i32
    %dma_start3A_8 = tpu.memref_slice %arg5[%dma_start3A_7] : memref<6400xi32, #tpu.memory_space<vmem>> -> memref<64xi32, #tpu.memory_space<vmem>>
    %dma_start3A_9 = arith.constant 0 : i32
    %dma_start3A_10 = arith.constant 0 : i32
    %dma_start3A_11 = tpu.memref_slice %arg3[%dma_start3A_9, %dma_start3A_10] : memref<100000x16xi32, #tpu.memory_space<hbm>> -> memref<100000x16xi32, #tpu.memory_space<hbm>>
    tpu.enqueue_indirect_dma source(%dma_start3A_11 : memref<100000x16xi32, #tpu.memory_space<hbm>>) target(%arg7 : memref<64x16xi32, #tpu.memory_space<vmem>>) offsets(%dma_start3A_8 : memref<64xi32, #tpu.memory_space<vmem>>) semaphore(%arg11 : memref<!tpu.dma_semaphore, #tpu.memory_space<semaphore_mem>>)
    %scan3A = arith.constant 0 : i32
    %scan3A_12 = arith.constant 0 : i32
    %scan3A_13 = arith.constant 25 : i32
    %scan3A_14 = arith.addi %scan3A_12, %scan3A_13 : i32
    %scan3A_15 = arith.constant 1 : i32
    scf.for %scan3A_40 = %scan3A_12 to %scan3A_14 step %scan3A_15  : i32 {
      %mul3A_41 = arith.constant 4 : i32
      %mul3A_42 = arith.muli %scan3A_40, %mul3A_41 : i32
      %add3A_43 = arith.constant 0 : i32
      %add3A_44 = arith.addi %mul3A_42, %add3A_43 : i32
      %dma_wait3A_45 = arith.constant 0 : i32
      %dma_wait3A_46 = tpu.memref_slice %arg5[%dma_wait3A_45] : memref<6400xi32, #tpu.memory_space<vmem>> -> memref<64xi32, #tpu.memory_space<vmem>>
      %dma_wait3A_47 = arith.constant 0 : i32
      %dma_wait3A_48 = arith.constant 0 : i32
      %dma_wait3A_49 = tpu.memref_slice %arg3[%dma_wait3A_47, %dma_wait3A_48] : memref<100000x16xi32, #tpu.memory_space<hbm>> -> memref<100000x16xi32, #tpu.memory_space<hbm>>
      tpu.wait_indirect_dma semaphore(%arg10 : memref<!tpu.dma_semaphore, #tpu.memory_space<semaphore_mem>>) src(%dma_wait3A_49 : memref<100000x16xi32, #tpu.memory_space<hbm>>) dst(%arg6 : memref<64x16xi32, #tpu.memory_space<vmem>>)
      %ge3A = arith.constant 2 : i32
      %ge3A_50 = arith.cmpi sge, %add3A_44, %ge3A : i32
      %add3A_51 = arith.constant 2 : i32
      %add3A_52 = arith.addi %add3A_44, %add3A_51 : i32
      %lt3A = arith.constant 100 : i32
      %lt3A_53 = arith.cmpi slt, %add3A_52, %lt3A : i32
      %and3A = arith.andi %ge3A_50, %lt3A_53 : i1
      %convert_element_type3A = arith.extui %and3A : i1 to i32
      %cond3A = arith.constant 0 : i32
      %cond3A_54 = arith.cmpi ne, %convert_element_type3A, %cond3A : i32
      scf.if %cond3A_54 {
        %dma_wait3A_168 = arith.constant 0 : i32
        %dma_wait3A_169 = arith.constant 0 : i32
        %dma_wait3A_170 = tpu.memref_slice %arg4[%dma_wait3A_168, %dma_wait3A_169] : memref<204800x16xi32, #tpu.memory_space<hbm>> -> memref<64x16xi32, #tpu.memory_space<hbm>>
        %dma_wait3A_171 = arith.constant 0 : i32
        %dma_wait3A_172 = arith.constant 0 : i32
        %dma_wait3A_173 = tpu.memref_slice %arg4[%dma_wait3A_171, %dma_wait3A_172] : memref<204800x16xi32, #tpu.memory_space<hbm>> -> memref<64x16xi32, #tpu.memory_space<hbm>>
        tpu.wait_dma2 semaphore(%arg16 : memref<!tpu.dma_semaphore, #tpu.memory_space<semaphore_mem>>) src(%arg8 : memref<64x16xi32, #tpu.memory_space<vmem>>) dst(%dma_wait3A_173 : memref<64x16xi32, #tpu.memory_space<hbm>>)
      } else {
      }
      %add3A_55 = arith.constant 2 : i32
      %add3A_56 = arith.addi %add3A_44, %add3A_55 : i32
      %lt3A_57 = arith.constant 100 : i32
      %lt3A_58 = arith.cmpi slt, %add3A_56, %lt3A_57 : i32
      %convert_element_type3A_59 = arith.extui %lt3A_58 : i1 to i32
      %cond3A_60 = arith.constant 0 : i32
      %cond3A_61 = arith.cmpi ne, %convert_element_type3A_59, %cond3A_60 : i32
      scf.if %cond3A_61 {
        %add3A_168 = arith.constant 2 : i32
        %add3A_169 = arith.addi %add3A_44, %add3A_168 : i32
        %mul3A_170 = arith.constant 64 : i32
        %mul3A_171 = arith.muli %add3A_169, %mul3A_170 : i32
        %dma_start3A_172 = tpu.memref_slice %arg5[%mul3A_171] : memref<6400xi32, #tpu.memory_space<vmem>> -> memref<64xi32, #tpu.memory_space<vmem>>
        %dma_start3A_173 = arith.constant 0 : i32
        %dma_start3A_174 = arith.constant 0 : i32
        %dma_start3A_175 = tpu.memref_slice %arg3[%dma_start3A_173, %dma_start3A_174] : memref<100000x16xi32, #tpu.memory_space<hbm>> -> memref<100000x16xi32, #tpu.memory_space<hbm>>
        tpu.enqueue_indirect_dma source(%dma_start3A_175 : memref<100000x16xi32, #tpu.memory_space<hbm>>) target(%arg8 : memref<64x16xi32, #tpu.memory_space<vmem>>) offsets(%dma_start3A_172 : memref<64xi32, #tpu.memory_space<vmem>>) semaphore(%arg12 : memref<!tpu.dma_semaphore, #tpu.memory_space<semaphore_mem>>)
      } else {
      }
      %mul3A_62 = arith.constant 64 : i32
      %mul3A_63 = arith.muli %add3A_44, %mul3A_62 : i32
      %add3A_64 = arith.addi %mul3A_2, %mul3A_63 : i32
      %dma_start3A_65 = arith.constant 0 : i32
      %dma_start3A_66 = tpu.memref_slice %arg4[%add3A_64, %dma_start3A_65] : memref<204800x16xi32, #tpu.memory_space<hbm>> -> memref<64x16xi32, #tpu.memory_space<hbm>>
      %dma_start3A_67 = arith.constant 0 : i32
      %dma_start3A_68 = tpu.memref_slice %arg4[%add3A_64, %dma_start3A_67] : memref<204800x16xi32, #tpu.memory_space<hbm>> -> memref<64x16xi32, #tpu.memory_space<hbm>>
      tpu.enqueue_dma source(%arg6 : memref<64x16xi32, #tpu.memory_space<vmem>>) target(%dma_start3A_68 : memref<64x16xi32, #tpu.memory_space<hbm>>) target_semaphore(%arg14 : memref<!tpu.dma_semaphore, #tpu.memory_space<semaphore_mem>>)
      %mul3A_69 = arith.constant 4 : i32
      %mul3A_70 = arith.muli %scan3A_40, %mul3A_69 : i32
      %add3A_71 = arith.constant 1 : i32
      %add3A_72 = arith.addi %mul3A_70, %add3A_71 : i32
      %dma_wait3A_73 = arith.constant 0 : i32
      %dma_wait3A_74 = tpu.memref_slice %arg5[%dma_wait3A_73] : memref<6400xi32, #tpu.memory_space<vmem>> -> memref<64xi32, #tpu.memory_space<vmem>>
      %dma_wait3A_75 = arith.constant 0 : i32
      %dma_wait3A_76 = arith.constant 0 : i32
      %dma_wait3A_77 = tpu.memref_slice %arg3[%dma_wait3A_75, %dma_wait3A_76] : memref<100000x16xi32, #tpu.memory_space<hbm>> -> memref<100000x16xi32, #tpu.memory_space<hbm>>
      tpu.wait_indirect_dma semaphore(%arg11 : memref<!tpu.dma_semaphore, #tpu.memory_space<semaphore_mem>>) src(%dma_wait3A_77 : memref<100000x16xi32, #tpu.memory_space<hbm>>) dst(%arg7 : memref<64x16xi32, #tpu.memory_space<vmem>>)
      %ge3A_78 = arith.constant 2 : i32
      %ge3A_79 = arith.cmpi sge, %add3A_72, %ge3A_78 : i32
      %add3A_80 = arith.constant 2 : i32
      %add3A_81 = arith.addi %add3A_72, %add3A_80 : i32
      %lt3A_82 = arith.constant 100 : i32
      %lt3A_83 = arith.cmpi slt, %add3A_81, %lt3A_82 : i32
      %and3A_84 = arith.andi %ge3A_79, %lt3A_83 : i1
      %convert_element_type3A_85 = arith.extui %and3A_84 : i1 to i32
      %cond3A_86 = arith.constant 0 : i32
      %cond3A_87 = arith.cmpi ne, %convert_element_type3A_85, %cond3A_86 : i32
      scf.if %cond3A_87 {
        %dma_wait3A_168 = arith.constant 0 : i32
        %dma_wait3A_169 = arith.constant 0 : i32
        %dma_wait3A_170 = tpu.memref_slice %arg4[%dma_wait3A_168, %dma_wait3A_169] : memref<204800x16xi32, #tpu.memory_space<hbm>> -> memref<64x16xi32, #tpu.memory_space<hbm>>
        %dma_wait3A_171 = arith.constant 0 : i32
        %dma_wait3A_172 = arith.constant 0 : i32
        %dma_wait3A_173 = tpu.memref_slice %arg4[%dma_wait3A_171, %dma_wait3A_172] : memref<204800x16xi32, #tpu.memory_space<hbm>> -> memref<64x16xi32, #tpu.memory_space<hbm>>
        tpu.wait_dma2 semaphore(%arg17 : memref<!tpu.dma_semaphore, #tpu.memory_space<semaphore_mem>>) src(%arg9 : memref<64x16xi32, #tpu.memory_space<vmem>>) dst(%dma_wait3A_173 : memref<64x16xi32, #tpu.memory_space<hbm>>)
      } else {
      }
      %add3A_88 = arith.constant 2 : i32
      %add3A_89 = arith.addi %add3A_72, %add3A_88 : i32
      %lt3A_90 = arith.constant 100 : i32
      %lt3A_91 = arith.cmpi slt, %add3A_89, %lt3A_90 : i32
      %convert_element_type3A_92 = arith.extui %lt3A_91 : i1 to i32
      %cond3A_93 = arith.constant 0 : i32
      %cond3A_94 = arith.cmpi ne, %convert_element_type3A_92, %cond3A_93 : i32
      scf.if %cond3A_94 {
        %add3A_168 = arith.constant 2 : i32
        %add3A_169 = arith.addi %add3A_72, %add3A_168 : i32
        %mul3A_170 = arith.constant 64 : i32
        %mul3A_171 = arith.muli %add3A_169, %mul3A_170 : i32
        %dma_start3A_172 = tpu.memref_slice %arg5[%mul3A_171] : memref<6400xi32, #tpu.memory_space<vmem>> -> memref<64xi32, #tpu.memory_space<vmem>>
        %dma_start3A_173 = arith.constant 0 : i32
        %dma_start3A_174 = arith.constant 0 : i32
        %dma_start3A_175 = tpu.memref_slice %arg3[%dma_start3A_173, %dma_start3A_174] : memref<100000x16xi32, #tpu.memory_space<hbm>> -> memref<100000x16xi32, #tpu.memory_space<hbm>>
        tpu.enqueue_indirect_dma source(%dma_start3A_175 : memref<100000x16xi32, #tpu.memory_space<hbm>>) target(%arg9 : memref<64x16xi32, #tpu.memory_space<vmem>>) offsets(%dma_start3A_172 : memref<64xi32, #tpu.memory_space<vmem>>) semaphore(%arg13 : memref<!tpu.dma_semaphore, #tpu.memory_space<semaphore_mem>>)
      } else {
      }
      %mul3A_95 = arith.constant 64 : i32
      %mul3A_96 = arith.muli %add3A_72, %mul3A_95 : i32
      %add3A_97 = arith.addi %mul3A_2, %mul3A_96 : i32
      %dma_start3A_98 = arith.constant 0 : i32
      %dma_start3A_99 = tpu.memref_slice %arg4[%add3A_97, %dma_start3A_98] : memref<204800x16xi32, #tpu.memory_space<hbm>> -> memref<64x16xi32, #tpu.memory_space<hbm>>
      %dma_start3A_100 = arith.constant 0 : i32
      %dma_start3A_101 = tpu.memref_slice %arg4[%add3A_97, %dma_start3A_100] : memref<204800x16xi32, #tpu.memory_space<hbm>> -> memref<64x16xi32, #tpu.memory_space<hbm>>
      tpu.enqueue_dma source(%arg7 : memref<64x16xi32, #tpu.memory_space<vmem>>) target(%dma_start3A_101 : memref<64x16xi32, #tpu.memory_space<hbm>>) target_semaphore(%arg15 : memref<!tpu.dma_semaphore, #tpu.memory_space<semaphore_mem>>)
      %mul3A_102 = arith.constant 4 : i32
      %mul3A_103 = arith.muli %scan3A_40, %mul3A_102 : i32
      %add3A_104 = arith.constant 2 : i32
      %add3A_105 = arith.addi %mul3A_103, %add3A_104 : i32
      %dma_wait3A_106 = arith.constant 0 : i32
      %dma_wait3A_107 = tpu.memref_slice %arg5[%dma_wait3A_106] : memref<6400xi32, #tpu.memory_space<vmem>> -> memref<64xi32, #tpu.memory_space<vmem>>
      %dma_wait3A_108 = arith.constant 0 : i32
      %dma_wait3A_109 = arith.constant 0 : i32
      %dma_wait3A_110 = tpu.memref_slice %arg3[%dma_wait3A_108, %dma_wait3A_109] : memref<100000x16xi32, #tpu.memory_space<hbm>> -> memref<100000x16xi32, #tpu.memory_space<hbm>>
      tpu.wait_indirect_dma semaphore(%arg12 : memref<!tpu.dma_semaphore, #tpu.memory_space<semaphore_mem>>) src(%dma_wait3A_110 : memref<100000x16xi32, #tpu.memory_space<hbm>>) dst(%arg8 : memref<64x16xi32, #tpu.memory_space<vmem>>)
      %ge3A_111 = arith.constant 2 : i32
      %ge3A_112 = arith.cmpi sge, %add3A_105, %ge3A_111 : i32
      %add3A_113 = arith.constant 2 : i32
      %add3A_114 = arith.addi %add3A_105, %add3A_113 : i32
      %lt3A_115 = arith.constant 100 : i32
      %lt3A_116 = arith.cmpi slt, %add3A_114, %lt3A_115 : i32
      %and3A_117 = arith.andi %ge3A_112, %lt3A_116 : i1
      %convert_element_type3A_118 = arith.extui %and3A_117 : i1 to i32
      %cond3A_119 = arith.constant 0 : i32
      %cond3A_120 = arith.cmpi ne, %convert_element_type3A_118, %cond3A_119 : i32
      scf.if %cond3A_120 {
        %dma_wait3A_168 = arith.constant 0 : i32
        %dma_wait3A_169 = arith.constant 0 : i32
        %dma_wait3A_170 = tpu.memref_slice %arg4[%dma_wait3A_168, %dma_wait3A_169] : memref<204800x16xi32, #tpu.memory_space<hbm>> -> memref<64x16xi32, #tpu.memory_space<hbm>>
        %dma_wait3A_171 = arith.constant 0 : i32
        %dma_wait3A_172 = arith.constant 0 : i32
        %dma_wait3A_173 = tpu.memref_slice %arg4[%dma_wait3A_171, %dma_wait3A_172] : memref<204800x16xi32, #tpu.memory_space<hbm>> -> memref<64x16xi32, #tpu.memory_space<hbm>>
        tpu.wait_dma2 semaphore(%arg14 : memref<!tpu.dma_semaphore, #tpu.memory_space<semaphore_mem>>) src(%arg6 : memref<64x16xi32, #tpu.memory_space<vmem>>) dst(%dma_wait3A_173 : memref<64x16xi32, #tpu.memory_space<hbm>>)
      } else {
      }
      %add3A_121 = arith.constant 2 : i32
      %add3A_122 = arith.addi %add3A_105, %add3A_121 : i32
      %lt3A_123 = arith.constant 100 : i32
      %lt3A_124 = arith.cmpi slt, %add3A_122, %lt3A_123 : i32
      %convert_element_type3A_125 = arith.extui %lt3A_124 : i1 to i32
      %cond3A_126 = arith.constant 0 : i32
      %cond3A_127 = arith.cmpi ne, %convert_element_type3A_125, %cond3A_126 : i32
      scf.if %cond3A_127 {
        %add3A_168 = arith.constant 2 : i32
        %add3A_169 = arith.addi %add3A_105, %add3A_168 : i32
        %mul3A_170 = arith.constant 64 : i32
        %mul3A_171 = arith.muli %add3A_169, %mul3A_170 : i32
        %dma_start3A_172 = tpu.memref_slice %arg5[%mul3A_171] : memref<6400xi32, #tpu.memory_space<vmem>> -> memref<64xi32, #tpu.memory_space<vmem>>
        %dma_start3A_173 = arith.constant 0 : i32
        %dma_start3A_174 = arith.constant 0 : i32
        %dma_start3A_175 = tpu.memref_slice %arg3[%dma_start3A_173, %dma_start3A_174] : memref<100000x16xi32, #tpu.memory_space<hbm>> -> memref<100000x16xi32, #tpu.memory_space<hbm>>
        tpu.enqueue_indirect_dma source(%dma_start3A_175 : memref<100000x16xi32, #tpu.memory_space<hbm>>) target(%arg6 : memref<64x16xi32, #tpu.memory_space<vmem>>) offsets(%dma_start3A_172 : memref<64xi32, #tpu.memory_space<vmem>>) semaphore(%arg10 : memref<!tpu.dma_semaphore, #tpu.memory_space<semaphore_mem>>)
      } else {
      }
      %mul3A_128 = arith.constant 64 : i32
      %mul3A_129 = arith.muli %add3A_105, %mul3A_128 : i32
      %add3A_130 = arith.addi %mul3A_2, %mul3A_129 : i32
      %dma_start3A_131 = arith.constant 0 : i32
      %dma_start3A_132 = tpu.memref_slice %arg4[%add3A_130, %dma_start3A_131] : memref<204800x16xi32, #tpu.memory_space<hbm>> -> memref<64x16xi32, #tpu.memory_space<hbm>>
      %dma_start3A_133 = arith.constant 0 : i32
      %dma_start3A_134 = tpu.memref_slice %arg4[%add3A_130, %dma_start3A_133] : memref<204800x16xi32, #tpu.memory_space<hbm>> -> memref<64x16xi32, #tpu.memory_space<hbm>>
      tpu.enqueue_dma source(%arg8 : memref<64x16xi32, #tpu.memory_space<vmem>>) target(%dma_start3A_134 : memref<64x16xi32, #tpu.memory_space<hbm>>) target_semaphore(%arg16 : memref<!tpu.dma_semaphore, #tpu.memory_space<semaphore_mem>>)
      %mul3A_135 = arith.constant 4 : i32
      %mul3A_136 = arith.muli %scan3A_40, %mul3A_135 : i32
      %add3A_137 = arith.constant 3 : i32
      %add3A_138 = arith.addi %mul3A_136, %add3A_137 : i32
      %dma_wait3A_139 = arith.constant 0 : i32
      %dma_wait3A_140 = tpu.memref_slice %arg5[%dma_wait3A_139] : memref<6400xi32, #tpu.memory_space<vmem>> -> memref<64xi32, #tpu.memory_space<vmem>>
      %dma_wait3A_141 = arith.constant 0 : i32
      %dma_wait3A_142 = arith.constant 0 : i32
      %dma_wait3A_143 = tpu.memref_slice %arg3[%dma_wait3A_141, %dma_wait3A_142] : memref<100000x16xi32, #tpu.memory_space<hbm>> -> memref<100000x16xi32, #tpu.memory_space<hbm>>
      tpu.wait_indirect_dma semaphore(%arg13 : memref<!tpu.dma_semaphore, #tpu.memory_space<semaphore_mem>>) src(%dma_wait3A_143 : memref<100000x16xi32, #tpu.memory_space<hbm>>) dst(%arg9 : memref<64x16xi32, #tpu.memory_space<vmem>>)
      %ge3A_144 = arith.constant 2 : i32
      %ge3A_145 = arith.cmpi sge, %add3A_138, %ge3A_144 : i32
      %add3A_146 = arith.constant 2 : i32
      %add3A_147 = arith.addi %add3A_138, %add3A_146 : i32
      %lt3A_148 = arith.constant 100 : i32
      %lt3A_149 = arith.cmpi slt, %add3A_147, %lt3A_148 : i32
      %and3A_150 = arith.andi %ge3A_145, %lt3A_149 : i1
      %convert_element_type3A_151 = arith.extui %and3A_150 : i1 to i32
      %cond3A_152 = arith.constant 0 : i32
      %cond3A_153 = arith.cmpi ne, %convert_element_type3A_151, %cond3A_152 : i32
      scf.if %cond3A_153 {
        %dma_wait3A_168 = arith.constant 0 : i32
        %dma_wait3A_169 = arith.constant 0 : i32
        %dma_wait3A_170 = tpu.memref_slice %arg4[%dma_wait3A_168, %dma_wait3A_169] : memref<204800x16xi32, #tpu.memory_space<hbm>> -> memref<64x16xi32, #tpu.memory_space<hbm>>
        %dma_wait3A_171 = arith.constant 0 : i32
        %dma_wait3A_172 = arith.constant 0 : i32
        %dma_wait3A_173 = tpu.memref_slice %arg4[%dma_wait3A_171, %dma_wait3A_172] : memref<204800x16xi32, #tpu.memory_space<hbm>> -> memref<64x16xi32, #tpu.memory_space<hbm>>
        tpu.wait_dma2 semaphore(%arg15 : memref<!tpu.dma_semaphore, #tpu.memory_space<semaphore_mem>>) src(%arg7 : memref<64x16xi32, #tpu.memory_space<vmem>>) dst(%dma_wait3A_173 : memref<64x16xi32, #tpu.memory_space<hbm>>)
      } else {
      }
      %add3A_154 = arith.constant 2 : i32
      %add3A_155 = arith.addi %add3A_138, %add3A_154 : i32
      %lt3A_156 = arith.constant 100 : i32
      %lt3A_157 = arith.cmpi slt, %add3A_155, %lt3A_156 : i32
      %convert_element_type3A_158 = arith.extui %lt3A_157 : i1 to i32
      %cond3A_159 = arith.constant 0 : i32
      %cond3A_160 = arith.cmpi ne, %convert_element_type3A_158, %cond3A_159 : i32
      scf.if %cond3A_160 {
        %add3A_168 = arith.constant 2 : i32
        %add3A_169 = arith.addi %add3A_138, %add3A_168 : i32
        %mul3A_170 = arith.constant 64 : i32
        %mul3A_171 = arith.muli %add3A_169, %mul3A_170 : i32
        %dma_start3A_172 = tpu.memref_slice %arg5[%mul3A_171] : memref<6400xi32, #tpu.memory_space<vmem>> -> memref<64xi32, #tpu.memory_space<vmem>>
        %dma_start3A_173 = arith.constant 0 : i32
        %dma_start3A_174 = arith.constant 0 : i32
        %dma_start3A_175 = tpu.memref_slice %arg3[%dma_start3A_173, %dma_start3A_174] : memref<100000x16xi32, #tpu.memory_space<hbm>> -> memref<100000x16xi32, #tpu.memory_space<hbm>>
        tpu.enqueue_indirect_dma source(%dma_start3A_175 : memref<100000x16xi32, #tpu.memory_space<hbm>>) target(%arg7 : memref<64x16xi32, #tpu.memory_space<vmem>>) offsets(%dma_start3A_172 : memref<64xi32, #tpu.memory_space<vmem>>) semaphore(%arg11 : memref<!tpu.dma_semaphore, #tpu.memory_space<semaphore_mem>>)
      } else {
      }
      %mul3A_161 = arith.constant 64 : i32
      %mul3A_162 = arith.muli %add3A_138, %mul3A_161 : i32
      %add3A_163 = arith.addi %mul3A_2, %mul3A_162 : i32
      %dma_start3A_164 = arith.constant 0 : i32
      %dma_start3A_165 = tpu.memref_slice %arg4[%add3A_163, %dma_start3A_164] : memref<204800x16xi32, #tpu.memory_space<hbm>> -> memref<64x16xi32, #tpu.memory_space<hbm>>
      %dma_start3A_166 = arith.constant 0 : i32
      %dma_start3A_167 = tpu.memref_slice %arg4[%add3A_163, %dma_start3A_166] : memref<204800x16xi32, #tpu.memory_space<hbm>> -> memref<64x16xi32, #tpu.memory_space<hbm>>
      tpu.enqueue_dma source(%arg9 : memref<64x16xi32, #tpu.memory_space<vmem>>) target(%dma_start3A_167 : memref<64x16xi32, #tpu.memory_space<hbm>>) target_semaphore(%arg17 : memref<!tpu.dma_semaphore, #tpu.memory_space<semaphore_mem>>)
    }
    %scan3A_16 = arith.constant 25 : i32
    %dma_wait3A = arith.constant 0 : i32
    %dma_wait3A_17 = arith.constant 0 : i32
    %dma_wait3A_18 = tpu.memref_slice %arg4[%dma_wait3A, %dma_wait3A_17] : memref<204800x16xi32, #tpu.memory_space<hbm>> -> memref<64x16xi32, #tpu.memory_space<hbm>>
    %dma_wait3A_19 = arith.constant 0 : i32
    %dma_wait3A_20 = arith.constant 0 : i32
    %dma_wait3A_21 = tpu.memref_slice %arg4[%dma_wait3A_19, %dma_wait3A_20] : memref<204800x16xi32, #tpu.memory_space<hbm>> -> memref<64x16xi32, #tpu.memory_space<hbm>>
    tpu.wait_dma2 semaphore(%arg14 : memref<!tpu.dma_semaphore, #tpu.memory_space<semaphore_mem>>) src(%arg6 : memref<64x16xi32, #tpu.memory_space<vmem>>) dst(%dma_wait3A_21 : memref<64x16xi32, #tpu.memory_space<hbm>>)
    %dma_wait3A_22 = arith.constant 0 : i32
    %dma_wait3A_23 = arith.constant 0 : i32
    %dma_wait3A_24 = tpu.memref_slice %arg4[%dma_wait3A_22, %dma_wait3A_23] : memref<204800x16xi32, #tpu.memory_space<hbm>> -> memref<64x16xi32, #tpu.memory_space<hbm>>
    %dma_wait3A_25 = arith.constant 0 : i32
    %dma_wait3A_26 = arith.constant 0 : i32
    %dma_wait3A_27 = tpu.memref_slice %arg4[%dma_wait3A_25, %dma_wait3A_26] : memref<204800x16xi32, #tpu.memory_space<hbm>> -> memref<64x16xi32, #tpu.memory_space<hbm>>
    tpu.wait_dma2 semaphore(%arg15 : memref<!tpu.dma_semaphore, #tpu.memory_space<semaphore_mem>>) src(%arg7 : memref<64x16xi32, #tpu.memory_space<vmem>>) dst(%dma_wait3A_27 : memref<64x16xi32, #tpu.memory_space<hbm>>)
    %dma_wait3A_28 = arith.constant 0 : i32
    %dma_wait3A_29 = arith.constant 0 : i32
    %dma_wait3A_30 = tpu.memref_slice %arg4[%dma_wait3A_28, %dma_wait3A_29] : memref<204800x16xi32, #tpu.memory_space<hbm>> -> memref<64x16xi32, #tpu.memory_space<hbm>>
    %dma_wait3A_31 = arith.constant 0 : i32
    %dma_wait3A_32 = arith.constant 0 : i32
    %dma_wait3A_33 = tpu.memref_slice %arg4[%dma_wait3A_31, %dma_wait3A_32] : memref<204800x16xi32, #tpu.memory_space<hbm>> -> memref<64x16xi32, #tpu.memory_space<hbm>>
    tpu.wait_dma2 semaphore(%arg16 : memref<!tpu.dma_semaphore, #tpu.memory_space<semaphore_mem>>) src(%arg8 : memref<64x16xi32, #tpu.memory_space<vmem>>) dst(%dma_wait3A_33 : memref<64x16xi32, #tpu.memory_space<hbm>>)
    %dma_wait3A_34 = arith.constant 0 : i32
    %dma_wait3A_35 = arith.constant 0 : i32
    %dma_wait3A_36 = tpu.memref_slice %arg4[%dma_wait3A_34, %dma_wait3A_35] : memref<204800x16xi32, #tpu.memory_space<hbm>> -> memref<64x16xi32, #tpu.memory_space<hbm>>
    %dma_wait3A_37 = arith.constant 0 : i32
    %dma_wait3A_38 = arith.constant 0 : i32
    %dma_wait3A_39 = tpu.memref_slice %arg4[%dma_wait3A_37, %dma_wait3A_38] : memref<204800x16xi32, #tpu.memory_space<hbm>> -> memref<64x16xi32, #tpu.memory_space<hbm>>
    tpu.wait_dma2 semaphore(%arg17 : memref<!tpu.dma_semaphore, #tpu.memory_space<semaphore_mem>>) src(%arg9 : memref<64x16xi32, #tpu.memory_space<vmem>>) dst(%dma_wait3A_39 : memref<64x16xi32, #tpu.memory_space<hbm>>)
    return
  }
}

#map = affine_map<(d0, d1) -> (0)>
#map1 = affine_map<(d0, d1) -> (0, 0, 0)>
module attributes {stable_mosaic.version = 14 : i64} {
  func.func @_assemble_body(%arg0: i32, %arg1: i32, %arg2: memref<3276800xi32, #tpu.memory_space<hbm>>, %arg3: memref<76800xf32, #tpu.memory_space<hbm>>, %arg4: memref<4096x50x300xf32, #tpu.memory_space<hbm>>, %arg5: memref<76800xf32, #tpu.memory_space<vmem>>, %arg6: memref<3200xi32, #tpu.memory_space<vmem>>, %arg7: memref<3200xi32, #tpu.memory_space<vmem>>, %arg8: memref<2x50x300xf32, #tpu.memory_space<vmem>>, %arg9: memref<!tpu.dma_semaphore, #tpu.memory_space<semaphore_mem>>, %arg10: memref<!tpu.dma_semaphore, #tpu.memory_space<semaphore_mem>>, %arg11: memref<!tpu.dma_semaphore, #tpu.memory_space<semaphore_mem>>, %arg12: memref<!tpu.dma_semaphore, #tpu.memory_space<semaphore_mem>>) attributes {dimension_semantics = [#tpu.dimension_semantics<core_parallel>, #tpu.dimension_semantics<subcore_parallel>], iteration_bounds = array<i64: 2, 16>, scalar_prefetch = 0 : i64, scratch_operands = 8 : i64, tpu.core_type = #tpu.core_type<sc_vector_subcore>, window_params = [{transform_indices = #map}, {transform_indices = #map}, {transform_indices = #map1}]} {
    %mul3A = arith.constant 2 : i32
    %mul3A_0 = arith.muli %arg1, %mul3A : i32
    %add3A = arith.addi %mul3A_0, %arg0 : i32
    %mul3A_1 = arith.constant 6400 : i32
    %mul3A_2 = arith.muli %add3A, %mul3A_1 : i32
    %mul3A_3 = arith.constant 128 : i32
    %mul3A_4 = arith.muli %add3A, %mul3A_3 : i32
    %iota3A = tpu.iota {dimensions = array<i32: 0>} : vector<16xi32>
    "tpu.region"() ({
      %run_scoped3A = tpu.sem_alloc : memref<!tpu.dma_semaphore, #tpu.memory_space<semaphore_mem>>
      tpu.enqueue_dma source(%arg3 : memref<76800xf32, #tpu.memory_space<hbm>>) target(%arg5 : memref<76800xf32, #tpu.memory_space<vmem>>) target_semaphore(%run_scoped3A : memref<!tpu.dma_semaphore, #tpu.memory_space<semaphore_mem>>)
      tpu.wait_dma2 semaphore(%run_scoped3A : memref<!tpu.dma_semaphore, #tpu.memory_space<semaphore_mem>>) src(%arg3 : memref<76800xf32, #tpu.memory_space<hbm>>) dst(%arg5 : memref<76800xf32, #tpu.memory_space<vmem>>)
      tpu.yield
    }) : () -> ()
    %mul3A_5 = arith.constant 16 : i32
    %mul3A_6 = arith.muli %mul3A_2, %mul3A_5 : i32
    %dma_start3A = tpu.memref_slice %arg2[%mul3A_6] : memref<3276800xi32, #tpu.memory_space<hbm>> -> memref<3200xi32, #tpu.memory_space<hbm>>
    %dma_start3A_7 = tpu.memref_slice %arg2[%mul3A_6] : memref<3276800xi32, #tpu.memory_space<hbm>> -> memref<3200xi32, #tpu.memory_space<hbm>>
    tpu.enqueue_dma source(%dma_start3A_7 : memref<3200xi32, #tpu.memory_space<hbm>>) target(%arg6 : memref<3200xi32, #tpu.memory_space<vmem>>) target_semaphore(%arg9 : memref<!tpu.dma_semaphore, #tpu.memory_space<semaphore_mem>>)
    %scan3A = arith.constant 0 : i32
    %scan3A_8 = arith.constant 0 : i32
    %scan3A_9 = arith.constant 16 : i32
    %scan3A_10 = arith.addi %scan3A_8, %scan3A_9 : i32
    %scan3A_11 = arith.constant 1 : i32
    scf.for %scan3A_40 = %scan3A_8 to %scan3A_10 step %scan3A_11  : i32 {
      %mul3A_41 = arith.constant 2 : i32
      %mul3A_42 = arith.muli %scan3A_40, %mul3A_41 : i32
      %mul3A_43 = arith.constant 16 : i32
      %mul3A_44 = arith.muli %mul3A_2, %mul3A_43 : i32
      %dma_wait3A_45 = tpu.memref_slice %arg2[%mul3A_44] : memref<3276800xi32, #tpu.memory_space<hbm>> -> memref<3200xi32, #tpu.memory_space<hbm>>
      %dma_wait3A_46 = tpu.memref_slice %arg2[%mul3A_44] : memref<3276800xi32, #tpu.memory_space<hbm>> -> memref<3200xi32, #tpu.memory_space<hbm>>
      tpu.wait_dma2 semaphore(%arg9 : memref<!tpu.dma_semaphore, #tpu.memory_space<semaphore_mem>>) src(%dma_wait3A_46 : memref<3200xi32, #tpu.memory_space<hbm>>) dst(%arg6 : memref<3200xi32, #tpu.memory_space<vmem>>)
      %add3A_47 = arith.constant 1 : i32
      %add3A_48 = arith.addi %mul3A_42, %add3A_47 : i32
      %lt3A = arith.constant 32 : i32
      %lt3A_49 = arith.cmpi slt, %add3A_48, %lt3A : i32
      %convert_element_type3A = arith.extui %lt3A_49 : i1 to i32
      %cond3A = arith.constant 0 : i32
      %cond3A_50 = arith.cmpi ne, %convert_element_type3A, %cond3A : i32
      scf.if %cond3A_50 {
        %add3A_78 = arith.constant 1 : i32
        %add3A_79 = arith.addi %mul3A_42, %add3A_78 : i32
        %mul3A_80 = arith.constant 200 : i32
        %mul3A_81 = arith.muli %add3A_79, %mul3A_80 : i32
        %add3A_82 = arith.addi %mul3A_2, %mul3A_81 : i32
        %mul3A_83 = arith.constant 16 : i32
        %mul3A_84 = arith.muli %add3A_82, %mul3A_83 : i32
        %dma_start3A_85 = tpu.memref_slice %arg2[%mul3A_84] : memref<3276800xi32, #tpu.memory_space<hbm>> -> memref<3200xi32, #tpu.memory_space<hbm>>
        %dma_start3A_86 = tpu.memref_slice %arg2[%mul3A_84] : memref<3276800xi32, #tpu.memory_space<hbm>> -> memref<3200xi32, #tpu.memory_space<hbm>>
        tpu.enqueue_dma source(%dma_start3A_86 : memref<3200xi32, #tpu.memory_space<hbm>>) target(%arg7 : memref<3200xi32, #tpu.memory_space<vmem>>) target_semaphore(%arg10 : memref<!tpu.dma_semaphore, #tpu.memory_space<semaphore_mem>>)
      } else {
      }
      %scan3A_51 = arith.constant 0 : i32
      %scan3A_52 = arith.constant 0 : i32
      %scan3A_53 = arith.constant 8 : i32
      %scan3A_54 = arith.addi %scan3A_52, %scan3A_53 : i32
      %scan3A_55 = arith.constant 1 : i32
      scf.for %scan3A_78 = %scan3A_52 to %scan3A_54 step %scan3A_55  : i32 {
        %shift_right_arithmetic3A = arith.constant 2 : i32
        %shift_right_arithmetic3A_79 = arith.shrsi %scan3A_78, %shift_right_arithmetic3A : i32
        %and3A = arith.constant 3 : i32
        %and3A_80 = arith.andi %scan3A_78, %and3A : i32
        %mul3A_81 = arith.constant 2 : i32
        %mul3A_82 = arith.muli %and3A_80, %mul3A_81 : i32
        %add3A_83 = arith.constant 0 : i32
        %add3A_84 = arith.addi %mul3A_82, %add3A_83 : i32
        %and3A_85 = arith.constant 3 : i32
        %and3A_86 = arith.andi %add3A_84, %and3A_85 : i32
        %eq3A = arith.constant 3 : i32
        %eq3A_87 = arith.cmpi eq, %and3A_86, %eq3A : i32
        %jit3A = arith.constant 2 : i32
        %jit3A_88 = arith.constant 16 : i32
        %select_n3A = arith.select %eq3A_87, %jit3A, %jit3A_88 : i32
        %lt3A_89 = vector.broadcast %select_n3A : i32 to vector<16xi32>
        %lt3A_90 = arith.cmpi slt, %iota3A, %lt3A_89 : vector<16xi32>
        %mul3A_91 = arith.constant 100 : i32
        %mul3A_92 = arith.muli %shift_right_arithmetic3A_79, %mul3A_91 : i32
        %shift_right_arithmetic3A_93 = arith.constant 2 : i32
        %shift_right_arithmetic3A_94 = arith.shrsi %add3A_84, %shift_right_arithmetic3A_93 : i32
        %mul3A_95 = arith.constant 50 : i32
        %mul3A_96 = arith.muli %shift_right_arithmetic3A_94, %mul3A_95 : i32
        %add3A_97 = arith.addi %mul3A_92, %mul3A_96 : i32
        %and3A_98 = arith.constant 3 : i32
        %and3A_99 = arith.andi %add3A_84, %and3A_98 : i32
        %mul3A_100 = arith.constant 16 : i32
        %mul3A_101 = arith.muli %and3A_99, %mul3A_100 : i32
        %add3A_102 = arith.addi %add3A_97, %mul3A_101 : i32
        %shift_right_arithmetic3A_103 = arith.constant 1 : i32
        %shift_right_arithmetic3A_104 = arith.shrsi %and3A_80, %shift_right_arithmetic3A_103 : i32
        %mul3A_105 = arith.constant 4 : i32
        %mul3A_106 = arith.muli %mul3A_42, %mul3A_105 : i32
        %mul3A_107 = arith.constant 2 : i32
        %mul3A_108 = arith.muli %shift_right_arithmetic3A_79, %mul3A_107 : i32
        %add3A_109 = arith.addi %mul3A_106, %mul3A_108 : i32
        %shift_right_arithmetic3A_110 = arith.constant 2 : i32
        %shift_right_arithmetic3A_111 = arith.shrsi %add3A_84, %shift_right_arithmetic3A_110 : i32
        %add3A_112 = arith.addi %add3A_109, %shift_right_arithmetic3A_111 : i32
        %eq3A_113 = arith.constant 0 : i32
        %eq3A_114 = arith.cmpi eq, %and3A_80, %eq3A_113 : i32
        %ge3A = arith.constant 2 : i32
        %ge3A_115 = arith.cmpi sge, %add3A_112, %ge3A : i32
        %and3A_116 = arith.andi %eq3A_114, %ge3A_115 : i1
        %convert_element_type3A_117 = arith.extui %and3A_116 : i1 to i32
        %cond3A_118 = arith.constant 0 : i32
        %cond3A_119 = arith.cmpi ne, %convert_element_type3A_117, %cond3A_118 : i32
        scf.if %cond3A_119 {
          %dma_wait3A_554 = arith.constant 0 : i32
          %dma_wait3A_555 = arith.constant 0 : i32
          %dma_wait3A_556 = arith.constant 0 : i32
          %dma_wait3A_557 = tpu.memref_slice %arg8[%dma_wait3A_554, %dma_wait3A_555, %dma_wait3A_556] : memref<2x50x300xf32, #tpu.memory_space<vmem>> -> memref<1x50x300xf32, #tpu.memory_space<vmem>>
          %dma_wait3A_558 = arith.constant 0 : i32
          %dma_wait3A_559 = arith.constant 0 : i32
          %dma_wait3A_560 = tpu.memref_slice %arg4[%mul3A_4, %dma_wait3A_558, %dma_wait3A_559] : memref<4096x50x300xf32, #tpu.memory_space<hbm>> -> memref<1x50x300xf32, #tpu.memory_space<hbm>>
          %dma_wait3A_561 = arith.constant 0 : i32
          %dma_wait3A_562 = arith.constant 0 : i32
          %dma_wait3A_563 = tpu.memref_slice %arg4[%mul3A_4, %dma_wait3A_561, %dma_wait3A_562] : memref<4096x50x300xf32, #tpu.memory_space<hbm>> -> memref<1x50x300xf32, #tpu.memory_space<hbm>>
          %dma_wait3A_564 = arith.constant 0 : i32
          %dma_wait3A_565 = arith.constant 0 : i32
          %dma_wait3A_566 = arith.constant 0 : i32
          %dma_wait3A_567 = tpu.memref_slice %arg8[%dma_wait3A_564, %dma_wait3A_565, %dma_wait3A_566] : memref<2x50x300xf32, #tpu.memory_space<vmem>> -> memref<1x50x300xf32, #tpu.memory_space<vmem>>
          tpu.wait_dma2 semaphore(%arg11 : memref<!tpu.dma_semaphore, #tpu.memory_space<semaphore_mem>>) src(%dma_wait3A_567 : memref<1x50x300xf32, #tpu.memory_space<vmem>>) dst(%dma_wait3A_563 : memref<1x50x300xf32, #tpu.memory_space<hbm>>)
        } else {
        }
        %eq3A_120 = arith.constant 2 : i32
        %eq3A_121 = arith.cmpi eq, %and3A_80, %eq3A_120 : i32
        %ge3A_122 = arith.constant 2 : i32
        %ge3A_123 = arith.cmpi sge, %add3A_112, %ge3A_122 : i32
        %and3A_124 = arith.andi %eq3A_121, %ge3A_123 : i1
        %convert_element_type3A_125 = arith.extui %and3A_124 : i1 to i32
        %cond3A_126 = arith.constant 0 : i32
        %cond3A_127 = arith.cmpi ne, %convert_element_type3A_125, %cond3A_126 : i32
        scf.if %cond3A_127 {
          %dma_wait3A_554 = arith.constant 1 : i32
          %dma_wait3A_555 = arith.constant 0 : i32
          %dma_wait3A_556 = arith.constant 0 : i32
          %dma_wait3A_557 = tpu.memref_slice %arg8[%dma_wait3A_554, %dma_wait3A_555, %dma_wait3A_556] : memref<2x50x300xf32, #tpu.memory_space<vmem>> -> memref<1x50x300xf32, #tpu.memory_space<vmem>>
          %dma_wait3A_558 = arith.constant 0 : i32
          %dma_wait3A_559 = arith.constant 0 : i32
          %dma_wait3A_560 = tpu.memref_slice %arg4[%mul3A_4, %dma_wait3A_558, %dma_wait3A_559] : memref<4096x50x300xf32, #tpu.memory_space<hbm>> -> memref<1x50x300xf32, #tpu.memory_space<hbm>>
          %dma_wait3A_561 = arith.constant 0 : i32
          %dma_wait3A_562 = arith.constant 0 : i32
          %dma_wait3A_563 = tpu.memref_slice %arg4[%mul3A_4, %dma_wait3A_561, %dma_wait3A_562] : memref<4096x50x300xf32, #tpu.memory_space<hbm>> -> memref<1x50x300xf32, #tpu.memory_space<hbm>>
          %dma_wait3A_564 = arith.constant 1 : i32
          %dma_wait3A_565 = arith.constant 0 : i32
          %dma_wait3A_566 = arith.constant 0 : i32
          %dma_wait3A_567 = tpu.memref_slice %arg8[%dma_wait3A_564, %dma_wait3A_565, %dma_wait3A_566] : memref<2x50x300xf32, #tpu.memory_space<vmem>> -> memref<1x50x300xf32, #tpu.memory_space<vmem>>
          tpu.wait_dma2 semaphore(%arg12 : memref<!tpu.dma_semaphore, #tpu.memory_space<semaphore_mem>>) src(%dma_wait3A_567 : memref<1x50x300xf32, #tpu.memory_space<vmem>>) dst(%dma_wait3A_563 : memref<1x50x300xf32, #tpu.memory_space<hbm>>)
        } else {
        }
        %add3A_128 = vector.broadcast %add3A_102 : i32 to vector<16xi32>
        %add3A_129 = arith.addi %add3A_128, %iota3A : vector<16xi32>
        %mul3A_130 = arith.constant 16 : i32
        %mul3A_131 = vector.broadcast %mul3A_130 : i32 to vector<16xi32>
        %mul3A_132 = arith.muli %add3A_129, %mul3A_131 : vector<16xi32>
        %and3A_133 = arith.constant 3 : i32
        %and3A_134 = arith.andi %add3A_84, %and3A_133 : i32
        %mul3A_135 = arith.constant 16 : i32
        %mul3A_136 = arith.muli %and3A_134, %mul3A_135 : i32
        %add3A_137 = vector.broadcast %mul3A_136 : i32 to vector<16xi32>
        %add3A_138 = arith.addi %add3A_137, %iota3A : vector<16xi32>
        %broadcast_in_dim3A = vector.broadcast %shift_right_arithmetic3A_104 : i32 to vector<16xi32>
        %add3A_139 = arith.constant 0 : i32
        %add3A_140 = vector.broadcast %add3A_139 : i32 to vector<16xi32>
        %add3A_141 = arith.addi %mul3A_132, %add3A_140 : vector<16xi32>
        %gather3A = tpu.vector_load_idx %arg6[%add3A_141] masked %lt3A_90 : memref<3200xi32, #tpu.memory_space<vmem>>[vector<16xi32>], vector<16xi32>, vector<16xi1>
        %and3A_142 = arith.constant 255 : i32
        %and3A_143 = vector.broadcast %and3A_142 : i32 to vector<16xi32>
        %and3A_144 = arith.andi %gather3A, %and3A_143 : vector<16xi32>
        %mul3A_145 = arith.constant 30 : i32
        %mul3A_146 = vector.broadcast %mul3A_145 : i32 to vector<16xi32>
        %mul3A_147 = arith.muli %and3A_144, %mul3A_146 : vector<16xi32>
        %add3A_148 = arith.constant 0 : i32
        %add3A_149 = vector.broadcast %add3A_148 : i32 to vector<16xi32>
        %add3A_150 = arith.addi %mul3A_147, %add3A_149 : vector<16xi32>
        %broadcast_in_dim3A_151 = arith.constant 0 : i32
        %broadcast_in_dim3A_152 = vector.broadcast %broadcast_in_dim3A_151 : i32 to vector<16xi32>
        %parallel_loop3A = arith.constant 0 : i32
        %parallel_loop3A_153 = arith.constant 30 : i32
        %parallel_loop3A_154 = arith.constant 1 : i32
        scf.for %parallel_loop3A_554 = %parallel_loop3A to %parallel_loop3A_153 step %parallel_loop3A_154  : i32 {
          %parallel_loop3A_555 = vector.broadcast %parallel_loop3A_554 : i32 to vector<16xi32>
          %parallel_loop3A_556 = arith.addi %add3A_150, %parallel_loop3A_555 : vector<16xi32>
          %parallel_loop3A_557 = tpu.vector_load_idx %arg5[%parallel_loop3A_556] : memref<76800xf32, #tpu.memory_space<vmem>>[vector<16xi32>], vector<16xf32>,
          %parallel_loop3A_558 = vector.broadcast %parallel_loop3A_554 : i32 to vector<16xi32>
          %parallel_loop3A_559 = arith.addi %broadcast_in_dim3A_152, %parallel_loop3A_558 : vector<16xi32>
          tpu.vector_store_idx %arg8[%broadcast_in_dim3A, %add3A_138, %parallel_loop3A_559], %parallel_loop3A_557 masked %lt3A_90 : memref<2x50x300xf32, #tpu.memory_space<vmem>>[vector<16xi32>, vector<16xi32>, vector<16xi32>], vector<16xf32>, vector<16xi1>
        } {sc.loop_unroll_factor = 6 : i64, sc.parallel_access}
        %add3A_155 = arith.constant 1 : i32
        %add3A_156 = vector.broadcast %add3A_155 : i32 to vector<16xi32>
        %add3A_157 = arith.addi %mul3A_132, %add3A_156 : vector<16xi32>
        %gather3A_158 = tpu.vector_load_idx %arg6[%add3A_157] masked %lt3A_90 : memref<3200xi32, #tpu.memory_space<vmem>>[vector<16xi32>], vector<16xi32>, vector<16xi1>
        %and3A_159 = arith.constant 255 : i32
        %and3A_160 = vector.broadcast %and3A_159 : i32 to vector<16xi32>
        %and3A_161 = arith.andi %gather3A_158, %and3A_160 : vector<16xi32>
        %mul3A_162 = arith.constant 30 : i32
        %mul3A_163 = vector.broadcast %mul3A_162 : i32 to vector<16xi32>
        %mul3A_164 = arith.muli %and3A_161, %mul3A_163 : vector<16xi32>
        %add3A_165 = arith.constant 7680 : i32
        %add3A_166 = vector.broadcast %add3A_165 : i32 to vector<16xi32>
        %add3A_167 = arith.addi %mul3A_164, %add3A_166 : vector<16xi32>
        %broadcast_in_dim3A_168 = arith.constant 30 : i32
        %broadcast_in_dim3A_169 = vector.broadcast %broadcast_in_dim3A_168 : i32 to vector<16xi32>
        %parallel_loop3A_170 = arith.constant 0 : i32
        %parallel_loop3A_171 = arith.constant 30 : i32
        %parallel_loop3A_172 = arith.constant 1 : i32
        scf.for %parallel_loop3A_554 = %parallel_loop3A_170 to %parallel_loop3A_171 step %parallel_loop3A_172  : i32 {
          %parallel_loop3A_555 = vector.broadcast %parallel_loop3A_554 : i32 to vector<16xi32>
          %parallel_loop3A_556 = arith.addi %add3A_167, %parallel_loop3A_555 : vector<16xi32>
          %parallel_loop3A_557 = tpu.vector_load_idx %arg5[%parallel_loop3A_556] : memref<76800xf32, #tpu.memory_space<vmem>>[vector<16xi32>], vector<16xf32>,
          %parallel_loop3A_558 = vector.broadcast %parallel_loop3A_554 : i32 to vector<16xi32>
          %parallel_loop3A_559 = arith.addi %broadcast_in_dim3A_169, %parallel_loop3A_558 : vector<16xi32>
          tpu.vector_store_idx %arg8[%broadcast_in_dim3A, %add3A_138, %parallel_loop3A_559], %parallel_loop3A_557 masked %lt3A_90 : memref<2x50x300xf32, #tpu.memory_space<vmem>>[vector<16xi32>, vector<16xi32>, vector<16xi32>], vector<16xf32>, vector<16xi1>
        } {sc.loop_unroll_factor = 6 : i64, sc.parallel_access}
        %add3A_173 = arith.constant 2 : i32
        %add3A_174 = vector.broadcast %add3A_173 : i32 to vector<16xi32>
        %add3A_175 = arith.addi %mul3A_132, %add3A_174 : vector<16xi32>
        %gather3A_176 = tpu.vector_load_idx %arg6[%add3A_175] masked %lt3A_90 : memref<3200xi32, #tpu.memory_space<vmem>>[vector<16xi32>], vector<16xi32>, vector<16xi1>
        %and3A_177 = arith.constant 255 : i32
        %and3A_178 = vector.broadcast %and3A_177 : i32 to vector<16xi32>
        %and3A_179 = arith.andi %gather3A_176, %and3A_178 : vector<16xi32>
        %mul3A_180 = arith.constant 30 : i32
        %mul3A_181 = vector.broadcast %mul3A_180 : i32 to vector<16xi32>
        %mul3A_182 = arith.muli %and3A_179, %mul3A_181 : vector<16xi32>
        %add3A_183 = arith.constant 15360 : i32
        %add3A_184 = vector.broadcast %add3A_183 : i32 to vector<16xi32>
        %add3A_185 = arith.addi %mul3A_182, %add3A_184 : vector<16xi32>
        %broadcast_in_dim3A_186 = arith.constant 60 : i32
        %broadcast_in_dim3A_187 = vector.broadcast %broadcast_in_dim3A_186 : i32 to vector<16xi32>
        %parallel_loop3A_188 = arith.constant 0 : i32
        %parallel_loop3A_189 = arith.constant 30 : i32
        %parallel_loop3A_190 = arith.constant 1 : i32
        scf.for %parallel_loop3A_554 = %parallel_loop3A_188 to %parallel_loop3A_189 step %parallel_loop3A_190  : i32 {
          %parallel_loop3A_555 = vector.broadcast %parallel_loop3A_554 : i32 to vector<16xi32>
          %parallel_loop3A_556 = arith.addi %add3A_185, %parallel_loop3A_555 : vector<16xi32>
          %parallel_loop3A_557 = tpu.vector_load_idx %arg5[%parallel_loop3A_556] : memref<76800xf32, #tpu.memory_space<vmem>>[vector<16xi32>], vector<16xf32>,
          %parallel_loop3A_558 = vector.broadcast %parallel_loop3A_554 : i32 to vector<16xi32>
          %parallel_loop3A_559 = arith.addi %broadcast_in_dim3A_187, %parallel_loop3A_558 : vector<16xi32>
          tpu.vector_store_idx %arg8[%broadcast_in_dim3A, %add3A_138, %parallel_loop3A_559], %parallel_loop3A_557 masked %lt3A_90 : memref<2x50x300xf32, #tpu.memory_space<vmem>>[vector<16xi32>, vector<16xi32>, vector<16xi32>], vector<16xf32>, vector<16xi1>
        } {sc.loop_unroll_factor = 6 : i64, sc.parallel_access}
        %add3A_191 = arith.constant 3 : i32
        %add3A_192 = vector.broadcast %add3A_191 : i32 to vector<16xi32>
        %add3A_193 = arith.addi %mul3A_132, %add3A_192 : vector<16xi32>
        %gather3A_194 = tpu.vector_load_idx %arg6[%add3A_193] masked %lt3A_90 : memref<3200xi32, #tpu.memory_space<vmem>>[vector<16xi32>], vector<16xi32>, vector<16xi1>
        %and3A_195 = arith.constant 255 : i32
        %and3A_196 = vector.broadcast %and3A_195 : i32 to vector<16xi32>
        %and3A_197 = arith.andi %gather3A_194, %and3A_196 : vector<16xi32>
        %mul3A_198 = arith.constant 30 : i32
        %mul3A_199 = vector.broadcast %mul3A_198 : i32 to vector<16xi32>
        %mul3A_200 = arith.muli %and3A_197, %mul3A_199 : vector<16xi32>
        %add3A_201 = arith.constant 23040 : i32
        %add3A_202 = vector.broadcast %add3A_201 : i32 to vector<16xi32>
        %add3A_203 = arith.addi %mul3A_200, %add3A_202 : vector<16xi32>
        %broadcast_in_dim3A_204 = arith.constant 90 : i32
        %broadcast_in_dim3A_205 = vector.broadcast %broadcast_in_dim3A_204 : i32 to vector<16xi32>
        %parallel_loop3A_206 = arith.constant 0 : i32
        %parallel_loop3A_207 = arith.constant 30 : i32
        %parallel_loop3A_208 = arith.constant 1 : i32
        scf.for %parallel_loop3A_554 = %parallel_loop3A_206 to %parallel_loop3A_207 step %parallel_loop3A_208  : i32 {
          %parallel_loop3A_555 = vector.broadcast %parallel_loop3A_554 : i32 to vector<16xi32>
          %parallel_loop3A_556 = arith.addi %add3A_203, %parallel_loop3A_555 : vector<16xi32>
          %parallel_loop3A_557 = tpu.vector_load_idx %arg5[%parallel_loop3A_556] : memref<76800xf32, #tpu.memory_space<vmem>>[vector<16xi32>], vector<16xf32>,
          %parallel_loop3A_558 = vector.broadcast %parallel_loop3A_554 : i32 to vector<16xi32>
          %parallel_loop3A_559 = arith.addi %broadcast_in_dim3A_205, %parallel_loop3A_558 : vector<16xi32>
          tpu.vector_store_idx %arg8[%broadcast_in_dim3A, %add3A_138, %parallel_loop3A_559], %parallel_loop3A_557 masked %lt3A_90 : memref<2x50x300xf32, #tpu.memory_space<vmem>>[vector<16xi32>, vector<16xi32>, vector<16xi32>], vector<16xf32>, vector<16xi1>
        } {sc.loop_unroll_factor = 6 : i64, sc.parallel_access}
        %add3A_209 = arith.constant 4 : i32
        %add3A_210 = vector.broadcast %add3A_209 : i32 to vector<16xi32>
        %add3A_211 = arith.addi %mul3A_132, %add3A_210 : vector<16xi32>
        %gather3A_212 = tpu.vector_load_idx %arg6[%add3A_211] masked %lt3A_90 : memref<3200xi32, #tpu.memory_space<vmem>>[vector<16xi32>], vector<16xi32>, vector<16xi1>
        %and3A_213 = arith.constant 255 : i32
        %and3A_214 = vector.broadcast %and3A_213 : i32 to vector<16xi32>
        %and3A_215 = arith.andi %gather3A_212, %and3A_214 : vector<16xi32>
        %mul3A_216 = arith.constant 30 : i32
        %mul3A_217 = vector.broadcast %mul3A_216 : i32 to vector<16xi32>
        %mul3A_218 = arith.muli %and3A_215, %mul3A_217 : vector<16xi32>
        %add3A_219 = arith.constant 30720 : i32
        %add3A_220 = vector.broadcast %add3A_219 : i32 to vector<16xi32>
        %add3A_221 = arith.addi %mul3A_218, %add3A_220 : vector<16xi32>
        %broadcast_in_dim3A_222 = arith.constant 120 : i32
        %broadcast_in_dim3A_223 = vector.broadcast %broadcast_in_dim3A_222 : i32 to vector<16xi32>
        %parallel_loop3A_224 = arith.constant 0 : i32
        %parallel_loop3A_225 = arith.constant 30 : i32
        %parallel_loop3A_226 = arith.constant 1 : i32
        scf.for %parallel_loop3A_554 = %parallel_loop3A_224 to %parallel_loop3A_225 step %parallel_loop3A_226  : i32 {
          %parallel_loop3A_555 = vector.broadcast %parallel_loop3A_554 : i32 to vector<16xi32>
          %parallel_loop3A_556 = arith.addi %add3A_221, %parallel_loop3A_555 : vector<16xi32>
          %parallel_loop3A_557 = tpu.vector_load_idx %arg5[%parallel_loop3A_556] : memref<76800xf32, #tpu.memory_space<vmem>>[vector<16xi32>], vector<16xf32>,
          %parallel_loop3A_558 = vector.broadcast %parallel_loop3A_554 : i32 to vector<16xi32>
          %parallel_loop3A_559 = arith.addi %broadcast_in_dim3A_223, %parallel_loop3A_558 : vector<16xi32>
          tpu.vector_store_idx %arg8[%broadcast_in_dim3A, %add3A_138, %parallel_loop3A_559], %parallel_loop3A_557 masked %lt3A_90 : memref<2x50x300xf32, #tpu.memory_space<vmem>>[vector<16xi32>, vector<16xi32>, vector<16xi32>], vector<16xf32>, vector<16xi1>
        } {sc.loop_unroll_factor = 6 : i64, sc.parallel_access}
        %add3A_227 = arith.constant 5 : i32
        %add3A_228 = vector.broadcast %add3A_227 : i32 to vector<16xi32>
        %add3A_229 = arith.addi %mul3A_132, %add3A_228 : vector<16xi32>
        %gather3A_230 = tpu.vector_load_idx %arg6[%add3A_229] masked %lt3A_90 : memref<3200xi32, #tpu.memory_space<vmem>>[vector<16xi32>], vector<16xi32>, vector<16xi1>
        %and3A_231 = arith.constant 255 : i32
        %and3A_232 = vector.broadcast %and3A_231 : i32 to vector<16xi32>
        %and3A_233 = arith.andi %gather3A_230, %and3A_232 : vector<16xi32>
        %mul3A_234 = arith.constant 30 : i32
        %mul3A_235 = vector.broadcast %mul3A_234 : i32 to vector<16xi32>
        %mul3A_236 = arith.muli %and3A_233, %mul3A_235 : vector<16xi32>
        %add3A_237 = arith.constant 38400 : i32
        %add3A_238 = vector.broadcast %add3A_237 : i32 to vector<16xi32>
        %add3A_239 = arith.addi %mul3A_236, %add3A_238 : vector<16xi32>
        %broadcast_in_dim3A_240 = arith.constant 150 : i32
        %broadcast_in_dim3A_241 = vector.broadcast %broadcast_in_dim3A_240 : i32 to vector<16xi32>
        %parallel_loop3A_242 = arith.constant 0 : i32
        %parallel_loop3A_243 = arith.constant 30 : i32
        %parallel_loop3A_244 = arith.constant 1 : i32
        scf.for %parallel_loop3A_554 = %parallel_loop3A_242 to %parallel_loop3A_243 step %parallel_loop3A_244  : i32 {
          %parallel_loop3A_555 = vector.broadcast %parallel_loop3A_554 : i32 to vector<16xi32>
          %parallel_loop3A_556 = arith.addi %add3A_239, %parallel_loop3A_555 : vector<16xi32>
          %parallel_loop3A_557 = tpu.vector_load_idx %arg5[%parallel_loop3A_556] : memref<76800xf32, #tpu.memory_space<vmem>>[vector<16xi32>], vector<16xf32>,
          %parallel_loop3A_558 = vector.broadcast %parallel_loop3A_554 : i32 to vector<16xi32>
          %parallel_loop3A_559 = arith.addi %broadcast_in_dim3A_241, %parallel_loop3A_558 : vector<16xi32>
          tpu.vector_store_idx %arg8[%broadcast_in_dim3A, %add3A_138, %parallel_loop3A_559], %parallel_loop3A_557 masked %lt3A_90 : memref<2x50x300xf32, #tpu.memory_space<vmem>>[vector<16xi32>, vector<16xi32>, vector<16xi32>], vector<16xf32>, vector<16xi1>
        } {sc.loop_unroll_factor = 6 : i64, sc.parallel_access}
        %add3A_245 = arith.constant 6 : i32
        %add3A_246 = vector.broadcast %add3A_245 : i32 to vector<16xi32>
        %add3A_247 = arith.addi %mul3A_132, %add3A_246 : vector<16xi32>
        %gather3A_248 = tpu.vector_load_idx %arg6[%add3A_247] masked %lt3A_90 : memref<3200xi32, #tpu.memory_space<vmem>>[vector<16xi32>], vector<16xi32>, vector<16xi1>
        %and3A_249 = arith.constant 255 : i32
        %and3A_250 = vector.broadcast %and3A_249 : i32 to vector<16xi32>
        %and3A_251 = arith.andi %gather3A_248, %and3A_250 : vector<16xi32>
        %mul3A_252 = arith.constant 30 : i32
        %mul3A_253 = vector.broadcast %mul3A_252 : i32 to vector<16xi32>
        %mul3A_254 = arith.muli %and3A_251, %mul3A_253 : vector<16xi32>
        %add3A_255 = arith.constant 46080 : i32
        %add3A_256 = vector.broadcast %add3A_255 : i32 to vector<16xi32>
        %add3A_257 = arith.addi %mul3A_254, %add3A_256 : vector<16xi32>
        %broadcast_in_dim3A_258 = arith.constant 180 : i32
        %broadcast_in_dim3A_259 = vector.broadcast %broadcast_in_dim3A_258 : i32 to vector<16xi32>
        %parallel_loop3A_260 = arith.constant 0 : i32
        %parallel_loop3A_261 = arith.constant 30 : i32
        %parallel_loop3A_262 = arith.constant 1 : i32
        scf.for %parallel_loop3A_554 = %parallel_loop3A_260 to %parallel_loop3A_261 step %parallel_loop3A_262  : i32 {
          %parallel_loop3A_555 = vector.broadcast %parallel_loop3A_554 : i32 to vector<16xi32>
          %parallel_loop3A_556 = arith.addi %add3A_257, %parallel_loop3A_555 : vector<16xi32>
          %parallel_loop3A_557 = tpu.vector_load_idx %arg5[%parallel_loop3A_556] : memref<76800xf32, #tpu.memory_space<vmem>>[vector<16xi32>], vector<16xf32>,
          %parallel_loop3A_558 = vector.broadcast %parallel_loop3A_554 : i32 to vector<16xi32>
          %parallel_loop3A_559 = arith.addi %broadcast_in_dim3A_259, %parallel_loop3A_558 : vector<16xi32>
          tpu.vector_store_idx %arg8[%broadcast_in_dim3A, %add3A_138, %parallel_loop3A_559], %parallel_loop3A_557 masked %lt3A_90 : memref<2x50x300xf32, #tpu.memory_space<vmem>>[vector<16xi32>, vector<16xi32>, vector<16xi32>], vector<16xf32>, vector<16xi1>
        } {sc.loop_unroll_factor = 6 : i64, sc.parallel_access}
        %add3A_263 = arith.constant 7 : i32
        %add3A_264 = vector.broadcast %add3A_263 : i32 to vector<16xi32>
        %add3A_265 = arith.addi %mul3A_132, %add3A_264 : vector<16xi32>
        %gather3A_266 = tpu.vector_load_idx %arg6[%add3A_265] masked %lt3A_90 : memref<3200xi32, #tpu.memory_space<vmem>>[vector<16xi32>], vector<16xi32>, vector<16xi1>
        %and3A_267 = arith.constant 255 : i32
        %and3A_268 = vector.broadcast %and3A_267 : i32 to vector<16xi32>
        %and3A_269 = arith.andi %gather3A_266, %and3A_268 : vector<16xi32>
        %mul3A_270 = arith.constant 30 : i32
        %mul3A_271 = vector.broadcast %mul3A_270 : i32 to vector<16xi32>
        %mul3A_272 = arith.muli %and3A_269, %mul3A_271 : vector<16xi32>
        %add3A_273 = arith.constant 53760 : i32
        %add3A_274 = vector.broadcast %add3A_273 : i32 to vector<16xi32>
        %add3A_275 = arith.addi %mul3A_272, %add3A_274 : vector<16xi32>
        %broadcast_in_dim3A_276 = arith.constant 210 : i32
        %broadcast_in_dim3A_277 = vector.broadcast %broadcast_in_dim3A_276 : i32 to vector<16xi32>
        %parallel_loop3A_278 = arith.constant 0 : i32
        %parallel_loop3A_279 = arith.constant 30 : i32
        %parallel_loop3A_280 = arith.constant 1 : i32
        scf.for %parallel_loop3A_554 = %parallel_loop3A_278 to %parallel_loop3A_279 step %parallel_loop3A_280  : i32 {
          %parallel_loop3A_555 = vector.broadcast %parallel_loop3A_554 : i32 to vector<16xi32>
          %parallel_loop3A_556 = arith.addi %add3A_275, %parallel_loop3A_555 : vector<16xi32>
          %parallel_loop3A_557 = tpu.vector_load_idx %arg5[%parallel_loop3A_556] : memref<76800xf32, #tpu.memory_space<vmem>>[vector<16xi32>], vector<16xf32>,
          %parallel_loop3A_558 = vector.broadcast %parallel_loop3A_554 : i32 to vector<16xi32>
          %parallel_loop3A_559 = arith.addi %broadcast_in_dim3A_277, %parallel_loop3A_558 : vector<16xi32>
          tpu.vector_store_idx %arg8[%broadcast_in_dim3A, %add3A_138, %parallel_loop3A_559], %parallel_loop3A_557 masked %lt3A_90 : memref<2x50x300xf32, #tpu.memory_space<vmem>>[vector<16xi32>, vector<16xi32>, vector<16xi32>], vector<16xf32>, vector<16xi1>
        } {sc.loop_unroll_factor = 6 : i64, sc.parallel_access}
        %add3A_281 = arith.constant 8 : i32
        %add3A_282 = vector.broadcast %add3A_281 : i32 to vector<16xi32>
        %add3A_283 = arith.addi %mul3A_132, %add3A_282 : vector<16xi32>
        %gather3A_284 = tpu.vector_load_idx %arg6[%add3A_283] masked %lt3A_90 : memref<3200xi32, #tpu.memory_space<vmem>>[vector<16xi32>], vector<16xi32>, vector<16xi1>
        %and3A_285 = arith.constant 255 : i32
        %and3A_286 = vector.broadcast %and3A_285 : i32 to vector<16xi32>
        %and3A_287 = arith.andi %gather3A_284, %and3A_286 : vector<16xi32>
        %mul3A_288 = arith.constant 30 : i32
        %mul3A_289 = vector.broadcast %mul3A_288 : i32 to vector<16xi32>
        %mul3A_290 = arith.muli %and3A_287, %mul3A_289 : vector<16xi32>
        %add3A_291 = arith.constant 61440 : i32
        %add3A_292 = vector.broadcast %add3A_291 : i32 to vector<16xi32>
        %add3A_293 = arith.addi %mul3A_290, %add3A_292 : vector<16xi32>
        %broadcast_in_dim3A_294 = arith.constant 240 : i32
        %broadcast_in_dim3A_295 = vector.broadcast %broadcast_in_dim3A_294 : i32 to vector<16xi32>
        %parallel_loop3A_296 = arith.constant 0 : i32
        %parallel_loop3A_297 = arith.constant 30 : i32
        %parallel_loop3A_298 = arith.constant 1 : i32
        scf.for %parallel_loop3A_554 = %parallel_loop3A_296 to %parallel_loop3A_297 step %parallel_loop3A_298  : i32 {
          %parallel_loop3A_555 = vector.broadcast %parallel_loop3A_554 : i32 to vector<16xi32>
          %parallel_loop3A_556 = arith.addi %add3A_293, %parallel_loop3A_555 : vector<16xi32>
          %parallel_loop3A_557 = tpu.vector_load_idx %arg5[%parallel_loop3A_556] : memref<76800xf32, #tpu.memory_space<vmem>>[vector<16xi32>], vector<16xf32>,
          %parallel_loop3A_558 = vector.broadcast %parallel_loop3A_554 : i32 to vector<16xi32>
          %parallel_loop3A_559 = arith.addi %broadcast_in_dim3A_295, %parallel_loop3A_558 : vector<16xi32>
          tpu.vector_store_idx %arg8[%broadcast_in_dim3A, %add3A_138, %parallel_loop3A_559], %parallel_loop3A_557 masked %lt3A_90 : memref<2x50x300xf32, #tpu.memory_space<vmem>>[vector<16xi32>, vector<16xi32>, vector<16xi32>], vector<16xf32>, vector<16xi1>
        } {sc.loop_unroll_factor = 6 : i64, sc.parallel_access}
        %add3A_299 = arith.constant 9 : i32
        %add3A_300 = vector.broadcast %add3A_299 : i32 to vector<16xi32>
        %add3A_301 = arith.addi %mul3A_132, %add3A_300 : vector<16xi32>
        %gather3A_302 = tpu.vector_load_idx %arg6[%add3A_301] masked %lt3A_90 : memref<3200xi32, #tpu.memory_space<vmem>>[vector<16xi32>], vector<16xi32>, vector<16xi1>
        %and3A_303 = arith.constant 255 : i32
        %and3A_304 = vector.broadcast %and3A_303 : i32 to vector<16xi32>
        %and3A_305 = arith.andi %gather3A_302, %and3A_304 : vector<16xi32>
        %mul3A_306 = arith.constant 30 : i32
        %mul3A_307 = vector.broadcast %mul3A_306 : i32 to vector<16xi32>
        %mul3A_308 = arith.muli %and3A_305, %mul3A_307 : vector<16xi32>
        %add3A_309 = arith.constant 69120 : i32
        %add3A_310 = vector.broadcast %add3A_309 : i32 to vector<16xi32>
        %add3A_311 = arith.addi %mul3A_308, %add3A_310 : vector<16xi32>
        %broadcast_in_dim3A_312 = arith.constant 270 : i32
        %broadcast_in_dim3A_313 = vector.broadcast %broadcast_in_dim3A_312 : i32 to vector<16xi32>
        %parallel_loop3A_314 = arith.constant 0 : i32
        %parallel_loop3A_315 = arith.constant 30 : i32
        %parallel_loop3A_316 = arith.constant 1 : i32
        scf.for %parallel_loop3A_554 = %parallel_loop3A_314 to %parallel_loop3A_315 step %parallel_loop3A_316  : i32 {
          %parallel_loop3A_555 = vector.broadcast %parallel_loop3A_554 : i32 to vector<16xi32>
          %parallel_loop3A_556 = arith.addi %add3A_311, %parallel_loop3A_555 : vector<16xi32>
          %parallel_loop3A_557 = tpu.vector_load_idx %arg5[%parallel_loop3A_556] : memref<76800xf32, #tpu.memory_space<vmem>>[vector<16xi32>], vector<16xf32>,
          %parallel_loop3A_558 = vector.broadcast %parallel_loop3A_554 : i32 to vector<16xi32>
          %parallel_loop3A_559 = arith.addi %broadcast_in_dim3A_313, %parallel_loop3A_558 : vector<16xi32>
          tpu.vector_store_idx %arg8[%broadcast_in_dim3A, %add3A_138, %parallel_loop3A_559], %parallel_loop3A_557 masked %lt3A_90 : memref<2x50x300xf32, #tpu.memory_space<vmem>>[vector<16xi32>, vector<16xi32>, vector<16xi32>], vector<16xf32>, vector<16xi1>
        } {sc.loop_unroll_factor = 6 : i64, sc.parallel_access}
        %mul3A_317 = arith.constant 2 : i32
        %mul3A_318 = arith.muli %and3A_80, %mul3A_317 : i32
        %add3A_319 = arith.constant 1 : i32
        %add3A_320 = arith.addi %mul3A_318, %add3A_319 : i32
        %and3A_321 = arith.constant 3 : i32
        %and3A_322 = arith.andi %add3A_320, %and3A_321 : i32
        %eq3A_323 = arith.constant 3 : i32
        %eq3A_324 = arith.cmpi eq, %and3A_322, %eq3A_323 : i32
        %jit3A_325 = arith.constant 2 : i32
        %jit3A_326 = arith.constant 16 : i32
        %select_n3A_327 = arith.select %eq3A_324, %jit3A_325, %jit3A_326 : i32
        %lt3A_328 = vector.broadcast %select_n3A_327 : i32 to vector<16xi32>
        %lt3A_329 = arith.cmpi slt, %iota3A, %lt3A_328 : vector<16xi32>
        %mul3A_330 = arith.constant 100 : i32
        %mul3A_331 = arith.muli %shift_right_arithmetic3A_79, %mul3A_330 : i32
        %shift_right_arithmetic3A_332 = arith.constant 2 : i32
        %shift_right_arithmetic3A_333 = arith.shrsi %add3A_320, %shift_right_arithmetic3A_332 : i32
        %mul3A_334 = arith.constant 50 : i32
        %mul3A_335 = arith.muli %shift_right_arithmetic3A_333, %mul3A_334 : i32
        %add3A_336 = arith.addi %mul3A_331, %mul3A_335 : i32
        %and3A_337 = arith.constant 3 : i32
        %and3A_338 = arith.andi %add3A_320, %and3A_337 : i32
        %mul3A_339 = arith.constant 16 : i32
        %mul3A_340 = arith.muli %and3A_338, %mul3A_339 : i32
        %add3A_341 = arith.addi %add3A_336, %mul3A_340 : i32
        %shift_right_arithmetic3A_342 = arith.constant 1 : i32
        %shift_right_arithmetic3A_343 = arith.shrsi %and3A_80, %shift_right_arithmetic3A_342 : i32
        %mul3A_344 = arith.constant 4 : i32
        %mul3A_345 = arith.muli %mul3A_42, %mul3A_344 : i32
        %mul3A_346 = arith.constant 2 : i32
        %mul3A_347 = arith.muli %shift_right_arithmetic3A_79, %mul3A_346 : i32
        %add3A_348 = arith.addi %mul3A_345, %mul3A_347 : i32
        %shift_right_arithmetic3A_349 = arith.constant 2 : i32
        %shift_right_arithmetic3A_350 = arith.shrsi %add3A_320, %shift_right_arithmetic3A_349 : i32
        %add3A_351 = arith.addi %add3A_348, %shift_right_arithmetic3A_350 : i32
        %add3A_352 = vector.broadcast %add3A_341 : i32 to vector<16xi32>
        %add3A_353 = arith.addi %add3A_352, %iota3A : vector<16xi32>
        %mul3A_354 = arith.constant 16 : i32
        %mul3A_355 = vector.broadcast %mul3A_354 : i32 to vector<16xi32>
        %mul3A_356 = arith.muli %add3A_353, %mul3A_355 : vector<16xi32>
        %and3A_357 = arith.constant 3 : i32
        %and3A_358 = arith.andi %add3A_320, %and3A_357 : i32
        %mul3A_359 = arith.constant 16 : i32
        %mul3A_360 = arith.muli %and3A_358, %mul3A_359 : i32
        %add3A_361 = vector.broadcast %mul3A_360 : i32 to vector<16xi32>
        %add3A_362 = arith.addi %add3A_361, %iota3A : vector<16xi32>
        %broadcast_in_dim3A_363 = vector.broadcast %shift_right_arithmetic3A_343 : i32 to vector<16xi32>
        %add3A_364 = arith.constant 0 : i32
        %add3A_365 = vector.broadcast %add3A_364 : i32 to vector<16xi32>
        %add3A_366 = arith.addi %mul3A_356, %add3A_365 : vector<16xi32>
        %gather3A_367 = tpu.vector_load_idx %arg6[%add3A_366] masked %lt3A_329 : memref<3200xi32, #tpu.memory_space<vmem>>[vector<16xi32>], vector<16xi32>, vector<16xi1>
        %and3A_368 = arith.constant 255 : i32
        %and3A_369 = vector.broadcast %and3A_368 : i32 to vector<16xi32>
        %and3A_370 = arith.andi %gather3A_367, %and3A_369 : vector<16xi32>
        %mul3A_371 = arith.constant 30 : i32
        %mul3A_372 = vector.broadcast %mul3A_371 : i32 to vector<16xi32>
        %mul3A_373 = arith.muli %and3A_370, %mul3A_372 : vector<16xi32>
        %add3A_374 = arith.constant 0 : i32
        %add3A_375 = vector.broadcast %add3A_374 : i32 to vector<16xi32>
        %add3A_376 = arith.addi %mul3A_373, %add3A_375 : vector<16xi32>
        %broadcast_in_dim3A_377 = arith.constant 0 : i32
        %broadcast_in_dim3A_378 = vector.broadcast %broadcast_in_dim3A_377 : i32 to vector<16xi32>
        %parallel_loop3A_379 = arith.constant 0 : i32
        %parallel_loop3A_380 = arith.constant 30 : i32
        %parallel_loop3A_381 = arith.constant 1 : i32
        scf.for %parallel_loop3A_554 = %parallel_loop3A_379 to %parallel_loop3A_380 step %parallel_loop3A_381  : i32 {
          %parallel_loop3A_555 = vector.broadcast %parallel_loop3A_554 : i32 to vector<16xi32>
          %parallel_loop3A_556 = arith.addi %add3A_376, %parallel_loop3A_555 : vector<16xi32>
          %parallel_loop3A_557 = tpu.vector_load_idx %arg5[%parallel_loop3A_556] : memref<76800xf32, #tpu.memory_space<vmem>>[vector<16xi32>], vector<16xf32>,
          %parallel_loop3A_558 = vector.broadcast %parallel_loop3A_554 : i32 to vector<16xi32>
          %parallel_loop3A_559 = arith.addi %broadcast_in_dim3A_378, %parallel_loop3A_558 : vector<16xi32>
          tpu.vector_store_idx %arg8[%broadcast_in_dim3A_363, %add3A_362, %parallel_loop3A_559], %parallel_loop3A_557 masked %lt3A_329 : memref<2x50x300xf32, #tpu.memory_space<vmem>>[vector<16xi32>, vector<16xi32>, vector<16xi32>], vector<16xf32>, vector<16xi1>
        } {sc.loop_unroll_factor = 6 : i64, sc.parallel_access}
        %add3A_382 = arith.constant 1 : i32
        %add3A_383 = vector.broadcast %add3A_382 : i32 to vector<16xi32>
        %add3A_384 = arith.addi %mul3A_356, %add3A_383 : vector<16xi32>
        %gather3A_385 = tpu.vector_load_idx %arg6[%add3A_384] masked %lt3A_329 : memref<3200xi32, #tpu.memory_space<vmem>>[vector<16xi32>], vector<16xi32>, vector<16xi1>
        %and3A_386 = arith.constant 255 : i32
        %and3A_387 = vector.broadcast %and3A_386 : i32 to vector<16xi32>
        %and3A_388 = arith.andi %gather3A_385, %and3A_387 : vector<16xi32>
        %mul3A_389 = arith.constant 30 : i32
        %mul3A_390 = vector.broadcast %mul3A_389 : i32 to vector<16xi32>
        %mul3A_391 = arith.muli %and3A_388, %mul3A_390 : vector<16xi32>
        %add3A_392 = arith.constant 7680 : i32
        %add3A_393 = vector.broadcast %add3A_392 : i32 to vector<16xi32>
        %add3A_394 = arith.addi %mul3A_391, %add3A_393 : vector<16xi32>
        %broadcast_in_dim3A_395 = arith.constant 30 : i32
        %broadcast_in_dim3A_396 = vector.broadcast %broadcast_in_dim3A_395 : i32 to vector<16xi32>
        %parallel_loop3A_397 = arith.constant 0 : i32
        %parallel_loop3A_398 = arith.constant 30 : i32
        %parallel_loop3A_399 = arith.constant 1 : i32
        scf.for %parallel_loop3A_554 = %parallel_loop3A_397 to %parallel_loop3A_398 step %parallel_loop3A_399  : i32 {
          %parallel_loop3A_555 = vector.broadcast %parallel_loop3A_554 : i32 to vector<16xi32>
          %parallel_loop3A_556 = arith.addi %add3A_394, %parallel_loop3A_555 : vector<16xi32>
          %parallel_loop3A_557 = tpu.vector_load_idx %arg5[%parallel_loop3A_556] : memref<76800xf32, #tpu.memory_space<vmem>>[vector<16xi32>], vector<16xf32>,
          %parallel_loop3A_558 = vector.broadcast %parallel_loop3A_554 : i32 to vector<16xi32>
          %parallel_loop3A_559 = arith.addi %broadcast_in_dim3A_396, %parallel_loop3A_558 : vector<16xi32>
          tpu.vector_store_idx %arg8[%broadcast_in_dim3A_363, %add3A_362, %parallel_loop3A_559], %parallel_loop3A_557 masked %lt3A_329 : memref<2x50x300xf32, #tpu.memory_space<vmem>>[vector<16xi32>, vector<16xi32>, vector<16xi32>], vector<16xf32>, vector<16xi1>
        } {sc.loop_unroll_factor = 6 : i64, sc.parallel_access}
        %add3A_400 = arith.constant 2 : i32
        %add3A_401 = vector.broadcast %add3A_400 : i32 to vector<16xi32>
        %add3A_402 = arith.addi %mul3A_356, %add3A_401 : vector<16xi32>
        %gather3A_403 = tpu.vector_load_idx %arg6[%add3A_402] masked %lt3A_329 : memref<3200xi32, #tpu.memory_space<vmem>>[vector<16xi32>], vector<16xi32>, vector<16xi1>
        %and3A_404 = arith.constant 255 : i32
        %and3A_405 = vector.broadcast %and3A_404 : i32 to vector<16xi32>
        %and3A_406 = arith.andi %gather3A_403, %and3A_405 : vector<16xi32>
        %mul3A_407 = arith.constant 30 : i32
        %mul3A_408 = vector.broadcast %mul3A_407 : i32 to vector<16xi32>
        %mul3A_409 = arith.muli %and3A_406, %mul3A_408 : vector<16xi32>
        %add3A_410 = arith.constant 15360 : i32
        %add3A_411 = vector.broadcast %add3A_410 : i32 to vector<16xi32>
        %add3A_412 = arith.addi %mul3A_409, %add3A_411 : vector<16xi32>
        %broadcast_in_dim3A_413 = arith.constant 60 : i32
        %broadcast_in_dim3A_414 = vector.broadcast %broadcast_in_dim3A_413 : i32 to vector<16xi32>
        %parallel_loop3A_415 = arith.constant 0 : i32
        %parallel_loop3A_416 = arith.constant 30 : i32
        %parallel_loop3A_417 = arith.constant 1 : i32
        scf.for %parallel_loop3A_554 = %parallel_loop3A_415 to %parallel_loop3A_416 step %parallel_loop3A_417  : i32 {
          %parallel_loop3A_555 = vector.broadcast %parallel_loop3A_554 : i32 to vector<16xi32>
          %parallel_loop3A_556 = arith.addi %add3A_412, %parallel_loop3A_555 : vector<16xi32>
          %parallel_loop3A_557 = tpu.vector_load_idx %arg5[%parallel_loop3A_556] : memref<76800xf32, #tpu.memory_space<vmem>>[vector<16xi32>], vector<16xf32>,
          %parallel_loop3A_558 = vector.broadcast %parallel_loop3A_554 : i32 to vector<16xi32>
          %parallel_loop3A_559 = arith.addi %broadcast_in_dim3A_414, %parallel_loop3A_558 : vector<16xi32>
          tpu.vector_store_idx %arg8[%broadcast_in_dim3A_363, %add3A_362, %parallel_loop3A_559], %parallel_loop3A_557 masked %lt3A_329 : memref<2x50x300xf32, #tpu.memory_space<vmem>>[vector<16xi32>, vector<16xi32>, vector<16xi32>], vector<16xf32>, vector<16xi1>
        } {sc.loop_unroll_factor = 6 : i64, sc.parallel_access}
        %add3A_418 = arith.constant 3 : i32
        %add3A_419 = vector.broadcast %add3A_418 : i32 to vector<16xi32>
        %add3A_420 = arith.addi %mul3A_356, %add3A_419 : vector<16xi32>
        %gather3A_421 = tpu.vector_load_idx %arg6[%add3A_420] masked %lt3A_329 : memref<3200xi32, #tpu.memory_space<vmem>>[vector<16xi32>], vector<16xi32>, vector<16xi1>
        %and3A_422 = arith.constant 255 : i32
        %and3A_423 = vector.broadcast %and3A_422 : i32 to vector<16xi32>
        %and3A_424 = arith.andi %gather3A_421, %and3A_423 : vector<16xi32>
        %mul3A_425 = arith.constant 30 : i32
        %mul3A_426 = vector.broadcast %mul3A_425 : i32 to vector<16xi32>
        %mul3A_427 = arith.muli %and3A_424, %mul3A_426 : vector<16xi32>
        %add3A_428 = arith.constant 23040 : i32
        %add3A_429 = vector.broadcast %add3A_428 : i32 to vector<16xi32>
        %add3A_430 = arith.addi %mul3A_427, %add3A_429 : vector<16xi32>
        %broadcast_in_dim3A_431 = arith.constant 90 : i32
        %broadcast_in_dim3A_432 = vector.broadcast %broadcast_in_dim3A_431 : i32 to vector<16xi32>
        %parallel_loop3A_433 = arith.constant 0 : i32
        %parallel_loop3A_434 = arith.constant 30 : i32
        %parallel_loop3A_435 = arith.constant 1 : i32
        scf.for %parallel_loop3A_554 = %parallel_loop3A_433 to %parallel_loop3A_434 step %parallel_loop3A_435  : i32 {
          %parallel_loop3A_555 = vector.broadcast %parallel_loop3A_554 : i32 to vector<16xi32>
          %parallel_loop3A_556 = arith.addi %add3A_430, %parallel_loop3A_555 : vector<16xi32>
          %parallel_loop3A_557 = tpu.vector_load_idx %arg5[%parallel_loop3A_556] : memref<76800xf32, #tpu.memory_space<vmem>>[vector<16xi32>], vector<16xf32>,
          %parallel_loop3A_558 = vector.broadcast %parallel_loop3A_554 : i32 to vector<16xi32>
          %parallel_loop3A_559 = arith.addi %broadcast_in_dim3A_432, %parallel_loop3A_558 : vector<16xi32>
          tpu.vector_store_idx %arg8[%broadcast_in_dim3A_363, %add3A_362, %parallel_loop3A_559], %parallel_loop3A_557 masked %lt3A_329 : memref<2x50x300xf32, #tpu.memory_space<vmem>>[vector<16xi32>, vector<16xi32>, vector<16xi32>], vector<16xf32>, vector<16xi1>
        } {sc.loop_unroll_factor = 6 : i64, sc.parallel_access}
        %add3A_436 = arith.constant 4 : i32
        %add3A_437 = vector.broadcast %add3A_436 : i32 to vector<16xi32>
        %add3A_438 = arith.addi %mul3A_356, %add3A_437 : vector<16xi32>
        %gather3A_439 = tpu.vector_load_idx %arg6[%add3A_438] masked %lt3A_329 : memref<3200xi32, #tpu.memory_space<vmem>>[vector<16xi32>], vector<16xi32>, vector<16xi1>
        %and3A_440 = arith.constant 255 : i32
        %and3A_441 = vector.broadcast %and3A_440 : i32 to vector<16xi32>
        %and3A_442 = arith.andi %gather3A_439, %and3A_441 : vector<16xi32>
        %mul3A_443 = arith.constant 30 : i32
        %mul3A_444 = vector.broadcast %mul3A_443 : i32 to vector<16xi32>
        %mul3A_445 = arith.muli %and3A_442, %mul3A_444 : vector<16xi32>
        %add3A_446 = arith.constant 30720 : i32
        %add3A_447 = vector.broadcast %add3A_446 : i32 to vector<16xi32>
        %add3A_448 = arith.addi %mul3A_445, %add3A_447 : vector<16xi32>
        %broadcast_in_dim3A_449 = arith.constant 120 : i32
        %broadcast_in_dim3A_450 = vector.broadcast %broadcast_in_dim3A_449 : i32 to vector<16xi32>
        %parallel_loop3A_451 = arith.constant 0 : i32
        %parallel_loop3A_452 = arith.constant 30 : i32
        %parallel_loop3A_453 = arith.constant 1 : i32
        scf.for %parallel_loop3A_554 = %parallel_loop3A_451 to %parallel_loop3A_452 step %parallel_loop3A_453  : i32 {
          %parallel_loop3A_555 = vector.broadcast %parallel_loop3A_554 : i32 to vector<16xi32>
          %parallel_loop3A_556 = arith.addi %add3A_448, %parallel_loop3A_555 : vector<16xi32>
          %parallel_loop3A_557 = tpu.vector_load_idx %arg5[%parallel_loop3A_556] : memref<76800xf32, #tpu.memory_space<vmem>>[vector<16xi32>], vector<16xf32>,
          %parallel_loop3A_558 = vector.broadcast %parallel_loop3A_554 : i32 to vector<16xi32>
          %parallel_loop3A_559 = arith.addi %broadcast_in_dim3A_450, %parallel_loop3A_558 : vector<16xi32>
          tpu.vector_store_idx %arg8[%broadcast_in_dim3A_363, %add3A_362, %parallel_loop3A_559], %parallel_loop3A_557 masked %lt3A_329 : memref<2x50x300xf32, #tpu.memory_space<vmem>>[vector<16xi32>, vector<16xi32>, vector<16xi32>], vector<16xf32>, vector<16xi1>
        } {sc.loop_unroll_factor = 6 : i64, sc.parallel_access}
        %add3A_454 = arith.constant 5 : i32
        %add3A_455 = vector.broadcast %add3A_454 : i32 to vector<16xi32>
        %add3A_456 = arith.addi %mul3A_356, %add3A_455 : vector<16xi32>
        %gather3A_457 = tpu.vector_load_idx %arg6[%add3A_456] masked %lt3A_329 : memref<3200xi32, #tpu.memory_space<vmem>>[vector<16xi32>], vector<16xi32>, vector<16xi1>
        %and3A_458 = arith.constant 255 : i32
        %and3A_459 = vector.broadcast %and3A_458 : i32 to vector<16xi32>
        %and3A_460 = arith.andi %gather3A_457, %and3A_459 : vector<16xi32>
        %mul3A_461 = arith.constant 30 : i32
        %mul3A_462 = vector.broadcast %mul3A_461 : i32 to vector<16xi32>
        %mul3A_463 = arith.muli %and3A_460, %mul3A_462 : vector<16xi32>
        %add3A_464 = arith.constant 38400 : i32
        %add3A_465 = vector.broadcast %add3A_464 : i32 to vector<16xi32>
        %add3A_466 = arith.addi %mul3A_463, %add3A_465 : vector<16xi32>
        %broadcast_in_dim3A_467 = arith.constant 150 : i32
        %broadcast_in_dim3A_468 = vector.broadcast %broadcast_in_dim3A_467 : i32 to vector<16xi32>
        %parallel_loop3A_469 = arith.constant 0 : i32
        %parallel_loop3A_470 = arith.constant 30 : i32
        %parallel_loop3A_471 = arith.constant 1 : i32
        scf.for %parallel_loop3A_554 = %parallel_loop3A_469 to %parallel_loop3A_470 step %parallel_loop3A_471  : i32 {
          %parallel_loop3A_555 = vector.broadcast %parallel_loop3A_554 : i32 to vector<16xi32>
          %parallel_loop3A_556 = arith.addi %add3A_466, %parallel_loop3A_555 : vector<16xi32>
          %parallel_loop3A_557 = tpu.vector_load_idx %arg5[%parallel_loop3A_556] : memref<76800xf32, #tpu.memory_space<vmem>>[vector<16xi32>], vector<16xf32>,
          %parallel_loop3A_558 = vector.broadcast %parallel_loop3A_554 : i32 to vector<16xi32>
          %parallel_loop3A_559 = arith.addi %broadcast_in_dim3A_468, %parallel_loop3A_558 : vector<16xi32>
          tpu.vector_store_idx %arg8[%broadcast_in_dim3A_363, %add3A_362, %parallel_loop3A_559], %parallel_loop3A_557 masked %lt3A_329 : memref<2x50x300xf32, #tpu.memory_space<vmem>>[vector<16xi32>, vector<16xi32>, vector<16xi32>], vector<16xf32>, vector<16xi1>
        } {sc.loop_unroll_factor = 6 : i64, sc.parallel_access}
        %add3A_472 = arith.constant 6 : i32
        %add3A_473 = vector.broadcast %add3A_472 : i32 to vector<16xi32>
        %add3A_474 = arith.addi %mul3A_356, %add3A_473 : vector<16xi32>
        %gather3A_475 = tpu.vector_load_idx %arg6[%add3A_474] masked %lt3A_329 : memref<3200xi32, #tpu.memory_space<vmem>>[vector<16xi32>], vector<16xi32>, vector<16xi1>
        %and3A_476 = arith.constant 255 : i32
        %and3A_477 = vector.broadcast %and3A_476 : i32 to vector<16xi32>
        %and3A_478 = arith.andi %gather3A_475, %and3A_477 : vector<16xi32>
        %mul3A_479 = arith.constant 30 : i32
        %mul3A_480 = vector.broadcast %mul3A_479 : i32 to vector<16xi32>
        %mul3A_481 = arith.muli %and3A_478, %mul3A_480 : vector<16xi32>
        %add3A_482 = arith.constant 46080 : i32
        %add3A_483 = vector.broadcast %add3A_482 : i32 to vector<16xi32>
        %add3A_484 = arith.addi %mul3A_481, %add3A_483 : vector<16xi32>
        %broadcast_in_dim3A_485 = arith.constant 180 : i32
        %broadcast_in_dim3A_486 = vector.broadcast %broadcast_in_dim3A_485 : i32 to vector<16xi32>
        %parallel_loop3A_487 = arith.constant 0 : i32
        %parallel_loop3A_488 = arith.constant 30 : i32
        %parallel_loop3A_489 = arith.constant 1 : i32
        scf.for %parallel_loop3A_554 = %parallel_loop3A_487 to %parallel_loop3A_488 step %parallel_loop3A_489  : i32 {
          %parallel_loop3A_555 = vector.broadcast %parallel_loop3A_554 : i32 to vector<16xi32>
          %parallel_loop3A_556 = arith.addi %add3A_484, %parallel_loop3A_555 : vector<16xi32>
          %parallel_loop3A_557 = tpu.vector_load_idx %arg5[%parallel_loop3A_556] : memref<76800xf32, #tpu.memory_space<vmem>>[vector<16xi32>], vector<16xf32>,
          %parallel_loop3A_558 = vector.broadcast %parallel_loop3A_554 : i32 to vector<16xi32>
          %parallel_loop3A_559 = arith.addi %broadcast_in_dim3A_486, %parallel_loop3A_558 : vector<16xi32>
          tpu.vector_store_idx %arg8[%broadcast_in_dim3A_363, %add3A_362, %parallel_loop3A_559], %parallel_loop3A_557 masked %lt3A_329 : memref<2x50x300xf32, #tpu.memory_space<vmem>>[vector<16xi32>, vector<16xi32>, vector<16xi32>], vector<16xf32>, vector<16xi1>
        } {sc.loop_unroll_factor = 6 : i64, sc.parallel_access}
        %add3A_490 = arith.constant 7 : i32
        %add3A_491 = vector.broadcast %add3A_490 : i32 to vector<16xi32>
        %add3A_492 = arith.addi %mul3A_356, %add3A_491 : vector<16xi32>
        %gather3A_493 = tpu.vector_load_idx %arg6[%add3A_492] masked %lt3A_329 : memref<3200xi32, #tpu.memory_space<vmem>>[vector<16xi32>], vector<16xi32>, vector<16xi1>
        %and3A_494 = arith.constant 255 : i32
        %and3A_495 = vector.broadcast %and3A_494 : i32 to vector<16xi32>
        %and3A_496 = arith.andi %gather3A_493, %and3A_495 : vector<16xi32>
        %mul3A_497 = arith.constant 30 : i32
        %mul3A_498 = vector.broadcast %mul3A_497 : i32 to vector<16xi32>
        %mul3A_499 = arith.muli %and3A_496, %mul3A_498 : vector<16xi32>
        %add3A_500 = arith.constant 53760 : i32
        %add3A_501 = vector.broadcast %add3A_500 : i32 to vector<16xi32>
        %add3A_502 = arith.addi %mul3A_499, %add3A_501 : vector<16xi32>
        %broadcast_in_dim3A_503 = arith.constant 210 : i32
        %broadcast_in_dim3A_504 = vector.broadcast %broadcast_in_dim3A_503 : i32 to vector<16xi32>
        %parallel_loop3A_505 = arith.constant 0 : i32
        %parallel_loop3A_506 = arith.constant 30 : i32
        %parallel_loop3A_507 = arith.constant 1 : i32
        scf.for %parallel_loop3A_554 = %parallel_loop3A_505 to %parallel_loop3A_506 step %parallel_loop3A_507  : i32 {
          %parallel_loop3A_555 = vector.broadcast %parallel_loop3A_554 : i32 to vector<16xi32>
          %parallel_loop3A_556 = arith.addi %add3A_502, %parallel_loop3A_555 : vector<16xi32>
          %parallel_loop3A_557 = tpu.vector_load_idx %arg5[%parallel_loop3A_556] : memref<76800xf32, #tpu.memory_space<vmem>>[vector<16xi32>], vector<16xf32>,
          %parallel_loop3A_558 = vector.broadcast %parallel_loop3A_554 : i32 to vector<16xi32>
          %parallel_loop3A_559 = arith.addi %broadcast_in_dim3A_504, %parallel_loop3A_558 : vector<16xi32>
          tpu.vector_store_idx %arg8[%broadcast_in_dim3A_363, %add3A_362, %parallel_loop3A_559], %parallel_loop3A_557 masked %lt3A_329 : memref<2x50x300xf32, #tpu.memory_space<vmem>>[vector<16xi32>, vector<16xi32>, vector<16xi32>], vector<16xf32>, vector<16xi1>
        } {sc.loop_unroll_factor = 6 : i64, sc.parallel_access}
        %add3A_508 = arith.constant 8 : i32
        %add3A_509 = vector.broadcast %add3A_508 : i32 to vector<16xi32>
        %add3A_510 = arith.addi %mul3A_356, %add3A_509 : vector<16xi32>
        %gather3A_511 = tpu.vector_load_idx %arg6[%add3A_510] masked %lt3A_329 : memref<3200xi32, #tpu.memory_space<vmem>>[vector<16xi32>], vector<16xi32>, vector<16xi1>
        %and3A_512 = arith.constant 255 : i32
        %and3A_513 = vector.broadcast %and3A_512 : i32 to vector<16xi32>
        %and3A_514 = arith.andi %gather3A_511, %and3A_513 : vector<16xi32>
        %mul3A_515 = arith.constant 30 : i32
        %mul3A_516 = vector.broadcast %mul3A_515 : i32 to vector<16xi32>
        %mul3A_517 = arith.muli %and3A_514, %mul3A_516 : vector<16xi32>
        %add3A_518 = arith.constant 61440 : i32
        %add3A_519 = vector.broadcast %add3A_518 : i32 to vector<16xi32>
        %add3A_520 = arith.addi %mul3A_517, %add3A_519 : vector<16xi32>
        %broadcast_in_dim3A_521 = arith.constant 240 : i32
        %broadcast_in_dim3A_522 = vector.broadcast %broadcast_in_dim3A_521 : i32 to vector<16xi32>
        %parallel_loop3A_523 = arith.constant 0 : i32
        %parallel_loop3A_524 = arith.constant 30 : i32
        %parallel_loop3A_525 = arith.constant 1 : i32
        scf.for %parallel_loop3A_554 = %parallel_loop3A_523 to %parallel_loop3A_524 step %parallel_loop3A_525  : i32 {
          %parallel_loop3A_555 = vector.broadcast %parallel_loop3A_554 : i32 to vector<16xi32>
          %parallel_loop3A_556 = arith.addi %add3A_520, %parallel_loop3A_555 : vector<16xi32>
          %parallel_loop3A_557 = tpu.vector_load_idx %arg5[%parallel_loop3A_556] : memref<76800xf32, #tpu.memory_space<vmem>>[vector<16xi32>], vector<16xf32>,
          %parallel_loop3A_558 = vector.broadcast %parallel_loop3A_554 : i32 to vector<16xi32>
          %parallel_loop3A_559 = arith.addi %broadcast_in_dim3A_522, %parallel_loop3A_558 : vector<16xi32>
          tpu.vector_store_idx %arg8[%broadcast_in_dim3A_363, %add3A_362, %parallel_loop3A_559], %parallel_loop3A_557 masked %lt3A_329 : memref<2x50x300xf32, #tpu.memory_space<vmem>>[vector<16xi32>, vector<16xi32>, vector<16xi32>], vector<16xf32>, vector<16xi1>
        } {sc.loop_unroll_factor = 6 : i64, sc.parallel_access}
        %add3A_526 = arith.constant 9 : i32
        %add3A_527 = vector.broadcast %add3A_526 : i32 to vector<16xi32>
        %add3A_528 = arith.addi %mul3A_356, %add3A_527 : vector<16xi32>
        %gather3A_529 = tpu.vector_load_idx %arg6[%add3A_528] masked %lt3A_329 : memref<3200xi32, #tpu.memory_space<vmem>>[vector<16xi32>], vector<16xi32>, vector<16xi1>
        %and3A_530 = arith.constant 255 : i32
        %and3A_531 = vector.broadcast %and3A_530 : i32 to vector<16xi32>
        %and3A_532 = arith.andi %gather3A_529, %and3A_531 : vector<16xi32>
        %mul3A_533 = arith.constant 30 : i32
        %mul3A_534 = vector.broadcast %mul3A_533 : i32 to vector<16xi32>
        %mul3A_535 = arith.muli %and3A_532, %mul3A_534 : vector<16xi32>
        %add3A_536 = arith.constant 69120 : i32
        %add3A_537 = vector.broadcast %add3A_536 : i32 to vector<16xi32>
        %add3A_538 = arith.addi %mul3A_535, %add3A_537 : vector<16xi32>
        %broadcast_in_dim3A_539 = arith.constant 270 : i32
        %broadcast_in_dim3A_540 = vector.broadcast %broadcast_in_dim3A_539 : i32 to vector<16xi32>
        %parallel_loop3A_541 = arith.constant 0 : i32
        %parallel_loop3A_542 = arith.constant 30 : i32
        %parallel_loop3A_543 = arith.constant 1 : i32
        scf.for %parallel_loop3A_554 = %parallel_loop3A_541 to %parallel_loop3A_542 step %parallel_loop3A_543  : i32 {
          %parallel_loop3A_555 = vector.broadcast %parallel_loop3A_554 : i32 to vector<16xi32>
          %parallel_loop3A_556 = arith.addi %add3A_538, %parallel_loop3A_555 : vector<16xi32>
          %parallel_loop3A_557 = tpu.vector_load_idx %arg5[%parallel_loop3A_556] : memref<76800xf32, #tpu.memory_space<vmem>>[vector<16xi32>], vector<16xf32>,
          %parallel_loop3A_558 = vector.broadcast %parallel_loop3A_554 : i32 to vector<16xi32>
          %parallel_loop3A_559 = arith.addi %broadcast_in_dim3A_540, %parallel_loop3A_558 : vector<16xi32>
          tpu.vector_store_idx %arg8[%broadcast_in_dim3A_363, %add3A_362, %parallel_loop3A_559], %parallel_loop3A_557 masked %lt3A_329 : memref<2x50x300xf32, #tpu.memory_space<vmem>>[vector<16xi32>, vector<16xi32>, vector<16xi32>], vector<16xf32>, vector<16xi1>
        } {sc.loop_unroll_factor = 6 : i64, sc.parallel_access}
        %eq3A_544 = arith.constant 1 : i32
        %eq3A_545 = arith.cmpi eq, %and3A_80, %eq3A_544 : i32
        %convert_element_type3A_546 = arith.extui %eq3A_545 : i1 to i32
        %cond3A_547 = arith.constant 0 : i32
        %cond3A_548 = arith.cmpi ne, %convert_element_type3A_546, %cond3A_547 : i32
        scf.if %cond3A_548 {
          %add3A_554 = arith.addi %mul3A_4, %add3A_351 : i32
          %dma_start3A_555 = arith.constant 0 : i32
          %dma_start3A_556 = arith.constant 0 : i32
          %dma_start3A_557 = arith.constant 0 : i32
          %dma_start3A_558 = tpu.memref_slice %arg8[%dma_start3A_555, %dma_start3A_556, %dma_start3A_557] : memref<2x50x300xf32, #tpu.memory_space<vmem>> -> memref<1x50x300xf32, #tpu.memory_space<vmem>>
          %dma_start3A_559 = arith.constant 0 : i32
          %dma_start3A_560 = arith.constant 0 : i32
          %dma_start3A_561 = tpu.memref_slice %arg4[%add3A_554, %dma_start3A_559, %dma_start3A_560] : memref<4096x50x300xf32, #tpu.memory_space<hbm>> -> memref<1x50x300xf32, #tpu.memory_space<hbm>>
          %dma_start3A_562 = arith.constant 0 : i32
          %dma_start3A_563 = arith.constant 0 : i32
          %dma_start3A_564 = tpu.memref_slice %arg4[%add3A_554, %dma_start3A_562, %dma_start3A_563] : memref<4096x50x300xf32, #tpu.memory_space<hbm>> -> memref<1x50x300xf32, #tpu.memory_space<hbm>>
          %dma_start3A_565 = arith.constant 0 : i32
          %dma_start3A_566 = arith.constant 0 : i32
          %dma_start3A_567 = arith.constant 0 : i32
          %dma_start3A_568 = tpu.memref_slice %arg8[%dma_start3A_565, %dma_start3A_566, %dma_start3A_567] : memref<2x50x300xf32, #tpu.memory_space<vmem>> -> memref<1x50x300xf32, #tpu.memory_space<vmem>>
          tpu.enqueue_dma source(%dma_start3A_568 : memref<1x50x300xf32, #tpu.memory_space<vmem>>) target(%dma_start3A_564 : memref<1x50x300xf32, #tpu.memory_space<hbm>>) target_semaphore(%arg11 : memref<!tpu.dma_semaphore, #tpu.memory_space<semaphore_mem>>)
        } else {
        }
        %eq3A_549 = arith.constant 3 : i32
        %eq3A_550 = arith.cmpi eq, %and3A_80, %eq3A_549 : i32
        %convert_element_type3A_551 = arith.extui %eq3A_550 : i1 to i32
        %cond3A_552 = arith.constant 0 : i32
        %cond3A_553 = arith.cmpi ne, %convert_element_type3A_551, %cond3A_552 : i32
        scf.if %cond3A_553 {
          %add3A_554 = arith.addi %mul3A_4, %add3A_351 : i32
          %dma_start3A_555 = arith.constant 1 : i32
          %dma_start3A_556 = arith.constant 0 : i32
          %dma_start3A_557 = arith.constant 0 : i32
          %dma_start3A_558 = tpu.memref_slice %arg8[%dma_start3A_555, %dma_start3A_556, %dma_start3A_557] : memref<2x50x300xf32, #tpu.memory_space<vmem>> -> memref<1x50x300xf32, #tpu.memory_space<vmem>>
          %dma_start3A_559 = arith.constant 0 : i32
          %dma_start3A_560 = arith.constant 0 : i32
          %dma_start3A_561 = tpu.memref_slice %arg4[%add3A_554, %dma_start3A_559, %dma_start3A_560] : memref<4096x50x300xf32, #tpu.memory_space<hbm>> -> memref<1x50x300xf32, #tpu.memory_space<hbm>>
          %dma_start3A_562 = arith.constant 0 : i32
          %dma_start3A_563 = arith.constant 0 : i32
          %dma_start3A_564 = tpu.memref_slice %arg4[%add3A_554, %dma_start3A_562, %dma_start3A_563] : memref<4096x50x300xf32, #tpu.memory_space<hbm>> -> memref<1x50x300xf32, #tpu.memory_space<hbm>>
          %dma_start3A_565 = arith.constant 1 : i32
          %dma_start3A_566 = arith.constant 0 : i32
          %dma_start3A_567 = arith.constant 0 : i32
          %dma_start3A_568 = tpu.memref_slice %arg8[%dma_start3A_565, %dma_start3A_566, %dma_start3A_567] : memref<2x50x300xf32, #tpu.memory_space<vmem>> -> memref<1x50x300xf32, #tpu.memory_space<vmem>>
          tpu.enqueue_dma source(%dma_start3A_568 : memref<1x50x300xf32, #tpu.memory_space<vmem>>) target(%dma_start3A_564 : memref<1x50x300xf32, #tpu.memory_space<hbm>>) target_semaphore(%arg12 : memref<!tpu.dma_semaphore, #tpu.memory_space<semaphore_mem>>)
        } else {
        }
      }
      %scan3A_56 = arith.constant 8 : i32
      %mul3A_57 = arith.constant 2 : i32
      %mul3A_58 = arith.muli %scan3A_40, %mul3A_57 : i32
      %add3A_59 = arith.constant 1 : i32
      %add3A_60 = arith.addi %mul3A_58, %add3A_59 : i32
      %mul3A_61 = arith.constant 16 : i32
      %mul3A_62 = arith.muli %mul3A_2, %mul3A_61 : i32
      %dma_wait3A_63 = tpu.memref_slice %arg2[%mul3A_62] : memref<3276800xi32, #tpu.memory_space<hbm>> -> memref<3200xi32, #tpu.memory_space<hbm>>
      %dma_wait3A_64 = tpu.memref_slice %arg2[%mul3A_62] : memref<3276800xi32, #tpu.memory_space<hbm>> -> memref<3200xi32, #tpu.memory_space<hbm>>
      tpu.wait_dma2 semaphore(%arg10 : memref<!tpu.dma_semaphore, #tpu.memory_space<semaphore_mem>>) src(%dma_wait3A_64 : memref<3200xi32, #tpu.memory_space<hbm>>) dst(%arg7 : memref<3200xi32, #tpu.memory_space<vmem>>)
      %add3A_65 = arith.constant 1 : i32
      %add3A_66 = arith.addi %add3A_60, %add3A_65 : i32
      %lt3A_67 = arith.constant 32 : i32
      %lt3A_68 = arith.cmpi slt, %add3A_66, %lt3A_67 : i32
      %convert_element_type3A_69 = arith.extui %lt3A_68 : i1 to i32
      %cond3A_70 = arith.constant 0 : i32
      %cond3A_71 = arith.cmpi ne, %convert_element_type3A_69, %cond3A_70 : i32
      scf.if %cond3A_71 {
        %add3A_78 = arith.constant 1 : i32
        %add3A_79 = arith.addi %add3A_60, %add3A_78 : i32
        %mul3A_80 = arith.constant 200 : i32
        %mul3A_81 = arith.muli %add3A_79, %mul3A_80 : i32
        %add3A_82 = arith.addi %mul3A_2, %mul3A_81 : i32
        %mul3A_83 = arith.constant 16 : i32
        %mul3A_84 = arith.muli %add3A_82, %mul3A_83 : i32
        %dma_start3A_85 = tpu.memref_slice %arg2[%mul3A_84] : memref<3276800xi32, #tpu.memory_space<hbm>> -> memref<3200xi32, #tpu.memory_space<hbm>>
        %dma_start3A_86 = tpu.memref_slice %arg2[%mul3A_84] : memref<3276800xi32, #tpu.memory_space<hbm>> -> memref<3200xi32, #tpu.memory_space<hbm>>
        tpu.enqueue_dma source(%dma_start3A_86 : memref<3200xi32, #tpu.memory_space<hbm>>) target(%arg6 : memref<3200xi32, #tpu.memory_space<vmem>>) target_semaphore(%arg9 : memref<!tpu.dma_semaphore, #tpu.memory_space<semaphore_mem>>)
      } else {
      }
      %scan3A_72 = arith.constant 0 : i32
      %scan3A_73 = arith.constant 0 : i32
      %scan3A_74 = arith.constant 8 : i32
      %scan3A_75 = arith.addi %scan3A_73, %scan3A_74 : i32
      %scan3A_76 = arith.constant 1 : i32
      scf.for %scan3A_78 = %scan3A_73 to %scan3A_75 step %scan3A_76  : i32 {
        %shift_right_arithmetic3A = arith.constant 2 : i32
        %shift_right_arithmetic3A_79 = arith.shrsi %scan3A_78, %shift_right_arithmetic3A : i32
        %and3A = arith.constant 3 : i32
        %and3A_80 = arith.andi %scan3A_78, %and3A : i32
        %mul3A_81 = arith.constant 2 : i32
        %mul3A_82 = arith.muli %and3A_80, %mul3A_81 : i32
        %add3A_83 = arith.constant 0 : i32
        %add3A_84 = arith.addi %mul3A_82, %add3A_83 : i32
        %and3A_85 = arith.constant 3 : i32
        %and3A_86 = arith.andi %add3A_84, %and3A_85 : i32
        %eq3A = arith.constant 3 : i32
        %eq3A_87 = arith.cmpi eq, %and3A_86, %eq3A : i32
        %jit3A = arith.constant 2 : i32
        %jit3A_88 = arith.constant 16 : i32
        %select_n3A = arith.select %eq3A_87, %jit3A, %jit3A_88 : i32
        %lt3A_89 = vector.broadcast %select_n3A : i32 to vector<16xi32>
        %lt3A_90 = arith.cmpi slt, %iota3A, %lt3A_89 : vector<16xi32>
        %mul3A_91 = arith.constant 100 : i32
        %mul3A_92 = arith.muli %shift_right_arithmetic3A_79, %mul3A_91 : i32
        %shift_right_arithmetic3A_93 = arith.constant 2 : i32
        %shift_right_arithmetic3A_94 = arith.shrsi %add3A_84, %shift_right_arithmetic3A_93 : i32
        %mul3A_95 = arith.constant 50 : i32
        %mul3A_96 = arith.muli %shift_right_arithmetic3A_94, %mul3A_95 : i32
        %add3A_97 = arith.addi %mul3A_92, %mul3A_96 : i32
        %and3A_98 = arith.constant 3 : i32
        %and3A_99 = arith.andi %add3A_84, %and3A_98 : i32
        %mul3A_100 = arith.constant 16 : i32
        %mul3A_101 = arith.muli %and3A_99, %mul3A_100 : i32
        %add3A_102 = arith.addi %add3A_97, %mul3A_101 : i32
        %shift_right_arithmetic3A_103 = arith.constant 1 : i32
        %shift_right_arithmetic3A_104 = arith.shrsi %and3A_80, %shift_right_arithmetic3A_103 : i32
        %mul3A_105 = arith.constant 4 : i32
        %mul3A_106 = arith.muli %add3A_60, %mul3A_105 : i32
        %mul3A_107 = arith.constant 2 : i32
        %mul3A_108 = arith.muli %shift_right_arithmetic3A_79, %mul3A_107 : i32
        %add3A_109 = arith.addi %mul3A_106, %mul3A_108 : i32
        %shift_right_arithmetic3A_110 = arith.constant 2 : i32
        %shift_right_arithmetic3A_111 = arith.shrsi %add3A_84, %shift_right_arithmetic3A_110 : i32
        %add3A_112 = arith.addi %add3A_109, %shift_right_arithmetic3A_111 : i32
        %eq3A_113 = arith.constant 0 : i32
        %eq3A_114 = arith.cmpi eq, %and3A_80, %eq3A_113 : i32
        %ge3A = arith.constant 2 : i32
        %ge3A_115 = arith.cmpi sge, %add3A_112, %ge3A : i32
        %and3A_116 = arith.andi %eq3A_114, %ge3A_115 : i1
        %convert_element_type3A_117 = arith.extui %and3A_116 : i1 to i32
        %cond3A_118 = arith.constant 0 : i32
        %cond3A_119 = arith.cmpi ne, %convert_element_type3A_117, %cond3A_118 : i32
        scf.if %cond3A_119 {
          %dma_wait3A_554 = arith.constant 0 : i32
          %dma_wait3A_555 = arith.constant 0 : i32
          %dma_wait3A_556 = arith.constant 0 : i32
          %dma_wait3A_557 = tpu.memref_slice %arg8[%dma_wait3A_554, %dma_wait3A_555, %dma_wait3A_556] : memref<2x50x300xf32, #tpu.memory_space<vmem>> -> memref<1x50x300xf32, #tpu.memory_space<vmem>>
          %dma_wait3A_558 = arith.constant 0 : i32
          %dma_wait3A_559 = arith.constant 0 : i32
          %dma_wait3A_560 = tpu.memref_slice %arg4[%mul3A_4, %dma_wait3A_558, %dma_wait3A_559] : memref<4096x50x300xf32, #tpu.memory_space<hbm>> -> memref<1x50x300xf32, #tpu.memory_space<hbm>>
          %dma_wait3A_561 = arith.constant 0 : i32
          %dma_wait3A_562 = arith.constant 0 : i32
          %dma_wait3A_563 = tpu.memref_slice %arg4[%mul3A_4, %dma_wait3A_561, %dma_wait3A_562] : memref<4096x50x300xf32, #tpu.memory_space<hbm>> -> memref<1x50x300xf32, #tpu.memory_space<hbm>>
          %dma_wait3A_564 = arith.constant 0 : i32
          %dma_wait3A_565 = arith.constant 0 : i32
          %dma_wait3A_566 = arith.constant 0 : i32
          %dma_wait3A_567 = tpu.memref_slice %arg8[%dma_wait3A_564, %dma_wait3A_565, %dma_wait3A_566] : memref<2x50x300xf32, #tpu.memory_space<vmem>> -> memref<1x50x300xf32, #tpu.memory_space<vmem>>
          tpu.wait_dma2 semaphore(%arg11 : memref<!tpu.dma_semaphore, #tpu.memory_space<semaphore_mem>>) src(%dma_wait3A_567 : memref<1x50x300xf32, #tpu.memory_space<vmem>>) dst(%dma_wait3A_563 : memref<1x50x300xf32, #tpu.memory_space<hbm>>)
        } else {
        }
        %eq3A_120 = arith.constant 2 : i32
        %eq3A_121 = arith.cmpi eq, %and3A_80, %eq3A_120 : i32
        %ge3A_122 = arith.constant 2 : i32
        %ge3A_123 = arith.cmpi sge, %add3A_112, %ge3A_122 : i32
        %and3A_124 = arith.andi %eq3A_121, %ge3A_123 : i1
        %convert_element_type3A_125 = arith.extui %and3A_124 : i1 to i32
        %cond3A_126 = arith.constant 0 : i32
        %cond3A_127 = arith.cmpi ne, %convert_element_type3A_125, %cond3A_126 : i32
        scf.if %cond3A_127 {
          %dma_wait3A_554 = arith.constant 1 : i32
          %dma_wait3A_555 = arith.constant 0 : i32
          %dma_wait3A_556 = arith.constant 0 : i32
          %dma_wait3A_557 = tpu.memref_slice %arg8[%dma_wait3A_554, %dma_wait3A_555, %dma_wait3A_556] : memref<2x50x300xf32, #tpu.memory_space<vmem>> -> memref<1x50x300xf32, #tpu.memory_space<vmem>>
          %dma_wait3A_558 = arith.constant 0 : i32
          %dma_wait3A_559 = arith.constant 0 : i32
          %dma_wait3A_560 = tpu.memref_slice %arg4[%mul3A_4, %dma_wait3A_558, %dma_wait3A_559] : memref<4096x50x300xf32, #tpu.memory_space<hbm>> -> memref<1x50x300xf32, #tpu.memory_space<hbm>>
          %dma_wait3A_561 = arith.constant 0 : i32
          %dma_wait3A_562 = arith.constant 0 : i32
          %dma_wait3A_563 = tpu.memref_slice %arg4[%mul3A_4, %dma_wait3A_561, %dma_wait3A_562] : memref<4096x50x300xf32, #tpu.memory_space<hbm>> -> memref<1x50x300xf32, #tpu.memory_space<hbm>>
          %dma_wait3A_564 = arith.constant 1 : i32
          %dma_wait3A_565 = arith.constant 0 : i32
          %dma_wait3A_566 = arith.constant 0 : i32
          %dma_wait3A_567 = tpu.memref_slice %arg8[%dma_wait3A_564, %dma_wait3A_565, %dma_wait3A_566] : memref<2x50x300xf32, #tpu.memory_space<vmem>> -> memref<1x50x300xf32, #tpu.memory_space<vmem>>
          tpu.wait_dma2 semaphore(%arg12 : memref<!tpu.dma_semaphore, #tpu.memory_space<semaphore_mem>>) src(%dma_wait3A_567 : memref<1x50x300xf32, #tpu.memory_space<vmem>>) dst(%dma_wait3A_563 : memref<1x50x300xf32, #tpu.memory_space<hbm>>)
        } else {
        }
        %add3A_128 = vector.broadcast %add3A_102 : i32 to vector<16xi32>
        %add3A_129 = arith.addi %add3A_128, %iota3A : vector<16xi32>
        %mul3A_130 = arith.constant 16 : i32
        %mul3A_131 = vector.broadcast %mul3A_130 : i32 to vector<16xi32>
        %mul3A_132 = arith.muli %add3A_129, %mul3A_131 : vector<16xi32>
        %and3A_133 = arith.constant 3 : i32
        %and3A_134 = arith.andi %add3A_84, %and3A_133 : i32
        %mul3A_135 = arith.constant 16 : i32
        %mul3A_136 = arith.muli %and3A_134, %mul3A_135 : i32
        %add3A_137 = vector.broadcast %mul3A_136 : i32 to vector<16xi32>
        %add3A_138 = arith.addi %add3A_137, %iota3A : vector<16xi32>
        %broadcast_in_dim3A = vector.broadcast %shift_right_arithmetic3A_104 : i32 to vector<16xi32>
        %add3A_139 = arith.constant 0 : i32
        %add3A_140 = vector.broadcast %add3A_139 : i32 to vector<16xi32>
        %add3A_141 = arith.addi %mul3A_132, %add3A_140 : vector<16xi32>
        %gather3A = tpu.vector_load_idx %arg7[%add3A_141] masked %lt3A_90 : memref<3200xi32, #tpu.memory_space<vmem>>[vector<16xi32>], vector<16xi32>, vector<16xi1>
        %and3A_142 = arith.constant 255 : i32
        %and3A_143 = vector.broadcast %and3A_142 : i32 to vector<16xi32>
        %and3A_144 = arith.andi %gather3A, %and3A_143 : vector<16xi32>
        %mul3A_145 = arith.constant 30 : i32
        %mul3A_146 = vector.broadcast %mul3A_145 : i32 to vector<16xi32>
        %mul3A_147 = arith.muli %and3A_144, %mul3A_146 : vector<16xi32>
        %add3A_148 = arith.constant 0 : i32
        %add3A_149 = vector.broadcast %add3A_148 : i32 to vector<16xi32>
        %add3A_150 = arith.addi %mul3A_147, %add3A_149 : vector<16xi32>
        %broadcast_in_dim3A_151 = arith.constant 0 : i32
        %broadcast_in_dim3A_152 = vector.broadcast %broadcast_in_dim3A_151 : i32 to vector<16xi32>
        %parallel_loop3A = arith.constant 0 : i32
        %parallel_loop3A_153 = arith.constant 30 : i32
        %parallel_loop3A_154 = arith.constant 1 : i32
        scf.for %parallel_loop3A_554 = %parallel_loop3A to %parallel_loop3A_153 step %parallel_loop3A_154  : i32 {
          %parallel_loop3A_555 = vector.broadcast %parallel_loop3A_554 : i32 to vector<16xi32>
          %parallel_loop3A_556 = arith.addi %add3A_150, %parallel_loop3A_555 : vector<16xi32>
          %parallel_loop3A_557 = tpu.vector_load_idx %arg5[%parallel_loop3A_556] : memref<76800xf32, #tpu.memory_space<vmem>>[vector<16xi32>], vector<16xf32>,
          %parallel_loop3A_558 = vector.broadcast %parallel_loop3A_554 : i32 to vector<16xi32>
          %parallel_loop3A_559 = arith.addi %broadcast_in_dim3A_152, %parallel_loop3A_558 : vector<16xi32>
          tpu.vector_store_idx %arg8[%broadcast_in_dim3A, %add3A_138, %parallel_loop3A_559], %parallel_loop3A_557 masked %lt3A_90 : memref<2x50x300xf32, #tpu.memory_space<vmem>>[vector<16xi32>, vector<16xi32>, vector<16xi32>], vector<16xf32>, vector<16xi1>
        } {sc.loop_unroll_factor = 6 : i64, sc.parallel_access}
        %add3A_155 = arith.constant 1 : i32
        %add3A_156 = vector.broadcast %add3A_155 : i32 to vector<16xi32>
        %add3A_157 = arith.addi %mul3A_132, %add3A_156 : vector<16xi32>
        %gather3A_158 = tpu.vector_load_idx %arg7[%add3A_157] masked %lt3A_90 : memref<3200xi32, #tpu.memory_space<vmem>>[vector<16xi32>], vector<16xi32>, vector<16xi1>
        %and3A_159 = arith.constant 255 : i32
        %and3A_160 = vector.broadcast %and3A_159 : i32 to vector<16xi32>
        %and3A_161 = arith.andi %gather3A_158, %and3A_160 : vector<16xi32>
        %mul3A_162 = arith.constant 30 : i32
        %mul3A_163 = vector.broadcast %mul3A_162 : i32 to vector<16xi32>
        %mul3A_164 = arith.muli %and3A_161, %mul3A_163 : vector<16xi32>
        %add3A_165 = arith.constant 7680 : i32
        %add3A_166 = vector.broadcast %add3A_165 : i32 to vector<16xi32>
        %add3A_167 = arith.addi %mul3A_164, %add3A_166 : vector<16xi32>
        %broadcast_in_dim3A_168 = arith.constant 30 : i32
        %broadcast_in_dim3A_169 = vector.broadcast %broadcast_in_dim3A_168 : i32 to vector<16xi32>
        %parallel_loop3A_170 = arith.constant 0 : i32
        %parallel_loop3A_171 = arith.constant 30 : i32
        %parallel_loop3A_172 = arith.constant 1 : i32
        scf.for %parallel_loop3A_554 = %parallel_loop3A_170 to %parallel_loop3A_171 step %parallel_loop3A_172  : i32 {
          %parallel_loop3A_555 = vector.broadcast %parallel_loop3A_554 : i32 to vector<16xi32>
          %parallel_loop3A_556 = arith.addi %add3A_167, %parallel_loop3A_555 : vector<16xi32>
          %parallel_loop3A_557 = tpu.vector_load_idx %arg5[%parallel_loop3A_556] : memref<76800xf32, #tpu.memory_space<vmem>>[vector<16xi32>], vector<16xf32>,
          %parallel_loop3A_558 = vector.broadcast %parallel_loop3A_554 : i32 to vector<16xi32>
          %parallel_loop3A_559 = arith.addi %broadcast_in_dim3A_169, %parallel_loop3A_558 : vector<16xi32>
          tpu.vector_store_idx %arg8[%broadcast_in_dim3A, %add3A_138, %parallel_loop3A_559], %parallel_loop3A_557 masked %lt3A_90 : memref<2x50x300xf32, #tpu.memory_space<vmem>>[vector<16xi32>, vector<16xi32>, vector<16xi32>], vector<16xf32>, vector<16xi1>
        } {sc.loop_unroll_factor = 6 : i64, sc.parallel_access}
        %add3A_173 = arith.constant 2 : i32
        %add3A_174 = vector.broadcast %add3A_173 : i32 to vector<16xi32>
        %add3A_175 = arith.addi %mul3A_132, %add3A_174 : vector<16xi32>
        %gather3A_176 = tpu.vector_load_idx %arg7[%add3A_175] masked %lt3A_90 : memref<3200xi32, #tpu.memory_space<vmem>>[vector<16xi32>], vector<16xi32>, vector<16xi1>
        %and3A_177 = arith.constant 255 : i32
        %and3A_178 = vector.broadcast %and3A_177 : i32 to vector<16xi32>
        %and3A_179 = arith.andi %gather3A_176, %and3A_178 : vector<16xi32>
        %mul3A_180 = arith.constant 30 : i32
        %mul3A_181 = vector.broadcast %mul3A_180 : i32 to vector<16xi32>
        %mul3A_182 = arith.muli %and3A_179, %mul3A_181 : vector<16xi32>
        %add3A_183 = arith.constant 15360 : i32
        %add3A_184 = vector.broadcast %add3A_183 : i32 to vector<16xi32>
        %add3A_185 = arith.addi %mul3A_182, %add3A_184 : vector<16xi32>
        %broadcast_in_dim3A_186 = arith.constant 60 : i32
        %broadcast_in_dim3A_187 = vector.broadcast %broadcast_in_dim3A_186 : i32 to vector<16xi32>
        %parallel_loop3A_188 = arith.constant 0 : i32
        %parallel_loop3A_189 = arith.constant 30 : i32
        %parallel_loop3A_190 = arith.constant 1 : i32
        scf.for %parallel_loop3A_554 = %parallel_loop3A_188 to %parallel_loop3A_189 step %parallel_loop3A_190  : i32 {
          %parallel_loop3A_555 = vector.broadcast %parallel_loop3A_554 : i32 to vector<16xi32>
          %parallel_loop3A_556 = arith.addi %add3A_185, %parallel_loop3A_555 : vector<16xi32>
          %parallel_loop3A_557 = tpu.vector_load_idx %arg5[%parallel_loop3A_556] : memref<76800xf32, #tpu.memory_space<vmem>>[vector<16xi32>], vector<16xf32>,
          %parallel_loop3A_558 = vector.broadcast %parallel_loop3A_554 : i32 to vector<16xi32>
          %parallel_loop3A_559 = arith.addi %broadcast_in_dim3A_187, %parallel_loop3A_558 : vector<16xi32>
          tpu.vector_store_idx %arg8[%broadcast_in_dim3A, %add3A_138, %parallel_loop3A_559], %parallel_loop3A_557 masked %lt3A_90 : memref<2x50x300xf32, #tpu.memory_space<vmem>>[vector<16xi32>, vector<16xi32>, vector<16xi32>], vector<16xf32>, vector<16xi1>
        } {sc.loop_unroll_factor = 6 : i64, sc.parallel_access}
        %add3A_191 = arith.constant 3 : i32
        %add3A_192 = vector.broadcast %add3A_191 : i32 to vector<16xi32>
        %add3A_193 = arith.addi %mul3A_132, %add3A_192 : vector<16xi32>
        %gather3A_194 = tpu.vector_load_idx %arg7[%add3A_193] masked %lt3A_90 : memref<3200xi32, #tpu.memory_space<vmem>>[vector<16xi32>], vector<16xi32>, vector<16xi1>
        %and3A_195 = arith.constant 255 : i32
        %and3A_196 = vector.broadcast %and3A_195 : i32 to vector<16xi32>
        %and3A_197 = arith.andi %gather3A_194, %and3A_196 : vector<16xi32>
        %mul3A_198 = arith.constant 30 : i32
        %mul3A_199 = vector.broadcast %mul3A_198 : i32 to vector<16xi32>
        %mul3A_200 = arith.muli %and3A_197, %mul3A_199 : vector<16xi32>
        %add3A_201 = arith.constant 23040 : i32
        %add3A_202 = vector.broadcast %add3A_201 : i32 to vector<16xi32>
        %add3A_203 = arith.addi %mul3A_200, %add3A_202 : vector<16xi32>
        %broadcast_in_dim3A_204 = arith.constant 90 : i32
        %broadcast_in_dim3A_205 = vector.broadcast %broadcast_in_dim3A_204 : i32 to vector<16xi32>
        %parallel_loop3A_206 = arith.constant 0 : i32
        %parallel_loop3A_207 = arith.constant 30 : i32
        %parallel_loop3A_208 = arith.constant 1 : i32
        scf.for %parallel_loop3A_554 = %parallel_loop3A_206 to %parallel_loop3A_207 step %parallel_loop3A_208  : i32 {
          %parallel_loop3A_555 = vector.broadcast %parallel_loop3A_554 : i32 to vector<16xi32>
          %parallel_loop3A_556 = arith.addi %add3A_203, %parallel_loop3A_555 : vector<16xi32>
          %parallel_loop3A_557 = tpu.vector_load_idx %arg5[%parallel_loop3A_556] : memref<76800xf32, #tpu.memory_space<vmem>>[vector<16xi32>], vector<16xf32>,
          %parallel_loop3A_558 = vector.broadcast %parallel_loop3A_554 : i32 to vector<16xi32>
          %parallel_loop3A_559 = arith.addi %broadcast_in_dim3A_205, %parallel_loop3A_558 : vector<16xi32>
          tpu.vector_store_idx %arg8[%broadcast_in_dim3A, %add3A_138, %parallel_loop3A_559], %parallel_loop3A_557 masked %lt3A_90 : memref<2x50x300xf32, #tpu.memory_space<vmem>>[vector<16xi32>, vector<16xi32>, vector<16xi32>], vector<16xf32>, vector<16xi1>
        } {sc.loop_unroll_factor = 6 : i64, sc.parallel_access}
        %add3A_209 = arith.constant 4 : i32
        %add3A_210 = vector.broadcast %add3A_209 : i32 to vector<16xi32>
        %add3A_211 = arith.addi %mul3A_132, %add3A_210 : vector<16xi32>
        %gather3A_212 = tpu.vector_load_idx %arg7[%add3A_211] masked %lt3A_90 : memref<3200xi32, #tpu.memory_space<vmem>>[vector<16xi32>], vector<16xi32>, vector<16xi1>
        %and3A_213 = arith.constant 255 : i32
        %and3A_214 = vector.broadcast %and3A_213 : i32 to vector<16xi32>
        %and3A_215 = arith.andi %gather3A_212, %and3A_214 : vector<16xi32>
        %mul3A_216 = arith.constant 30 : i32
        %mul3A_217 = vector.broadcast %mul3A_216 : i32 to vector<16xi32>
        %mul3A_218 = arith.muli %and3A_215, %mul3A_217 : vector<16xi32>
        %add3A_219 = arith.constant 30720 : i32
        %add3A_220 = vector.broadcast %add3A_219 : i32 to vector<16xi32>
        %add3A_221 = arith.addi %mul3A_218, %add3A_220 : vector<16xi32>
        %broadcast_in_dim3A_222 = arith.constant 120 : i32
        %broadcast_in_dim3A_223 = vector.broadcast %broadcast_in_dim3A_222 : i32 to vector<16xi32>
        %parallel_loop3A_224 = arith.constant 0 : i32
        %parallel_loop3A_225 = arith.constant 30 : i32
        %parallel_loop3A_226 = arith.constant 1 : i32
        scf.for %parallel_loop3A_554 = %parallel_loop3A_224 to %parallel_loop3A_225 step %parallel_loop3A_226  : i32 {
          %parallel_loop3A_555 = vector.broadcast %parallel_loop3A_554 : i32 to vector<16xi32>
          %parallel_loop3A_556 = arith.addi %add3A_221, %parallel_loop3A_555 : vector<16xi32>
          %parallel_loop3A_557 = tpu.vector_load_idx %arg5[%parallel_loop3A_556] : memref<76800xf32, #tpu.memory_space<vmem>>[vector<16xi32>], vector<16xf32>,
          %parallel_loop3A_558 = vector.broadcast %parallel_loop3A_554 : i32 to vector<16xi32>
          %parallel_loop3A_559 = arith.addi %broadcast_in_dim3A_223, %parallel_loop3A_558 : vector<16xi32>
          tpu.vector_store_idx %arg8[%broadcast_in_dim3A, %add3A_138, %parallel_loop3A_559], %parallel_loop3A_557 masked %lt3A_90 : memref<2x50x300xf32, #tpu.memory_space<vmem>>[vector<16xi32>, vector<16xi32>, vector<16xi32>], vector<16xf32>, vector<16xi1>
        } {sc.loop_unroll_factor = 6 : i64, sc.parallel_access}
        %add3A_227 = arith.constant 5 : i32
        %add3A_228 = vector.broadcast %add3A_227 : i32 to vector<16xi32>
        %add3A_229 = arith.addi %mul3A_132, %add3A_228 : vector<16xi32>
        %gather3A_230 = tpu.vector_load_idx %arg7[%add3A_229] masked %lt3A_90 : memref<3200xi32, #tpu.memory_space<vmem>>[vector<16xi32>], vector<16xi32>, vector<16xi1>
        %and3A_231 = arith.constant 255 : i32
        %and3A_232 = vector.broadcast %and3A_231 : i32 to vector<16xi32>
        %and3A_233 = arith.andi %gather3A_230, %and3A_232 : vector<16xi32>
        %mul3A_234 = arith.constant 30 : i32
        %mul3A_235 = vector.broadcast %mul3A_234 : i32 to vector<16xi32>
        %mul3A_236 = arith.muli %and3A_233, %mul3A_235 : vector<16xi32>
        %add3A_237 = arith.constant 38400 : i32
        %add3A_238 = vector.broadcast %add3A_237 : i32 to vector<16xi32>
        %add3A_239 = arith.addi %mul3A_236, %add3A_238 : vector<16xi32>
        %broadcast_in_dim3A_240 = arith.constant 150 : i32
        %broadcast_in_dim3A_241 = vector.broadcast %broadcast_in_dim3A_240 : i32 to vector<16xi32>
        %parallel_loop3A_242 = arith.constant 0 : i32
        %parallel_loop3A_243 = arith.constant 30 : i32
        %parallel_loop3A_244 = arith.constant 1 : i32
        scf.for %parallel_loop3A_554 = %parallel_loop3A_242 to %parallel_loop3A_243 step %parallel_loop3A_244  : i32 {
          %parallel_loop3A_555 = vector.broadcast %parallel_loop3A_554 : i32 to vector<16xi32>
          %parallel_loop3A_556 = arith.addi %add3A_239, %parallel_loop3A_555 : vector<16xi32>
          %parallel_loop3A_557 = tpu.vector_load_idx %arg5[%parallel_loop3A_556] : memref<76800xf32, #tpu.memory_space<vmem>>[vector<16xi32>], vector<16xf32>,
          %parallel_loop3A_558 = vector.broadcast %parallel_loop3A_554 : i32 to vector<16xi32>
          %parallel_loop3A_559 = arith.addi %broadcast_in_dim3A_241, %parallel_loop3A_558 : vector<16xi32>
          tpu.vector_store_idx %arg8[%broadcast_in_dim3A, %add3A_138, %parallel_loop3A_559], %parallel_loop3A_557 masked %lt3A_90 : memref<2x50x300xf32, #tpu.memory_space<vmem>>[vector<16xi32>, vector<16xi32>, vector<16xi32>], vector<16xf32>, vector<16xi1>
        } {sc.loop_unroll_factor = 6 : i64, sc.parallel_access}
        %add3A_245 = arith.constant 6 : i32
        %add3A_246 = vector.broadcast %add3A_245 : i32 to vector<16xi32>
        %add3A_247 = arith.addi %mul3A_132, %add3A_246 : vector<16xi32>
        %gather3A_248 = tpu.vector_load_idx %arg7[%add3A_247] masked %lt3A_90 : memref<3200xi32, #tpu.memory_space<vmem>>[vector<16xi32>], vector<16xi32>, vector<16xi1>
        %and3A_249 = arith.constant 255 : i32
        %and3A_250 = vector.broadcast %and3A_249 : i32 to vector<16xi32>
        %and3A_251 = arith.andi %gather3A_248, %and3A_250 : vector<16xi32>
        %mul3A_252 = arith.constant 30 : i32
        %mul3A_253 = vector.broadcast %mul3A_252 : i32 to vector<16xi32>
        %mul3A_254 = arith.muli %and3A_251, %mul3A_253 : vector<16xi32>
        %add3A_255 = arith.constant 46080 : i32
        %add3A_256 = vector.broadcast %add3A_255 : i32 to vector<16xi32>
        %add3A_257 = arith.addi %mul3A_254, %add3A_256 : vector<16xi32>
        %broadcast_in_dim3A_258 = arith.constant 180 : i32
        %broadcast_in_dim3A_259 = vector.broadcast %broadcast_in_dim3A_258 : i32 to vector<16xi32>
        %parallel_loop3A_260 = arith.constant 0 : i32
        %parallel_loop3A_261 = arith.constant 30 : i32
        %parallel_loop3A_262 = arith.constant 1 : i32
        scf.for %parallel_loop3A_554 = %parallel_loop3A_260 to %parallel_loop3A_261 step %parallel_loop3A_262  : i32 {
          %parallel_loop3A_555 = vector.broadcast %parallel_loop3A_554 : i32 to vector<16xi32>
          %parallel_loop3A_556 = arith.addi %add3A_257, %parallel_loop3A_555 : vector<16xi32>
          %parallel_loop3A_557 = tpu.vector_load_idx %arg5[%parallel_loop3A_556] : memref<76800xf32, #tpu.memory_space<vmem>>[vector<16xi32>], vector<16xf32>,
          %parallel_loop3A_558 = vector.broadcast %parallel_loop3A_554 : i32 to vector<16xi32>
          %parallel_loop3A_559 = arith.addi %broadcast_in_dim3A_259, %parallel_loop3A_558 : vector<16xi32>
          tpu.vector_store_idx %arg8[%broadcast_in_dim3A, %add3A_138, %parallel_loop3A_559], %parallel_loop3A_557 masked %lt3A_90 : memref<2x50x300xf32, #tpu.memory_space<vmem>>[vector<16xi32>, vector<16xi32>, vector<16xi32>], vector<16xf32>, vector<16xi1>
        } {sc.loop_unroll_factor = 6 : i64, sc.parallel_access}
        %add3A_263 = arith.constant 7 : i32
        %add3A_264 = vector.broadcast %add3A_263 : i32 to vector<16xi32>
        %add3A_265 = arith.addi %mul3A_132, %add3A_264 : vector<16xi32>
        %gather3A_266 = tpu.vector_load_idx %arg7[%add3A_265] masked %lt3A_90 : memref<3200xi32, #tpu.memory_space<vmem>>[vector<16xi32>], vector<16xi32>, vector<16xi1>
        %and3A_267 = arith.constant 255 : i32
        %and3A_268 = vector.broadcast %and3A_267 : i32 to vector<16xi32>
        %and3A_269 = arith.andi %gather3A_266, %and3A_268 : vector<16xi32>
        %mul3A_270 = arith.constant 30 : i32
        %mul3A_271 = vector.broadcast %mul3A_270 : i32 to vector<16xi32>
        %mul3A_272 = arith.muli %and3A_269, %mul3A_271 : vector<16xi32>
        %add3A_273 = arith.constant 53760 : i32
        %add3A_274 = vector.broadcast %add3A_273 : i32 to vector<16xi32>
        %add3A_275 = arith.addi %mul3A_272, %add3A_274 : vector<16xi32>
        %broadcast_in_dim3A_276 = arith.constant 210 : i32
        %broadcast_in_dim3A_277 = vector.broadcast %broadcast_in_dim3A_276 : i32 to vector<16xi32>
        %parallel_loop3A_278 = arith.constant 0 : i32
        %parallel_loop3A_279 = arith.constant 30 : i32
        %parallel_loop3A_280 = arith.constant 1 : i32
        scf.for %parallel_loop3A_554 = %parallel_loop3A_278 to %parallel_loop3A_279 step %parallel_loop3A_280  : i32 {
          %parallel_loop3A_555 = vector.broadcast %parallel_loop3A_554 : i32 to vector<16xi32>
          %parallel_loop3A_556 = arith.addi %add3A_275, %parallel_loop3A_555 : vector<16xi32>
          %parallel_loop3A_557 = tpu.vector_load_idx %arg5[%parallel_loop3A_556] : memref<76800xf32, #tpu.memory_space<vmem>>[vector<16xi32>], vector<16xf32>,
          %parallel_loop3A_558 = vector.broadcast %parallel_loop3A_554 : i32 to vector<16xi32>
          %parallel_loop3A_559 = arith.addi %broadcast_in_dim3A_277, %parallel_loop3A_558 : vector<16xi32>
          tpu.vector_store_idx %arg8[%broadcast_in_dim3A, %add3A_138, %parallel_loop3A_559], %parallel_loop3A_557 masked %lt3A_90 : memref<2x50x300xf32, #tpu.memory_space<vmem>>[vector<16xi32>, vector<16xi32>, vector<16xi32>], vector<16xf32>, vector<16xi1>
        } {sc.loop_unroll_factor = 6 : i64, sc.parallel_access}
        %add3A_281 = arith.constant 8 : i32
        %add3A_282 = vector.broadcast %add3A_281 : i32 to vector<16xi32>
        %add3A_283 = arith.addi %mul3A_132, %add3A_282 : vector<16xi32>
        %gather3A_284 = tpu.vector_load_idx %arg7[%add3A_283] masked %lt3A_90 : memref<3200xi32, #tpu.memory_space<vmem>>[vector<16xi32>], vector<16xi32>, vector<16xi1>
        %and3A_285 = arith.constant 255 : i32
        %and3A_286 = vector.broadcast %and3A_285 : i32 to vector<16xi32>
        %and3A_287 = arith.andi %gather3A_284, %and3A_286 : vector<16xi32>
        %mul3A_288 = arith.constant 30 : i32
        %mul3A_289 = vector.broadcast %mul3A_288 : i32 to vector<16xi32>
        %mul3A_290 = arith.muli %and3A_287, %mul3A_289 : vector<16xi32>
        %add3A_291 = arith.constant 61440 : i32
        %add3A_292 = vector.broadcast %add3A_291 : i32 to vector<16xi32>
        %add3A_293 = arith.addi %mul3A_290, %add3A_292 : vector<16xi32>
        %broadcast_in_dim3A_294 = arith.constant 240 : i32
        %broadcast_in_dim3A_295 = vector.broadcast %broadcast_in_dim3A_294 : i32 to vector<16xi32>
        %parallel_loop3A_296 = arith.constant 0 : i32
        %parallel_loop3A_297 = arith.constant 30 : i32
        %parallel_loop3A_298 = arith.constant 1 : i32
        scf.for %parallel_loop3A_554 = %parallel_loop3A_296 to %parallel_loop3A_297 step %parallel_loop3A_298  : i32 {
          %parallel_loop3A_555 = vector.broadcast %parallel_loop3A_554 : i32 to vector<16xi32>
          %parallel_loop3A_556 = arith.addi %add3A_293, %parallel_loop3A_555 : vector<16xi32>
          %parallel_loop3A_557 = tpu.vector_load_idx %arg5[%parallel_loop3A_556] : memref<76800xf32, #tpu.memory_space<vmem>>[vector<16xi32>], vector<16xf32>,
          %parallel_loop3A_558 = vector.broadcast %parallel_loop3A_554 : i32 to vector<16xi32>
          %parallel_loop3A_559 = arith.addi %broadcast_in_dim3A_295, %parallel_loop3A_558 : vector<16xi32>
          tpu.vector_store_idx %arg8[%broadcast_in_dim3A, %add3A_138, %parallel_loop3A_559], %parallel_loop3A_557 masked %lt3A_90 : memref<2x50x300xf32, #tpu.memory_space<vmem>>[vector<16xi32>, vector<16xi32>, vector<16xi32>], vector<16xf32>, vector<16xi1>
        } {sc.loop_unroll_factor = 6 : i64, sc.parallel_access}
        %add3A_299 = arith.constant 9 : i32
        %add3A_300 = vector.broadcast %add3A_299 : i32 to vector<16xi32>
        %add3A_301 = arith.addi %mul3A_132, %add3A_300 : vector<16xi32>
        %gather3A_302 = tpu.vector_load_idx %arg7[%add3A_301] masked %lt3A_90 : memref<3200xi32, #tpu.memory_space<vmem>>[vector<16xi32>], vector<16xi32>, vector<16xi1>
        %and3A_303 = arith.constant 255 : i32
        %and3A_304 = vector.broadcast %and3A_303 : i32 to vector<16xi32>
        %and3A_305 = arith.andi %gather3A_302, %and3A_304 : vector<16xi32>
        %mul3A_306 = arith.constant 30 : i32
        %mul3A_307 = vector.broadcast %mul3A_306 : i32 to vector<16xi32>
        %mul3A_308 = arith.muli %and3A_305, %mul3A_307 : vector<16xi32>
        %add3A_309 = arith.constant 69120 : i32
        %add3A_310 = vector.broadcast %add3A_309 : i32 to vector<16xi32>
        %add3A_311 = arith.addi %mul3A_308, %add3A_310 : vector<16xi32>
        %broadcast_in_dim3A_312 = arith.constant 270 : i32
        %broadcast_in_dim3A_313 = vector.broadcast %broadcast_in_dim3A_312 : i32 to vector<16xi32>
        %parallel_loop3A_314 = arith.constant 0 : i32
        %parallel_loop3A_315 = arith.constant 30 : i32
        %parallel_loop3A_316 = arith.constant 1 : i32
        scf.for %parallel_loop3A_554 = %parallel_loop3A_314 to %parallel_loop3A_315 step %parallel_loop3A_316  : i32 {
          %parallel_loop3A_555 = vector.broadcast %parallel_loop3A_554 : i32 to vector<16xi32>
          %parallel_loop3A_556 = arith.addi %add3A_311, %parallel_loop3A_555 : vector<16xi32>
          %parallel_loop3A_557 = tpu.vector_load_idx %arg5[%parallel_loop3A_556] : memref<76800xf32, #tpu.memory_space<vmem>>[vector<16xi32>], vector<16xf32>,
          %parallel_loop3A_558 = vector.broadcast %parallel_loop3A_554 : i32 to vector<16xi32>
          %parallel_loop3A_559 = arith.addi %broadcast_in_dim3A_313, %parallel_loop3A_558 : vector<16xi32>
          tpu.vector_store_idx %arg8[%broadcast_in_dim3A, %add3A_138, %parallel_loop3A_559], %parallel_loop3A_557 masked %lt3A_90 : memref<2x50x300xf32, #tpu.memory_space<vmem>>[vector<16xi32>, vector<16xi32>, vector<16xi32>], vector<16xf32>, vector<16xi1>
        } {sc.loop_unroll_factor = 6 : i64, sc.parallel_access}
        %mul3A_317 = arith.constant 2 : i32
        %mul3A_318 = arith.muli %and3A_80, %mul3A_317 : i32
        %add3A_319 = arith.constant 1 : i32
        %add3A_320 = arith.addi %mul3A_318, %add3A_319 : i32
        %and3A_321 = arith.constant 3 : i32
        %and3A_322 = arith.andi %add3A_320, %and3A_321 : i32
        %eq3A_323 = arith.constant 3 : i32
        %eq3A_324 = arith.cmpi eq, %and3A_322, %eq3A_323 : i32
        %jit3A_325 = arith.constant 2 : i32
        %jit3A_326 = arith.constant 16 : i32
        %select_n3A_327 = arith.select %eq3A_324, %jit3A_325, %jit3A_326 : i32
        %lt3A_328 = vector.broadcast %select_n3A_327 : i32 to vector<16xi32>
        %lt3A_329 = arith.cmpi slt, %iota3A, %lt3A_328 : vector<16xi32>
        %mul3A_330 = arith.constant 100 : i32
        %mul3A_331 = arith.muli %shift_right_arithmetic3A_79, %mul3A_330 : i32
        %shift_right_arithmetic3A_332 = arith.constant 2 : i32
        %shift_right_arithmetic3A_333 = arith.shrsi %add3A_320, %shift_right_arithmetic3A_332 : i32
        %mul3A_334 = arith.constant 50 : i32
        %mul3A_335 = arith.muli %shift_right_arithmetic3A_333, %mul3A_334 : i32
        %add3A_336 = arith.addi %mul3A_331, %mul3A_335 : i32
        %and3A_337 = arith.constant 3 : i32
        %and3A_338 = arith.andi %add3A_320, %and3A_337 : i32
        %mul3A_339 = arith.constant 16 : i32
        %mul3A_340 = arith.muli %and3A_338, %mul3A_339 : i32
        %add3A_341 = arith.addi %add3A_336, %mul3A_340 : i32
        %shift_right_arithmetic3A_342 = arith.constant 1 : i32
        %shift_right_arithmetic3A_343 = arith.shrsi %and3A_80, %shift_right_arithmetic3A_342 : i32
        %mul3A_344 = arith.constant 4 : i32
        %mul3A_345 = arith.muli %add3A_60, %mul3A_344 : i32
        %mul3A_346 = arith.constant 2 : i32
        %mul3A_347 = arith.muli %shift_right_arithmetic3A_79, %mul3A_346 : i32
        %add3A_348 = arith.addi %mul3A_345, %mul3A_347 : i32
        %shift_right_arithmetic3A_349 = arith.constant 2 : i32
        %shift_right_arithmetic3A_350 = arith.shrsi %add3A_320, %shift_right_arithmetic3A_349 : i32
        %add3A_351 = arith.addi %add3A_348, %shift_right_arithmetic3A_350 : i32
        %add3A_352 = vector.broadcast %add3A_341 : i32 to vector<16xi32>
        %add3A_353 = arith.addi %add3A_352, %iota3A : vector<16xi32>
        %mul3A_354 = arith.constant 16 : i32
        %mul3A_355 = vector.broadcast %mul3A_354 : i32 to vector<16xi32>
        %mul3A_356 = arith.muli %add3A_353, %mul3A_355 : vector<16xi32>
        %and3A_357 = arith.constant 3 : i32
        %and3A_358 = arith.andi %add3A_320, %and3A_357 : i32
        %mul3A_359 = arith.constant 16 : i32
        %mul3A_360 = arith.muli %and3A_358, %mul3A_359 : i32
        %add3A_361 = vector.broadcast %mul3A_360 : i32 to vector<16xi32>
        %add3A_362 = arith.addi %add3A_361, %iota3A : vector<16xi32>
        %broadcast_in_dim3A_363 = vector.broadcast %shift_right_arithmetic3A_343 : i32 to vector<16xi32>
        %add3A_364 = arith.constant 0 : i32
        %add3A_365 = vector.broadcast %add3A_364 : i32 to vector<16xi32>
        %add3A_366 = arith.addi %mul3A_356, %add3A_365 : vector<16xi32>
        %gather3A_367 = tpu.vector_load_idx %arg7[%add3A_366] masked %lt3A_329 : memref<3200xi32, #tpu.memory_space<vmem>>[vector<16xi32>], vector<16xi32>, vector<16xi1>
        %and3A_368 = arith.constant 255 : i32
        %and3A_369 = vector.broadcast %and3A_368 : i32 to vector<16xi32>
        %and3A_370 = arith.andi %gather3A_367, %and3A_369 : vector<16xi32>
        %mul3A_371 = arith.constant 30 : i32
        %mul3A_372 = vector.broadcast %mul3A_371 : i32 to vector<16xi32>
        %mul3A_373 = arith.muli %and3A_370, %mul3A_372 : vector<16xi32>
        %add3A_374 = arith.constant 0 : i32
        %add3A_375 = vector.broadcast %add3A_374 : i32 to vector<16xi32>
        %add3A_376 = arith.addi %mul3A_373, %add3A_375 : vector<16xi32>
        %broadcast_in_dim3A_377 = arith.constant 0 : i32
        %broadcast_in_dim3A_378 = vector.broadcast %broadcast_in_dim3A_377 : i32 to vector<16xi32>
        %parallel_loop3A_379 = arith.constant 0 : i32
        %parallel_loop3A_380 = arith.constant 30 : i32
        %parallel_loop3A_381 = arith.constant 1 : i32
        scf.for %parallel_loop3A_554 = %parallel_loop3A_379 to %parallel_loop3A_380 step %parallel_loop3A_381  : i32 {
          %parallel_loop3A_555 = vector.broadcast %parallel_loop3A_554 : i32 to vector<16xi32>
          %parallel_loop3A_556 = arith.addi %add3A_376, %parallel_loop3A_555 : vector<16xi32>
          %parallel_loop3A_557 = tpu.vector_load_idx %arg5[%parallel_loop3A_556] : memref<76800xf32, #tpu.memory_space<vmem>>[vector<16xi32>], vector<16xf32>,
          %parallel_loop3A_558 = vector.broadcast %parallel_loop3A_554 : i32 to vector<16xi32>
          %parallel_loop3A_559 = arith.addi %broadcast_in_dim3A_378, %parallel_loop3A_558 : vector<16xi32>
          tpu.vector_store_idx %arg8[%broadcast_in_dim3A_363, %add3A_362, %parallel_loop3A_559], %parallel_loop3A_557 masked %lt3A_329 : memref<2x50x300xf32, #tpu.memory_space<vmem>>[vector<16xi32>, vector<16xi32>, vector<16xi32>], vector<16xf32>, vector<16xi1>
        } {sc.loop_unroll_factor = 6 : i64, sc.parallel_access}
        %add3A_382 = arith.constant 1 : i32
        %add3A_383 = vector.broadcast %add3A_382 : i32 to vector<16xi32>
        %add3A_384 = arith.addi %mul3A_356, %add3A_383 : vector<16xi32>
        %gather3A_385 = tpu.vector_load_idx %arg7[%add3A_384] masked %lt3A_329 : memref<3200xi32, #tpu.memory_space<vmem>>[vector<16xi32>], vector<16xi32>, vector<16xi1>
        %and3A_386 = arith.constant 255 : i32
        %and3A_387 = vector.broadcast %and3A_386 : i32 to vector<16xi32>
        %and3A_388 = arith.andi %gather3A_385, %and3A_387 : vector<16xi32>
        %mul3A_389 = arith.constant 30 : i32
        %mul3A_390 = vector.broadcast %mul3A_389 : i32 to vector<16xi32>
        %mul3A_391 = arith.muli %and3A_388, %mul3A_390 : vector<16xi32>
        %add3A_392 = arith.constant 7680 : i32
        %add3A_393 = vector.broadcast %add3A_392 : i32 to vector<16xi32>
        %add3A_394 = arith.addi %mul3A_391, %add3A_393 : vector<16xi32>
        %broadcast_in_dim3A_395 = arith.constant 30 : i32
        %broadcast_in_dim3A_396 = vector.broadcast %broadcast_in_dim3A_395 : i32 to vector<16xi32>
        %parallel_loop3A_397 = arith.constant 0 : i32
        %parallel_loop3A_398 = arith.constant 30 : i32
        %parallel_loop3A_399 = arith.constant 1 : i32
        scf.for %parallel_loop3A_554 = %parallel_loop3A_397 to %parallel_loop3A_398 step %parallel_loop3A_399  : i32 {
          %parallel_loop3A_555 = vector.broadcast %parallel_loop3A_554 : i32 to vector<16xi32>
          %parallel_loop3A_556 = arith.addi %add3A_394, %parallel_loop3A_555 : vector<16xi32>
          %parallel_loop3A_557 = tpu.vector_load_idx %arg5[%parallel_loop3A_556] : memref<76800xf32, #tpu.memory_space<vmem>>[vector<16xi32>], vector<16xf32>,
          %parallel_loop3A_558 = vector.broadcast %parallel_loop3A_554 : i32 to vector<16xi32>
          %parallel_loop3A_559 = arith.addi %broadcast_in_dim3A_396, %parallel_loop3A_558 : vector<16xi32>
          tpu.vector_store_idx %arg8[%broadcast_in_dim3A_363, %add3A_362, %parallel_loop3A_559], %parallel_loop3A_557 masked %lt3A_329 : memref<2x50x300xf32, #tpu.memory_space<vmem>>[vector<16xi32>, vector<16xi32>, vector<16xi32>], vector<16xf32>, vector<16xi1>
        } {sc.loop_unroll_factor = 6 : i64, sc.parallel_access}
        %add3A_400 = arith.constant 2 : i32
        %add3A_401 = vector.broadcast %add3A_400 : i32 to vector<16xi32>
        %add3A_402 = arith.addi %mul3A_356, %add3A_401 : vector<16xi32>
        %gather3A_403 = tpu.vector_load_idx %arg7[%add3A_402] masked %lt3A_329 : memref<3200xi32, #tpu.memory_space<vmem>>[vector<16xi32>], vector<16xi32>, vector<16xi1>
        %and3A_404 = arith.constant 255 : i32
        %and3A_405 = vector.broadcast %and3A_404 : i32 to vector<16xi32>
        %and3A_406 = arith.andi %gather3A_403, %and3A_405 : vector<16xi32>
        %mul3A_407 = arith.constant 30 : i32
        %mul3A_408 = vector.broadcast %mul3A_407 : i32 to vector<16xi32>
        %mul3A_409 = arith.muli %and3A_406, %mul3A_408 : vector<16xi32>
        %add3A_410 = arith.constant 15360 : i32
        %add3A_411 = vector.broadcast %add3A_410 : i32 to vector<16xi32>
        %add3A_412 = arith.addi %mul3A_409, %add3A_411 : vector<16xi32>
        %broadcast_in_dim3A_413 = arith.constant 60 : i32
        %broadcast_in_dim3A_414 = vector.broadcast %broadcast_in_dim3A_413 : i32 to vector<16xi32>
        %parallel_loop3A_415 = arith.constant 0 : i32
        %parallel_loop3A_416 = arith.constant 30 : i32
        %parallel_loop3A_417 = arith.constant 1 : i32
        scf.for %parallel_loop3A_554 = %parallel_loop3A_415 to %parallel_loop3A_416 step %parallel_loop3A_417  : i32 {
          %parallel_loop3A_555 = vector.broadcast %parallel_loop3A_554 : i32 to vector<16xi32>
          %parallel_loop3A_556 = arith.addi %add3A_412, %parallel_loop3A_555 : vector<16xi32>
          %parallel_loop3A_557 = tpu.vector_load_idx %arg5[%parallel_loop3A_556] : memref<76800xf32, #tpu.memory_space<vmem>>[vector<16xi32>], vector<16xf32>,
          %parallel_loop3A_558 = vector.broadcast %parallel_loop3A_554 : i32 to vector<16xi32>
          %parallel_loop3A_559 = arith.addi %broadcast_in_dim3A_414, %parallel_loop3A_558 : vector<16xi32>
          tpu.vector_store_idx %arg8[%broadcast_in_dim3A_363, %add3A_362, %parallel_loop3A_559], %parallel_loop3A_557 masked %lt3A_329 : memref<2x50x300xf32, #tpu.memory_space<vmem>>[vector<16xi32>, vector<16xi32>, vector<16xi32>], vector<16xf32>, vector<16xi1>
        } {sc.loop_unroll_factor = 6 : i64, sc.parallel_access}
        %add3A_418 = arith.constant 3 : i32
        %add3A_419 = vector.broadcast %add3A_418 : i32 to vector<16xi32>
        %add3A_420 = arith.addi %mul3A_356, %add3A_419 : vector<16xi32>
        %gather3A_421 = tpu.vector_load_idx %arg7[%add3A_420] masked %lt3A_329 : memref<3200xi32, #tpu.memory_space<vmem>>[vector<16xi32>], vector<16xi32>, vector<16xi1>
        %and3A_422 = arith.constant 255 : i32
        %and3A_423 = vector.broadcast %and3A_422 : i32 to vector<16xi32>
        %and3A_424 = arith.andi %gather3A_421, %and3A_423 : vector<16xi32>
        %mul3A_425 = arith.constant 30 : i32
        %mul3A_426 = vector.broadcast %mul3A_425 : i32 to vector<16xi32>
        %mul3A_427 = arith.muli %and3A_424, %mul3A_426 : vector<16xi32>
        %add3A_428 = arith.constant 23040 : i32
        %add3A_429 = vector.broadcast %add3A_428 : i32 to vector<16xi32>
        %add3A_430 = arith.addi %mul3A_427, %add3A_429 : vector<16xi32>
        %broadcast_in_dim3A_431 = arith.constant 90 : i32
        %broadcast_in_dim3A_432 = vector.broadcast %broadcast_in_dim3A_431 : i32 to vector<16xi32>
        %parallel_loop3A_433 = arith.constant 0 : i32
        %parallel_loop3A_434 = arith.constant 30 : i32
        %parallel_loop3A_435 = arith.constant 1 : i32
        scf.for %parallel_loop3A_554 = %parallel_loop3A_433 to %parallel_loop3A_434 step %parallel_loop3A_435  : i32 {
          %parallel_loop3A_555 = vector.broadcast %parallel_loop3A_554 : i32 to vector<16xi32>
          %parallel_loop3A_556 = arith.addi %add3A_430, %parallel_loop3A_555 : vector<16xi32>
          %parallel_loop3A_557 = tpu.vector_load_idx %arg5[%parallel_loop3A_556] : memref<76800xf32, #tpu.memory_space<vmem>>[vector<16xi32>], vector<16xf32>,
          %parallel_loop3A_558 = vector.broadcast %parallel_loop3A_554 : i32 to vector<16xi32>
          %parallel_loop3A_559 = arith.addi %broadcast_in_dim3A_432, %parallel_loop3A_558 : vector<16xi32>
          tpu.vector_store_idx %arg8[%broadcast_in_dim3A_363, %add3A_362, %parallel_loop3A_559], %parallel_loop3A_557 masked %lt3A_329 : memref<2x50x300xf32, #tpu.memory_space<vmem>>[vector<16xi32>, vector<16xi32>, vector<16xi32>], vector<16xf32>, vector<16xi1>
        } {sc.loop_unroll_factor = 6 : i64, sc.parallel_access}
        %add3A_436 = arith.constant 4 : i32
        %add3A_437 = vector.broadcast %add3A_436 : i32 to vector<16xi32>
        %add3A_438 = arith.addi %mul3A_356, %add3A_437 : vector<16xi32>
        %gather3A_439 = tpu.vector_load_idx %arg7[%add3A_438] masked %lt3A_329 : memref<3200xi32, #tpu.memory_space<vmem>>[vector<16xi32>], vector<16xi32>, vector<16xi1>
        %and3A_440 = arith.constant 255 : i32
        %and3A_441 = vector.broadcast %and3A_440 : i32 to vector<16xi32>
        %and3A_442 = arith.andi %gather3A_439, %and3A_441 : vector<16xi32>
        %mul3A_443 = arith.constant 30 : i32
        %mul3A_444 = vector.broadcast %mul3A_443 : i32 to vector<16xi32>
        %mul3A_445 = arith.muli %and3A_442, %mul3A_444 : vector<16xi32>
        %add3A_446 = arith.constant 30720 : i32
        %add3A_447 = vector.broadcast %add3A_446 : i32 to vector<16xi32>
        %add3A_448 = arith.addi %mul3A_445, %add3A_447 : vector<16xi32>
        %broadcast_in_dim3A_449 = arith.constant 120 : i32
        %broadcast_in_dim3A_450 = vector.broadcast %broadcast_in_dim3A_449 : i32 to vector<16xi32>
        %parallel_loop3A_451 = arith.constant 0 : i32
        %parallel_loop3A_452 = arith.constant 30 : i32
        %parallel_loop3A_453 = arith.constant 1 : i32
        scf.for %parallel_loop3A_554 = %parallel_loop3A_451 to %parallel_loop3A_452 step %parallel_loop3A_453  : i32 {
          %parallel_loop3A_555 = vector.broadcast %parallel_loop3A_554 : i32 to vector<16xi32>
          %parallel_loop3A_556 = arith.addi %add3A_448, %parallel_loop3A_555 : vector<16xi32>
          %parallel_loop3A_557 = tpu.vector_load_idx %arg5[%parallel_loop3A_556] : memref<76800xf32, #tpu.memory_space<vmem>>[vector<16xi32>], vector<16xf32>,
          %parallel_loop3A_558 = vector.broadcast %parallel_loop3A_554 : i32 to vector<16xi32>
          %parallel_loop3A_559 = arith.addi %broadcast_in_dim3A_450, %parallel_loop3A_558 : vector<16xi32>
          tpu.vector_store_idx %arg8[%broadcast_in_dim3A_363, %add3A_362, %parallel_loop3A_559], %parallel_loop3A_557 masked %lt3A_329 : memref<2x50x300xf32, #tpu.memory_space<vmem>>[vector<16xi32>, vector<16xi32>, vector<16xi32>], vector<16xf32>, vector<16xi1>
        } {sc.loop_unroll_factor = 6 : i64, sc.parallel_access}
        %add3A_454 = arith.constant 5 : i32
        %add3A_455 = vector.broadcast %add3A_454 : i32 to vector<16xi32>
        %add3A_456 = arith.addi %mul3A_356, %add3A_455 : vector<16xi32>
        %gather3A_457 = tpu.vector_load_idx %arg7[%add3A_456] masked %lt3A_329 : memref<3200xi32, #tpu.memory_space<vmem>>[vector<16xi32>], vector<16xi32>, vector<16xi1>
        %and3A_458 = arith.constant 255 : i32
        %and3A_459 = vector.broadcast %and3A_458 : i32 to vector<16xi32>
        %and3A_460 = arith.andi %gather3A_457, %and3A_459 : vector<16xi32>
        %mul3A_461 = arith.constant 30 : i32
        %mul3A_462 = vector.broadcast %mul3A_461 : i32 to vector<16xi32>
        %mul3A_463 = arith.muli %and3A_460, %mul3A_462 : vector<16xi32>
        %add3A_464 = arith.constant 38400 : i32
        %add3A_465 = vector.broadcast %add3A_464 : i32 to vector<16xi32>
        %add3A_466 = arith.addi %mul3A_463, %add3A_465 : vector<16xi32>
        %broadcast_in_dim3A_467 = arith.constant 150 : i32
        %broadcast_in_dim3A_468 = vector.broadcast %broadcast_in_dim3A_467 : i32 to vector<16xi32>
        %parallel_loop3A_469 = arith.constant 0 : i32
        %parallel_loop3A_470 = arith.constant 30 : i32
        %parallel_loop3A_471 = arith.constant 1 : i32
        scf.for %parallel_loop3A_554 = %parallel_loop3A_469 to %parallel_loop3A_470 step %parallel_loop3A_471  : i32 {
          %parallel_loop3A_555 = vector.broadcast %parallel_loop3A_554 : i32 to vector<16xi32>
          %parallel_loop3A_556 = arith.addi %add3A_466, %parallel_loop3A_555 : vector<16xi32>
          %parallel_loop3A_557 = tpu.vector_load_idx %arg5[%parallel_loop3A_556] : memref<76800xf32, #tpu.memory_space<vmem>>[vector<16xi32>], vector<16xf32>,
          %parallel_loop3A_558 = vector.broadcast %parallel_loop3A_554 : i32 to vector<16xi32>
          %parallel_loop3A_559 = arith.addi %broadcast_in_dim3A_468, %parallel_loop3A_558 : vector<16xi32>
          tpu.vector_store_idx %arg8[%broadcast_in_dim3A_363, %add3A_362, %parallel_loop3A_559], %parallel_loop3A_557 masked %lt3A_329 : memref<2x50x300xf32, #tpu.memory_space<vmem>>[vector<16xi32>, vector<16xi32>, vector<16xi32>], vector<16xf32>, vector<16xi1>
        } {sc.loop_unroll_factor = 6 : i64, sc.parallel_access}
        %add3A_472 = arith.constant 6 : i32
        %add3A_473 = vector.broadcast %add3A_472 : i32 to vector<16xi32>
        %add3A_474 = arith.addi %mul3A_356, %add3A_473 : vector<16xi32>
        %gather3A_475 = tpu.vector_load_idx %arg7[%add3A_474] masked %lt3A_329 : memref<3200xi32, #tpu.memory_space<vmem>>[vector<16xi32>], vector<16xi32>, vector<16xi1>
        %and3A_476 = arith.constant 255 : i32
        %and3A_477 = vector.broadcast %and3A_476 : i32 to vector<16xi32>
        %and3A_478 = arith.andi %gather3A_475, %and3A_477 : vector<16xi32>
        %mul3A_479 = arith.constant 30 : i32
        %mul3A_480 = vector.broadcast %mul3A_479 : i32 to vector<16xi32>
        %mul3A_481 = arith.muli %and3A_478, %mul3A_480 : vector<16xi32>
        %add3A_482 = arith.constant 46080 : i32
        %add3A_483 = vector.broadcast %add3A_482 : i32 to vector<16xi32>
        %add3A_484 = arith.addi %mul3A_481, %add3A_483 : vector<16xi32>
        %broadcast_in_dim3A_485 = arith.constant 180 : i32
        %broadcast_in_dim3A_486 = vector.broadcast %broadcast_in_dim3A_485 : i32 to vector<16xi32>
        %parallel_loop3A_487 = arith.constant 0 : i32
        %parallel_loop3A_488 = arith.constant 30 : i32
        %parallel_loop3A_489 = arith.constant 1 : i32
        scf.for %parallel_loop3A_554 = %parallel_loop3A_487 to %parallel_loop3A_488 step %parallel_loop3A_489  : i32 {
          %parallel_loop3A_555 = vector.broadcast %parallel_loop3A_554 : i32 to vector<16xi32>
          %parallel_loop3A_556 = arith.addi %add3A_484, %parallel_loop3A_555 : vector<16xi32>
          %parallel_loop3A_557 = tpu.vector_load_idx %arg5[%parallel_loop3A_556] : memref<76800xf32, #tpu.memory_space<vmem>>[vector<16xi32>], vector<16xf32>,
          %parallel_loop3A_558 = vector.broadcast %parallel_loop3A_554 : i32 to vector<16xi32>
          %parallel_loop3A_559 = arith.addi %broadcast_in_dim3A_486, %parallel_loop3A_558 : vector<16xi32>
          tpu.vector_store_idx %arg8[%broadcast_in_dim3A_363, %add3A_362, %parallel_loop3A_559], %parallel_loop3A_557 masked %lt3A_329 : memref<2x50x300xf32, #tpu.memory_space<vmem>>[vector<16xi32>, vector<16xi32>, vector<16xi32>], vector<16xf32>, vector<16xi1>
        } {sc.loop_unroll_factor = 6 : i64, sc.parallel_access}
        %add3A_490 = arith.constant 7 : i32
        %add3A_491 = vector.broadcast %add3A_490 : i32 to vector<16xi32>
        %add3A_492 = arith.addi %mul3A_356, %add3A_491 : vector<16xi32>
        %gather3A_493 = tpu.vector_load_idx %arg7[%add3A_492] masked %lt3A_329 : memref<3200xi32, #tpu.memory_space<vmem>>[vector<16xi32>], vector<16xi32>, vector<16xi1>
        %and3A_494 = arith.constant 255 : i32
        %and3A_495 = vector.broadcast %and3A_494 : i32 to vector<16xi32>
        %and3A_496 = arith.andi %gather3A_493, %and3A_495 : vector<16xi32>
        %mul3A_497 = arith.constant 30 : i32
        %mul3A_498 = vector.broadcast %mul3A_497 : i32 to vector<16xi32>
        %mul3A_499 = arith.muli %and3A_496, %mul3A_498 : vector<16xi32>
        %add3A_500 = arith.constant 53760 : i32
        %add3A_501 = vector.broadcast %add3A_500 : i32 to vector<16xi32>
        %add3A_502 = arith.addi %mul3A_499, %add3A_501 : vector<16xi32>
        %broadcast_in_dim3A_503 = arith.constant 210 : i32
        %broadcast_in_dim3A_504 = vector.broadcast %broadcast_in_dim3A_503 : i32 to vector<16xi32>
        %parallel_loop3A_505 = arith.constant 0 : i32
        %parallel_loop3A_506 = arith.constant 30 : i32
        %parallel_loop3A_507 = arith.constant 1 : i32
        scf.for %parallel_loop3A_554 = %parallel_loop3A_505 to %parallel_loop3A_506 step %parallel_loop3A_507  : i32 {
          %parallel_loop3A_555 = vector.broadcast %parallel_loop3A_554 : i32 to vector<16xi32>
          %parallel_loop3A_556 = arith.addi %add3A_502, %parallel_loop3A_555 : vector<16xi32>
          %parallel_loop3A_557 = tpu.vector_load_idx %arg5[%parallel_loop3A_556] : memref<76800xf32, #tpu.memory_space<vmem>>[vector<16xi32>], vector<16xf32>,
          %parallel_loop3A_558 = vector.broadcast %parallel_loop3A_554 : i32 to vector<16xi32>
          %parallel_loop3A_559 = arith.addi %broadcast_in_dim3A_504, %parallel_loop3A_558 : vector<16xi32>
          tpu.vector_store_idx %arg8[%broadcast_in_dim3A_363, %add3A_362, %parallel_loop3A_559], %parallel_loop3A_557 masked %lt3A_329 : memref<2x50x300xf32, #tpu.memory_space<vmem>>[vector<16xi32>, vector<16xi32>, vector<16xi32>], vector<16xf32>, vector<16xi1>
        } {sc.loop_unroll_factor = 6 : i64, sc.parallel_access}
        %add3A_508 = arith.constant 8 : i32
        %add3A_509 = vector.broadcast %add3A_508 : i32 to vector<16xi32>
        %add3A_510 = arith.addi %mul3A_356, %add3A_509 : vector<16xi32>
        %gather3A_511 = tpu.vector_load_idx %arg7[%add3A_510] masked %lt3A_329 : memref<3200xi32, #tpu.memory_space<vmem>>[vector<16xi32>], vector<16xi32>, vector<16xi1>
        %and3A_512 = arith.constant 255 : i32
        %and3A_513 = vector.broadcast %and3A_512 : i32 to vector<16xi32>
        %and3A_514 = arith.andi %gather3A_511, %and3A_513 : vector<16xi32>
        %mul3A_515 = arith.constant 30 : i32
        %mul3A_516 = vector.broadcast %mul3A_515 : i32 to vector<16xi32>
        %mul3A_517 = arith.muli %and3A_514, %mul3A_516 : vector<16xi32>
        %add3A_518 = arith.constant 61440 : i32
        %add3A_519 = vector.broadcast %add3A_518 : i32 to vector<16xi32>
        %add3A_520 = arith.addi %mul3A_517, %add3A_519 : vector<16xi32>
        %broadcast_in_dim3A_521 = arith.constant 240 : i32
        %broadcast_in_dim3A_522 = vector.broadcast %broadcast_in_dim3A_521 : i32 to vector<16xi32>
        %parallel_loop3A_523 = arith.constant 0 : i32
        %parallel_loop3A_524 = arith.constant 30 : i32
        %parallel_loop3A_525 = arith.constant 1 : i32
        scf.for %parallel_loop3A_554 = %parallel_loop3A_523 to %parallel_loop3A_524 step %parallel_loop3A_525  : i32 {
          %parallel_loop3A_555 = vector.broadcast %parallel_loop3A_554 : i32 to vector<16xi32>
          %parallel_loop3A_556 = arith.addi %add3A_520, %parallel_loop3A_555 : vector<16xi32>
          %parallel_loop3A_557 = tpu.vector_load_idx %arg5[%parallel_loop3A_556] : memref<76800xf32, #tpu.memory_space<vmem>>[vector<16xi32>], vector<16xf32>,
          %parallel_loop3A_558 = vector.broadcast %parallel_loop3A_554 : i32 to vector<16xi32>
          %parallel_loop3A_559 = arith.addi %broadcast_in_dim3A_522, %parallel_loop3A_558 : vector<16xi32>
          tpu.vector_store_idx %arg8[%broadcast_in_dim3A_363, %add3A_362, %parallel_loop3A_559], %parallel_loop3A_557 masked %lt3A_329 : memref<2x50x300xf32, #tpu.memory_space<vmem>>[vector<16xi32>, vector<16xi32>, vector<16xi32>], vector<16xf32>, vector<16xi1>
        } {sc.loop_unroll_factor = 6 : i64, sc.parallel_access}
        %add3A_526 = arith.constant 9 : i32
        %add3A_527 = vector.broadcast %add3A_526 : i32 to vector<16xi32>
        %add3A_528 = arith.addi %mul3A_356, %add3A_527 : vector<16xi32>
        %gather3A_529 = tpu.vector_load_idx %arg7[%add3A_528] masked %lt3A_329 : memref<3200xi32, #tpu.memory_space<vmem>>[vector<16xi32>], vector<16xi32>, vector<16xi1>
        %and3A_530 = arith.constant 255 : i32
        %and3A_531 = vector.broadcast %and3A_530 : i32 to vector<16xi32>
        %and3A_532 = arith.andi %gather3A_529, %and3A_531 : vector<16xi32>
        %mul3A_533 = arith.constant 30 : i32
        %mul3A_534 = vector.broadcast %mul3A_533 : i32 to vector<16xi32>
        %mul3A_535 = arith.muli %and3A_532, %mul3A_534 : vector<16xi32>
        %add3A_536 = arith.constant 69120 : i32
        %add3A_537 = vector.broadcast %add3A_536 : i32 to vector<16xi32>
        %add3A_538 = arith.addi %mul3A_535, %add3A_537 : vector<16xi32>
        %broadcast_in_dim3A_539 = arith.constant 270 : i32
        %broadcast_in_dim3A_540 = vector.broadcast %broadcast_in_dim3A_539 : i32 to vector<16xi32>
        %parallel_loop3A_541 = arith.constant 0 : i32
        %parallel_loop3A_542 = arith.constant 30 : i32
        %parallel_loop3A_543 = arith.constant 1 : i32
        scf.for %parallel_loop3A_554 = %parallel_loop3A_541 to %parallel_loop3A_542 step %parallel_loop3A_543  : i32 {
          %parallel_loop3A_555 = vector.broadcast %parallel_loop3A_554 : i32 to vector<16xi32>
          %parallel_loop3A_556 = arith.addi %add3A_538, %parallel_loop3A_555 : vector<16xi32>
          %parallel_loop3A_557 = tpu.vector_load_idx %arg5[%parallel_loop3A_556] : memref<76800xf32, #tpu.memory_space<vmem>>[vector<16xi32>], vector<16xf32>,
          %parallel_loop3A_558 = vector.broadcast %parallel_loop3A_554 : i32 to vector<16xi32>
          %parallel_loop3A_559 = arith.addi %broadcast_in_dim3A_540, %parallel_loop3A_558 : vector<16xi32>
          tpu.vector_store_idx %arg8[%broadcast_in_dim3A_363, %add3A_362, %parallel_loop3A_559], %parallel_loop3A_557 masked %lt3A_329 : memref<2x50x300xf32, #tpu.memory_space<vmem>>[vector<16xi32>, vector<16xi32>, vector<16xi32>], vector<16xf32>, vector<16xi1>
        } {sc.loop_unroll_factor = 6 : i64, sc.parallel_access}
        %eq3A_544 = arith.constant 1 : i32
        %eq3A_545 = arith.cmpi eq, %and3A_80, %eq3A_544 : i32
        %convert_element_type3A_546 = arith.extui %eq3A_545 : i1 to i32
        %cond3A_547 = arith.constant 0 : i32
        %cond3A_548 = arith.cmpi ne, %convert_element_type3A_546, %cond3A_547 : i32
        scf.if %cond3A_548 {
          %add3A_554 = arith.addi %mul3A_4, %add3A_351 : i32
          %dma_start3A_555 = arith.constant 0 : i32
          %dma_start3A_556 = arith.constant 0 : i32
          %dma_start3A_557 = arith.constant 0 : i32
          %dma_start3A_558 = tpu.memref_slice %arg8[%dma_start3A_555, %dma_start3A_556, %dma_start3A_557] : memref<2x50x300xf32, #tpu.memory_space<vmem>> -> memref<1x50x300xf32, #tpu.memory_space<vmem>>
          %dma_start3A_559 = arith.constant 0 : i32
          %dma_start3A_560 = arith.constant 0 : i32
          %dma_start3A_561 = tpu.memref_slice %arg4[%add3A_554, %dma_start3A_559, %dma_start3A_560] : memref<4096x50x300xf32, #tpu.memory_space<hbm>> -> memref<1x50x300xf32, #tpu.memory_space<hbm>>
          %dma_start3A_562 = arith.constant 0 : i32
          %dma_start3A_563 = arith.constant 0 : i32
          %dma_start3A_564 = tpu.memref_slice %arg4[%add3A_554, %dma_start3A_562, %dma_start3A_563] : memref<4096x50x300xf32, #tpu.memory_space<hbm>> -> memref<1x50x300xf32, #tpu.memory_space<hbm>>
          %dma_start3A_565 = arith.constant 0 : i32
          %dma_start3A_566 = arith.constant 0 : i32
          %dma_start3A_567 = arith.constant 0 : i32
          %dma_start3A_568 = tpu.memref_slice %arg8[%dma_start3A_565, %dma_start3A_566, %dma_start3A_567] : memref<2x50x300xf32, #tpu.memory_space<vmem>> -> memref<1x50x300xf32, #tpu.memory_space<vmem>>
          tpu.enqueue_dma source(%dma_start3A_568 : memref<1x50x300xf32, #tpu.memory_space<vmem>>) target(%dma_start3A_564 : memref<1x50x300xf32, #tpu.memory_space<hbm>>) target_semaphore(%arg11 : memref<!tpu.dma_semaphore, #tpu.memory_space<semaphore_mem>>)
        } else {
        }
        %eq3A_549 = arith.constant 3 : i32
        %eq3A_550 = arith.cmpi eq, %and3A_80, %eq3A_549 : i32
        %convert_element_type3A_551 = arith.extui %eq3A_550 : i1 to i32
        %cond3A_552 = arith.constant 0 : i32
        %cond3A_553 = arith.cmpi ne, %convert_element_type3A_551, %cond3A_552 : i32
        scf.if %cond3A_553 {
          %add3A_554 = arith.addi %mul3A_4, %add3A_351 : i32
          %dma_start3A_555 = arith.constant 1 : i32
          %dma_start3A_556 = arith.constant 0 : i32
          %dma_start3A_557 = arith.constant 0 : i32
          %dma_start3A_558 = tpu.memref_slice %arg8[%dma_start3A_555, %dma_start3A_556, %dma_start3A_557] : memref<2x50x300xf32, #tpu.memory_space<vmem>> -> memref<1x50x300xf32, #tpu.memory_space<vmem>>
          %dma_start3A_559 = arith.constant 0 : i32
          %dma_start3A_560 = arith.constant 0 : i32
          %dma_start3A_561 = tpu.memref_slice %arg4[%add3A_554, %dma_start3A_559, %dma_start3A_560] : memref<4096x50x300xf32, #tpu.memory_space<hbm>> -> memref<1x50x300xf32, #tpu.memory_space<hbm>>
          %dma_start3A_562 = arith.constant 0 : i32
          %dma_start3A_563 = arith.constant 0 : i32
          %dma_start3A_564 = tpu.memref_slice %arg4[%add3A_554, %dma_start3A_562, %dma_start3A_563] : memref<4096x50x300xf32, #tpu.memory_space<hbm>> -> memref<1x50x300xf32, #tpu.memory_space<hbm>>
          %dma_start3A_565 = arith.constant 1 : i32
          %dma_start3A_566 = arith.constant 0 : i32
          %dma_start3A_567 = arith.constant 0 : i32
          %dma_start3A_568 = tpu.memref_slice %arg8[%dma_start3A_565, %dma_start3A_566, %dma_start3A_567] : memref<2x50x300xf32, #tpu.memory_space<vmem>> -> memref<1x50x300xf32, #tpu.memory_space<vmem>>
          tpu.enqueue_dma source(%dma_start3A_568 : memref<1x50x300xf32, #tpu.memory_space<vmem>>) target(%dma_start3A_564 : memref<1x50x300xf32, #tpu.memory_space<hbm>>) target_semaphore(%arg12 : memref<!tpu.dma_semaphore, #tpu.memory_space<semaphore_mem>>)
        } else {
        }
      }
      %scan3A_77 = arith.constant 8 : i32
    }
    %scan3A_12 = arith.constant 16 : i32
    %dma_wait3A = arith.constant 0 : i32
    %dma_wait3A_13 = arith.constant 0 : i32
    %dma_wait3A_14 = arith.constant 0 : i32
    %dma_wait3A_15 = tpu.memref_slice %arg8[%dma_wait3A, %dma_wait3A_13, %dma_wait3A_14] : memref<2x50x300xf32, #tpu.memory_space<vmem>> -> memref<1x50x300xf32, #tpu.memory_space<vmem>>
    %dma_wait3A_16 = arith.constant 0 : i32
    %dma_wait3A_17 = arith.constant 0 : i32
    %dma_wait3A_18 = tpu.memref_slice %arg4[%mul3A_4, %dma_wait3A_16, %dma_wait3A_17] : memref<4096x50x300xf32, #tpu.memory_space<hbm>> -> memref<1x50x300xf32, #tpu.memory_space<hbm>>
    %dma_wait3A_19 = arith.constant 0 : i32
    %dma_wait3A_20 = arith.constant 0 : i32
    %dma_wait3A_21 = tpu.memref_slice %arg4[%mul3A_4, %dma_wait3A_19, %dma_wait3A_20] : memref<4096x50x300xf32, #tpu.memory_space<hbm>> -> memref<1x50x300xf32, #tpu.memory_space<hbm>>
    %dma_wait3A_22 = arith.constant 0 : i32
    %dma_wait3A_23 = arith.constant 0 : i32
    %dma_wait3A_24 = arith.constant 0 : i32
    %dma_wait3A_25 = tpu.memref_slice %arg8[%dma_wait3A_22, %dma_wait3A_23, %dma_wait3A_24] : memref<2x50x300xf32, #tpu.memory_space<vmem>> -> memref<1x50x300xf32, #tpu.memory_space<vmem>>
    tpu.wait_dma2 semaphore(%arg11 : memref<!tpu.dma_semaphore, #tpu.memory_space<semaphore_mem>>) src(%dma_wait3A_25 : memref<1x50x300xf32, #tpu.memory_space<vmem>>) dst(%dma_wait3A_21 : memref<1x50x300xf32, #tpu.memory_space<hbm>>)
    %dma_wait3A_26 = arith.constant 1 : i32
    %dma_wait3A_27 = arith.constant 0 : i32
    %dma_wait3A_28 = arith.constant 0 : i32
    %dma_wait3A_29 = tpu.memref_slice %arg8[%dma_wait3A_26, %dma_wait3A_27, %dma_wait3A_28] : memref<2x50x300xf32, #tpu.memory_space<vmem>> -> memref<1x50x300xf32, #tpu.memory_space<vmem>>
    %dma_wait3A_30 = arith.constant 0 : i32
    %dma_wait3A_31 = arith.constant 0 : i32
    %dma_wait3A_32 = tpu.memref_slice %arg4[%mul3A_4, %dma_wait3A_30, %dma_wait3A_31] : memref<4096x50x300xf32, #tpu.memory_space<hbm>> -> memref<1x50x300xf32, #tpu.memory_space<hbm>>
    %dma_wait3A_33 = arith.constant 0 : i32
    %dma_wait3A_34 = arith.constant 0 : i32
    %dma_wait3A_35 = tpu.memref_slice %arg4[%mul3A_4, %dma_wait3A_33, %dma_wait3A_34] : memref<4096x50x300xf32, #tpu.memory_space<hbm>> -> memref<1x50x300xf32, #tpu.memory_space<hbm>>
    %dma_wait3A_36 = arith.constant 1 : i32
    %dma_wait3A_37 = arith.constant 0 : i32
    %dma_wait3A_38 = arith.constant 0 : i32
    %dma_wait3A_39 = tpu.memref_slice %arg8[%dma_wait3A_36, %dma_wait3A_37, %dma_wait3A_38] : memref<2x50x300xf32, #tpu.memory_space<vmem>> -> memref<1x50x300xf32, #tpu.memory_space<vmem>>
    tpu.wait_dma2 semaphore(%arg12 : memref<!tpu.dma_semaphore, #tpu.memory_space<semaphore_mem>>) src(%dma_wait3A_39 : memref<1x50x300xf32, #tpu.memory_space<vmem>>) dst(%dma_wait3A_35 : memref<1x50x300xf32, #tpu.memory_space<hbm>>)
    return
  }
}

</mosaic_0001>

<sc_bundles>
// kernel: kernel.4.cloned.1.call-start
scs
__scs_entry_jumppad:
0x0: {  	(pc) =	sbr.rel $0x88, $3  }
0x1: {  	(tag) =	ssettag $0x0;
	lr =	simm.s32 $0x1  }
0x2: {  	[smem:$0x3F9E] =	sst lr;
	_ =	strace $0xD0000000  }
0x3: {  	_ = 	snop  }
0x4: {  	_ = 	snop  }
0x5: {  	_ = 	snop  }
0x6: {  	_ = 	snop  }
0x7: {  	_ = 	snop  }
__scs_overlays_trampoline_lowered:
0x8: {  	[smem:$0x3FAD] =	sst s0  }
0x9: {  	[smem:$0x3FAE] =	sst s1  }
0xa: {  	[smem:$0x3FAF] =	sst s2  }
0xb: {  	[smem:$0x3FB0] =	sst s3  }
0xc: {  	[smem:$0x3FB1] =	sst s4  }
0xd: {  	[smem:$0x3FB2] =	sst s5  }
0xe: {  	[smem:$0x3FB3] =	sst s6  }
0xf: {  	[smem:$0x3FB4] =	sst s7  }
0x10: {  	[smem:$0x3FB5] =	sst s8  }
0x11: {  	[smem:$0x3FB6] =	sst s9;
	s0 =	simm.s32 @!p0 $0x0  }
0x12: {  	s1 =	sld [smem:$0x3F9C];
	s0 =	simm.s32 @p0 $0x1  }
0x13: {  	[smem:$0x3FB7] =	sst s0;
	s0 =	simm.s32 @!p1 $0x0  }
0x14: {  	s2 =	sld [smem:$0x3F9B];
	s0 =	simm.s32 @p1 $0x1  }
0x15: {  	[smem:$0x3FB8] =	sst s0;
	s0 =	simm.s32 @!p2 $0x0  }
0x16: {  	s3 =	sld [smem:$0x3FDB];
	s0 =	simm.s32 @p2 $0x1  }
0x17: {  	s4 =	simm.s32 $0x1BF5;
	[smem:$0x3FBA] =	sst s0  }
0x18: {  	s0 =	sld [smem:$0x3F9D];
	_ =	swait.ge [sflag:s4], $0x0  }
0x19: {  	s7 =	sld [smem:$0x3F9E]  }
0x1a: {  	s8 =	sadd.s32 $0xFFFFE003, lr  }
0x1b: {  	s9 =	sadd.s32 $0xFFFFFEF7, lr;
	s5 =	simm.s32 $0xFFFFFFFF;
	p2 =	slt.u32 s8, $0xFFFFF086  }
0x1c: {  	p1 =	slt.u32 s9, $0xF7A;
	s5 =	simm.s32 @!p2 $0x0  }
0x1d: {  	s5 =	simm.s32 @p1 $0x1;
	p0 =	seq.s32 s7, s2  }
0x1e: {  	s7 =	smul.u32 @!p0 $0xF7A, s2;
	p2 =	seq.s32 @!p0 s5, $0x0  }
0x1f: {  	s9 =	smul.u32 $0xF7A, s1;
	s8 =	simm.s32 @!p0 $0x1BF5;
	p2 =	por !p2, p0  }
0x20: {  	[sflag:s8] =	ssyncset.s32 @!p0 $0xFFFFF086;
	s6 =	sadd.s32 @!p0 s3, s7;
	s7 =	simm.s32 @!p0 $0x108  }
0x21: {  	s3 =	sadd.s32 s3, s9;
	s6 =	sadd.s32 @!p0 $0x88, s6;
	s7 =	simm.s32 @p2 $0x1082  }
0x22: {  	[simem:s7], [sflag:s8] =	dma.local @!p0 [hbm:s6], $0xF7A  }
0x23: {  	s9 =	sor.u32 $0xD0000000, s2;
	s6 =	simm.s32 $0x108;
	_ =	swait.ge @!p0 [sflag:s8], $0x0  }
0x24: {  	s3 =	sadd.s32 $0x88, s3;
	s6 =	simm.s32 @!p1 $0x1082;
	[sflag:s4] =	ssyncset.s32 $0xFFFFF086  }
0x25: {  	[simem:s6], [sflag:s4] =	dma.local [hbm:s3], $0xF7A  }
0x26: {  	[smem:$0x3F9E] =	sst s1;
	(tag) =	ssettag s2;
	_ =	strace s9  }
0x27: {  	s1 =	sld [smem:$0x3FAE]  }
0x28: {  	s2 =	sld [smem:$0x3FAF]  }
0x29: {  	s4 =	sld [smem:$0x3FB1]  }
0x2a: {  	p0 =	seq.s32 s5, $0x0;
	s5 =	sld [smem:$0x3FB2]  }
0x2b: {  	s6 =	sld [smem:$0x3FB3]  }
0x2c: {  	s7 =	sld [smem:$0x3FB4]  }
0x2d: {  	s3 =	simm.s32 $0x108;
	s8 =	sld [smem:$0x3FB5]  }
0x2e: {  	s3 =	simm.s32 @!p0 $0x1082;
	s9 =	sld [smem:$0x3FB6]  }
0x2f: {  	lr =	sadd.s32 s0, s3;
	s0 =	sld [smem:$0x3FAD]  }
0x30: {  	s3 =	sld [smem:$0x3FB0]  }
0x31: {  	[smem:$0x3FB9] =	sst s10  }
0x32: {  	s10 =	sld [smem:$0x3FB7];
	_ =	sdelay $0x3  }
0x33: {  	p0 =	seq.s32 s10, $0x1;
	s10 =	sld [smem:$0x3FB9];
	_ =	sdelay $0x3  }
0x34: {  	[smem:$0x3FB9] =	sst s10  }
0x35: {  	s10 =	sld [smem:$0x3FB8];
	_ =	sdelay $0x3  }
0x36: {  	p1 =	seq.s32 s10, $0x1;
	s10 =	sld [smem:$0x3FB9];
	_ =	sdelay $0x3  }
0x37: {  	[smem:$0x3FB9] =	sst s10  }
0x38: {  	s10 =	sld [smem:$0x3FBA]  }
0x39: {  	_ = 	snop;
	(pc) =	sbr.ind lr, $3  }
0x3a: {  	_ = 	snop  }
0x3b: {  	_ = 	snop  }
0x3c: {  	p2 =	seq.s32 s10, $0x1;
	s10 =	sld [smem:$0x3FB9]  }
0x3d: {  	_ =	shalt  }
0x3e: {  	_ =	shalt  }
0x3f: {  	_ =	shalt  }
0x40: {  	_ =	shalt  }
0x41: {  	_ =	shalt  }
0x42: {  	_ =	shalt  }
0x43: {  	_ =	shalt  }
0x44: {  	_ =	shalt  }
0x45: {  	_ =	shalt  }
0x46: {  	_ =	shalt  }
0x47: {  	_ =	shalt  }
0x48: {  	_ =	shalt  }
0x49: {  	_ =	shalt  }
0x4a: {  	_ =	shalt  }
0x4b: {  	_ =	shalt  }
0x4c: {  	_ =	shalt  }
0x4d: {  	_ =	shalt  }
0x4e: {  	_ =	shalt  }
0x4f: {  	_ =	shalt  }
0x50: {  	_ =	shalt  }
0x51: {  	_ =	shalt  }
0x52: {  	_ =	shalt  }
0x53: {  	_ =	shalt  }
0x54: {  	_ =	shalt  }
0x55: {  	_ =	shalt  }
0x56: {  	_ =	shalt  }
0x57: {  	_ =	shalt  }
0x58: {  	_ =	shalt  }
0x59: {  	_ =	shalt  }
0x5a: {  	_ =	shalt  }
0x5b: {  	_ =	shalt  }
0x5c: {  	_ =	shalt  }
0x5d: {  	_ =	shalt  }
0x5e: {  	_ =	shalt  }
0x5f: {  	_ =	shalt  }
0x60: {  	_ =	shalt  }
0x61: {  	_ =	shalt  }
0x62: {  	_ =	shalt  }
0x63: {  	_ =	shalt  }
0x64: {  	_ =	shalt  }
0x65: {  	_ =	shalt  }
0x66: {  	_ =	shalt  }
0x67: {  	_ =	shalt  }
0x68: {  	_ =	shalt  }
0x69: {  	_ =	shalt  }
0x6a: {  	_ =	shalt  }
0x6b: {  	_ =	shalt  }
0x6c: {  	_ =	shalt  }
0x6d: {  	_ =	shalt  }
0x6e: {  	_ =	shalt  }
0x6f: {  	_ =	shalt  }
0x70: {  	_ =	shalt  }
0x71: {  	_ =	shalt  }
0x72: {  	_ =	shalt  }
0x73: {  	_ =	shalt  }
0x74: {  	_ =	shalt  }
0x75: {  	_ =	shalt  }
0x76: {  	_ =	shalt  }
0x77: {  	_ =	shalt  }
0x78: {  	_ =	shalt  }
0x79: {  	_ =	shalt  }
0x7a: {  	_ =	shalt  }
0x7b: {  	_ =	shalt  }
0x7c: {  	_ =	shalt  }
0x7d: {  	_ =	shalt  }
0x7e: {  	_ =	shalt  }
0x7f: {  	_ =	shalt  }
0x80: {  	_ =	shalt  }
0x81: {  	_ =	shalt  }
0x82: {  	_ =	shalt  }
0x83: {  	_ =	shalt  }
0x84: {  	_ =	shalt  }
0x85: {  	_ =	shalt  }
0x86: {  	_ =	shalt  }
0x87: {  	_ =	shalt  }
.Lfunc_end0:
.L_simem_size_0:
called_computation.1_lowered:
.L_overlay_start_0:
0x88: {  	s2 =	sld [smem:$0x3FD9]  }
0x89: {  	s3 =	sld [smem:$0x3FFE];
	_ =	sdelay $0x1  }
0x8a: {  	s1 =	srdreg.scid  }
0x8b: {  	s0 =	sand.u32 $0x1, s1  }
0x8c: {  	s17 =	sshll.u32 s0, $0xA;
	s2 =	sadd.s32 s3, s2  }
0x8d: {  	s2 =	sadd.s32 s2, s17  }
0x8e: {  	[smem:$0x3FC5] =	sst s2  }
0x8f: {  	_ = 	snop  }
0x90: {  	s2 =	sld [smem:$0x3FD0];
	(tm) =	ssettm $0x1  }
0x91: {  	s18 =	sld [smem:$0x3FFB];
	_ =	sdelay $0x3  }
0x92: {  	_ =	strace s18  }
0x93: {  	s3 =	sld [smem:$0x3FFC];
	_ =	sdelay $0x3  }
0x94: {  	_ =	strace s3  }
0x95: {  	s3 =	sld [smem:$0x3FFD];
	_ =	sdelay $0x3  }
0x96: {  	_ =	strace s3  }
0x97: {  	_ =	strace $0x8FFFFFFF  }
0x98: {  	s19 =	sld [smem:$0x3FDB];
	_ =	sdelay $0x1  }
0x99: {  	s4 =	simm.s32 $_scs_section_size  }
0x9a: {  	s5 =	simm.s32 $_size__tile_overlayer_lowered;
	s6 =	simm.s32 $_tile_overlayer_lowered  }
0x9b: {  	s22 =	simm.s32 $0x1BFF;
	s21 =	sshll.u32 s6, $0x1;
	s3 =	sadd.s32 s4, s19  }
0x9c: {  	s7 =	simm.s32 $0x0;
	s20 =	sshll.u32 s5, $0x1;
	s5 =	sadd.s32 s21, s3  }
0x9d: {  	[timem:s7], [sflag:s22] =	dma.local [hbm:s5], s20  }
0x9e: {  	_ =	swait.ge [sflag:s22], s20  }
0x9f: {  	s4 =	ssub.s32 $0x0, s20;
	[sflag:s22] =	ssyncset.done $0x0  }
0xa0: {  	[sflag:s22] =	ssyncadd.s32 s4;
	_ =	sdelay $0x1  }
0xa1: {  	s23 =	simm.s32 $0x1B8B  }
0xa2: {  	_ =	swait.ge [sflag:s23], $0x1  }
0xa3: {  	[sflag:s23] =	ssyncset.done $0x0  }
0xa4: {  	s25 =	simm.s32 $0x1B8E;
	s24 =	sld [smem:$0x3FFE];
	[sflag:s23] =	ssyncadd.s32 $0xFFFFFFFF  }
0xa5: {  	s26 =	simm.s32 $execute0_lowered;
	[smem:$0x3FD2] =	sst s25  }
0xa6: {  	s5 =	sshll.u32 s26, $0x1;
	_ =	strace $0x80000046;
	[dreg:$0x1] =	wrdreg $0xFFFFFFFF  }
0xa7: {  	s28 =	simm.s32 $_size_execute0_lowered;
	s3 =	sadd.s32 s3, s5;
	[dreg:$0x0] =	wrdreg $0x0  }
0xa8: {  	s5 =	sshll.u32 s28, $0x1;
	[dreg:$0x2] =	wrdreg s3  }
0xa9: {  	[dreg:$0x3] =	wrdreg s5  }
0xaa: {  	[dreg:$0x4] =	wrdreg $0xC0  }
0xab: {  	_ =	task [dreg:s7], $0x5FFFF  }
0xac: {  	[dreg:$0x1] =	wrdreg $0xFFFFFFFF  }
0xad: {  	[dreg:$0x0] =	wrdreg $0x60  }
0xae: {  	[dreg:$0x2] =	wrdreg s24  }
0xaf: {  	[dreg:$0x3] =	wrdreg s2  }
0xb0: {  	[dreg:$0x4] =	wrdreg $0x9  }
0xb1: {  	_ =	task.clear_ibuf [dreg:s7], $0x5FFFF;
	_ =	strace $0x90000046  }
0xb2: {  	s29 =	simm.s32 $0x9;
	_ =	strace $0x80000048  }
0xb3: {  	_ =	swait.ge [sflag:s29], $0x1  }
0xb4: {  	[sflag:s29] =	ssyncadd.s32 $0xFFFFFFFF  }
0xb5: {  	_ =	strace $0x90000048  }
0xb6: {  	_ =	sfence  }
0xb7: {  	s30 =	sld [smem:$0x0];
	_ =	sdelay $0x2  }
0xb8: {  	s31 =	sshll.u32 s1, $0xD;
	s1 =	sshrl.u32 s1, $0x2  }
0xb9: {  	s3 =	sand.u32 $0x4000, s31;
	s1 =	sadd.s32 s1, s30  }
0xba: {  	s0 =	sor.u32 s3, s0;
	s1 =	sshll.u32 s1, $0x11  }
0xbb: {  	s0 =	sor.u32 s1, s0  }
0xbc: {  	s0 =	sadd.s32 $0x8F2B, s0  }
0xbd: {  	[sflag:s0] =	ssyncadd.remote.s32 $0x1  }
0xbe: {  	_ =	sfence.sel $0xFFFF  }
0xbf: {  	[dreg:$0x0] =	wrdreg $0xFFFFFFFF;
	(pc) =	sbr.abs _section_cstart, $3  }
0xc0: {  	[dreg:$0x1] =	wrdreg $0xFFFFFFFF  }
0xc1: {  	_ =	task.clear_ibuf [dreg:s7], $0x2FFFF;
	_ =	strace $0x9FFFFFFF  }
0xc2: {  	(tm) =	ssettm $0x7FFFFFFF  }
0xc3: {  	_ =	shalt  }
tec
execute0_lowered:
.L_overlay_start_1:
0x0: {  	(tag) =	ssettag $0x1  }
0x1: {  	s1 =	srdreg.scid  }
0x2: {  	s0 =	stileid.u32;
	s4 =	rddreg [dreg:$0x0]  }
0x3: {  	s2 =	rddreg [dreg:$0x1];
	s3 =	simm.s32 $0x0;
	s13 =	simm.s32 $0x1D00  }
0x4: {  	s14 =	simm.s32 $0x1;
	s15 =	simm.s32 $0x2100;
	s16 =	simm.s32 $0x2  }
0x5: {  	s17 =	simm.s32 $0x2500;
	s18 =	simm.s32 $0x3;
	s19 =	simm.s32 $0x4  }
0x6: {  	s20 =	simm.s32 $0x5;
	s21 =	simm.s32 $0x6;
	s5 =	sand.u32 $0x1, s1  }
0x7: {  	s22 =	sshll.u32 s0, $0x1;
	[smem:$0x7FF] =	sst s3;
	s7 =	smul.u32 $0x6400, s0  }
0x8: {  	s10 =	smul.u32 $0x32000, s0;
	s11 =	sadd.s32 $0x7200, s4;
	s6 =	sor.u32 s5, s22  }
0x9: {  	_ =	strace $0x80000047;
	s8 =	smul.u32 $0x3200, s5;
	s9 =	ssub.s32 $0x2, s5  }
0xa: {  	s12 =	smul.u32 $0x19000, s5;
	s22 =	simm.s32 $0x7;
	s23 =	sshrl.u32 s9, $0x1  }
0xb: {  	s6 =	smul.u32 $0x320, s6;
	s26 =	sadd.s32 s7, s11;
	s24 =	ssub.s32 s9, s23  }
0xc: {  	s29 =	sadd.s32 s12, s10;
	s10 =	simm.s32 $0x9;
	s12 =	simm.s32 $0x1900  }
0xd: {  	s23 =	simm.s32 $0x8;
	s6 =	sadd.s32 s6, s4;
	s28 =	smax.u32 s24, $0x1  }
0xe: {  	s30 =	sor.u32 $0xC00, s29;
	s31 =	sor.u32 $0x800, s29;
	s7 =	sshrl.u32 s29, $0x3  }
0xf: {  	s24 =	simm.s32 $0x0;
	s25 =	sadd.s32 $0xE00, s6;
	[dreg:$0x4] =	wrdreg s28  }
0x10: {  	s6 =	sadd.s32 s8, s26;
	s8 =	sshrl.u32 s30, $0x3;
	s9 =	sshrl.u32 s31, $0x3  }
0x11: {  	s7 =	sadd.s32 s7, s11;
	[dreg:$0x3] =	wrdreg s25;
	s6 =	sadd.s32 $0x80, s6  }
0x12: {  	s8 =	sadd.s32 s8, s11;
	s9 =	sadd.s32 s9, s11;
	s11 =	simm.s32 $0x40  }
.LBB2_1:
0x13: {  	s0 =	rddreg [dreg:$0x3]  }
0x14: {  	[tilespmem:s3], [sflag:$0x9] =	stream.linear.gather [hbm4b:s0+s3], $0x1900, $0x38;
	[tilespmem:$0x2900] =	vst v63  }
0x15: {  	_ =	swait.ge [sflag:s10], $0x1900  }
0x16: {  	[sflag:s10] =	ssyncset.done $0x0  }
0x17: {  	[sflag:s10] =	ssyncadd.s32 $0xFFFFE700  }
0x18: {  	[tilespmem:s12], [sflag:$0x1] =	stream.indirect.gather [hbm4b:s2+s11], $0x10, s3, s11, $0xb8;
	[tilespmem:$0x2900] =	vst v63  }
0x19: {  	_ = 	snop  }
0x1a: {  	[tilespmem:s13], [sflag:$0x2] =	stream.indirect.gather [hbm4b:s2+s11], $0x10, s11, s11, $0xb8;
	[tilespmem:$0x2900] =	vst v63  }
0x1b: {  	_ =	swait.ge [sflag:s14], $0x400  }
0x1c: {  	p0 =	por $0x1, $0x1;
	[sflag:s14] =	ssyncset.done $0x0  }
0x1d: {  	s25 =	simm.s32 @!p0 $0x7;
	[sflag:s14] =	ssyncadd.s32 $0xFFFFFC00  }
0x1e: {  	_ =	swait.ge @!p0 [sflag:s25], $0x400  }
0x1f: {  	[sflag:s25] =	ssyncset.done @!p0 $0x0  }
0x20: {  	s5 =	simm.s32 $0x80;
	[sflag:s25] =	ssyncadd.s32 @!p0 $0xFFFFFC00  }
0x21: {  	[tilespmem:s15], [sflag:$0x3] =	stream.indirect.gather [hbm4b:s2+s11], $0x10, s5, s11, $0xb8;
	[tilespmem:$0x2900] =	vst v63  }
0x22: {  	_ = 	snop  }
0x23: {  	[hbm4b:s7+s3] =	stream.linear.scatter [tilespmem:s12], [sflag:$0x5], $0x400, $0x38;
	[tilespmem:$0x2900] =	vst v63  }
0x24: {  	_ =	swait.ge [sflag:s16], $0x400  }
0x25: {  	[sflag:s16] =	ssyncset.done $0x0  }
0x26: {  	s25 =	simm.s32 @!p0 $0x8;
	[sflag:s16] =	ssyncadd.s32 $0xFFFFFC00  }
0x27: {  	_ =	swait.ge @!p0 [sflag:s25], $0x400  }
0x28: {  	[sflag:s25] =	ssyncset.done @!p0 $0x0  }
0x29: {  	s26 =	simm.s32 $0xC0;
	[sflag:s25] =	ssyncadd.s32 @!p0 $0xFFFFFC00  }
0x2a: {  	[tilespmem:s17], [sflag:$0x4] =	stream.indirect.gather [hbm4b:s2+s11], $0x10, s26, s11, $0xb8;
	[tilespmem:$0x2900] =	vst v63  }
0x2b: {  	_ = 	snop  }
0x2c: {  	[hbm4b:s6+s3] =	stream.linear.scatter [tilespmem:s13], [sflag:$0x6], $0x400, $0x38;
	[tilespmem:$0x2900] =	vst v63  }
0x2d: {  	_ =	swait.ge [sflag:s18], $0x400  }
0x2e: {  	p0 =	por $0x0, $0x0;
	[sflag:s18] =	ssyncset.done $0x0  }
0x2f: {  	s25 =	simm.s32 @!p0 $0x5;
	[sflag:s18] =	ssyncadd.s32 $0xFFFFFC00  }
0x30: {  	_ =	swait.ge @!p0 [sflag:s25], $0x400  }
0x31: {  	s26 =	simm.s32 @!p0 $0x100;
	[sflag:s25] =	ssyncset.done @!p0 $0x0  }
0x32: {  	s28 =	simm.s32 @!p0 $0x1900;
	[sflag:s25] =	ssyncadd.s32 @!p0 $0xFFFFFC00;
	s25 =	simm.s32 @!p0 $0x40  }
0x33: {  	[tilespmem:s28], [sflag:$0x1] =	stream.indirect.gather @!p0 [hbm4b:s2+s25], $0x10, s26, s25, $0xb8;
	[tilespmem:$0x2900] =	vst v63  }
0x34: {  	_ = 	snop  }
0x35: {  	[hbm4b:s9+s3] =	stream.linear.scatter [tilespmem:s15], [sflag:$0x7], $0x400, $0x38;
	[tilespmem:$0x2900] =	vst v63  }
0x36: {  	_ =	swait.ge [sflag:s19], $0x400  }
0x37: {  	[sflag:s19] =	ssyncset.done $0x0  }
0x38: {  	s26 =	simm.s32 @!p0 $0x6;
	[sflag:s19] =	ssyncadd.s32 $0xFFFFFC00  }
0x39: {  	s29 =	sadd.s32 $0x200, s7;
	_ =	swait.ge @!p0 [sflag:s26], $0x400  }
0x3a: {  	s30 =	sadd.s32 $0x200, s8;
	s31 =	smov.u32 s8;
	[sflag:s26] =	ssyncset.done @!p0 $0x0  }
0x3b: {  	s28 =	simm.s32 @!p0 $0x140;
	[sflag:s26] =	ssyncadd.s32 @!p0 $0xFFFFFC00;
	s26 =	simm.s32 @!p0 $0x1D00  }
0x3c: {  	[tilespmem:s26], [sflag:$0x2] =	stream.indirect.gather @!p0 [hbm4b:s2+s25], $0x10, s28, s25, $0xb8;
	[tilespmem:$0x2900] =	vst v63  }
0x3d: {  	s25 =	simm.s32 $0x400;
	s26 =	sadd.s32 $0x200, s9;
	s28 =	sadd.s32 $0x200, s6  }
.LBB2_2:
0x3e: {  	[hbm4b:s31+s3] =	stream.linear.scatter [tilespmem:s17], [sflag:$0x8], $0x400, $0x38;
	[tilespmem:$0x2900] =	vst v63  }
0x3f: {  	s1 =	smov.u32 s25;
	s25 =	sadd.s32 $0x400, s25;
	_ =	swait.ge [sflag:s14], $0x400  }
0x40: {  	p1 =	seq.s32 s1, $0x0;
	p0 =	sne.s32 s25, $0x6400;
	[sflag:s14] =	ssyncset.done $0x0  }
0x41: {  	s31 =	smov.u32 s30;
	s0 =	simm.s32 @!p1 $0x7;
	[sflag:s14] =	ssyncadd.s32 $0xFFFFFC00  }
0x42: {  	_ =	swait.ge @!p1 [sflag:s0], $0x400  }
0x43: {  	s4 =	sshra.s32 s1, $0x2;
	[sflag:s0] =	ssyncset.done @!p1 $0x0  }
0x44: {  	[sflag:s0] =	ssyncadd.s32 @!p1 $0xFFFFFC00;
	s0 =	sadd.s32 $0x80, s4  }
0x45: {  	[tilespmem:s15], [sflag:$0x3] =	stream.indirect.gather [hbm4b:s2+s11], $0x10, s0, s11, $0xb8;
	[tilespmem:$0x2900] =	vst v63  }
0x46: {  	_ = 	snop  }
0x47: {  	[hbm4b:s29+s3] =	stream.linear.scatter [tilespmem:s12], [sflag:$0x5], $0x400, $0x38;
	[tilespmem:$0x2900] =	vst v63  }
0x48: {  	_ =	swait.ge [sflag:s16], $0x400  }
0x49: {  	[sflag:s16] =	ssyncset.done $0x0  }
0x4a: {  	s0 =	simm.s32 @!p1 $0x8;
	[sflag:s16] =	ssyncadd.s32 $0xFFFFFC00  }
0x4b: {  	_ =	swait.ge @!p1 [sflag:s0], $0x400  }
0x4c: {  	[sflag:s0] =	ssyncset.done @!p1 $0x0  }
0x4d: {  	[sflag:s0] =	ssyncadd.s32 @!p1 $0xFFFFFC00;
	s0 =	sadd.s32 $0xC0, s4  }
0x4e: {  	[tilespmem:s17], [sflag:$0x4] =	stream.indirect.gather [hbm4b:s2+s11], $0x10, s0, s11, $0xb8;
	[tilespmem:$0x2900] =	vst v63  }
0x4f: {  	_ = 	snop  }
0x50: {  	[hbm4b:s28+s3] =	stream.linear.scatter [tilespmem:s13], [sflag:$0x6], $0x400, $0x38;
	[tilespmem:$0x2900] =	vst v63  }
0x51: {  	_ =	swait.ge [sflag:s18], $0x400  }
0x52: {  	p1 =	seq.s32 s1, $0x6000;
	[sflag:s18] =	ssyncset.done $0x0  }
0x53: {  	s0 =	simm.s32 @!p1 $0x5;
	s1 =	sshra.s32 @!p1 s1, $0x2;
	[sflag:s18] =	ssyncadd.s32 $0xFFFFFC00  }
0x54: {  	s4 =	sadd.s32 @!p1 $0x100, s1;
	s1 =	sadd.s32 @!p1 $0x140, s1;
	_ =	swait.ge @!p1 [sflag:s0], $0x400  }
0x55: {  	[sflag:s0] =	ssyncset.done @!p1 $0x0  }
0x56: {  	s5 =	simm.s32 @!p1 $0x1900;
	[sflag:s0] =	ssyncadd.s32 @!p1 $0xFFFFFC00;
	s0 =	simm.s32 @!p1 $0x40  }
0x57: {  	[tilespmem:s5], [sflag:$0x1] =	stream.indirect.gather @!p1 [hbm4b:s2+s0], $0x10, s4, s0, $0xb8;
	[tilespmem:$0x2900] =	vst v63  }
0x58: {  	_ = 	snop  }
0x59: {  	[hbm4b:s26+s3] =	stream.linear.scatter [tilespmem:s15], [sflag:$0x7], $0x400, $0x38;
	[tilespmem:$0x2900] =	vst v63  }
0x5a: {  	_ =	swait.ge [sflag:s19], $0x400  }
0x5b: {  	[sflag:s19] =	ssyncset.done $0x0  }
0x5c: {  	s4 =	simm.s32 @!p1 $0x6;
	[sflag:s19] =	ssyncadd.s32 $0xFFFFFC00  }
.Ltmp0:
0x5d: {  	_ =	swait.ge @!p1 [sflag:s4], $0x400;
	(pc) =	sbr.rel @p0 .LBB2_2-.Ltmp0, $4  }
0x5e: {  	[sflag:s4] =	ssyncset.done @!p1 $0x0  }
0x5f: {  	s26 =	sadd.s32 $0x200, s26;
	[sflag:s4] =	ssyncadd.s32 @!p1 $0xFFFFFC00;
	s4 =	simm.s32 @!p1 $0x1D00  }
0x60: {  	[tilespmem:s4], [sflag:$0x2] =	stream.indirect.gather @!p1 [hbm4b:s2+s0], $0x10, s1, s0, $0xb8;
	[tilespmem:$0x2900] =	vst v63  }
0x61: {  	s30 =	sadd.s32 $0x200, s30;
	s29 =	sadd.s32 $0x200, s29;
	s28 =	sadd.s32 $0x200, s28  }
0x62: {  	[hbm4b:s31+s3] =	stream.linear.scatter [tilespmem:s17], [sflag:$0x8], $0x400, $0x38;
	[tilespmem:$0x2900] =	vst v63  }
0x63: {  	_ =	swait.ge [sflag:s20], $0x400  }
0x64: {  	[sflag:s20] =	ssyncset.done $0x0  }
0x65: {  	[sflag:s20] =	ssyncadd.s32 $0xFFFFFC00  }
0x66: {  	_ =	swait.ge [sflag:s21], $0x400  }
0x67: {  	[sflag:s21] =	ssyncset.done $0x0  }
0x68: {  	[sflag:s21] =	ssyncadd.s32 $0xFFFFFC00  }
0x69: {  	_ =	swait.ge [sflag:s22], $0x400  }
0x6a: {  	[sflag:s22] =	ssyncset.done $0x0  }
0x6b: {  	[sflag:s22] =	ssyncadd.s32 $0xFFFFFC00  }
0x6c: {  	_ =	swait.ge [sflag:s23], $0x400  }
0x6d: {  	s24 =	sadd.s32 $0x1, s24;
	s0 =	rddreg [dreg:$0x4]  }
0x6e: {  	p0 =	sne.s32 s24, s0  }
.Ltmp1:
0x6f: {  	_ = 	snop;
	(pc) =	sbr.rel @p0 .LBB2_1-.Ltmp1, $3  }
0x70: {  	_ =	sdelay $0x1  }
0x71: {  	[sflag:s23] =	ssyncset.done $0x0  }
0x72: {  	[sflag:s23] =	ssyncadd.s32 $0xFFFFFC00  }
0x73: {  	_ =	sfence.sel $0x180000  }
0x74: {  	[bflag:$0x0] =	sbarrier.arrive $0xFFFF  }
0x75: {  	_ =	strace $0x90000047  }
0x76: {  	s0 =	stileid.u32;
	[bflag:$0x2] =	sbarrier.arrive $0xFFFF  }
0x77: {  	p0 =	sne.s32 s0, $0x0;
	s0 =	rddreg [dreg:$0x2]  }
0x78: {  	s0 =	sadd.s32 @!p0 $0x100000, s0  }
0x79: {  	[sflag:s0] =	ssyncadd.tile.s32 @!p0 $0x1;
	_ =	shalt  }
.Lfunc_end2:
_tile_overlayer_lowered:
.L_overlay_start_2:
0x7a: {  	(tag) =	ssettag $0x2  }
0x7b: {  	s0 =	rddreg [dreg:$0x0];
	s2 =	stileid.u32  }
0x7c: {  	s1 =	rddreg [dreg:$0x1];
	p0 =	sne.s32 s2, $0x0  }
0x7d: {  	s3 =	rddreg [dreg:$0x2];
	[bflag:$0x3] =	sbarrier.arrive $0xFFFF;
	s2 =	simm.s32 @!p0 $0x1C09  }
0x7e: {  	[timem:s3], [sflag:s2] =	dma.local @!p0 [hbm:s0], s1  }
0x7f: {  	s0 =	simm.s32 @!p0 $0x9  }
0x80: {  	_ =	swait.ge @!p0 [sflag:s0], s1  }
0x81: {  	s1 =	ssub.s32 @!p0 $0x0, s1;
	[sflag:s0] =	ssyncset.done @!p0 $0x0  }
0x82: {  	[sflag:s0] =	ssyncadd.s32 @!p0 s1  }
0x83: {  	[bflag:$0x3] =	sbarrier.arrive $0xFFFF  }
0x84: {  	_ =	shalt  }

// kernel: kernel.7.cloned.1.call-start
scs
__scs_entry_jumppad:
0x0: {  	(pc) =	sbr.rel $0x88, $3  }
0x1: {  	(tag) =	ssettag $0x0;
	lr =	simm.s32 $0x1  }
0x2: {  	[smem:$0x3F9E] =	sst lr;
	_ =	strace $0xD0000000  }
0x3: {  	_ = 	snop  }
0x4: {  	_ = 	snop  }
0x5: {  	_ = 	snop  }
0x6: {  	_ = 	snop  }
0x7: {  	_ = 	snop  }
__scs_overlays_trampoline_lowered:
0x8: {  	[smem:$0x3FAD] =	sst s0  }
0x9: {  	[smem:$0x3FAE] =	sst s1  }
0xa: {  	[smem:$0x3FAF] =	sst s2  }
0xb: {  	[smem:$0x3FB0] =	sst s3  }
0xc: {  	[smem:$0x3FB1] =	sst s4  }
0xd: {  	[smem:$0x3FB2] =	sst s5  }
0xe: {  	[smem:$0x3FB3] =	sst s6  }
0xf: {  	[smem:$0x3FB4] =	sst s7  }
0x10: {  	[smem:$0x3FB5] =	sst s8  }
0x11: {  	[smem:$0x3FB6] =	sst s9;
	s0 =	simm.s32 @!p0 $0x0  }
0x12: {  	s1 =	sld [smem:$0x3F9C];
	s0 =	simm.s32 @p0 $0x1  }
0x13: {  	[smem:$0x3FB7] =	sst s0;
	s0 =	simm.s32 @!p1 $0x0  }
0x14: {  	s2 =	sld [smem:$0x3F9B];
	s0 =	simm.s32 @p1 $0x1  }
0x15: {  	[smem:$0x3FB8] =	sst s0;
	s0 =	simm.s32 @!p2 $0x0  }
0x16: {  	s3 =	sld [smem:$0x3FDB];
	s0 =	simm.s32 @p2 $0x1  }
0x17: {  	s4 =	simm.s32 $0x1BF5;
	[smem:$0x3FBA] =	sst s0  }
0x18: {  	s0 =	sld [smem:$0x3F9D];
	_ =	swait.ge [sflag:s4], $0x0  }
0x19: {  	s7 =	sld [smem:$0x3F9E]  }
0x1a: {  	s8 =	sadd.s32 $0xFFFFE003, lr  }
0x1b: {  	s9 =	sadd.s32 $0xFFFFFEF7, lr;
	s5 =	simm.s32 $0xFFFFFFFF;
	p2 =	slt.u32 s8, $0xFFFFF086  }
0x1c: {  	p1 =	slt.u32 s9, $0xF7A;
	s5 =	simm.s32 @!p2 $0x0  }
0x1d: {  	s5 =	simm.s32 @p1 $0x1;
	p0 =	seq.s32 s7, s2  }
0x1e: {  	s7 =	smul.u32 @!p0 $0xF7A, s2;
	p2 =	seq.s32 @!p0 s5, $0x0  }
0x1f: {  	s9 =	smul.u32 $0xF7A, s1;
	s8 =	simm.s32 @!p0 $0x1BF5;
	p2 =	por !p2, p0  }
0x20: {  	[sflag:s8] =	ssyncset.s32 @!p0 $0xFFFFF086;
	s6 =	sadd.s32 @!p0 s3, s7;
	s7 =	simm.s32 @!p0 $0x108  }
0x21: {  	s3 =	sadd.s32 s3, s9;
	s6 =	sadd.s32 @!p0 $0x88, s6;
	s7 =	simm.s32 @p2 $0x1082  }
0x22: {  	[simem:s7], [sflag:s8] =	dma.local @!p0 [hbm:s6], $0xF7A  }
0x23: {  	s9 =	sor.u32 $0xD0000000, s2;
	s6 =	simm.s32 $0x108;
	_ =	swait.ge @!p0 [sflag:s8], $0x0  }
0x24: {  	s3 =	sadd.s32 $0x88, s3;
	s6 =	simm.s32 @!p1 $0x1082;
	[sflag:s4] =	ssyncset.s32 $0xFFFFF086  }
0x25: {  	[simem:s6], [sflag:s4] =	dma.local [hbm:s3], $0xF7A  }
0x26: {  	[smem:$0x3F9E] =	sst s1;
	(tag) =	ssettag s2;
	_ =	strace s9  }
0x27: {  	s1 =	sld [smem:$0x3FAE]  }
0x28: {  	s2 =	sld [smem:$0x3FAF]  }
0x29: {  	s4 =	sld [smem:$0x3FB1]  }
0x2a: {  	p0 =	seq.s32 s5, $0x0;
	s5 =	sld [smem:$0x3FB2]  }
0x2b: {  	s6 =	sld [smem:$0x3FB3]  }
0x2c: {  	s7 =	sld [smem:$0x3FB4]  }
0x2d: {  	s3 =	simm.s32 $0x108;
	s8 =	sld [smem:$0x3FB5]  }
0x2e: {  	s3 =	simm.s32 @!p0 $0x1082;
	s9 =	sld [smem:$0x3FB6]  }
0x2f: {  	lr =	sadd.s32 s0, s3;
	s0 =	sld [smem:$0x3FAD]  }
0x30: {  	s3 =	sld [smem:$0x3FB0]  }
0x31: {  	[smem:$0x3FB9] =	sst s10  }
0x32: {  	s10 =	sld [smem:$0x3FB7];
	_ =	sdelay $0x3  }
0x33: {  	p0 =	seq.s32 s10, $0x1;
	s10 =	sld [smem:$0x3FB9];
	_ =	sdelay $0x3  }
0x34: {  	[smem:$0x3FB9] =	sst s10  }
0x35: {  	s10 =	sld [smem:$0x3FB8];
	_ =	sdelay $0x3  }
0x36: {  	p1 =	seq.s32 s10, $0x1;
	s10 =	sld [smem:$0x3FB9];
	_ =	sdelay $0x3  }
0x37: {  	[smem:$0x3FB9] =	sst s10  }
0x38: {  	s10 =	sld [smem:$0x3FBA]  }
0x39: {  	_ = 	snop;
	(pc) =	sbr.ind lr, $3  }
0x3a: {  	_ = 	snop  }
0x3b: {  	_ = 	snop  }
0x3c: {  	p2 =	seq.s32 s10, $0x1;
	s10 =	sld [smem:$0x3FB9]  }
0x3d: {  	_ =	shalt  }
0x3e: {  	_ =	shalt  }
0x3f: {  	_ =	shalt  }
0x40: {  	_ =	shalt  }
0x41: {  	_ =	shalt  }
0x42: {  	_ =	shalt  }
0x43: {  	_ =	shalt  }
0x44: {  	_ =	shalt  }
0x45: {  	_ =	shalt  }
0x46: {  	_ =	shalt  }
0x47: {  	_ =	shalt  }
0x48: {  	_ =	shalt  }
0x49: {  	_ =	shalt  }
0x4a: {  	_ =	shalt  }
0x4b: {  	_ =	shalt  }
0x4c: {  	_ =	shalt  }
0x4d: {  	_ =	shalt  }
0x4e: {  	_ =	shalt  }
0x4f: {  	_ =	shalt  }
0x50: {  	_ =	shalt  }
0x51: {  	_ =	shalt  }
0x52: {  	_ =	shalt  }
0x53: {  	_ =	shalt  }
0x54: {  	_ =	shalt  }
0x55: {  	_ =	shalt  }
0x56: {  	_ =	shalt  }
0x57: {  	_ =	shalt  }
0x58: {  	_ =	shalt  }
0x59: {  	_ =	shalt  }
0x5a: {  	_ =	shalt  }
0x5b: {  	_ =	shalt  }
0x5c: {  	_ =	shalt  }
0x5d: {  	_ =	shalt  }
0x5e: {  	_ =	shalt  }
0x5f: {  	_ =	shalt  }
0x60: {  	_ =	shalt  }
0x61: {  	_ =	shalt  }
0x62: {  	_ =	shalt  }
0x63: {  	_ =	shalt  }
0x64: {  	_ =	shalt  }
0x65: {  	_ =	shalt  }
0x66: {  	_ =	shalt  }
0x67: {  	_ =	shalt  }
0x68: {  	_ =	shalt  }
0x69: {  	_ =	shalt  }
0x6a: {  	_ =	shalt  }
0x6b: {  	_ =	shalt  }
0x6c: {  	_ =	shalt  }
0x6d: {  	_ =	shalt  }
0x6e: {  	_ =	shalt  }
0x6f: {  	_ =	shalt  }
0x70: {  	_ =	shalt  }
0x71: {  	_ =	shalt  }
0x72: {  	_ =	shalt  }
0x73: {  	_ =	shalt  }
0x74: {  	_ =	shalt  }
0x75: {  	_ =	shalt  }
0x76: {  	_ =	shalt  }
0x77: {  	_ =	shalt  }
0x78: {  	_ =	shalt  }
0x79: {  	_ =	shalt  }
0x7a: {  	_ =	shalt  }
0x7b: {  	_ =	shalt  }
0x7c: {  	_ =	shalt  }
0x7d: {  	_ =	shalt  }
0x7e: {  	_ =	shalt  }
0x7f: {  	_ =	shalt  }
0x80: {  	_ =	shalt  }
0x81: {  	_ =	shalt  }
0x82: {  	_ =	shalt  }
0x83: {  	_ =	shalt  }
0x84: {  	_ =	shalt  }
0x85: {  	_ =	shalt  }
0x86: {  	_ =	shalt  }
0x87: {  	_ =	shalt  }
.Lfunc_end0:
.L_simem_size_0:
called_computation.2_lowered:
.L_overlay_start_0:
0x88: {  	s2 =	sld [smem:$0x3FD9]  }
0x89: {  	s3 =	sld [smem:$0x3FFE];
	_ =	sdelay $0x1  }
0x8a: {  	s1 =	srdreg.scid  }
0x8b: {  	s0 =	sand.u32 $0x1, s1  }
0x8c: {  	s17 =	sshll.u32 s0, $0xA;
	s2 =	sadd.s32 s3, s2  }
0x8d: {  	s2 =	sadd.s32 s2, s17  }
0x8e: {  	[smem:$0x3FC5] =	sst s2  }
0x8f: {  	_ = 	snop  }
0x90: {  	s2 =	sld [smem:$0x3FD0];
	(tm) =	ssettm $0x1  }
0x91: {  	s18 =	sld [smem:$0x3FFB];
	_ =	sdelay $0x3  }
0x92: {  	_ =	strace s18  }
0x93: {  	s3 =	sld [smem:$0x3FFC];
	_ =	sdelay $0x3  }
0x94: {  	_ =	strace s3  }
0x95: {  	s3 =	sld [smem:$0x3FFD];
	_ =	sdelay $0x3  }
0x96: {  	_ =	strace s3  }
0x97: {  	_ =	strace $0x8FFFFFFF  }
0x98: {  	s19 =	sld [smem:$0x3FDB];
	_ =	sdelay $0x1  }
0x99: {  	s4 =	simm.s32 $_scs_section_size  }
0x9a: {  	s5 =	simm.s32 $_size__tile_overlayer_lowered;
	s6 =	simm.s32 $_tile_overlayer_lowered  }
0x9b: {  	s22 =	simm.s32 $0x1BFF;
	s21 =	sshll.u32 s6, $0x1;
	s3 =	sadd.s32 s4, s19  }
0x9c: {  	s7 =	simm.s32 $0x0;
	s20 =	sshll.u32 s5, $0x1;
	s5 =	sadd.s32 s21, s3  }
0x9d: {  	[timem:s7], [sflag:s22] =	dma.local [hbm:s5], s20  }
0x9e: {  	_ =	swait.ge [sflag:s22], s20  }
0x9f: {  	s4 =	ssub.s32 $0x0, s20;
	[sflag:s22] =	ssyncset.done $0x0  }
0xa0: {  	[sflag:s22] =	ssyncadd.s32 s4;
	_ =	sdelay $0x1  }
0xa1: {  	s23 =	simm.s32 $0x1B8B  }
0xa2: {  	_ =	swait.ge [sflag:s23], $0x1  }
0xa3: {  	[sflag:s23] =	ssyncset.done $0x0  }
0xa4: {  	s25 =	simm.s32 $0x1B8E;
	s24 =	sld [smem:$0x3FFE];
	[sflag:s23] =	ssyncadd.s32 $0xFFFFFFFF  }
0xa5: {  	s26 =	simm.s32 $execute0_lowered;
	[smem:$0x3FD2] =	sst s25  }
0xa6: {  	s5 =	sshll.u32 s26, $0x1;
	_ =	strace $0x80000049;
	[dreg:$0x1] =	wrdreg $0xFFFFFFFF  }
0xa7: {  	s28 =	simm.s32 $_size_execute0_lowered;
	s3 =	sadd.s32 s3, s5;
	[dreg:$0x0] =	wrdreg $0x0  }
0xa8: {  	s5 =	sshll.u32 s28, $0x1;
	[dreg:$0x2] =	wrdreg s3  }
0xa9: {  	[dreg:$0x3] =	wrdreg s5  }
0xaa: {  	[dreg:$0x4] =	wrdreg $0xC0  }
0xab: {  	_ =	task [dreg:s7], $0x5FFFF  }
0xac: {  	[dreg:$0x1] =	wrdreg $0xFFFFFFFF  }
0xad: {  	[dreg:$0x0] =	wrdreg $0x60  }
0xae: {  	[dreg:$0x2] =	wrdreg s24  }
0xaf: {  	[dreg:$0x3] =	wrdreg s2  }
0xb0: {  	[dreg:$0x4] =	wrdreg $0x9  }
0xb1: {  	_ =	task.clear_ibuf [dreg:s7], $0x5FFFF;
	_ =	strace $0x90000049  }
0xb2: {  	s29 =	simm.s32 $0x9;
	_ =	strace $0x8000004B  }
0xb3: {  	_ =	swait.ge [sflag:s29], $0x1  }
0xb4: {  	[sflag:s29] =	ssyncadd.s32 $0xFFFFFFFF  }
0xb5: {  	_ =	strace $0x9000004B  }
0xb6: {  	_ =	sfence  }
0xb7: {  	s30 =	sld [smem:$0x0];
	_ =	sdelay $0x2  }
0xb8: {  	s31 =	sshll.u32 s1, $0xD;
	s1 =	sshrl.u32 s1, $0x2  }
0xb9: {  	s3 =	sand.u32 $0x4000, s31;
	s1 =	sadd.s32 s1, s30  }
0xba: {  	s0 =	sor.u32 s3, s0;
	s1 =	sshll.u32 s1, $0x11  }
0xbb: {  	s0 =	sor.u32 s1, s0  }
0xbc: {  	s0 =	sadd.s32 $0x8F2B, s0  }
0xbd: {  	[sflag:s0] =	ssyncadd.remote.s32 $0x1  }
0xbe: {  	_ =	sfence.sel $0xFFFF  }
0xbf: {  	[dreg:$0x0] =	wrdreg $0xFFFFFFFF;
	(pc) =	sbr.abs _section_cstart, $3  }
0xc0: {  	[dreg:$0x1] =	wrdreg $0xFFFFFFFF  }
0xc1: {  	_ =	task.clear_ibuf [dreg:s7], $0x2FFFF;
	_ =	strace $0x9FFFFFFF  }
0xc2: {  	(tm) =	ssettm $0x7FFFFFFF  }
0xc3: {  	_ =	shalt  }
tec
execute0_lowered:
.L_overlay_start_1:
0x0: {  	(tag) =	ssettag $0x1  }
0x1: {  	s6 =	rddreg [dreg:$0x0]  }
0x2: {  	s2 =	rddreg [dreg:$0x1]  }
0x3: {  	s4 =	srdreg.scid;
	s0 =	stileid.u32;
	s3 =	simm.s32 $0x0  }
0x4: {  	s12 =	simm.s32 $0x12C00;
	s13 =	simm.s32 $0x1;
	s14 =	simm.s32 $0x13880  }
0x5: {  	s15 =	simm.s32 $0x3;
	s16 =	simm.s32 $0x14500;
	s17 =	simm.s32 $0x2  }
0x6: {  	s18 =	simm.s32 $0x4;
	s4 =	sand.u32 $0x1, s4;
	s5 =	sshll.u32 s0, $0x1  }
0x7: {  	[smem:$0x7FF] =	sst s3;
	s29 =	sadd.s32 $0x6B200, s6;
	s7 =	sor.u32 s4, s5  }
0x8: {  	_ =	strace $0x8000004A;
	s8 =	ssub.s32 $0x2, s4;
	s10 =	smul.u32 $0x3200, s7  }
0x9: {  	s5 =	sadd.s32 $0x7200, s6;
	[dreg:$0x3] =	wrdreg s29;
	s9 =	sshrl.u32 s8, $0x1  }
0xa: {  	s4 =	smul.u32 $0x1900, s7;
	s11 =	ssub.s32 s8, s9;
	s30 =	sadd.s32 s5, s10  }
0xb: {  	v0 =	vlaneseq.u32;
	s19 =	simm.s32 $0x0;
	s31 =	smax.u32 s11, $0x1;
	[dreg:$0x4] =	wrdreg s30  }
0xc: {  	v1 =	vmul.u32 $0x10, v0;
	v2 =	vmul.u32 $0x130, v0;
	s7 =	sshll.u32 s7, $0x7;
	s9 =	sadd.s32 $0x190, s4;
	[dreg:$0x5] =	wrdreg s31  }
.LBB2_1:
0xd: {  	s0 =	rddreg [dreg:$0x3];
	s30 =	simm.s32 $0x5  }
0xe: {  	[tilespmem:s3], [sflag:$0x5] =	stream.linear.gather [hbm4b:s0+s3], $0x12C00, $0x38;
	[tilespmem:$0x1BBC0] =	vst v63  }
0xf: {  	_ =	swait.ge [sflag:s30], $0x12C00  }
0x10: {  	[sflag:s30] =	ssyncset.done $0x0  }
0x11: {  	s20 =	simm.s32 $0x0;
	s31 =	rddreg [dreg:$0x4];
	[sflag:s30] =	ssyncadd.s32 $0xFFFED400  }
0x12: {  	[tilespmem:s12], [sflag:$0x1] =	stream.linear.gather [hbm4b:s31+s3], $0xC80, $0x38;
	[tilespmem:$0x1BBC0] =	vst v63  }
.LBB2_2:
0x13: {  	s21 =	sshllo.u32 s20, $0x1  }
0x14: {  	s22 =	smul.u32 $0xC8, s21;
	_ =	sdelay $0x1  }
0x15: {  	s22 =	sadd.s32 s4, s22  }
0x16: {  	_ =	swait.ge [sflag:s13], $0xC80;
	s22 =	sshll.u32 s22, $0x1  }
0x17: {  	[sflag:s13] =	ssyncset.done $0x0;
	s22 =	sand.u32 $0x1FFFFFF0, s22  }
0x18: {  	[sflag:s13] =	ssyncadd.s32 $0xFFFFF380;
	s23 =	sadd.s32 s5, s22;
	s22 =	simm.s32 $0x0  }
0x19: {  	[tilespmem:s14], [sflag:$0x2] =	stream.linear.gather [hbm4b:s23+s22], $0xC80, $0x38;
	[tilespmem:$0x1BBC0] =	vst v63  }
0x1a: {  	s23 =	sshll.u32 s20, $0x3  }
.LBB2_3:
0x1b: {  	s26 =	sshrl.u32 s22, $0x2  }
0x1c: {  	s24 =	sand.u32 $0x3, s22;
	s25 =	sshll.u32 s26, $0x1  }
0x1d: {  	p0 =	sne.s32 s24, $0x0;
	s25 =	sadd.s32 s23, s25  }
0x1e: {  	p1 =	sne.s32 @!p0 s25, $0x0  }
0x1f: {  	p0 =	por p0, !p1  }
0x20: {  	p1 =	sne.s32 @p0 s24, $0x2  }
0x21: {  	p2 =	por p1, !p0  }
0x22: {  	p2 =	seq.s32 @!p2 s25, $0x0  }
0x23: {  	p1 =	por @p0 p1, p2  }
0x24: {  	p1 =	por !p0, !p1  }
.Ltmp0:
0x25: {  	_ = 	snop;
	(pc) =	sbr.rel @!p1 .LBB2_5-.Ltmp0, $1  }
0x26: {  	_ =	sdelay $0x3  }
0x27: {  	s28 =	simm.s32 $0x3  }
0x28: {  	s28 =	simm.s32 @p0 $0x4  }
0x29: {  	_ =	swait.ge [sflag:s28], $0x3B60  }
0x2a: {  	[sflag:s28] =	ssyncset.done $0x0  }
0x2b: {  	[sflag:s28] =	ssyncadd.s32 $0xFFFFC4A0  }
.LBB2_5:
0x2c: {  	s28 =	smul.u32 $0x64, s26;
	s26 =	sshrl.u32 s24, $0x1  }
0x2d: {  	s29 =	smul.u32 $0x32, s26  }
0x2e: {  	s30 =	sshll.u32 s22, $0x5  }
0x2f: {  	s28 =	sadd.s32 s28, s29;
	s29 =	sand.u32 $0x20, s30  }
0x30: {  	s30 =	sadd.s32 s29, s28  }
0x31: {  	v3 =	vmov s30  }
0x32: {  	v3 =	vshll.u32 v3, $0x4  }
0x33: {  	v5 =	vadd.s32 v1, v3;
	_ =	sdelay $0x4  }
0x34: {  	v3 =	vld.idx.msk [tilespmem:v5+s12+$0x0], $0xffff;
	_ =	sdelay $0x1  }
0x35: {  	s0 =	simm.s32 $0x4;
	s1 =	simm.s32 $0x5  }
0x36: {  	s31 =	simm.s32 $0x3;
	s11 =	simm.s32 $0x9;
	v6 =	vmov s26;
	v10 =	vmov s0;
	v14 =	vmov s1  }
0x37: {  	v16 =	vmov s31;
	v26 =	vmov s11;
	v7 =	vmul.u32 $0x3B60, v6  }
0x38: {  	v18 =	vand.u32 $0x38, v16;
	v4 =	vmov s29;
	v3 =	vand.u32 $0xFF, v3  }
0x39: {  	v20 =	vand.u32 $0x38, v14;
	s29 =	simm.s32 $0x1;
	v4 =	vmul.u32 $0x130, v4;
	v6 =	vmul.u32 $0x1E, v3  }
0x3a: {  	v14 =	vand.u32 $0x7, v14;
	v16 =	vand.u32 $0x7, v16;
	s30 =	simm.s32 $0x2;
	v12 =	vmov s29  }
0x3b: {  	v13 =	vmov s30;
	v4 =	vadd.s32 v7, v4;
	v8 =	vadd.s32 s30, v6  }
0x3c: {  	v4 =	vbroadcast v4, $0x0;
	v3 =	vbroadcast v7, $0x0;
	v7 =	vadd.s32 s29, v6  }
0x3d: {  	v15 =	vand.u32 $0x18, v12;
	v12 =	vand.u32 $0x7, v12;
	v11 =	vadd.s32 s0, v6  }
0x3e: {  	v19 =	vand.u32 $0x38, v13;
	v4 =	vadd.s32 v2, v4;
	v17 =	vadd.s32 s1, v6  }
0x3f: {  	v13 =	vand.u32 $0x6, v13;
	v15 =	vadd.s32 v4, v15;
	v19 =	vadd.s32 v4, v19  }
0x40: {  	v13 =	vor.u32 v13, v19;
	v19 =	vand.u32 $0x38, v10;
	v9 =	vadd.s32 s31, v6;
	v8 =	vld.idx.msk [tilespmem:v8+s3+$0x0], $0xffff  }
0x41: {  	v12 =	vor.u32 v12, v15;
	v10 =	vand.u32 $0x6, v10;
	v15 =	vadd.s32 v4, v19;
	v7 =	vld.idx.msk [tilespmem:v7+s3+$0x0], $0xffff  }
0x42: {  	v20 =	vadd.s32 v4, v20;
	v18 =	vadd.s32 v4, v18;
	v10 =	vor.u32 v10, v15;
	v11 =	vld.idx.msk [tilespmem:v11+s3+$0x0], $0xffff  }
0x43: {  	s8 =	simm.s32 $0x0;
	s10 =	simm.s32 $0x7;
	v28 =	vand.u32 $0x38, v26;
	v14 =	vor.u32 v14, v20;
	v16 =	vor.u32 v16, v18;
	v17 =	vld.idx.msk [tilespmem:v17+s3+$0x0], $0xffff  }
0x44: {  	v15 =	vmov s8;
	s29 =	simm.s32 $0x8;
	v19 =	vadd.s32 s8, v6;
	v18 =	vadd.s32 s10, v6  }
0x45: {  	v21 =	vand.u32 $0x6, v15;
	s30 =	simm.s32 $0xA;
	s31 =	simm.s32 $0xB;
	v22 =	vadd.s32 s11, v6;
	v20 =	vadd.s32 s29, v6;
	v9 =	vld.idx.msk [tilespmem:v9+s3+$0x0], $0xffff;
	[tilespmem:v13+s16+$0x0] =	vst.idx.msk $0xffff, v8  }
0x46: {  	v23 =	vmov s30;
	v24 =	vadd.s32 s30, v6;
	v25 =	vmov s31;
	[tilespmem:v12+s16+$0x0] =	vst.idx.msk $0xffff, v7  }
0x47: {  	v8 =	vmov s10;
	v13 =	vmov s29;
	v12 =	vadd.s32 s31, v6;
	[tilespmem:v10+s16+$0x0] =	vst.idx.msk $0xffff, v11  }
0x48: {  	[tilespmem:v14+s16+$0x0] =	vst.idx.msk $0xffff, v17;
	v14 =	vand.u32 $0x38, v25;
	v17 =	vand.u32 $0x7, v25;
	v7 =	vand.u32 $0x18, v8  }
0x49: {  	v11 =	vld.idx.msk [tilespmem:v18+s3+$0x0], $0xffff;
	v18 =	vand.u32 $0x38, v23;
	v14 =	vadd.s32 v4, v14;
	v27 =	vadd.s32 v4, v7  }
0x4a: {  	[tilespmem:v16+s16+$0x0] =	vst.idx.msk $0xffff, v9;
	v10 =	vld.idx.msk [tilespmem:v19+s3+$0x0], $0xffff;
	v7 =	vand.u32 $0x18, v15;
	v15 =	vand.u32 $0x7, v8;
	v8 =	vand.u32 $0x38, v13  }
0x4b: {  	v9 =	vld.idx.msk [tilespmem:v20+s3+$0x0], $0xffff;
	v13 =	vand.u32 $0x6, v13;
	v7 =	vadd.s32 v4, v7;
	v8 =	vadd.s32 v4, v8  }
0x4c: {  	v16 =	vor.u32 v21, v7;
	v13 =	vor.u32 v13, v8;
	v8 =	vor.u32 v17, v14;
	v14 =	vld.idx.msk [tilespmem:v22+s3+$0x0], $0xffff  }
0x4d: {  	v19 =	vadd.s32 v4, v28;
	v20 =	vadd.s32 v4, v18;
	v17 =	vand.u32 $0x6, v23;
	v7 =	vld.idx.msk [tilespmem:v12+s3+$0x0], $0xffff  }
0x4e: {  	s30 =	simm.s32 $0x6;
	s29 =	sshll.u32 s22, $0x1;
	s31 =	simm.s32 $0xC;
	v18 =	vand.u32 $0x7, v26;
	v15 =	vor.u32 v15, v27;
	v12 =	vld.idx.msk [tilespmem:v24+s3+$0x0], $0xffff;
	v17 =	vor.u32 v17, v20  }
.LBB2_6:
0x4f: {  	s0 =	sadd.s32 $0x1, s31  }
0x50: {  	s1 =	sadd.s32 $0x2, s31;
	v20 =	vmov s30;
	v21 =	vadd.s32 s30, v6;
	v18 =	vor.u32 v18, v19;
	s30 =	smov.u32 s31;
	s6 =	sadd.s32 $0x6, s31  }
0x51: {  	v19 =	vadd.s32 s0, v6;
	v22 =	vadd.s32 s1, v6;
	s8 =	sadd.s32 $0x3, s30;
	s10 =	sadd.s32 $0x4, s30;
	s11 =	sadd.s32 $0x5, s30;
	v23 =	vand.u32 $0x6, v20;
	[tilespmem:v16+s16+$0x0] =	vst.idx.msk $0xffff, v10  }
0x52: {  	p0 =	slt.u32 s31, $0x18;
	v24 =	vadd.s32 s8, v6;
	v25 =	vmov s10;
	v26 =	vadd.s32 s10, v6;
	[tilespmem:v13+s16+$0x0] =	vst.idx.msk $0xffff, v9  }
0x53: {  	v9 =	vmov s0;
	v13 =	vmov s1;
	v16 =	vmov s11;
	[tilespmem:v15+s16+$0x0] =	vst.idx.msk $0xffff, v11  }
0x54: {  	v27 =	vmov s8;
	v10 =	vand.u32 $0x18, v9;
	v15 =	vadd.s32 s11, v6;
	[tilespmem:v17+s16+$0x0] =	vst.idx.msk $0xffff, v12  }
0x55: {  	v11 =	vand.u32 $0x18, v20;
	v12 =	vadd.s32 v4, v10;
	v17 =	vand.u32 $0x38, v27;
	[tilespmem:v18+s16+$0x0] =	vst.idx.msk $0xffff, v14  }
0x56: {  	v20 =	vadd.s32 v4, v11;
	v14 =	vand.u32 $0x7, v9;
	v18 =	vand.u32 $0x38, v13;
	v10 =	vld.idx.msk [tilespmem:v21+s3+$0x0], $0xffff;
	[tilespmem:v8+s16+$0x0] =	vst.idx.msk $0xffff, v7  }
.Ltmp1:
0x57: {  	v7 =	vand.u32 $0x6, v13;
	v8 =	vand.u32 $0x38, v16;
	v21 =	vand.u32 $0x7, v16;
	v9 =	vld.idx.msk [tilespmem:v22+s3+$0x0], $0xffff;
	(pc) =	sbr.rel @p0 .LBB2_6-.Ltmp1, $4  }
0x58: {  	v13 =	vadd.s32 v4, v18;
	v16 =	vor.u32 v23, v20;
	v8 =	vadd.s32 v4, v8;
	v11 =	vld.idx.msk [tilespmem:v19+s3+$0x0], $0xffff  }
0x59: {  	v18 =	vand.u32 $0x38, v25;
	v13 =	vor.u32 v7, v13;
	v8 =	vor.u32 v21, v8;
	v7 =	vld.idx.msk [tilespmem:v15+s3+$0x0], $0xffff  }
0x5a: {  	v20 =	vand.u32 $0x6, v25;
	v21 =	vadd.s32 v4, v18;
	v15 =	vor.u32 v14, v12;
	v12 =	vld.idx.msk [tilespmem:v26+s3+$0x0], $0xffff  }
0x5b: {  	s31 =	smov.u32 s6;
	v18 =	vand.u32 $0x7, v27;
	v19 =	vadd.s32 v4, v17;
	v17 =	vor.u32 v20, v21;
	v14 =	vld.idx.msk [tilespmem:v24+s3+$0x0], $0xffff  }
0x5c: {  	v6 =	vadd.s32 s30, v6;
	_ =	sdelay $0x1  }
0x5d: {  	v20 =	vmov s30  }
0x5e: {  	v18 =	vor.u32 v18, v19;
	v19 =	vand.u32 $0x18, v20  }
0x5f: {  	[tilespmem:v16+s16+$0x0] =	vst.idx.msk $0xffff, v10;
	v20 =	vand.u32 $0x6, v20;
	v10 =	vadd.s32 v4, v19  }
0x60: {  	[tilespmem:v13+s16+$0x0] =	vst.idx.msk $0xffff, v9;
	v9 =	vor.u32 v20, v10;
	v6 =	vld.idx.msk [tilespmem:v6+s3+$0x0], $0xffff  }
0x61: {  	[tilespmem:v15+s16+$0x0] =	vst.idx.msk $0xffff, v11;
	v10 =	vor.u32 $0x1, v5  }
0x62: {  	[tilespmem:v8+s16+$0x0] =	vst.idx.msk $0xffff, v7  }
0x63: {  	[tilespmem:v17+s16+$0x0] =	vst.idx.msk $0xffff, v12  }
0x64: {  	[tilespmem:v18+s16+$0x0] =	vst.idx.msk $0xffff, v14  }
0x65: {  	[tilespmem:v9+s16+$0x0] =	vst.idx.msk $0xffff, v6  }
0x66: {  	v6 =	vld.idx.msk [tilespmem:v10+s12+$0x0], $0xffff;
	_ =	sdelay $0x4  }
0x67: {  	s0 =	simm.s32 $0x0;
	s11 =	simm.s32 $0x3;
	v6 =	vand.u32 $0xFF, v6  }
0x68: {  	s8 =	simm.s32 $0x4;
	v11 =	vmov s11;
	v7 =	vmov s0;
	v6 =	vmul.u32 $0x1E, v6  }
0x69: {  	s1 =	simm.s32 $0x1;
	s10 =	simm.s32 $0x5;
	v19 =	vmov s8;
	v11 =	vadd.s32 $0x1E, v11;
	v7 =	vadd.s32 $0x1E, v7  }
0x6a: {  	v12 =	vmov s10;
	v17 =	vmov s1;
	v6 =	vadd.s32 $0x1E00, v6  }
0x6b: {  	v19 =	vadd.s32 $0x1E, v19;
	v23 =	vand.u32 $0x78, v11;
	v8 =	vadd.s32 s1, v6  }
0x6c: {  	v24 =	vand.u32 $0x7, v11;
	v20 =	vadd.s32 $0x1E, v12;
	v9 =	vadd.s32 s10, v6  }
0x6d: {  	v16 =	vand.u32 $0x6, v7;
	v12 =	vand.u32 $0x78, v20;
	v15 =	vadd.s32 s0, v6  }
0x6e: {  	s6 =	simm.s32 $0x2;
	v21 =	vadd.s32 $0x1E, v17;
	v22 =	vadd.s32 v4, v12;
	v14 =	vadd.s32 s8, v6  }
0x6f: {  	v10 =	vand.u32 $0x38, v7;
	v7 =	vmov s6;
	v13 =	vadd.s32 s6, v6  }
0x70: {  	v17 =	vadd.s32 $0x1E, v7;
	v18 =	vadd.s32 s11, v6;
	v7 =	vld.idx.msk [tilespmem:v8+s3+$0x0], $0xffff;
	v8 =	vand.u32 $0x7, v20  }
0x71: {  	v12 =	vand.u32 $0x6, v19;
	v9 =	vld.idx.msk [tilespmem:v9+s3+$0x0], $0xffff;
	v20 =	vadd.s32 v4, v10;
	v11 =	vor.u32 v8, v22  }
0x72: {  	v10 =	vld.idx.msk [tilespmem:v15+s3+$0x0], $0xffff;
	v15 =	vor.u32 v16, v20;
	v20 =	vand.u32 $0x38, v21;
	v16 =	vand.u32 $0x78, v17  }
0x73: {  	v8 =	vld.idx.msk [tilespmem:v14+s3+$0x0], $0xffff;
	v14 =	vand.u32 $0x6, v17;
	v22 =	vadd.s32 v4, v23;
	v16 =	vadd.s32 v4, v16  }
0x74: {  	v13 =	vld.idx.msk [tilespmem:v13+s3+$0x0], $0xffff;
	v17 =	vor.u32 v14, v16;
	v16 =	vor.u32 v24, v22;
	v22 =	vand.u32 $0x78, v19  }
0x75: {  	s30 =	simm.s32 $0x6;
	v14 =	vld.idx.msk [tilespmem:v18+s3+$0x0], $0xffff;
	v18 =	vand.u32 $0x7, v21;
	v19 =	vadd.s32 v4, v20;
	v20 =	vadd.s32 v4, v22  }
.LBB2_8:
0x76: {  	s0 =	sadd.s32 $0x1, s30  }
0x77: {  	v21 =	vmov s30;
	s1 =	sadd.s32 $0x2, s30;
	s6 =	sadd.s32 $0x3, s30;
	v18 =	vor.u32 v18, v19;
	v12 =	vor.u32 v12, v20;
	s8 =	smov.u32 s30  }
0x78: {  	s31 =	sadd.s32 $0x6, s30;
	v19 =	vadd.s32 $0x1E, v21;
	v20 =	vadd.s32 s0, v6;
	v21 =	vadd.s32 s1, v6;
	s10 =	sadd.s32 $0x4, s8;
	s11 =	sadd.s32 $0x5, s8;
	[tilespmem:v15+s16+$0x0] =	vst.idx.msk $0xffff, v10  }
0x79: {  	p0 =	slt.u32 s30, $0x18;
	v15 =	vand.u32 $0x38, v19;
	v22 =	vadd.s32 s10, v6;
	v10 =	vadd.s32 s11, v6;
	[tilespmem:v11+s16+$0x0] =	vst.idx.msk $0xffff, v9  }
0x7a: {  	v11 =	vadd.s32 s8, v6;
	v19 =	vand.u32 $0x6, v19;
	v9 =	vmov s1;
	[tilespmem:v17+s16+$0x0] =	vst.idx.msk $0xffff, v13  }
0x7b: {  	v23 =	vmov s11;
	v13 =	vmov s6;
	v17 =	vadd.s32 s6, v6;
	[tilespmem:v16+s16+$0x0] =	vst.idx.msk $0xffff, v14  }
0x7c: {  	v23 =	vadd.s32 $0x1E, v23;
	v14 =	vmov s0;
	v16 =	vmov s10;
	[tilespmem:v18+s16+$0x0] =	vst.idx.msk $0xffff, v7  }
0x7d: {  	v13 =	vadd.s32 $0x1E, v13;
	v18 =	vadd.s32 $0x1E, v16;
	v16 =	vand.u32 $0x78, v23;
	v7 =	vld.idx.msk [tilespmem:v20+s3+$0x0], $0xffff;
	[tilespmem:v12+s16+$0x0] =	vst.idx.msk $0xffff, v8  }
0x7e: {  	v20 =	vadd.s32 $0x1E, v14;
	v14 =	vadd.s32 $0x1E, v9;
	v16 =	vadd.s32 v4, v16;
	v9 =	vld.idx.msk [tilespmem:v10+s3+$0x0], $0xffff  }
0x7f: {  	v24 =	vand.u32 $0x78, v13;
	v12 =	vand.u32 $0x6, v18;
	v10 =	vld.idx.msk [tilespmem:v11+s3+$0x0], $0xffff;
	v11 =	vand.u32 $0x7, v23  }
.Ltmp2:
0x80: {  	v15 =	vadd.s32 v4, v15;
	v23 =	vand.u32 $0x7, v13;
	v8 =	vld.idx.msk [tilespmem:v22+s3+$0x0], $0xffff;
	v11 =	vor.u32 v11, v16;
	(pc) =	sbr.rel @p0 .LBB2_8-.Ltmp2, $4  }
0x81: {  	v15 =	vor.u32 v19, v15;
	v19 =	vand.u32 $0x38, v20;
	v16 =	vand.u32 $0x78, v14;
	v13 =	vld.idx.msk [tilespmem:v21+s3+$0x0], $0xffff  }
0x82: {  	v22 =	vadd.s32 v4, v24;
	v21 =	vand.u32 $0x6, v14;
	v16 =	vadd.s32 v4, v16;
	v14 =	vld.idx.msk [tilespmem:v17+s3+$0x0], $0xffff  }
0x83: {  	v17 =	vor.u32 v21, v16;
	v16 =	vor.u32 v23, v22;
	v21 =	vand.u32 $0x78, v18  }
0x84: {  	s30 =	smov.u32 s31;
	v19 =	vadd.s32 v4, v19;
	v18 =	vand.u32 $0x7, v20;
	v20 =	vadd.s32 v4, v21  }
0x85: {  	_ =	sdelay $0x2  }
0x86: {  	v6 =	vor.u32 v18, v19  }
0x87: {  	v12 =	vor.u32 v12, v20;
	[tilespmem:v15+s16+$0x0] =	vst.idx.msk $0xffff, v10  }
0x88: {  	[tilespmem:v11+s16+$0x0] =	vst.idx.msk $0xffff, v9;
	v9 =	vor.u32 $0x2, v5  }
0x89: {  	[tilespmem:v17+s16+$0x0] =	vst.idx.msk $0xffff, v13  }
0x8a: {  	[tilespmem:v16+s16+$0x0] =	vst.idx.msk $0xffff, v14  }
0x8b: {  	[tilespmem:v6+s16+$0x0] =	vst.idx.msk $0xffff, v7  }
0x8c: {  	[tilespmem:v12+s16+$0x0] =	vst.idx.msk $0xffff, v8  }
0x8d: {  	v6 =	vld.idx.msk [tilespmem:v9+s12+$0x0], $0xffff;
	_ =	sdelay $0x4  }
0x8e: {  	s8 =	simm.s32 $0x4;
	s11 =	simm.s32 $0x3;
	v6 =	vand.u32 $0xFF, v6  }
0x8f: {  	s1 =	simm.s32 $0x1;
	v11 =	vmov s11;
	v19 =	vmov s8;
	v6 =	vmul.u32 $0x1E, v6  }
0x90: {  	v17 =	vmov s1;
	v11 =	vadd.s32 $0x3C, v11;
	v19 =	vadd.s32 $0x3C, v19  }
0x91: {  	s0 =	simm.s32 $0x0;
	v21 =	vadd.s32 $0x3C, v17;
	v23 =	vand.u32 $0x78, v11;
	v6 =	vadd.s32 $0x3C00, v6  }
0x92: {  	s10 =	simm.s32 $0x5;
	v24 =	vand.u32 $0x7, v11;
	v7 =	vmov s0;
	v8 =	vadd.s32 s1, v6  }
0x93: {  	v12 =	vmov s10;
	v7 =	vadd.s32 $0x3C, v7;
	v9 =	vadd.s32 s10, v6  }
0x94: {  	s6 =	simm.s32 $0x2;
	v20 =	vadd.s32 $0x3C, v12;
	v10 =	vand.u32 $0x78, v7;
	v15 =	vadd.s32 s0, v6  }
0x95: {  	v16 =	vand.u32 $0x6, v7;
	v7 =	vmov s6;
	v14 =	vadd.s32 s8, v6  }
0x96: {  	v12 =	vand.u32 $0x78, v20;
	v17 =	vadd.s32 $0x3C, v7;
	v13 =	vadd.s32 s6, v6  }
0x97: {  	v22 =	vadd.s32 v4, v12;
	v18 =	vadd.s32 s11, v6;
	v7 =	vld.idx.msk [tilespmem:v8+s3+$0x0], $0xffff;
	v8 =	vand.u32 $0x7, v20  }
0x98: {  	v12 =	vand.u32 $0x6, v19;
	v9 =	vld.idx.msk [tilespmem:v9+s3+$0x0], $0xffff;
	v20 =	vadd.s32 v4, v10;
	v11 =	vor.u32 v8, v22  }
0x99: {  	v10 =	vld.idx.msk [tilespmem:v15+s3+$0x0], $0xffff;
	v15 =	vor.u32 v16, v20;
	v20 =	vand.u32 $0x78, v21;
	v16 =	vand.u32 $0x78, v17  }
0x9a: {  	v8 =	vld.idx.msk [tilespmem:v14+s3+$0x0], $0xffff;
	v14 =	vand.u32 $0x6, v17;
	v22 =	vadd.s32 v4, v23;
	v16 =	vadd.s32 v4, v16  }
0x9b: {  	v13 =	vld.idx.msk [tilespmem:v13+s3+$0x0], $0xffff;
	v17 =	vor.u32 v14, v16;
	v16 =	vor.u32 v24, v22;
	v22 =	vand.u32 $0x78, v19  }
0x9c: {  	s30 =	simm.s32 $0x6;
	v14 =	vld.idx.msk [tilespmem:v18+s3+$0x0], $0xffff;
	v18 =	vand.u32 $0x7, v21;
	v19 =	vadd.s32 v4, v20;
	v20 =	vadd.s32 v4, v22  }
.LBB2_10:
0x9d: {  	s0 =	sadd.s32 $0x1, s30  }
0x9e: {  	v21 =	vmov s30;
	s1 =	sadd.s32 $0x2, s30;
	s6 =	sadd.s32 $0x3, s30;
	v18 =	vor.u32 v18, v19;
	v12 =	vor.u32 v12, v20;
	s8 =	smov.u32 s30  }
0x9f: {  	s31 =	sadd.s32 $0x6, s30;
	v19 =	vadd.s32 $0x3C, v21;
	v20 =	vadd.s32 s0, v6;
	v21 =	vadd.s32 s1, v6;
	s10 =	sadd.s32 $0x4, s8;
	s11 =	sadd.s32 $0x5, s8;
	[tilespmem:v15+s16+$0x0] =	vst.idx.msk $0xffff, v10  }
0xa0: {  	p0 =	slt.u32 s30, $0x18;
	v15 =	vand.u32 $0x78, v19;
	v22 =	vadd.s32 s10, v6;
	v10 =	vadd.s32 s11, v6;
	[tilespmem:v11+s16+$0x0] =	vst.idx.msk $0xffff, v9  }
0xa1: {  	v11 =	vadd.s32 s8, v6;
	v19 =	vand.u32 $0x6, v19;
	v9 =	vmov s1;
	[tilespmem:v17+s16+$0x0] =	vst.idx.msk $0xffff, v13  }
0xa2: {  	v23 =	vmov s11;
	v13 =	vmov s6;
	v17 =	vadd.s32 s6, v6;
	[tilespmem:v16+s16+$0x0] =	vst.idx.msk $0xffff, v14  }
0xa3: {  	v23 =	vadd.s32 $0x3C, v23;
	v14 =	vmov s0;
	v16 =	vmov s10;
	[tilespmem:v18+s16+$0x0] =	vst.idx.msk $0xffff, v7  }
0xa4: {  	v13 =	vadd.s32 $0x3C, v13;
	v18 =	vadd.s32 $0x3C, v16;
	v16 =	vand.u32 $0x78, v23;
	v7 =	vld.idx.msk [tilespmem:v20+s3+$0x0], $0xffff;
	[tilespmem:v12+s16+$0x0] =	vst.idx.msk $0xffff, v8  }
0xa5: {  	v20 =	vadd.s32 $0x3C, v14;
	v14 =	vadd.s32 $0x3C, v9;
	v16 =	vadd.s32 v4, v16;
	v9 =	vld.idx.msk [tilespmem:v10+s3+$0x0], $0xffff  }
0xa6: {  	v24 =	vand.u32 $0x78, v13;
	v12 =	vand.u32 $0x6, v18;
	v10 =	vld.idx.msk [tilespmem:v11+s3+$0x0], $0xffff;
	v11 =	vand.u32 $0x7, v23  }
.Ltmp3:
0xa7: {  	v15 =	vadd.s32 v4, v15;
	v23 =	vand.u32 $0x7, v13;
	v8 =	vld.idx.msk [tilespmem:v22+s3+$0x0], $0xffff;
	v11 =	vor.u32 v11, v16;
	(pc) =	sbr.rel @p0 .LBB2_10-.Ltmp3, $4  }
0xa8: {  	v15 =	vor.u32 v19, v15;
	v19 =	vand.u32 $0x78, v20;
	v16 =	vand.u32 $0x78, v14;
	v13 =	vld.idx.msk [tilespmem:v21+s3+$0x0], $0xffff  }
0xa9: {  	v22 =	vadd.s32 v4, v24;
	v21 =	vand.u32 $0x6, v14;
	v16 =	vadd.s32 v4, v16;
	v14 =	vld.idx.msk [tilespmem:v17+s3+$0x0], $0xffff  }
0xaa: {  	v17 =	vor.u32 v21, v16;
	v16 =	vor.u32 v23, v22;
	v21 =	vand.u32 $0x78, v18  }
0xab: {  	s30 =	smov.u32 s31;
	v19 =	vadd.s32 v4, v19;
	v18 =	vand.u32 $0x7, v20;
	v20 =	vadd.s32 v4, v21  }
0xac: {  	_ =	sdelay $0x2  }
0xad: {  	v6 =	vor.u32 v18, v19  }
0xae: {  	v12 =	vor.u32 v12, v20;
	[tilespmem:v15+s16+$0x0] =	vst.idx.msk $0xffff, v10  }
0xaf: {  	[tilespmem:v11+s16+$0x0] =	vst.idx.msk $0xffff, v9;
	v9 =	vor.u32 $0x3, v5  }
0xb0: {  	[tilespmem:v17+s16+$0x0] =	vst.idx.msk $0xffff, v13  }
0xb1: {  	[tilespmem:v16+s16+$0x0] =	vst.idx.msk $0xffff, v14  }
0xb2: {  	[tilespmem:v6+s16+$0x0] =	vst.idx.msk $0xffff, v7  }
0xb3: {  	[tilespmem:v12+s16+$0x0] =	vst.idx.msk $0xffff, v8  }
0xb4: {  	v6 =	vld.idx.msk [tilespmem:v9+s12+$0x0], $0xffff;
	_ =	sdelay $0x4  }
0xb5: {  	s8 =	simm.s32 $0x4;
	s11 =	simm.s32 $0x3;
	v6 =	vand.u32 $0xFF, v6  }
0xb6: {  	s1 =	simm.s32 $0x1;
	v11 =	vmov s11;
	v19 =	vmov s8;
	v6 =	vmul.u32 $0x1E, v6  }
0xb7: {  	v17 =	vmov s1;
	v11 =	vadd.s32 $0x5A, v11;
	v19 =	vadd.s32 $0x5A, v19  }
0xb8: {  	s0 =	simm.s32 $0x0;
	v21 =	vadd.s32 $0x5A, v17;
	v23 =	vand.u32 $0xF8, v11;
	v6 =	vadd.s32 $0x5A00, v6  }
0xb9: {  	s10 =	simm.s32 $0x5;
	v24 =	vand.u32 $0x7, v11;
	v7 =	vmov s0;
	v8 =	vadd.s32 s1, v6  }
0xba: {  	v12 =	vmov s10;
	v7 =	vadd.s32 $0x5A, v7;
	v9 =	vadd.s32 s10, v6  }
0xbb: {  	s6 =	simm.s32 $0x2;
	v20 =	vadd.s32 $0x5A, v12;
	v10 =	vand.u32 $0x78, v7;
	v15 =	vadd.s32 s0, v6  }
0xbc: {  	v16 =	vand.u32 $0x6, v7;
	v7 =	vmov s6;
	v14 =	vadd.s32 s8, v6  }
0xbd: {  	v12 =	vand.u32 $0xF8, v20;
	v17 =	vadd.s32 $0x5A, v7;
	v13 =	vadd.s32 s6, v6  }
0xbe: {  	v22 =	vadd.s32 v4, v12;
	v18 =	vadd.s32 s11, v6;
	v7 =	vld.idx.msk [tilespmem:v8+s3+$0x0], $0xffff;
	v8 =	vand.u32 $0x7, v20  }
0xbf: {  	v12 =	vand.u32 $0x6, v19;
	v9 =	vld.idx.msk [tilespmem:v9+s3+$0x0], $0xffff;
	v20 =	vadd.s32 v4, v10;
	v11 =	vor.u32 v8, v22  }
0xc0: {  	v10 =	vld.idx.msk [tilespmem:v15+s3+$0x0], $0xffff;
	v15 =	vor.u32 v16, v20;
	v20 =	vand.u32 $0x78, v21;
	v16 =	vand.u32 $0xF8, v17  }
0xc1: {  	v8 =	vld.idx.msk [tilespmem:v14+s3+$0x0], $0xffff;
	v14 =	vand.u32 $0x6, v17;
	v22 =	vadd.s32 v4, v23;
	v16 =	vadd.s32 v4, v16  }
0xc2: {  	v13 =	vld.idx.msk [tilespmem:v13+s3+$0x0], $0xffff;
	v17 =	vor.u32 v14, v16;
	v16 =	vor.u32 v24, v22;
	v22 =	vand.u32 $0xF8, v19  }
0xc3: {  	s30 =	simm.s32 $0x6;
	v14 =	vld.idx.msk [tilespmem:v18+s3+$0x0], $0xffff;
	v18 =	vand.u32 $0x7, v21;
	v19 =	vadd.s32 v4, v20;
	v20 =	vadd.s32 v4, v22  }
.LBB2_12:
0xc4: {  	s0 =	sadd.s32 $0x1, s30  }
0xc5: {  	v21 =	vmov s30;
	s1 =	sadd.s32 $0x2, s30;
	s6 =	sadd.s32 $0x3, s30;
	v18 =	vor.u32 v18, v19;
	v12 =	vor.u32 v12, v20;
	s8 =	smov.u32 s30  }
0xc6: {  	s31 =	sadd.s32 $0x6, s30;
	v19 =	vadd.s32 $0x5A, v21;
	v20 =	vadd.s32 s0, v6;
	v21 =	vadd.s32 s1, v6;
	s10 =	sadd.s32 $0x4, s8;
	s11 =	sadd.s32 $0x5, s8;
	[tilespmem:v15+s16+$0x0] =	vst.idx.msk $0xffff, v10  }
0xc7: {  	p0 =	slt.u32 s30, $0x18;
	v15 =	vand.u32 $0x78, v19;
	v22 =	vadd.s32 s10, v6;
	v10 =	vadd.s32 s11, v6;
	[tilespmem:v11+s16+$0x0] =	vst.idx.msk $0xffff, v9  }
0xc8: {  	v11 =	vadd.s32 s8, v6;
	v19 =	vand.u32 $0x6, v19;
	v9 =	vmov s1;
	[tilespmem:v17+s16+$0x0] =	vst.idx.msk $0xffff, v13  }
0xc9: {  	v23 =	vmov s11;
	v13 =	vmov s6;
	v17 =	vadd.s32 s6, v6;
	[tilespmem:v16+s16+$0x0] =	vst.idx.msk $0xffff, v14  }
0xca: {  	v23 =	vadd.s32 $0x5A, v23;
	v14 =	vmov s0;
	v16 =	vmov s10;
	[tilespmem:v18+s16+$0x0] =	vst.idx.msk $0xffff, v7  }
0xcb: {  	v13 =	vadd.s32 $0x5A, v13;
	v18 =	vadd.s32 $0x5A, v16;
	v16 =	vand.u32 $0xF8, v23;
	v7 =	vld.idx.msk [tilespmem:v20+s3+$0x0], $0xffff;
	[tilespmem:v12+s16+$0x0] =	vst.idx.msk $0xffff, v8  }
0xcc: {  	v20 =	vadd.s32 $0x5A, v14;
	v14 =	vadd.s32 $0x5A, v9;
	v16 =	vadd.s32 v4, v16;
	v9 =	vld.idx.msk [tilespmem:v10+s3+$0x0], $0xffff  }
0xcd: {  	v24 =	vand.u32 $0xF8, v13;
	v12 =	vand.u32 $0x6, v18;
	v10 =	vld.idx.msk [tilespmem:v11+s3+$0x0], $0xffff;
	v11 =	vand.u32 $0x7, v23  }
.Ltmp4:
0xce: {  	v15 =	vadd.s32 v4, v15;
	v23 =	vand.u32 $0x7, v13;
	v8 =	vld.idx.msk [tilespmem:v22+s3+$0x0], $0xffff;
	v11 =	vor.u32 v11, v16;
	(pc) =	sbr.rel @p0 .LBB2_12-.Ltmp4, $4  }
0xcf: {  	v15 =	vor.u32 v19, v15;
	v19 =	vand.u32 $0x78, v20;
	v16 =	vand.u32 $0xF8, v14;
	v13 =	vld.idx.msk [tilespmem:v21+s3+$0x0], $0xffff  }
0xd0: {  	v22 =	vadd.s32 v4, v24;
	v21 =	vand.u32 $0x6, v14;
	v16 =	vadd.s32 v4, v16;
	v14 =	vld.idx.msk [tilespmem:v17+s3+$0x0], $0xffff  }
0xd1: {  	v17 =	vor.u32 v21, v16;
	v16 =	vor.u32 v23, v22;
	v21 =	vand.u32 $0xF8, v18  }
0xd2: {  	s30 =	smov.u32 s31;
	v19 =	vadd.s32 v4, v19;
	v18 =	vand.u32 $0x7, v20;
	v20 =	vadd.s32 v4, v21  }
0xd3: {  	_ =	sdelay $0x2  }
0xd4: {  	v6 =	vor.u32 v18, v19  }
0xd5: {  	v12 =	vor.u32 v12, v20;
	[tilespmem:v15+s16+$0x0] =	vst.idx.msk $0xffff, v10  }
0xd6: {  	[tilespmem:v11+s16+$0x0] =	vst.idx.msk $0xffff, v9;
	v9 =	vor.u32 $0x4, v5  }
0xd7: {  	[tilespmem:v17+s16+$0x0] =	vst.idx.msk $0xffff, v13  }
0xd8: {  	[tilespmem:v16+s16+$0x0] =	vst.idx.msk $0xffff, v14  }
0xd9: {  	[tilespmem:v6+s16+$0x0] =	vst.idx.msk $0xffff, v7  }
0xda: {  	[tilespmem:v12+s16+$0x0] =	vst.idx.msk $0xffff, v8  }
0xdb: {  	v6 =	vld.idx.msk [tilespmem:v9+s12+$0x0], $0xffff;
	_ =	sdelay $0x4  }
0xdc: {  	s8 =	simm.s32 $0x4;
	v6 =	vand.u32 $0xFF, v6  }
0xdd: {  	s0 =	simm.s32 $0x1;
	s6 =	simm.s32 $0x3;
	s10 =	simm.s32 $0x5;
	v11 =	vmov s8;
	v6 =	vmul.u32 $0x1E, v6  }
0xde: {  	s1 =	simm.s32 $0x2;
	s11 =	simm.s32 $0xB;
	v13 =	vmov s0;
	v15 =	vmov s10;
	v17 =	vmov s6  }
0xdf: {  	v26 =	vmov s11;
	v14 =	vmov s1;
	v7 =	vadd.s32 $0x7800, v6  }
0xe0: {  	v16 =	vand.u32 $0x18, v13;
	v19 =	vand.u32 $0x38, v17;
	v9 =	vadd.s32 s1, v7  }
0xe1: {  	v13 =	vand.u32 $0x7, v13;
	v21 =	vand.u32 $0x38, v15;
	v8 =	vadd.s32 s0, v7  }
0xe2: {  	v15 =	vand.u32 $0x7, v15;
	v17 =	vand.u32 $0x7, v17;
	v12 =	vadd.s32 s8, v7  }
0xe3: {  	v20 =	vand.u32 $0x38, v14;
	v6 =	vadd.s32 $0x78, v4;
	v18 =	vadd.s32 s10, v7  }
0xe4: {  	v14 =	vand.u32 $0x6, v14;
	v10 =	vadd.s32 s6, v7;
	v20 =	vadd.s32 v20, v6  }
0xe5: {  	v16 =	vadd.s32 v16, v6;
	v14 =	vor.u32 v14, v20;
	v20 =	vand.u32 $0x38, v11;
	v9 =	vld.idx.msk [tilespmem:v9+s3+$0x0], $0xffff  }
0xe6: {  	v13 =	vor.u32 v13, v16;
	v11 =	vand.u32 $0x6, v11;
	v16 =	vadd.s32 v20, v6;
	v8 =	vld.idx.msk [tilespmem:v8+s3+$0x0], $0xffff  }
0xe7: {  	v21 =	vadd.s32 v21, v6;
	s8 =	simm.s32 $0x0;
	v19 =	vadd.s32 v19, v6;
	v11 =	vor.u32 v11, v16;
	v12 =	vld.idx.msk [tilespmem:v12+s3+$0x0], $0xffff  }
0xe8: {  	s1 =	simm.s32 $0x7;
	s6 =	simm.s32 $0x8;
	s10 =	simm.s32 $0xA;
	v15 =	vor.u32 v15, v21;
	v17 =	vor.u32 v17, v19;
	v20 =	vadd.s32 s8, v7;
	v18 =	vld.idx.msk [tilespmem:v18+s3+$0x0], $0xffff  }
0xe9: {  	s0 =	simm.s32 $0x9;
	v19 =	vadd.s32 s1, v7;
	v21 =	vadd.s32 s6, v7;
	v24 =	vmov s10  }
0xea: {  	v23 =	vadd.s32 s0, v7;
	v27 =	vmov s0;
	v16 =	vmov s8;
	v10 =	vld.idx.msk [tilespmem:v10+s3+$0x0], $0xffff;
	[tilespmem:v14+s16+$0x0] =	vst.idx.msk $0xffff, v9  }
0xeb: {  	v25 =	vadd.s32 s10, v7;
	v29 =	vand.u32 $0x38, v27;
	v22 =	vand.u32 $0x6, v16;
	[tilespmem:v13+s16+$0x0] =	vst.idx.msk $0xffff, v8  }
0xec: {  	v9 =	vmov s1;
	v14 =	vmov s6;
	v13 =	vadd.s32 s11, v7;
	[tilespmem:v11+s16+$0x0] =	vst.idx.msk $0xffff, v12  }
0xed: {  	v11 =	vld.idx.msk [tilespmem:v20+s3+$0x0], $0xffff;
	[tilespmem:v15+s16+$0x0] =	vst.idx.msk $0xffff, v18;
	v15 =	vand.u32 $0x38, v26;
	v18 =	vand.u32 $0x7, v26;
	v8 =	vand.u32 $0x18, v9  }
0xee: {  	v12 =	vld.idx.msk [tilespmem:v19+s3+$0x0], $0xffff;
	v20 =	vadd.s32 v29, v6;
	v19 =	vadd.s32 v15, v6;
	v28 =	vadd.s32 v8, v6  }
0xef: {  	[tilespmem:v17+s16+$0x0] =	vst.idx.msk $0xffff, v10;
	v8 =	vand.u32 $0x18, v16;
	v16 =	vand.u32 $0x7, v9;
	v9 =	vand.u32 $0x38, v14  }
0xf0: {  	v10 =	vld.idx.msk [tilespmem:v21+s3+$0x0], $0xffff;
	v14 =	vand.u32 $0x6, v14;
	v8 =	vadd.s32 v8, v6;
	v9 =	vadd.s32 v9, v6  }
0xf1: {  	v17 =	vor.u32 v22, v8;
	v15 =	vor.u32 v14, v9;
	v14 =	vand.u32 $0x38, v24;
	v8 =	vld.idx.msk [tilespmem:v13+s3+$0x0], $0xffff  }
0xf2: {  	v9 =	vor.u32 v18, v19;
	v18 =	vand.u32 $0x6, v24;
	v13 =	vld.idx.msk [tilespmem:v25+s3+$0x0], $0xffff;
	v21 =	vadd.s32 v14, v6  }
0xf3: {  	s30 =	simm.s32 $0x6;
	s31 =	simm.s32 $0xC;
	v16 =	vor.u32 v16, v28;
	v19 =	vand.u32 $0x7, v27;
	v14 =	vld.idx.msk [tilespmem:v23+s3+$0x0], $0xffff;
	v18 =	vor.u32 v18, v21  }
.LBB2_14:
0xf4: {  	s0 =	sadd.s32 $0x1, s31  }
0xf5: {  	s1 =	sadd.s32 $0x2, s31;
	v21 =	vmov s30;
	v22 =	vadd.s32 s30, v7;
	v19 =	vor.u32 v19, v20;
	s30 =	smov.u32 s31;
	s6 =	sadd.s32 $0x6, s31  }
0xf6: {  	v20 =	vadd.s32 s0, v7;
	v23 =	vadd.s32 s1, v7;
	s8 =	sadd.s32 $0x3, s30;
	s10 =	sadd.s32 $0x4, s30;
	s11 =	sadd.s32 $0x5, s30;
	v24 =	vand.u32 $0x6, v21;
	[tilespmem:v17+s16+$0x0] =	vst.idx.msk $0xffff, v11  }
0xf7: {  	p0 =	slt.u32 s31, $0x18;
	v25 =	vadd.s32 s8, v7;
	v26 =	vmov s10;
	v27 =	vadd.s32 s10, v7;
	[tilespmem:v15+s16+$0x0] =	vst.idx.msk $0xffff, v10  }
0xf8: {  	v10 =	vmov s0;
	v15 =	vmov s1;
	v17 =	vmov s11;
	[tilespmem:v16+s16+$0x0] =	vst.idx.msk $0xffff, v12  }
0xf9: {  	v28 =	vmov s8;
	v11 =	vand.u32 $0x18, v10;
	v16 =	vadd.s32 s11, v7;
	[tilespmem:v18+s16+$0x0] =	vst.idx.msk $0xffff, v13  }
0xfa: {  	v12 =	vand.u32 $0x18, v21;
	v13 =	vadd.s32 v11, v6;
	v18 =	vand.u32 $0x38, v28;
	[tilespmem:v19+s16+$0x0] =	vst.idx.msk $0xffff, v14  }
0xfb: {  	v21 =	vadd.s32 v12, v6;
	v14 =	vand.u32 $0x7, v10;
	v19 =	vand.u32 $0x38, v15;
	v11 =	vld.idx.msk [tilespmem:v22+s3+$0x0], $0xffff;
	[tilespmem:v9+s16+$0x0] =	vst.idx.msk $0xffff, v8  }
.Ltmp5:
0xfc: {  	v8 =	vand.u32 $0x6, v15;
	v9 =	vand.u32 $0x38, v17;
	v22 =	vand.u32 $0x7, v17;
	v10 =	vld.idx.msk [tilespmem:v23+s3+$0x0], $0xffff;
	(pc) =	sbr.rel @p0 .LBB2_14-.Ltmp5, $4  }
0xfd: {  	v15 =	vadd.s32 v19, v6;
	v17 =	vor.u32 v24, v21;
	v9 =	vadd.s32 v9, v6;
	v12 =	vld.idx.msk [tilespmem:v20+s3+$0x0], $0xffff  }
0xfe: {  	v19 =	vand.u32 $0x38, v26;
	v15 =	vor.u32 v8, v15;
	v9 =	vor.u32 v22, v9;
	v8 =	vld.idx.msk [tilespmem:v16+s3+$0x0], $0xffff  }
0xff: {  	v21 =	vand.u32 $0x6, v26;
	v22 =	vadd.s32 v19, v6;
	v16 =	vor.u32 v14, v13;
	v13 =	vld.idx.msk [tilespmem:v27+s3+$0x0], $0xffff  }
0x100: {  	s31 =	smov.u32 s6;
	v19 =	vand.u32 $0x7, v28;
	v20 =	vadd.s32 v18, v6;
	v18 =	vor.u32 v21, v22;
	v14 =	vld.idx.msk [tilespmem:v25+s3+$0x0], $0xffff  }
0x101: {  	v7 =	vadd.s32 s30, v7;
	_ =	sdelay $0x1  }
0x102: {  	v21 =	vmov s30  }
0x103: {  	v19 =	vor.u32 v19, v20;
	v20 =	vand.u32 $0x18, v21  }
0x104: {  	[tilespmem:v17+s16+$0x0] =	vst.idx.msk $0xffff, v11;
	v21 =	vand.u32 $0x6, v21;
	v6 =	vadd.s32 v20, v6  }
0x105: {  	[tilespmem:v15+s16+$0x0] =	vst.idx.msk $0xffff, v10;
	v6 =	vor.u32 v21, v6;
	v7 =	vld.idx.msk [tilespmem:v7+s3+$0x0], $0xffff  }
0x106: {  	v10 =	vor.u32 $0x5, v5;
	[tilespmem:v16+s16+$0x0] =	vst.idx.msk $0xffff, v12  }
0x107: {  	[tilespmem:v9+s16+$0x0] =	vst.idx.msk $0xffff, v8  }
0x108: {  	[tilespmem:v18+s16+$0x0] =	vst.idx.msk $0xffff, v13  }
0x109: {  	[tilespmem:v19+s16+$0x0] =	vst.idx.msk $0xffff, v14  }
0x10a: {  	[tilespmem:v6+s16+$0x0] =	vst.idx.msk $0xffff, v7  }
0x10b: {  	v6 =	vld.idx.msk [tilespmem:v10+s12+$0x0], $0xffff;
	_ =	sdelay $0x4  }
0x10c: {  	s10 =	simm.s32 $0x5;
	s11 =	simm.s32 $0x3;
	v6 =	vand.u32 $0xFF, v6  }
0x10d: {  	s1 =	simm.s32 $0x1;
	v11 =	vmov s11;
	v12 =	vmov s10;
	v6 =	vmul.u32 $0x1E, v6  }
0x10e: {  	v17 =	vmov s1;
	v20 =	vadd.s32 $0x96, v12;
	v11 =	vadd.s32 $0x96, v11  }
0x10f: {  	v12 =	vand.u32 $0xF8, v20;
	v21 =	vadd.s32 $0x96, v17;
	v6 =	vadd.s32 $0x9600, v6  }
0x110: {  	s0 =	simm.s32 $0x0;
	v23 =	vand.u32 $0xF8, v11;
	v24 =	vand.u32 $0x7, v11;
	v8 =	vadd.s32 s1, v6  }
0x111: {  	s8 =	simm.s32 $0x4;
	v22 =	vadd.s32 v4, v12;
	v7 =	vmov s0;
	v9 =	vadd.s32 s10, v6  }
0x112: {  	v19 =	vmov s8;
	v7 =	vadd.s32 $0x96, v7;
	v15 =	vadd.s32 s0, v6  }
0x113: {  	s6 =	simm.s32 $0x2;
	v19 =	vadd.s32 $0x96, v19;
	v10 =	vand.u32 $0xB8, v7;
	v14 =	vadd.s32 s8, v6  }
0x114: {  	v16 =	vand.u32 $0x6, v7;
	v7 =	vmov s6;
	v13 =	vadd.s32 s6, v6  }
0x115: {  	v17 =	vadd.s32 $0x96, v7;
	v18 =	vadd.s32 s11, v6;
	v7 =	vld.idx.msk [tilespmem:v8+s3+$0x0], $0xffff;
	v8 =	vand.u32 $0x7, v20  }
0x116: {  	v12 =	vand.u32 $0x6, v19;
	v9 =	vld.idx.msk [tilespmem:v9+s3+$0x0], $0xffff;
	v20 =	vadd.s32 v4, v10;
	v11 =	vor.u32 v8, v22  }
0x117: {  	v10 =	vld.idx.msk [tilespmem:v15+s3+$0x0], $0xffff;
	v15 =	vor.u32 v16, v20;
	v20 =	vand.u32 $0xB8, v21;
	v16 =	vand.u32 $0xF8, v17  }
0x118: {  	v8 =	vld.idx.msk [tilespmem:v14+s3+$0x0], $0xffff;
	v14 =	vand.u32 $0x6, v17;
	v22 =	vadd.s32 v4, v23;
	v16 =	vadd.s32 v4, v16  }
0x119: {  	v13 =	vld.idx.msk [tilespmem:v13+s3+$0x0], $0xffff;
	v17 =	vor.u32 v14, v16;
	v16 =	vor.u32 v24, v22;
	v22 =	vand.u32 $0xF8, v19  }
0x11a: {  	s30 =	simm.s32 $0x6;
	v14 =	vld.idx.msk [tilespmem:v18+s3+$0x0], $0xffff;
	v18 =	vand.u32 $0x7, v21;
	v19 =	vadd.s32 v4, v20;
	v20 =	vadd.s32 v4, v22  }
.LBB2_16:
0x11b: {  	s0 =	sadd.s32 $0x1, s30  }
0x11c: {  	v21 =	vmov s30;
	s1 =	sadd.s32 $0x2, s30;
	s6 =	sadd.s32 $0x3, s30;
	v18 =	vor.u32 v18, v19;
	v12 =	vor.u32 v12, v20;
	s8 =	smov.u32 s30  }
0x11d: {  	s31 =	sadd.s32 $0x6, s30;
	v19 =	vadd.s32 $0x96, v21;
	v20 =	vadd.s32 s0, v6;
	v21 =	vadd.s32 s1, v6;
	s10 =	sadd.s32 $0x4, s8;
	s11 =	sadd.s32 $0x5, s8;
	[tilespmem:v15+s16+$0x0] =	vst.idx.msk $0xffff, v10  }
0x11e: {  	p0 =	slt.u32 s30, $0x18;
	v15 =	vand.u32 $0xB8, v19;
	v22 =	vadd.s32 s10, v6;
	v10 =	vadd.s32 s11, v6;
	[tilespmem:v11+s16+$0x0] =	vst.idx.msk $0xffff, v9  }
0x11f: {  	v11 =	vadd.s32 s8, v6;
	v19 =	vand.u32 $0x6, v19;
	v9 =	vmov s1;
	[tilespmem:v17+s16+$0x0] =	vst.idx.msk $0xffff, v13  }
0x120: {  	v23 =	vmov s11;
	v13 =	vmov s6;
	v17 =	vadd.s32 s6, v6;
	[tilespmem:v16+s16+$0x0] =	vst.idx.msk $0xffff, v14  }
0x121: {  	v23 =	vadd.s32 $0x96, v23;
	v14 =	vmov s0;
	v16 =	vmov s10;
	[tilespmem:v18+s16+$0x0] =	vst.idx.msk $0xffff, v7  }
0x122: {  	v13 =	vadd.s32 $0x96, v13;
	v18 =	vadd.s32 $0x96, v16;
	v16 =	vand.u32 $0xF8, v23;
	v7 =	vld.idx.msk [tilespmem:v20+s3+$0x0], $0xffff;
	[tilespmem:v12+s16+$0x0] =	vst.idx.msk $0xffff, v8  }
0x123: {  	v20 =	vadd.s32 $0x96, v14;
	v14 =	vadd.s32 $0x96, v9;
	v16 =	vadd.s32 v4, v16;
	v9 =	vld.idx.msk [tilespmem:v10+s3+$0x0], $0xffff  }
0x124: {  	v24 =	vand.u32 $0xF8, v13;
	v12 =	vand.u32 $0x6, v18;
	v10 =	vld.idx.msk [tilespmem:v11+s3+$0x0], $0xffff;
	v11 =	vand.u32 $0x7, v23  }
.Ltmp6:
0x125: {  	v15 =	vadd.s32 v4, v15;
	v23 =	vand.u32 $0x7, v13;
	v8 =	vld.idx.msk [tilespmem:v22+s3+$0x0], $0xffff;
	v11 =	vor.u32 v11, v16;
	(pc) =	sbr.rel @p0 .LBB2_16-.Ltmp6, $4  }
0x126: {  	v15 =	vor.u32 v19, v15;
	v19 =	vand.u32 $0xB8, v20;
	v16 =	vand.u32 $0xF8, v14;
	v13 =	vld.idx.msk [tilespmem:v21+s3+$0x0], $0xffff  }
0x127: {  	v22 =	vadd.s32 v4, v24;
	v21 =	vand.u32 $0x6, v14;
	v16 =	vadd.s32 v4, v16;
	v14 =	vld.idx.msk [tilespmem:v17+s3+$0x0], $0xffff  }
0x128: {  	v17 =	vor.u32 v21, v16;
	v16 =	vor.u32 v23, v22;
	v21 =	vand.u32 $0xF8, v18  }
0x129: {  	s30 =	smov.u32 s31;
	v19 =	vadd.s32 v4, v19;
	v18 =	vand.u32 $0x7, v20;
	v20 =	vadd.s32 v4, v21  }
0x12a: {  	_ =	sdelay $0x2  }
0x12b: {  	v6 =	vor.u32 v18, v19  }
0x12c: {  	v12 =	vor.u32 v12, v20;
	[tilespmem:v15+s16+$0x0] =	vst.idx.msk $0xffff, v10  }
0x12d: {  	[tilespmem:v11+s16+$0x0] =	vst.idx.msk $0xffff, v9;
	v9 =	vor.u32 $0x6, v5  }
0x12e: {  	[tilespmem:v17+s16+$0x0] =	vst.idx.msk $0xffff, v13  }
0x12f: {  	[tilespmem:v16+s16+$0x0] =	vst.idx.msk $0xffff, v14  }
0x130: {  	[tilespmem:v6+s16+$0x0] =	vst.idx.msk $0xffff, v7  }
0x131: {  	[tilespmem:v12+s16+$0x0] =	vst.idx.msk $0xffff, v8  }
0x132: {  	v6 =	vld.idx.msk [tilespmem:v9+s12+$0x0], $0xffff;
	_ =	sdelay $0x4  }
0x133: {  	s8 =	simm.s32 $0x4;
	s11 =	simm.s32 $0x3;
	v6 =	vand.u32 $0xFF, v6  }
0x134: {  	s1 =	simm.s32 $0x1;
	v11 =	vmov s11;
	v19 =	vmov s8;
	v6 =	vmul.u32 $0x1E, v6  }
0x135: {  	v17 =	vmov s1;
	v11 =	vadd.s32 $0xB4, v11;
	v19 =	vadd.s32 $0xB4, v19  }
0x136: {  	s0 =	simm.s32 $0x0;
	v21 =	vadd.s32 $0xB4, v17;
	v23 =	vand.u32 $0xF8, v11;
	v6 =	vadd.s32 $0xB400, v6  }
0x137: {  	s10 =	simm.s32 $0x5;
	v24 =	vand.u32 $0x7, v11;
	v7 =	vmov s0;
	v8 =	vadd.s32 s1, v6  }
0x138: {  	v12 =	vmov s10;
	v7 =	vadd.s32 $0xB4, v7;
	v9 =	vadd.s32 s10, v6  }
0x139: {  	s6 =	simm.s32 $0x2;
	v20 =	vadd.s32 $0xB4, v12;
	v10 =	vand.u32 $0xF8, v7;
	v15 =	vadd.s32 s0, v6  }
0x13a: {  	v16 =	vand.u32 $0x6, v7;
	v7 =	vmov s6;
	v14 =	vadd.s32 s8, v6  }
0x13b: {  	v12 =	vand.u32 $0xF8, v20;
	v17 =	vadd.s32 $0xB4, v7;
	v13 =	vadd.s32 s6, v6  }
0x13c: {  	v22 =	vadd.s32 v4, v12;
	v18 =	vadd.s32 s11, v6;
	v7 =	vld.idx.msk [tilespmem:v8+s3+$0x0], $0xffff;
	v8 =	vand.u32 $0x7, v20  }
0x13d: {  	v12 =	vand.u32 $0x6, v19;
	v9 =	vld.idx.msk [tilespmem:v9+s3+$0x0], $0xffff;
	v20 =	vadd.s32 v4, v10;
	v11 =	vor.u32 v8, v22  }
0x13e: {  	v10 =	vld.idx.msk [tilespmem:v15+s3+$0x0], $0xffff;
	v15 =	vor.u32 v16, v20;
	v20 =	vand.u32 $0xF8, v21;
	v16 =	vand.u32 $0xF8, v17  }
0x13f: {  	v8 =	vld.idx.msk [tilespmem:v14+s3+$0x0], $0xffff;
	v14 =	vand.u32 $0x6, v17;
	v22 =	vadd.s32 v4, v23;
	v16 =	vadd.s32 v4, v16  }
0x140: {  	v13 =	vld.idx.msk [tilespmem:v13+s3+$0x0], $0xffff;
	v17 =	vor.u32 v14, v16;
	v16 =	vor.u32 v24, v22;
	v22 =	vand.u32 $0xF8, v19  }
0x141: {  	s30 =	simm.s32 $0x6;
	v14 =	vld.idx.msk [tilespmem:v18+s3+$0x0], $0xffff;
	v18 =	vand.u32 $0x7, v21;
	v19 =	vadd.s32 v4, v20;
	v20 =	vadd.s32 v4, v22  }
.LBB2_18:
0x142: {  	s0 =	sadd.s32 $0x1, s30  }
0x143: {  	v21 =	vmov s30;
	s1 =	sadd.s32 $0x2, s30;
	s6 =	sadd.s32 $0x3, s30;
	v18 =	vor.u32 v18, v19;
	v12 =	vor.u32 v12, v20;
	s8 =	smov.u32 s30  }
0x144: {  	s31 =	sadd.s32 $0x6, s30;
	v19 =	vadd.s32 $0xB4, v21;
	v20 =	vadd.s32 s0, v6;
	v21 =	vadd.s32 s1, v6;
	s10 =	sadd.s32 $0x4, s8;
	s11 =	sadd.s32 $0x5, s8;
	[tilespmem:v15+s16+$0x0] =	vst.idx.msk $0xffff, v10  }
0x145: {  	p0 =	slt.u32 s30, $0x18;
	v15 =	vand.u32 $0xF8, v19;
	v22 =	vadd.s32 s10, v6;
	v10 =	vadd.s32 s11, v6;
	[tilespmem:v11+s16+$0x0] =	vst.idx.msk $0xffff, v9  }
0x146: {  	v11 =	vadd.s32 s8, v6;
	v19 =	vand.u32 $0x6, v19;
	v9 =	vmov s1;
	[tilespmem:v17+s16+$0x0] =	vst.idx.msk $0xffff, v13  }
0x147: {  	v23 =	vmov s11;
	v13 =	vmov s6;
	v17 =	vadd.s32 s6, v6;
	[tilespmem:v16+s16+$0x0] =	vst.idx.msk $0xffff, v14  }
0x148: {  	v23 =	vadd.s32 $0xB4, v23;
	v14 =	vmov s0;
	v16 =	vmov s10;
	[tilespmem:v18+s16+$0x0] =	vst.idx.msk $0xffff, v7  }
0x149: {  	v13 =	vadd.s32 $0xB4, v13;
	v18 =	vadd.s32 $0xB4, v16;
	v16 =	vand.u32 $0xF8, v23;
	v7 =	vld.idx.msk [tilespmem:v20+s3+$0x0], $0xffff;
	[tilespmem:v12+s16+$0x0] =	vst.idx.msk $0xffff, v8  }
0x14a: {  	v20 =	vadd.s32 $0xB4, v14;
	v14 =	vadd.s32 $0xB4, v9;
	v16 =	vadd.s32 v4, v16;
	v9 =	vld.idx.msk [tilespmem:v10+s3+$0x0], $0xffff  }
0x14b: {  	v24 =	vand.u32 $0xF8, v13;
	v12 =	vand.u32 $0x6, v18;
	v10 =	vld.idx.msk [tilespmem:v11+s3+$0x0], $0xffff;
	v11 =	vand.u32 $0x7, v23  }
.Ltmp7:
0x14c: {  	v15 =	vadd.s32 v4, v15;
	v23 =	vand.u32 $0x7, v13;
	v8 =	vld.idx.msk [tilespmem:v22+s3+$0x0], $0xffff;
	v11 =	vor.u32 v11, v16;
	(pc) =	sbr.rel @p0 .LBB2_18-.Ltmp7, $4  }
0x14d: {  	v15 =	vor.u32 v19, v15;
	v19 =	vand.u32 $0xF8, v20;
	v16 =	vand.u32 $0xF8, v14;
	v13 =	vld.idx.msk [tilespmem:v21+s3+$0x0], $0xffff  }
0x14e: {  	v22 =	vadd.s32 v4, v24;
	v21 =	vand.u32 $0x6, v14;
	v16 =	vadd.s32 v4, v16;
	v14 =	vld.idx.msk [tilespmem:v17+s3+$0x0], $0xffff  }
0x14f: {  	v17 =	vor.u32 v21, v16;
	v16 =	vor.u32 v23, v22;
	v21 =	vand.u32 $0xF8, v18  }
0x150: {  	s30 =	smov.u32 s31;
	v19 =	vadd.s32 v4, v19;
	v18 =	vand.u32 $0x7, v20;
	v20 =	vadd.s32 v4, v21  }
0x151: {  	_ =	sdelay $0x2  }
0x152: {  	v6 =	vor.u32 v18, v19  }
0x153: {  	v12 =	vor.u32 v12, v20;
	[tilespmem:v15+s16+$0x0] =	vst.idx.msk $0xffff, v10  }
0x154: {  	[tilespmem:v11+s16+$0x0] =	vst.idx.msk $0xffff, v9;
	v9 =	vor.u32 $0x7, v5  }
0x155: {  	[tilespmem:v17+s16+$0x0] =	vst.idx.msk $0xffff, v13  }
0x156: {  	[tilespmem:v16+s16+$0x0] =	vst.idx.msk $0xffff, v14  }
0x157: {  	[tilespmem:v6+s16+$0x0] =	vst.idx.msk $0xffff, v7  }
0x158: {  	[tilespmem:v12+s16+$0x0] =	vst.idx.msk $0xffff, v8  }
0x159: {  	v6 =	vld.idx.msk [tilespmem:v9+s12+$0x0], $0xffff;
	_ =	sdelay $0x4  }
0x15a: {  	s8 =	simm.s32 $0x4;
	s11 =	simm.s32 $0x3;
	v6 =	vand.u32 $0xFF, v6  }
0x15b: {  	s1 =	simm.s32 $0x1;
	v11 =	vmov s11;
	v19 =	vmov s8;
	v6 =	vmul.u32 $0x1E, v6  }
0x15c: {  	v17 =	vmov s1;
	v11 =	vadd.s32 $0xD2, v11;
	v19 =	vadd.s32 $0xD2, v19  }
0x15d: {  	s0 =	simm.s32 $0x0;
	v21 =	vadd.s32 $0xD2, v17;
	v23 =	vand.u32 $0x1F8, v11;
	v6 =	vadd.s32 $0xD200, v6  }
0x15e: {  	s10 =	simm.s32 $0x5;
	v24 =	vand.u32 $0x7, v11;
	v7 =	vmov s0;
	v8 =	vadd.s32 s1, v6  }
0x15f: {  	v12 =	vmov s10;
	v7 =	vadd.s32 $0xD2, v7;
	v9 =	vadd.s32 s10, v6  }
0x160: {  	s6 =	simm.s32 $0x2;
	v20 =	vadd.s32 $0xD2, v12;
	v10 =	vand.u32 $0xF8, v7;
	v15 =	vadd.s32 s0, v6  }
0x161: {  	v16 =	vand.u32 $0x6, v7;
	v7 =	vmov s6;
	v14 =	vadd.s32 s8, v6  }
0x162: {  	v12 =	vand.u32 $0x1F8, v20;
	v17 =	vadd.s32 $0xD2, v7;
	v13 =	vadd.s32 s6, v6  }
0x163: {  	v22 =	vadd.s32 v4, v12;
	v18 =	vadd.s32 s11, v6;
	v7 =	vld.idx.msk [tilespmem:v8+s3+$0x0], $0xffff;
	v8 =	vand.u32 $0x7, v20  }
0x164: {  	v12 =	vand.u32 $0x6, v19;
	v9 =	vld.idx.msk [tilespmem:v9+s3+$0x0], $0xffff;
	v20 =	vadd.s32 v4, v10;
	v11 =	vor.u32 v8, v22  }
0x165: {  	v10 =	vld.idx.msk [tilespmem:v15+s3+$0x0], $0xffff;
	v15 =	vor.u32 v16, v20;
	v20 =	vand.u32 $0xF8, v21;
	v16 =	vand.u32 $0x1F8, v17  }
0x166: {  	v8 =	vld.idx.msk [tilespmem:v14+s3+$0x0], $0xffff;
	v14 =	vand.u32 $0x6, v17;
	v22 =	vadd.s32 v4, v23;
	v16 =	vadd.s32 v4, v16  }
0x167: {  	v13 =	vld.idx.msk [tilespmem:v13+s3+$0x0], $0xffff;
	v17 =	vor.u32 v14, v16;
	v16 =	vor.u32 v24, v22;
	v22 =	vand.u32 $0x1F8, v19  }
0x168: {  	s30 =	simm.s32 $0x6;
	v14 =	vld.idx.msk [tilespmem:v18+s3+$0x0], $0xffff;
	v18 =	vand.u32 $0x7, v21;
	v19 =	vadd.s32 v4, v20;
	v20 =	vadd.s32 v4, v22  }
.LBB2_20:
0x169: {  	s0 =	sadd.s32 $0x1, s30  }
0x16a: {  	v21 =	vmov s30;
	s1 =	sadd.s32 $0x2, s30;
	s6 =	sadd.s32 $0x3, s30;
	v18 =	vor.u32 v18, v19;
	v12 =	vor.u32 v12, v20;
	s8 =	smov.u32 s30  }
0x16b: {  	s31 =	sadd.s32 $0x6, s30;
	v19 =	vadd.s32 $0xD2, v21;
	v20 =	vadd.s32 s0, v6;
	v21 =	vadd.s32 s1, v6;
	s10 =	sadd.s32 $0x4, s8;
	s11 =	sadd.s32 $0x5, s8;
	[tilespmem:v15+s16+$0x0] =	vst.idx.msk $0xffff, v10  }
0x16c: {  	p0 =	slt.u32 s30, $0x18;
	v15 =	vand.u32 $0xF8, v19;
	v22 =	vadd.s32 s10, v6;
	v10 =	vadd.s32 s11, v6;
	[tilespmem:v11+s16+$0x0] =	vst.idx.msk $0xffff, v9  }
0x16d: {  	v11 =	vadd.s32 s8, v6;
	v19 =	vand.u32 $0x6, v19;
	v9 =	vmov s1;
	[tilespmem:v17+s16+$0x0] =	vst.idx.msk $0xffff, v13  }
0x16e: {  	v23 =	vmov s11;
	v13 =	vmov s6;
	v17 =	vadd.s32 s6, v6;
	[tilespmem:v16+s16+$0x0] =	vst.idx.msk $0xffff, v14  }
0x16f: {  	v23 =	vadd.s32 $0xD2, v23;
	v14 =	vmov s0;
	v16 =	vmov s10;
	[tilespmem:v18+s16+$0x0] =	vst.idx.msk $0xffff, v7  }
0x170: {  	v13 =	vadd.s32 $0xD2, v13;
	v18 =	vadd.s32 $0xD2, v16;
	v16 =	vand.u32 $0x1F8, v23;
	v7 =	vld.idx.msk [tilespmem:v20+s3+$0x0], $0xffff;
	[tilespmem:v12+s16+$0x0] =	vst.idx.msk $0xffff, v8  }
0x171: {  	v20 =	vadd.s32 $0xD2, v14;
	v14 =	vadd.s32 $0xD2, v9;
	v16 =	vadd.s32 v4, v16;
	v9 =	vld.idx.msk [tilespmem:v10+s3+$0x0], $0xffff  }
0x172: {  	v24 =	vand.u32 $0x1F8, v13;
	v12 =	vand.u32 $0x6, v18;
	v10 =	vld.idx.msk [tilespmem:v11+s3+$0x0], $0xffff;
	v11 =	vand.u32 $0x7, v23  }
.Ltmp8:
0x173: {  	v15 =	vadd.s32 v4, v15;
	v23 =	vand.u32 $0x7, v13;
	v8 =	vld.idx.msk [tilespmem:v22+s3+$0x0], $0xffff;
	v11 =	vor.u32 v11, v16;
	(pc) =	sbr.rel @p0 .LBB2_20-.Ltmp8, $4  }
0x174: {  	v15 =	vor.u32 v19, v15;
	v19 =	vand.u32 $0xF8, v20;
	v16 =	vand.u32 $0x1F8, v14;
	v13 =	vld.idx.msk [tilespmem:v21+s3+$0x0], $0xffff  }
0x175: {  	v22 =	vadd.s32 v4, v24;
	v21 =	vand.u32 $0x6, v14;
	v16 =	vadd.s32 v4, v16;
	v14 =	vld.idx.msk [tilespmem:v17+s3+$0x0], $0xffff  }
0x176: {  	v17 =	vor.u32 v21, v16;
	v16 =	vor.u32 v23, v22;
	v21 =	vand.u32 $0x1F8, v18  }
0x177: {  	s30 =	smov.u32 s31;
	v19 =	vadd.s32 v4, v19;
	v18 =	vand.u32 $0x7, v20;
	v20 =	vadd.s32 v4, v21  }
0x178: {  	_ =	sdelay $0x2  }
0x179: {  	v6 =	vor.u32 v18, v19  }
0x17a: {  	v12 =	vor.u32 v12, v20;
	[tilespmem:v15+s16+$0x0] =	vst.idx.msk $0xffff, v10  }
0x17b: {  	[tilespmem:v11+s16+$0x0] =	vst.idx.msk $0xffff, v9;
	v9 =	vor.u32 $0x8, v5  }
0x17c: {  	[tilespmem:v17+s16+$0x0] =	vst.idx.msk $0xffff, v13  }
0x17d: {  	[tilespmem:v16+s16+$0x0] =	vst.idx.msk $0xffff, v14  }
0x17e: {  	[tilespmem:v6+s16+$0x0] =	vst.idx.msk $0xffff, v7  }
0x17f: {  	[tilespmem:v12+s16+$0x0] =	vst.idx.msk $0xffff, v8  }
0x180: {  	v6 =	vld.idx.msk [tilespmem:v9+s12+$0x0], $0xffff;
	_ =	sdelay $0x4  }
0x181: {  	s8 =	simm.s32 $0x4;
	v6 =	vand.u32 $0xFF, v6  }
0x182: {  	s0 =	simm.s32 $0x1;
	s6 =	simm.s32 $0x3;
	s10 =	simm.s32 $0x5;
	v11 =	vmov s8;
	v6 =	vmul.u32 $0x1E, v6  }
0x183: {  	s1 =	simm.s32 $0x2;
	s11 =	simm.s32 $0xB;
	v13 =	vmov s0;
	v15 =	vmov s10;
	v17 =	vmov s6  }
0x184: {  	v26 =	vmov s11;
	v14 =	vmov s1;
	v7 =	vadd.s32 $0xF000, v6  }
0x185: {  	v16 =	vand.u32 $0x18, v13;
	v19 =	vand.u32 $0x38, v17;
	v9 =	vadd.s32 s1, v7  }
0x186: {  	v13 =	vand.u32 $0x7, v13;
	v21 =	vand.u32 $0x38, v15;
	v8 =	vadd.s32 s0, v7  }
0x187: {  	v15 =	vand.u32 $0x7, v15;
	v17 =	vand.u32 $0x7, v17;
	v12 =	vadd.s32 s8, v7  }
0x188: {  	v20 =	vand.u32 $0x38, v14;
	v6 =	vadd.s32 $0xF0, v4;
	v18 =	vadd.s32 s10, v7  }
0x189: {  	v14 =	vand.u32 $0x6, v14;
	v10 =	vadd.s32 s6, v7;
	v20 =	vadd.s32 v20, v6  }
0x18a: {  	v16 =	vadd.s32 v16, v6;
	v14 =	vor.u32 v14, v20;
	v20 =	vand.u32 $0x38, v11;
	v9 =	vld.idx.msk [tilespmem:v9+s3+$0x0], $0xffff  }
0x18b: {  	v13 =	vor.u32 v13, v16;
	v11 =	vand.u32 $0x6, v11;
	v16 =	vadd.s32 v20, v6;
	v8 =	vld.idx.msk [tilespmem:v8+s3+$0x0], $0xffff  }
0x18c: {  	v21 =	vadd.s32 v21, v6;
	s8 =	simm.s32 $0x0;
	v19 =	vadd.s32 v19, v6;
	v11 =	vor.u32 v11, v16;
	v12 =	vld.idx.msk [tilespmem:v12+s3+$0x0], $0xffff  }
0x18d: {  	s1 =	simm.s32 $0x7;
	s6 =	simm.s32 $0x8;
	s10 =	simm.s32 $0xA;
	v15 =	vor.u32 v15, v21;
	v17 =	vor.u32 v17, v19;
	v20 =	vadd.s32 s8, v7;
	v18 =	vld.idx.msk [tilespmem:v18+s3+$0x0], $0xffff  }
0x18e: {  	s0 =	simm.s32 $0x9;
	v19 =	vadd.s32 s1, v7;
	v21 =	vadd.s32 s6, v7;
	v24 =	vmov s10  }
0x18f: {  	v23 =	vadd.s32 s0, v7;
	v27 =	vmov s0;
	v16 =	vmov s8;
	v10 =	vld.idx.msk [tilespmem:v10+s3+$0x0], $0xffff;
	[tilespmem:v14+s16+$0x0] =	vst.idx.msk $0xffff, v9  }
0x190: {  	v25 =	vadd.s32 s10, v7;
	v29 =	vand.u32 $0x38, v27;
	v22 =	vand.u32 $0x6, v16;
	[tilespmem:v13+s16+$0x0] =	vst.idx.msk $0xffff, v8  }
0x191: {  	v9 =	vmov s1;
	v14 =	vmov s6;
	v13 =	vadd.s32 s11, v7;
	[tilespmem:v11+s16+$0x0] =	vst.idx.msk $0xffff, v12  }
0x192: {  	v11 =	vld.idx.msk [tilespmem:v20+s3+$0x0], $0xffff;
	[tilespmem:v15+s16+$0x0] =	vst.idx.msk $0xffff, v18;
	v15 =	vand.u32 $0x38, v26;
	v18 =	vand.u32 $0x7, v26;
	v8 =	vand.u32 $0x18, v9  }
0x193: {  	v12 =	vld.idx.msk [tilespmem:v19+s3+$0x0], $0xffff;
	v20 =	vadd.s32 v29, v6;
	v19 =	vadd.s32 v15, v6;
	v28 =	vadd.s32 v8, v6  }
0x194: {  	[tilespmem:v17+s16+$0x0] =	vst.idx.msk $0xffff, v10;
	v8 =	vand.u32 $0x18, v16;
	v16 =	vand.u32 $0x7, v9;
	v9 =	vand.u32 $0x38, v14  }
0x195: {  	v10 =	vld.idx.msk [tilespmem:v21+s3+$0x0], $0xffff;
	v14 =	vand.u32 $0x6, v14;
	v8 =	vadd.s32 v8, v6;
	v9 =	vadd.s32 v9, v6  }
0x196: {  	v17 =	vor.u32 v22, v8;
	v15 =	vor.u32 v14, v9;
	v14 =	vand.u32 $0x38, v24;
	v8 =	vld.idx.msk [tilespmem:v13+s3+$0x0], $0xffff  }
0x197: {  	v9 =	vor.u32 v18, v19;
	v18 =	vand.u32 $0x6, v24;
	v13 =	vld.idx.msk [tilespmem:v25+s3+$0x0], $0xffff;
	v21 =	vadd.s32 v14, v6  }
0x198: {  	s30 =	simm.s32 $0x6;
	s31 =	simm.s32 $0xC;
	v16 =	vor.u32 v16, v28;
	v19 =	vand.u32 $0x7, v27;
	v14 =	vld.idx.msk [tilespmem:v23+s3+$0x0], $0xffff;
	v18 =	vor.u32 v18, v21  }
.LBB2_22:
0x199: {  	s0 =	sadd.s32 $0x1, s31  }
0x19a: {  	s1 =	sadd.s32 $0x2, s31;
	v21 =	vmov s30;
	v22 =	vadd.s32 s30, v7;
	v19 =	vor.u32 v19, v20;
	s30 =	smov.u32 s31;
	s6 =	sadd.s32 $0x6, s31  }
0x19b: {  	v20 =	vadd.s32 s0, v7;
	v23 =	vadd.s32 s1, v7;
	s8 =	sadd.s32 $0x3, s30;
	s10 =	sadd.s32 $0x4, s30;
	s11 =	sadd.s32 $0x5, s30;
	v24 =	vand.u32 $0x6, v21;
	[tilespmem:v17+s16+$0x0] =	vst.idx.msk $0xffff, v11  }
0x19c: {  	p0 =	slt.u32 s31, $0x18;
	v25 =	vadd.s32 s8, v7;
	v26 =	vmov s10;
	v27 =	vadd.s32 s10, v7;
	[tilespmem:v15+s16+$0x0] =	vst.idx.msk $0xffff, v10  }
0x19d: {  	v10 =	vmov s0;
	v15 =	vmov s1;
	v17 =	vmov s11;
	[tilespmem:v16+s16+$0x0] =	vst.idx.msk $0xffff, v12  }
0x19e: {  	v28 =	vmov s8;
	v11 =	vand.u32 $0x18, v10;
	v16 =	vadd.s32 s11, v7;
	[tilespmem:v18+s16+$0x0] =	vst.idx.msk $0xffff, v13  }
0x19f: {  	v12 =	vand.u32 $0x18, v21;
	v13 =	vadd.s32 v11, v6;
	v18 =	vand.u32 $0x38, v28;
	[tilespmem:v19+s16+$0x0] =	vst.idx.msk $0xffff, v14  }
0x1a0: {  	v21 =	vadd.s32 v12, v6;
	v14 =	vand.u32 $0x7, v10;
	v19 =	vand.u32 $0x38, v15;
	v11 =	vld.idx.msk [tilespmem:v22+s3+$0x0], $0xffff;
	[tilespmem:v9+s16+$0x0] =	vst.idx.msk $0xffff, v8  }
.Ltmp9:
0x1a1: {  	v8 =	vand.u32 $0x6, v15;
	v9 =	vand.u32 $0x38, v17;
	v22 =	vand.u32 $0x7, v17;
	v10 =	vld.idx.msk [tilespmem:v23+s3+$0x0], $0xffff;
	(pc) =	sbr.rel @p0 .LBB2_22-.Ltmp9, $4  }
0x1a2: {  	v15 =	vadd.s32 v19, v6;
	v17 =	vor.u32 v24, v21;
	v9 =	vadd.s32 v9, v6;
	v12 =	vld.idx.msk [tilespmem:v20+s3+$0x0], $0xffff  }
0x1a3: {  	v19 =	vand.u32 $0x38, v26;
	v15 =	vor.u32 v8, v15;
	v9 =	vor.u32 v22, v9;
	v8 =	vld.idx.msk [tilespmem:v16+s3+$0x0], $0xffff  }
0x1a4: {  	v21 =	vand.u32 $0x6, v26;
	v22 =	vadd.s32 v19, v6;
	v16 =	vor.u32 v14, v13;
	v13 =	vld.idx.msk [tilespmem:v27+s3+$0x0], $0xffff  }
0x1a5: {  	s31 =	smov.u32 s6;
	v19 =	vand.u32 $0x7, v28;
	v20 =	vadd.s32 v18, v6;
	v18 =	vor.u32 v21, v22;
	v14 =	vld.idx.msk [tilespmem:v25+s3+$0x0], $0xffff  }
0x1a6: {  	v7 =	vadd.s32 s30, v7;
	_ =	sdelay $0x1  }
0x1a7: {  	v21 =	vmov s30  }
0x1a8: {  	v19 =	vor.u32 v19, v20;
	v20 =	vand.u32 $0x18, v21  }
0x1a9: {  	[tilespmem:v17+s16+$0x0] =	vst.idx.msk $0xffff, v11;
	v21 =	vand.u32 $0x6, v21;
	v6 =	vadd.s32 v20, v6  }
0x1aa: {  	[tilespmem:v15+s16+$0x0] =	vst.idx.msk $0xffff, v10;
	v6 =	vor.u32 v21, v6;
	v7 =	vld.idx.msk [tilespmem:v7+s3+$0x0], $0xffff  }
0x1ab: {  	v5 =	vor.u32 $0x9, v5;
	[tilespmem:v16+s16+$0x0] =	vst.idx.msk $0xffff, v12  }
0x1ac: {  	[tilespmem:v9+s16+$0x0] =	vst.idx.msk $0xffff, v8  }
0x1ad: {  	[tilespmem:v18+s16+$0x0] =	vst.idx.msk $0xffff, v13  }
0x1ae: {  	[tilespmem:v19+s16+$0x0] =	vst.idx.msk $0xffff, v14  }
0x1af: {  	[tilespmem:v6+s16+$0x0] =	vst.idx.msk $0xffff, v7  }
0x1b0: {  	v5 =	vld.idx.msk [tilespmem:v5+s12+$0x0], $0xffff;
	_ =	sdelay $0x4  }
0x1b1: {  	s1 =	simm.s32 $0x1;
	s10 =	simm.s32 $0x5;
	v5 =	vand.u32 $0xFF, v5  }
0x1b2: {  	s11 =	simm.s32 $0x3;
	v15 =	vmov s10;
	v16 =	vmov s1;
	v5 =	vmul.u32 $0x1E, v5  }
0x1b3: {  	s8 =	simm.s32 $0x4;
	v12 =	vmov s11;
	v15 =	vadd.s32 $0x10E, v15;
	v20 =	vadd.s32 $0x10E, v16  }
0x1b4: {  	v18 =	vmov s8;
	v63 =	vand.u32 $0x138, v20;
	v5 =	vadd.s32 $0x10E00, v5  }
0x1b5: {  	s0 =	simm.s32 $0x0;
	v18 =	vadd.s32 $0x10E, v18;
	v19 =	vadd.s32 $0x10E, v12;
	v7 =	vadd.s32 s1, v5  }
0x1b6: {  	v12 =	vand.u32 $0x178, v15;
	v6 =	vmov s0;
	v8 =	vadd.s32 s10, v5  }
0x1b7: {  	v62 =	vadd.s32 v4, v12;
	v6 =	vadd.s32 $0x10E, v6;
	v10 =	vadd.s32 s0, v5  }
0x1b8: {  	s6 =	simm.s32 $0x2;
	v22 =	vand.u32 $0x178, v19;
	v9 =	vand.u32 $0x138, v6;
	v13 =	vadd.s32 s8, v5  }
0x1b9: {  	v14 =	vand.u32 $0x6, v6;
	v6 =	vmov s6;
	v11 =	vadd.s32 s6, v5  }
0x1ba: {  	v12 =	vand.u32 $0x6, v18;
	v16 =	vadd.s32 $0x10E, v6;
	v17 =	vadd.s32 s11, v5;
	v6 =	vld.idx.msk [tilespmem:v7+s3+$0x0], $0xffff  }
0x1bb: {  	v19 =	vand.u32 $0x7, v19;
	v7 =	vand.u32 $0x7, v15;
	v8 =	vld.idx.msk [tilespmem:v8+s3+$0x0], $0xffff;
	v15 =	vadd.s32 v4, v9  }
0x1bc: {  	v18 =	vand.u32 $0x178, v18;
	v10 =	vld.idx.msk [tilespmem:v10+s3+$0x0], $0xffff;
	v15 =	vor.u32 v14, v15;
	v14 =	vand.u32 $0x178, v16  }
0x1bd: {  	v9 =	vor.u32 v7, v62;
	v7 =	vld.idx.msk [tilespmem:v13+s3+$0x0], $0xffff;
	v13 =	vand.u32 $0x6, v16;
	v14 =	vadd.s32 v4, v14  }
0x1be: {  	v22 =	vadd.s32 v4, v22;
	v18 =	vadd.s32 v4, v18;
	v11 =	vld.idx.msk [tilespmem:v11+s3+$0x0], $0xffff;
	v16 =	vor.u32 v13, v14  }
0x1bf: {  	s30 =	simm.s32 $0x6;
	v14 =	vor.u32 v19, v22;
	v13 =	vld.idx.msk [tilespmem:v17+s3+$0x0], $0xffff;
	v17 =	vand.u32 $0x7, v20;
	v19 =	vadd.s32 v4, v63  }
.LBB2_24:
0x1c0: {  	s0 =	sadd.s32 $0x1, s30  }
0x1c1: {  	v20 =	vmov s30;
	s1 =	sadd.s32 $0x2, s30;
	s6 =	sadd.s32 $0x3, s30;
	v17 =	vor.u32 v17, v19;
	v12 =	vor.u32 v12, v18;
	s8 =	smov.u32 s30  }
0x1c2: {  	s31 =	sadd.s32 $0x6, s30;
	v18 =	vadd.s32 $0x10E, v20;
	v19 =	vadd.s32 s0, v5;
	v20 =	vadd.s32 s1, v5;
	s10 =	sadd.s32 $0x4, s8;
	s11 =	sadd.s32 $0x5, s8;
	[tilespmem:v15+s16+$0x0] =	vst.idx.msk $0xffff, v10  }
0x1c3: {  	p0 =	slt.u32 s30, $0x18;
	v15 =	vand.u32 $0x138, v18;
	v21 =	vadd.s32 s10, v5;
	v10 =	vadd.s32 s11, v5;
	[tilespmem:v9+s16+$0x0] =	vst.idx.msk $0xffff, v8  }
0x1c4: {  	v9 =	vadd.s32 s8, v5;
	v18 =	vand.u32 $0x6, v18;
	v8 =	vmov s1;
	[tilespmem:v16+s16+$0x0] =	vst.idx.msk $0xffff, v11  }
0x1c5: {  	v22 =	vmov s11;
	v11 =	vmov s6;
	v16 =	vadd.s32 s6, v5;
	[tilespmem:v14+s16+$0x0] =	vst.idx.msk $0xffff, v13  }
0x1c6: {  	v22 =	vadd.s32 $0x10E, v22;
	v13 =	vmov s0;
	v14 =	vmov s10;
	[tilespmem:v17+s16+$0x0] =	vst.idx.msk $0xffff, v6  }
0x1c7: {  	v11 =	vadd.s32 $0x10E, v11;
	v17 =	vadd.s32 $0x10E, v14;
	v14 =	vand.u32 $0x178, v22;
	v6 =	vld.idx.msk [tilespmem:v19+s3+$0x0], $0xffff;
	[tilespmem:v12+s16+$0x0] =	vst.idx.msk $0xffff, v7  }
0x1c8: {  	v19 =	vadd.s32 $0x10E, v13;
	v13 =	vadd.s32 $0x10E, v8;
	v14 =	vadd.s32 v4, v14;
	v8 =	vld.idx.msk [tilespmem:v10+s3+$0x0], $0xffff  }
0x1c9: {  	v23 =	vand.u32 $0x178, v11;
	v12 =	vand.u32 $0x6, v17;
	v10 =	vld.idx.msk [tilespmem:v9+s3+$0x0], $0xffff;
	v9 =	vand.u32 $0x7, v22  }
.Ltmp10:
0x1ca: {  	v15 =	vadd.s32 v4, v15;
	v22 =	vand.u32 $0x7, v11;
	v7 =	vld.idx.msk [tilespmem:v21+s3+$0x0], $0xffff;
	v9 =	vor.u32 v9, v14;
	(pc) =	sbr.rel @p0 .LBB2_24-.Ltmp10, $4  }
0x1cb: {  	v15 =	vor.u32 v18, v15;
	v18 =	vand.u32 $0x138, v19;
	v14 =	vand.u32 $0x178, v13;
	v11 =	vld.idx.msk [tilespmem:v20+s3+$0x0], $0xffff  }
0x1cc: {  	v21 =	vadd.s32 v4, v23;
	v20 =	vand.u32 $0x6, v13;
	v14 =	vadd.s32 v4, v14;
	v13 =	vld.idx.msk [tilespmem:v16+s3+$0x0], $0xffff  }
0x1cd: {  	v16 =	vor.u32 v20, v14;
	v14 =	vor.u32 v22, v21;
	v20 =	vand.u32 $0x178, v17  }
0x1ce: {  	s30 =	smov.u32 s31;
	v17 =	vand.u32 $0x7, v19;
	v19 =	vadd.s32 v4, v18;
	v18 =	vadd.s32 v4, v20  }
0x1cf: {  	s0 =	sand.u32 $0x2, s29  }
0x1d0: {  	s1 =	sshll.u32 s0, $0x4  }
0x1d1: {  	p0 =	seq.s32 s0, $0x0;
	s0 =	simm.s32 $0x10;
	s1 =	sor.u32 $0x10, s1  }
0x1d2: {  	s0 =	simm.s32 @!p0 $0x2;
	s6 =	sadd.s32 s1, s28  }
0x1d3: {  	v5 =	vor.u32 v17, v19;
	v4 =	vmov s0;
	v17 =	vmov s6  }
0x1d4: {  	v12 =	vor.u32 v12, v18;
	[tilespmem:v15+s16+$0x0] =	vst.idx.msk $0xffff, v10;
	vm0 =	vgt.u32 v4, v0;
	v4 =	vshll.u32 v17, $0x4  }
0x1d5: {  	[tilespmem:v9+s16+$0x0] =	vst.idx.msk $0xffff, v8;
	v4 =	vadd.s32 v1, v4  }
0x1d6: {  	[tilespmem:v16+s16+$0x0] =	vst.idx.msk $0xffff, v11  }
0x1d7: {  	[tilespmem:v14+s16+$0x0] =	vst.idx.msk $0xffff, v13  }
0x1d8: {  	[tilespmem:v5+s16+$0x0] =	vst.idx.msk $0xffff, v6  }
0x1d9: {  	[tilespmem:v12+s16+$0x0] =	vst.idx.msk $0xffff, v7  }
0x1da: {  	v5 =	vld.idx.msk [tilespmem:v4+s12+$0x0], vm0;
	_ =	sdelay $0x2  }
0x1db: {  	s11 =	simm.s32 $0x1;
	s8 =	simm.s32 $0x4  }
0x1dc: {  	s31 =	simm.s32 $0x3;
	v9 =	vmov s8;
	v11 =	vmov s11;
	v6 =	vmov s1  }
0x1dd: {  	s10 =	simm.s32 $0x5;
	v15 =	vmov s31;
	v6 =	vmul.u32 $0x130, v6;
	v5 =	vand.u32 $0xFF, v5  }
0x1de: {  	v13 =	vmov s10;
	v14 =	vand.u32 $0x18, v11;
	v5 =	vmul.u32 $0x1E, v5  }
0x1df: {  	s30 =	simm.s32 $0x2;
	v11 =	vand.u32 $0x7, v11;
	v19 =	vand.u32 $0x38, v13;
	v6 =	vbroadcast v6, $0x0  }
0x1e0: {  	v13 =	vand.u32 $0x7, v13;
	v12 =	vmov s30;
	v7 =	vadd.s32 s30, v5  }
0x1e1: {  	v17 =	vand.u32 $0x38, v15;
	v3 =	vadd.s32 v3, v6;
	v6 =	vadd.s32 s11, v5  }
0x1e2: {  	v15 =	vand.u32 $0x7, v15;
	v18 =	vand.u32 $0x38, v12;
	v10 =	vadd.s32 s8, v5  }
0x1e3: {  	v12 =	vand.u32 $0x6, v12;
	v3 =	vadd.s32 v2, v3;
	v16 =	vadd.s32 s10, v5  }
0x1e4: {  	v14 =	vadd.s32 v3, v14;
	v18 =	vadd.s32 v3, v18;
	v19 =	vadd.s32 v3, v19  }
0x1e5: {  	v12 =	vor.u32 v12, v18;
	v18 =	vand.u32 $0x38, v9;
	v8 =	vadd.s32 s31, v5;
	v7 =	vld.idx.msk [tilespmem:v7+s3+$0x0], $0xffff  }
0x1e6: {  	v11 =	vor.u32 v11, v14;
	v9 =	vand.u32 $0x6, v9;
	v14 =	vadd.s32 v3, v18;
	v6 =	vld.idx.msk [tilespmem:v6+s3+$0x0], $0xffff  }
0x1e7: {  	s1 =	simm.s32 $0x0;
	v17 =	vadd.s32 v3, v17;
	v13 =	vor.u32 v13, v19;
	v9 =	vor.u32 v9, v14;
	v10 =	vld.idx.msk [tilespmem:v10+s3+$0x0], $0xffff  }
0x1e8: {  	s6 =	simm.s32 $0x7;
	v15 =	vor.u32 v15, v17;
	v14 =	vmov s1;
	s10 =	simm.s32 $0x8;
	v18 =	vadd.s32 s1, v5;
	v16 =	vld.idx.msk [tilespmem:v16+s3+$0x0], $0xffff  }
0x1e9: {  	v20 =	vand.u32 $0x6, v14;
	v17 =	vadd.s32 s6, v5;
	s11 =	simm.s32 $0x9;
	s30 =	simm.s32 $0xA;
	v19 =	vadd.s32 s10, v5  }
0x1ea: {  	s31 =	simm.s32 $0xB;
	v21 =	vadd.s32 s11, v5;
	v22 =	vmov s30;
	v25 =	vmov s11;
	v8 =	vld.idx.msk [tilespmem:v8+s3+$0x0], $0xffff;
	[tilespmem:v12+s16+$0x0] =	vst.idx.msk vm0, v7  }
0x1eb: {  	v23 =	vadd.s32 s30, v5;
	v24 =	vmov s31;
	v27 =	vand.u32 $0x38, v25;
	[tilespmem:v11+s16+$0x0] =	vst.idx.msk vm0, v6  }
0x1ec: {  	v7 =	vmov s6;
	v12 =	vmov s10;
	v11 =	vadd.s32 s31, v5;
	[tilespmem:v9+s16+$0x0] =	vst.idx.msk vm0, v10  }
0x1ed: {  	v9 =	vld.idx.msk [tilespmem:v18+s3+$0x0], $0xffff;
	[tilespmem:v13+s16+$0x0] =	vst.idx.msk vm0, v16;
	v13 =	vand.u32 $0x38, v24;
	v16 =	vand.u32 $0x7, v24;
	v6 =	vand.u32 $0x18, v7  }
0x1ee: {  	v10 =	vld.idx.msk [tilespmem:v17+s3+$0x0], $0xffff;
	v18 =	vadd.s32 v3, v27;
	v17 =	vadd.s32 v3, v13;
	v26 =	vadd.s32 v3, v6  }
0x1ef: {  	[tilespmem:v15+s16+$0x0] =	vst.idx.msk vm0, v8;
	v6 =	vand.u32 $0x18, v14;
	v14 =	vand.u32 $0x7, v7;
	v7 =	vand.u32 $0x38, v12  }
0x1f0: {  	v8 =	vld.idx.msk [tilespmem:v19+s3+$0x0], $0xffff;
	v12 =	vand.u32 $0x6, v12;
	v6 =	vadd.s32 v3, v6;
	v7 =	vadd.s32 v3, v7  }
0x1f1: {  	v15 =	vor.u32 v20, v6;
	v13 =	vor.u32 v12, v7;
	v12 =	vand.u32 $0x38, v22;
	v6 =	vld.idx.msk [tilespmem:v11+s3+$0x0], $0xffff  }
0x1f2: {  	v7 =	vor.u32 v16, v17;
	v16 =	vand.u32 $0x6, v22;
	v11 =	vld.idx.msk [tilespmem:v23+s3+$0x0], $0xffff;
	v19 =	vadd.s32 v3, v12  }
0x1f3: {  	s29 =	simm.s32 $0xC;
	s28 =	simm.s32 $0x6;
	v14 =	vor.u32 v14, v26;
	v17 =	vand.u32 $0x7, v25;
	v12 =	vld.idx.msk [tilespmem:v21+s3+$0x0], $0xffff;
	v16 =	vor.u32 v16, v19  }
.LBB2_26:
0x1f4: {  	s0 =	sadd.s32 $0x1, s29  }
0x1f5: {  	s1 =	sadd.s32 $0x2, s29;
	v19 =	vmov s28;
	v20 =	vadd.s32 s28, v5;
	v17 =	vor.u32 v17, v18;
	s28 =	smov.u32 s29;
	s6 =	sadd.s32 $0x6, s29  }
0x1f6: {  	v18 =	vadd.s32 s0, v5;
	v21 =	vadd.s32 s1, v5;
	s8 =	sadd.s32 $0x3, s28;
	s10 =	sadd.s32 $0x4, s28;
	s11 =	sadd.s32 $0x5, s28;
	v22 =	vand.u32 $0x6, v19;
	[tilespmem:v15+s16+$0x0] =	vst.idx.msk vm0, v9  }
0x1f7: {  	p0 =	slt.u32 s29, $0x18;
	v23 =	vadd.s32 s8, v5;
	v24 =	vmov s10;
	v25 =	vadd.s32 s10, v5;
	[tilespmem:v13+s16+$0x0] =	vst.idx.msk vm0, v8  }
0x1f8: {  	v8 =	vmov s0;
	v13 =	vmov s1;
	v15 =	vmov s11;
	[tilespmem:v14+s16+$0x0] =	vst.idx.msk vm0, v10  }
0x1f9: {  	v26 =	vmov s8;
	v9 =	vand.u32 $0x18, v8;
	v14 =	vadd.s32 s11, v5;
	[tilespmem:v16+s16+$0x0] =	vst.idx.msk vm0, v11  }
0x1fa: {  	v10 =	vand.u32 $0x18, v19;
	v11 =	vadd.s32 v3, v9;
	v16 =	vand.u32 $0x38, v26;
	[tilespmem:v17+s16+$0x0] =	vst.idx.msk vm0, v12  }
0x1fb: {  	v19 =	vadd.s32 v3, v10;
	v12 =	vand.u32 $0x7, v8;
	v17 =	vand.u32 $0x38, v13;
	v9 =	vld.idx.msk [tilespmem:v20+s3+$0x0], $0xffff;
	[tilespmem:v7+s16+$0x0] =	vst.idx.msk vm0, v6  }
.Ltmp11:
0x1fc: {  	v6 =	vand.u32 $0x6, v13;
	v7 =	vand.u32 $0x38, v15;
	v20 =	vand.u32 $0x7, v15;
	v8 =	vld.idx.msk [tilespmem:v21+s3+$0x0], $0xffff;
	(pc) =	sbr.rel @p0 .LBB2_26-.Ltmp11, $4  }
0x1fd: {  	v13 =	vadd.s32 v3, v17;
	v15 =	vor.u32 v22, v19;
	v7 =	vadd.s32 v3, v7;
	v10 =	vld.idx.msk [tilespmem:v18+s3+$0x0], $0xffff  }
0x1fe: {  	v17 =	vand.u32 $0x38, v24;
	v13 =	vor.u32 v6, v13;
	v7 =	vor.u32 v20, v7;
	v6 =	vld.idx.msk [tilespmem:v14+s3+$0x0], $0xffff  }
0x1ff: {  	v19 =	vand.u32 $0x6, v24;
	v20 =	vadd.s32 v3, v17;
	v14 =	vor.u32 v12, v11;
	v11 =	vld.idx.msk [tilespmem:v25+s3+$0x0], $0xffff  }
0x200: {  	s29 =	smov.u32 s6;
	v17 =	vand.u32 $0x7, v26;
	v18 =	vadd.s32 v3, v16;
	v16 =	vor.u32 v19, v20;
	v12 =	vld.idx.msk [tilespmem:v23+s3+$0x0], $0xffff  }
0x201: {  	_ = 	snop  }
0x202: {  	v5 =	vadd.s32 s28, v5;
	_ =	sdelay $0x1  }
0x203: {  	v19 =	vmov s28  }
0x204: {  	v17 =	vor.u32 v17, v18;
	v18 =	vand.u32 $0x18, v19  }
0x205: {  	[tilespmem:v15+s16+$0x0] =	vst.idx.msk vm0, v9;
	v19 =	vand.u32 $0x6, v19;
	v9 =	vadd.s32 v3, v18  }
0x206: {  	[tilespmem:v13+s16+$0x0] =	vst.idx.msk vm0, v8;
	v8 =	vor.u32 v19, v9;
	v5 =	vld.idx.msk [tilespmem:v5+s3+$0x0], $0xffff  }
0x207: {  	[tilespmem:v14+s16+$0x0] =	vst.idx.msk vm0, v10;
	v9 =	vor.u32 $0x1, v4  }
0x208: {  	[tilespmem:v7+s16+$0x0] =	vst.idx.msk vm0, v6  }
0x209: {  	[tilespmem:v16+s16+$0x0] =	vst.idx.msk vm0, v11  }
0x20a: {  	[tilespmem:v17+s16+$0x0] =	vst.idx.msk vm0, v12  }
0x20b: {  	[tilespmem:v8+s16+$0x0] =	vst.idx.msk vm0, v5  }
0x20c: {  	v5 =	vld.idx.msk [tilespmem:v9+s12+$0x0], vm0;
	_ =	sdelay $0x4  }
0x20d: {  	s0 =	simm.s32 $0x0;
	s11 =	simm.s32 $0x3;
	v5 =	vand.u32 $0xFF, v5  }
0x20e: {  	s8 =	simm.s32 $0x4;
	v10 =	vmov s11;
	v6 =	vmov s0;
	v5 =	vmul.u32 $0x1E, v5  }
0x20f: {  	s1 =	simm.s32 $0x1;
	s10 =	simm.s32 $0x5;
	v18 =	vmov s8;
	v10 =	vadd.s32 $0x1E, v10;
	v6 =	vadd.s32 $0x1E, v6  }
0x210: {  	v11 =	vmov s10;
	v16 =	vmov s1;
	v5 =	vadd.s32 $0x1E00, v5  }
0x211: {  	v18 =	vadd.s32 $0x1E, v18;
	v22 =	vand.u32 $0x78, v10;
	v7 =	vadd.s32 s1, v5  }
0x212: {  	v23 =	vand.u32 $0x7, v10;
	v15 =	vand.u32 $0x6, v6;
	v8 =	vadd.s32 s10, v5  }
0x213: {  	v19 =	vadd.s32 $0x1E, v11;
	v20 =	vadd.s32 $0x1E, v16;
	v14 =	vadd.s32 s0, v5  }
0x214: {  	s6 =	simm.s32 $0x2;
	v62 =	vadd.s32 v3, v22;
	v63 =	vand.u32 $0x78, v18;
	v13 =	vadd.s32 s8, v5  }
0x215: {  	v9 =	vand.u32 $0x38, v6;
	v6 =	vmov s6;
	v12 =	vadd.s32 s6, v5  }
0x216: {  	v11 =	vand.u32 $0x78, v19;
	v16 =	vadd.s32 $0x1E, v6;
	v17 =	vadd.s32 s11, v5;
	v6 =	vld.idx.msk [tilespmem:v7+s3+$0x0], $0xffff  }
0x217: {  	v21 =	vadd.s32 v3, v11;
	v7 =	vand.u32 $0x7, v19;
	v8 =	vld.idx.msk [tilespmem:v8+s3+$0x0], $0xffff;
	v19 =	vadd.s32 v3, v9  }
0x218: {  	v11 =	vand.u32 $0x6, v18;
	v9 =	vld.idx.msk [tilespmem:v14+s3+$0x0], $0xffff;
	v10 =	vor.u32 v7, v21;
	v14 =	vor.u32 v15, v19  }
0x219: {  	v19 =	vand.u32 $0x38, v20;
	v15 =	vand.u32 $0x78, v16;
	v7 =	vld.idx.msk [tilespmem:v13+s3+$0x0], $0xffff;
	v13 =	vand.u32 $0x6, v16  }
0x21a: {  	v12 =	vld.idx.msk [tilespmem:v12+s3+$0x0], $0xffff;
	v15 =	vadd.s32 v3, v15;
	v18 =	vadd.s32 v3, v19;
	v19 =	vadd.s32 v3, v63  }
0x21b: {  	s28 =	simm.s32 $0x6;
	v16 =	vor.u32 v13, v15;
	v15 =	vor.u32 v23, v62;
	v13 =	vld.idx.msk [tilespmem:v17+s3+$0x0], $0xffff;
	v17 =	vand.u32 $0x7, v20  }
.LBB2_28:
0x21c: {  	s0 =	sadd.s32 $0x1, s28  }
0x21d: {  	v20 =	vmov s28;
	s1 =	sadd.s32 $0x2, s28;
	s6 =	sadd.s32 $0x3, s28;
	v17 =	vor.u32 v17, v18;
	v11 =	vor.u32 v11, v19;
	s8 =	smov.u32 s28  }
0x21e: {  	s29 =	sadd.s32 $0x6, s28;
	v18 =	vadd.s32 $0x1E, v20;
	v19 =	vadd.s32 s0, v5;
	v20 =	vadd.s32 s1, v5;
	s10 =	sadd.s32 $0x4, s8;
	s11 =	sadd.s32 $0x5, s8;
	[tilespmem:v14+s16+$0x0] =	vst.idx.msk vm0, v9  }
0x21f: {  	p0 =	slt.u32 s28, $0x18;
	v14 =	vand.u32 $0x38, v18;
	v21 =	vadd.s32 s10, v5;
	v9 =	vadd.s32 s11, v5;
	[tilespmem:v10+s16+$0x0] =	vst.idx.msk vm0, v8  }
0x220: {  	v10 =	vadd.s32 s8, v5;
	v18 =	vand.u32 $0x6, v18;
	v8 =	vmov s1;
	[tilespmem:v16+s16+$0x0] =	vst.idx.msk vm0, v12  }
0x221: {  	v22 =	vmov s11;
	v12 =	vmov s6;
	v16 =	vadd.s32 s6, v5;
	[tilespmem:v15+s16+$0x0] =	vst.idx.msk vm0, v13  }
0x222: {  	v22 =	vadd.s32 $0x1E, v22;
	v13 =	vmov s0;
	v15 =	vmov s10;
	[tilespmem:v17+s16+$0x0] =	vst.idx.msk vm0, v6  }
0x223: {  	v12 =	vadd.s32 $0x1E, v12;
	v17 =	vadd.s32 $0x1E, v15;
	v15 =	vand.u32 $0x78, v22;
	v6 =	vld.idx.msk [tilespmem:v19+s3+$0x0], $0xffff;
	[tilespmem:v11+s16+$0x0] =	vst.idx.msk vm0, v7  }
0x224: {  	v19 =	vadd.s32 $0x1E, v13;
	v13 =	vadd.s32 $0x1E, v8;
	v15 =	vadd.s32 v3, v15;
	v8 =	vld.idx.msk [tilespmem:v9+s3+$0x0], $0xffff  }
0x225: {  	v23 =	vand.u32 $0x78, v12;
	v11 =	vand.u32 $0x6, v17;
	v9 =	vld.idx.msk [tilespmem:v10+s3+$0x0], $0xffff;
	v10 =	vand.u32 $0x7, v22  }
.Ltmp12:
0x226: {  	v14 =	vadd.s32 v3, v14;
	v22 =	vand.u32 $0x7, v12;
	v7 =	vld.idx.msk [tilespmem:v21+s3+$0x0], $0xffff;
	v10 =	vor.u32 v10, v15;
	(pc) =	sbr.rel @p0 .LBB2_28-.Ltmp12, $4  }
0x227: {  	v14 =	vor.u32 v18, v14;
	v18 =	vand.u32 $0x38, v19;
	v15 =	vand.u32 $0x78, v13;
	v12 =	vld.idx.msk [tilespmem:v20+s3+$0x0], $0xffff  }
0x228: {  	v21 =	vadd.s32 v3, v23;
	v20 =	vand.u32 $0x6, v13;
	v15 =	vadd.s32 v3, v15;
	v13 =	vld.idx.msk [tilespmem:v16+s3+$0x0], $0xffff  }
0x229: {  	v16 =	vor.u32 v20, v15;
	v15 =	vor.u32 v22, v21;
	v20 =	vand.u32 $0x78, v17  }
0x22a: {  	s28 =	smov.u32 s29;
	v18 =	vadd.s32 v3, v18;
	v17 =	vand.u32 $0x7, v19;
	v19 =	vadd.s32 v3, v20  }
0x22b: {  	_ =	sdelay $0x3  }
0x22c: {  	v5 =	vor.u32 v17, v18  }
0x22d: {  	v11 =	vor.u32 v11, v19;
	[tilespmem:v14+s16+$0x0] =	vst.idx.msk vm0, v9  }
0x22e: {  	[tilespmem:v10+s16+$0x0] =	vst.idx.msk vm0, v8;
	v8 =	vor.u32 $0x2, v4  }
0x22f: {  	[tilespmem:v16+s16+$0x0] =	vst.idx.msk vm0, v12  }
0x230: {  	[tilespmem:v15+s16+$0x0] =	vst.idx.msk vm0, v13  }
0x231: {  	[tilespmem:v5+s16+$0x0] =	vst.idx.msk vm0, v6  }
0x232: {  	[tilespmem:v11+s16+$0x0] =	vst.idx.msk vm0, v7  }
0x233: {  	v5 =	vld.idx.msk [tilespmem:v8+s12+$0x0], vm0;
	_ =	sdelay $0x4  }
0x234: {  	s8 =	simm.s32 $0x4;
	s11 =	simm.s32 $0x3;
	v5 =	vand.u32 $0xFF, v5  }
0x235: {  	s1 =	simm.s32 $0x1;
	v10 =	vmov s11;
	v18 =	vmov s8;
	v5 =	vmul.u32 $0x1E, v5  }
0x236: {  	v16 =	vmov s1;
	v10 =	vadd.s32 $0x3C, v10;
	v18 =	vadd.s32 $0x3C, v18  }
0x237: {  	v20 =	vadd.s32 $0x3C, v16;
	v22 =	vand.u32 $0x78, v10;
	v5 =	vadd.s32 $0x3C00, v5  }
0x238: {  	s0 =	simm.s32 $0x0;
	s10 =	simm.s32 $0x5;
	v23 =	vand.u32 $0x7, v10;
	v63 =	vand.u32 $0x78, v18;
	v7 =	vadd.s32 s1, v5  }
0x239: {  	v62 =	vadd.s32 v3, v22;
	v6 =	vmov s0;
	v8 =	vadd.s32 s10, v5  }
0x23a: {  	v11 =	vmov s10;
	v6 =	vadd.s32 $0x3C, v6;
	v14 =	vadd.s32 s0, v5  }
0x23b: {  	s6 =	simm.s32 $0x2;
	v19 =	vadd.s32 $0x3C, v11;
	v9 =	vand.u32 $0x78, v6;
	v13 =	vadd.s32 s8, v5  }
0x23c: {  	v15 =	vand.u32 $0x6, v6;
	v6 =	vmov s6;
	v12 =	vadd.s32 s6, v5  }
0x23d: {  	v11 =	vand.u32 $0x78, v19;
	v16 =	vadd.s32 $0x3C, v6;
	v17 =	vadd.s32 s11, v5;
	v6 =	vld.idx.msk [tilespmem:v7+s3+$0x0], $0xffff  }
0x23e: {  	v21 =	vadd.s32 v3, v11;
	v7 =	vand.u32 $0x7, v19;
	v8 =	vld.idx.msk [tilespmem:v8+s3+$0x0], $0xffff;
	v19 =	vadd.s32 v3, v9  }
0x23f: {  	v11 =	vand.u32 $0x6, v18;
	v9 =	vld.idx.msk [tilespmem:v14+s3+$0x0], $0xffff;
	v10 =	vor.u32 v7, v21;
	v14 =	vor.u32 v15, v19  }
0x240: {  	v19 =	vand.u32 $0x78, v20;
	v15 =	vand.u32 $0x78, v16;
	v7 =	vld.idx.msk [tilespmem:v13+s3+$0x0], $0xffff;
	v13 =	vand.u32 $0x6, v16  }
0x241: {  	v12 =	vld.idx.msk [tilespmem:v12+s3+$0x0], $0xffff;
	v15 =	vadd.s32 v3, v15;
	v18 =	vadd.s32 v3, v19;
	v19 =	vadd.s32 v3, v63  }
0x242: {  	s28 =	simm.s32 $0x6;
	v16 =	vor.u32 v13, v15;
	v15 =	vor.u32 v23, v62;
	v13 =	vld.idx.msk [tilespmem:v17+s3+$0x0], $0xffff;
	v17 =	vand.u32 $0x7, v20  }
.LBB2_30:
0x243: {  	s0 =	sadd.s32 $0x1, s28  }
0x244: {  	v20 =	vmov s28;
	s1 =	sadd.s32 $0x2, s28;
	s6 =	sadd.s32 $0x3, s28;
	v17 =	vor.u32 v17, v18;
	v11 =	vor.u32 v11, v19;
	s8 =	smov.u32 s28  }
0x245: {  	s29 =	sadd.s32 $0x6, s28;
	v18 =	vadd.s32 $0x3C, v20;
	v19 =	vadd.s32 s0, v5;
	v20 =	vadd.s32 s1, v5;
	s10 =	sadd.s32 $0x4, s8;
	s11 =	sadd.s32 $0x5, s8;
	[tilespmem:v14+s16+$0x0] =	vst.idx.msk vm0, v9  }
0x246: {  	p0 =	slt.u32 s28, $0x18;
	v14 =	vand.u32 $0x78, v18;
	v21 =	vadd.s32 s10, v5;
	v9 =	vadd.s32 s11, v5;
	[tilespmem:v10+s16+$0x0] =	vst.idx.msk vm0, v8  }
0x247: {  	v10 =	vadd.s32 s8, v5;
	v18 =	vand.u32 $0x6, v18;
	v8 =	vmov s1;
	[tilespmem:v16+s16+$0x0] =	vst.idx.msk vm0, v12  }
0x248: {  	v22 =	vmov s11;
	v12 =	vmov s6;
	v16 =	vadd.s32 s6, v5;
	[tilespmem:v15+s16+$0x0] =	vst.idx.msk vm0, v13  }
0x249: {  	v22 =	vadd.s32 $0x3C, v22;
	v13 =	vmov s0;
	v15 =	vmov s10;
	[tilespmem:v17+s16+$0x0] =	vst.idx.msk vm0, v6  }
0x24a: {  	v12 =	vadd.s32 $0x3C, v12;
	v17 =	vadd.s32 $0x3C, v15;
	v15 =	vand.u32 $0x78, v22;
	v6 =	vld.idx.msk [tilespmem:v19+s3+$0x0], $0xffff;
	[tilespmem:v11+s16+$0x0] =	vst.idx.msk vm0, v7  }
0x24b: {  	v19 =	vadd.s32 $0x3C, v13;
	v13 =	vadd.s32 $0x3C, v8;
	v15 =	vadd.s32 v3, v15;
	v8 =	vld.idx.msk [tilespmem:v9+s3+$0x0], $0xffff  }
0x24c: {  	v23 =	vand.u32 $0x78, v12;
	v11 =	vand.u32 $0x6, v17;
	v9 =	vld.idx.msk [tilespmem:v10+s3+$0x0], $0xffff;
	v10 =	vand.u32 $0x7, v22  }
.Ltmp13:
0x24d: {  	v14 =	vadd.s32 v3, v14;
	v22 =	vand.u32 $0x7, v12;
	v7 =	vld.idx.msk [tilespmem:v21+s3+$0x0], $0xffff;
	v10 =	vor.u32 v10, v15;
	(pc) =	sbr.rel @p0 .LBB2_30-.Ltmp13, $4  }
0x24e: {  	v14 =	vor.u32 v18, v14;
	v18 =	vand.u32 $0x78, v19;
	v15 =	vand.u32 $0x78, v13;
	v12 =	vld.idx.msk [tilespmem:v20+s3+$0x0], $0xffff  }
0x24f: {  	v21 =	vadd.s32 v3, v23;
	v20 =	vand.u32 $0x6, v13;
	v15 =	vadd.s32 v3, v15;
	v13 =	vld.idx.msk [tilespmem:v16+s3+$0x0], $0xffff  }
0x250: {  	v16 =	vor.u32 v20, v15;
	v15 =	vor.u32 v22, v21;
	v20 =	vand.u32 $0x78, v17  }
0x251: {  	s28 =	smov.u32 s29;
	v18 =	vadd.s32 v3, v18;
	v17 =	vand.u32 $0x7, v19;
	v19 =	vadd.s32 v3, v20  }
0x252: {  	_ =	sdelay $0x3  }
0x253: {  	v5 =	vor.u32 v17, v18  }
0x254: {  	v11 =	vor.u32 v11, v19;
	[tilespmem:v14+s16+$0x0] =	vst.idx.msk vm0, v9  }
0x255: {  	[tilespmem:v10+s16+$0x0] =	vst.idx.msk vm0, v8;
	v8 =	vor.u32 $0x3, v4  }
0x256: {  	[tilespmem:v16+s16+$0x0] =	vst.idx.msk vm0, v12  }
0x257: {  	[tilespmem:v15+s16+$0x0] =	vst.idx.msk vm0, v13  }
0x258: {  	[tilespmem:v5+s16+$0x0] =	vst.idx.msk vm0, v6  }
0x259: {  	[tilespmem:v11+s16+$0x0] =	vst.idx.msk vm0, v7  }
0x25a: {  	v5 =	vld.idx.msk [tilespmem:v8+s12+$0x0], vm0;
	_ =	sdelay $0x4  }
0x25b: {  	s8 =	simm.s32 $0x4;
	s11 =	simm.s32 $0x3;
	v5 =	vand.u32 $0xFF, v5  }
0x25c: {  	s1 =	simm.s32 $0x1;
	v10 =	vmov s11;
	v18 =	vmov s8;
	v5 =	vmul.u32 $0x1E, v5  }
0x25d: {  	v16 =	vmov s1;
	v10 =	vadd.s32 $0x5A, v10;
	v18 =	vadd.s32 $0x5A, v18  }
0x25e: {  	v20 =	vadd.s32 $0x5A, v16;
	v22 =	vand.u32 $0xF8, v10;
	v5 =	vadd.s32 $0x5A00, v5  }
0x25f: {  	s0 =	simm.s32 $0x0;
	s10 =	simm.s32 $0x5;
	v23 =	vand.u32 $0x7, v10;
	v63 =	vand.u32 $0xF8, v18;
	v7 =	vadd.s32 s1, v5  }
0x260: {  	v62 =	vadd.s32 v3, v22;
	v6 =	vmov s0;
	v8 =	vadd.s32 s10, v5  }
0x261: {  	v11 =	vmov s10;
	v6 =	vadd.s32 $0x5A, v6;
	v14 =	vadd.s32 s0, v5  }
0x262: {  	s6 =	simm.s32 $0x2;
	v19 =	vadd.s32 $0x5A, v11;
	v9 =	vand.u32 $0x78, v6;
	v13 =	vadd.s32 s8, v5  }
0x263: {  	v15 =	vand.u32 $0x6, v6;
	v6 =	vmov s6;
	v12 =	vadd.s32 s6, v5  }
0x264: {  	v11 =	vand.u32 $0xF8, v19;
	v16 =	vadd.s32 $0x5A, v6;
	v17 =	vadd.s32 s11, v5;
	v6 =	vld.idx.msk [tilespmem:v7+s3+$0x0], $0xffff  }
0x265: {  	v21 =	vadd.s32 v3, v11;
	v7 =	vand.u32 $0x7, v19;
	v8 =	vld.idx.msk [tilespmem:v8+s3+$0x0], $0xffff;
	v19 =	vadd.s32 v3, v9  }
0x266: {  	v11 =	vand.u32 $0x6, v18;
	v9 =	vld.idx.msk [tilespmem:v14+s3+$0x0], $0xffff;
	v10 =	vor.u32 v7, v21;
	v14 =	vor.u32 v15, v19  }
0x267: {  	v19 =	vand.u32 $0x78, v20;
	v15 =	vand.u32 $0xF8, v16;
	v7 =	vld.idx.msk [tilespmem:v13+s3+$0x0], $0xffff;
	v13 =	vand.u32 $0x6, v16  }
0x268: {  	v12 =	vld.idx.msk [tilespmem:v12+s3+$0x0], $0xffff;
	v15 =	vadd.s32 v3, v15;
	v18 =	vadd.s32 v3, v19;
	v19 =	vadd.s32 v3, v63  }
0x269: {  	s28 =	simm.s32 $0x6;
	v16 =	vor.u32 v13, v15;
	v15 =	vor.u32 v23, v62;
	v13 =	vld.idx.msk [tilespmem:v17+s3+$0x0], $0xffff;
	v17 =	vand.u32 $0x7, v20  }
.LBB2_32:
0x26a: {  	s0 =	sadd.s32 $0x1, s28  }
0x26b: {  	v20 =	vmov s28;
	s1 =	sadd.s32 $0x2, s28;
	s6 =	sadd.s32 $0x3, s28;
	v17 =	vor.u32 v17, v18;
	v11 =	vor.u32 v11, v19;
	s8 =	smov.u32 s28  }
0x26c: {  	s29 =	sadd.s32 $0x6, s28;
	v18 =	vadd.s32 $0x5A, v20;
	v19 =	vadd.s32 s0, v5;
	v20 =	vadd.s32 s1, v5;
	s10 =	sadd.s32 $0x4, s8;
	s11 =	sadd.s32 $0x5, s8;
	[tilespmem:v14+s16+$0x0] =	vst.idx.msk vm0, v9  }
0x26d: {  	p0 =	slt.u32 s28, $0x18;
	v14 =	vand.u32 $0x78, v18;
	v21 =	vadd.s32 s10, v5;
	v9 =	vadd.s32 s11, v5;
	[tilespmem:v10+s16+$0x0] =	vst.idx.msk vm0, v8  }
0x26e: {  	v10 =	vadd.s32 s8, v5;
	v18 =	vand.u32 $0x6, v18;
	v8 =	vmov s1;
	[tilespmem:v16+s16+$0x0] =	vst.idx.msk vm0, v12  }
0x26f: {  	v22 =	vmov s11;
	v12 =	vmov s6;
	v16 =	vadd.s32 s6, v5;
	[tilespmem:v15+s16+$0x0] =	vst.idx.msk vm0, v13  }
0x270: {  	v22 =	vadd.s32 $0x5A, v22;
	v13 =	vmov s0;
	v15 =	vmov s10;
	[tilespmem:v17+s16+$0x0] =	vst.idx.msk vm0, v6  }
0x271: {  	v12 =	vadd.s32 $0x5A, v12;
	v17 =	vadd.s32 $0x5A, v15;
	v15 =	vand.u32 $0xF8, v22;
	v6 =	vld.idx.msk [tilespmem:v19+s3+$0x0], $0xffff;
	[tilespmem:v11+s16+$0x0] =	vst.idx.msk vm0, v7  }
0x272: {  	v19 =	vadd.s32 $0x5A, v13;
	v13 =	vadd.s32 $0x5A, v8;
	v15 =	vadd.s32 v3, v15;
	v8 =	vld.idx.msk [tilespmem:v9+s3+$0x0], $0xffff  }
0x273: {  	v23 =	vand.u32 $0xF8, v12;
	v11 =	vand.u32 $0x6, v17;
	v9 =	vld.idx.msk [tilespmem:v10+s3+$0x0], $0xffff;
	v10 =	vand.u32 $0x7, v22  }
.Ltmp14:
0x274: {  	v14 =	vadd.s32 v3, v14;
	v22 =	vand.u32 $0x7, v12;
	v7 =	vld.idx.msk [tilespmem:v21+s3+$0x0], $0xffff;
	v10 =	vor.u32 v10, v15;
	(pc) =	sbr.rel @p0 .LBB2_32-.Ltmp14, $4  }
0x275: {  	v14 =	vor.u32 v18, v14;
	v18 =	vand.u32 $0x78, v19;
	v15 =	vand.u32 $0xF8, v13;
	v12 =	vld.idx.msk [tilespmem:v20+s3+$0x0], $0xffff  }
0x276: {  	v21 =	vadd.s32 v3, v23;
	v20 =	vand.u32 $0x6, v13;
	v15 =	vadd.s32 v3, v15;
	v13 =	vld.idx.msk [tilespmem:v16+s3+$0x0], $0xffff  }
0x277: {  	v16 =	vor.u32 v20, v15;
	v15 =	vor.u32 v22, v21;
	v20 =	vand.u32 $0xF8, v17  }
0x278: {  	s28 =	smov.u32 s29;
	v18 =	vadd.s32 v3, v18;
	v17 =	vand.u32 $0x7, v19;
	v19 =	vadd.s32 v3, v20  }
0x279: {  	_ =	sdelay $0x3  }
0x27a: {  	v5 =	vor.u32 v17, v18  }
0x27b: {  	v11 =	vor.u32 v11, v19;
	[tilespmem:v14+s16+$0x0] =	vst.idx.msk vm0, v9  }
0x27c: {  	[tilespmem:v10+s16+$0x0] =	vst.idx.msk vm0, v8;
	v8 =	vor.u32 $0x4, v4  }
0x27d: {  	[tilespmem:v16+s16+$0x0] =	vst.idx.msk vm0, v12  }
0x27e: {  	[tilespmem:v15+s16+$0x0] =	vst.idx.msk vm0, v13  }
0x27f: {  	[tilespmem:v5+s16+$0x0] =	vst.idx.msk vm0, v6  }
0x280: {  	[tilespmem:v11+s16+$0x0] =	vst.idx.msk vm0, v7  }
0x281: {  	v5 =	vld.idx.msk [tilespmem:v8+s12+$0x0], vm0;
	_ =	sdelay $0x4  }
0x282: {  	s8 =	simm.s32 $0x4;
	v5 =	vand.u32 $0xFF, v5  }
0x283: {  	s0 =	simm.s32 $0x1;
	s6 =	simm.s32 $0x3;
	s10 =	simm.s32 $0x5;
	v10 =	vmov s8;
	v5 =	vmul.u32 $0x1E, v5  }
0x284: {  	s30 =	simm.s32 $0xA;
	s31 =	simm.s32 $0xB;
	v12 =	vmov s0;
	v14 =	vmov s10;
	v16 =	vmov s6  }
0x285: {  	s1 =	simm.s32 $0x2;
	v23 =	vmov s30;
	v25 =	vmov s31;
	v6 =	vadd.s32 $0x7800, v5  }
0x286: {  	v13 =	vmov s1;
	v15 =	vand.u32 $0x18, v12;
	v8 =	vadd.s32 s1, v6  }
0x287: {  	v18 =	vand.u32 $0x38, v16;
	v12 =	vand.u32 $0x7, v12;
	v7 =	vadd.s32 s0, v6  }
0x288: {  	v20 =	vand.u32 $0x38, v14;
	v14 =	vand.u32 $0x7, v14;
	v11 =	vadd.s32 s8, v6  }
0x289: {  	v19 =	vand.u32 $0x38, v13;
	v5 =	vadd.s32 $0x78, v3;
	v17 =	vadd.s32 s10, v6  }
0x28a: {  	v13 =	vand.u32 $0x6, v13;
	v9 =	vadd.s32 s6, v6;
	v19 =	vadd.s32 v19, v5  }
0x28b: {  	v15 =	vadd.s32 v15, v5;
	v13 =	vor.u32 v13, v19;
	v19 =	vand.u32 $0x38, v10;
	v8 =	vld.idx.msk [tilespmem:v8+s3+$0x0], $0xffff  }
0x28c: {  	v12 =	vor.u32 v12, v15;
	v10 =	vand.u32 $0x6, v10;
	v15 =	vadd.s32 v19, v5;
	v7 =	vld.idx.msk [tilespmem:v7+s3+$0x0], $0xffff  }
0x28d: {  	v16 =	vand.u32 $0x7, v16;
	v20 =	vadd.s32 v20, v5;
	s1 =	simm.s32 $0x0;
	v10 =	vor.u32 v10, v15;
	v11 =	vld.idx.msk [tilespmem:v11+s3+$0x0], $0xffff  }
0x28e: {  	s11 =	simm.s32 $0x9;
	v18 =	vadd.s32 v18, v5;
	s6 =	simm.s32 $0x7;
	v14 =	vor.u32 v14, v20;
	v19 =	vadd.s32 s1, v6;
	v17 =	vld.idx.msk [tilespmem:v17+s3+$0x0], $0xffff  }
0x28f: {  	v26 =	vmov s11;
	v16 =	vor.u32 v16, v18;
	v18 =	vadd.s32 s6, v6  }
0x290: {  	v28 =	vand.u32 $0x38, v26;
	s10 =	simm.s32 $0x8;
	v22 =	vadd.s32 s11, v6;
	v15 =	vmov s1;
	v9 =	vld.idx.msk [tilespmem:v9+s3+$0x0], $0xffff;
	[tilespmem:v13+s16+$0x0] =	vst.idx.msk vm0, v8  }
0x291: {  	v24 =	vadd.s32 s30, v6;
	v20 =	vadd.s32 s10, v6;
	v21 =	vand.u32 $0x6, v15;
	[tilespmem:v12+s16+$0x0] =	vst.idx.msk vm0, v7  }
0x292: {  	v8 =	vmov s6;
	v13 =	vmov s10;
	v12 =	vadd.s32 s31, v6;
	[tilespmem:v10+s16+$0x0] =	vst.idx.msk vm0, v11  }
0x293: {  	v10 =	vld.idx.msk [tilespmem:v19+s3+$0x0], $0xffff;
	[tilespmem:v14+s16+$0x0] =	vst.idx.msk vm0, v17;
	v14 =	vand.u32 $0x38, v25;
	v17 =	vand.u32 $0x7, v25;
	v7 =	vand.u32 $0x18, v8  }
0x294: {  	v11 =	vld.idx.msk [tilespmem:v18+s3+$0x0], $0xffff;
	v19 =	vadd.s32 v28, v5;
	v18 =	vadd.s32 v14, v5;
	v27 =	vadd.s32 v7, v5  }
0x295: {  	[tilespmem:v16+s16+$0x0] =	vst.idx.msk vm0, v9;
	v7 =	vand.u32 $0x18, v15;
	v15 =	vand.u32 $0x7, v8;
	v8 =	vand.u32 $0x38, v13  }
0x296: {  	v9 =	vld.idx.msk [tilespmem:v20+s3+$0x0], $0xffff;
	v13 =	vand.u32 $0x6, v13;
	v7 =	vadd.s32 v7, v5;
	v8 =	vadd.s32 v8, v5  }
0x297: {  	v16 =	vor.u32 v21, v7;
	v14 =	vor.u32 v13, v8;
	v13 =	vand.u32 $0x38, v23;
	v7 =	vld.idx.msk [tilespmem:v12+s3+$0x0], $0xffff  }
0x298: {  	v8 =	vor.u32 v17, v18;
	v17 =	vand.u32 $0x6, v23;
	v12 =	vld.idx.msk [tilespmem:v24+s3+$0x0], $0xffff;
	v20 =	vadd.s32 v13, v5  }
0x299: {  	s28 =	simm.s32 $0x6;
	s29 =	simm.s32 $0xC;
	v15 =	vor.u32 v15, v27;
	v18 =	vand.u32 $0x7, v26;
	v13 =	vld.idx.msk [tilespmem:v22+s3+$0x0], $0xffff;
	v17 =	vor.u32 v17, v20  }
.LBB2_34:
0x29a: {  	s0 =	sadd.s32 $0x1, s29  }
0x29b: {  	s1 =	sadd.s32 $0x2, s29;
	v20 =	vmov s28;
	v21 =	vadd.s32 s28, v6;
	v18 =	vor.u32 v18, v19;
	s28 =	smov.u32 s29;
	s6 =	sadd.s32 $0x6, s29  }
0x29c: {  	v19 =	vadd.s32 s0, v6;
	v22 =	vadd.s32 s1, v6;
	s8 =	sadd.s32 $0x3, s28;
	s10 =	sadd.s32 $0x4, s28;
	s11 =	sadd.s32 $0x5, s28;
	v23 =	vand.u32 $0x6, v20;
	[tilespmem:v16+s16+$0x0] =	vst.idx.msk vm0, v10  }
0x29d: {  	p0 =	slt.u32 s29, $0x18;
	v24 =	vadd.s32 s8, v6;
	v25 =	vmov s10;
	v26 =	vadd.s32 s10, v6;
	[tilespmem:v14+s16+$0x0] =	vst.idx.msk vm0, v9  }
0x29e: {  	v9 =	vmov s0;
	v14 =	vmov s1;
	v16 =	vmov s11;
	[tilespmem:v15+s16+$0x0] =	vst.idx.msk vm0, v11  }
0x29f: {  	v27 =	vmov s8;
	v10 =	vand.u32 $0x18, v9;
	v15 =	vadd.s32 s11, v6;
	[tilespmem:v17+s16+$0x0] =	vst.idx.msk vm0, v12  }
0x2a0: {  	v11 =	vand.u32 $0x18, v20;
	v12 =	vadd.s32 v10, v5;
	v17 =	vand.u32 $0x38, v27;
	[tilespmem:v18+s16+$0x0] =	vst.idx.msk vm0, v13  }
0x2a1: {  	v20 =	vadd.s32 v11, v5;
	v13 =	vand.u32 $0x7, v9;
	v18 =	vand.u32 $0x38, v14;
	v10 =	vld.idx.msk [tilespmem:v21+s3+$0x0], $0xffff;
	[tilespmem:v8+s16+$0x0] =	vst.idx.msk vm0, v7  }
.Ltmp15:
0x2a2: {  	v7 =	vand.u32 $0x6, v14;
	v8 =	vand.u32 $0x38, v16;
	v21 =	vand.u32 $0x7, v16;
	v9 =	vld.idx.msk [tilespmem:v22+s3+$0x0], $0xffff;
	(pc) =	sbr.rel @p0 .LBB2_34-.Ltmp15, $4  }
0x2a3: {  	v14 =	vadd.s32 v18, v5;
	v16 =	vor.u32 v23, v20;
	v8 =	vadd.s32 v8, v5;
	v11 =	vld.idx.msk [tilespmem:v19+s3+$0x0], $0xffff  }
0x2a4: {  	v18 =	vand.u32 $0x38, v25;
	v14 =	vor.u32 v7, v14;
	v8 =	vor.u32 v21, v8;
	v7 =	vld.idx.msk [tilespmem:v15+s3+$0x0], $0xffff  }
0x2a5: {  	v20 =	vand.u32 $0x6, v25;
	v21 =	vadd.s32 v18, v5;
	v15 =	vor.u32 v13, v12;
	v12 =	vld.idx.msk [tilespmem:v26+s3+$0x0], $0xffff  }
0x2a6: {  	s29 =	smov.u32 s6;
	v18 =	vand.u32 $0x7, v27;
	v19 =	vadd.s32 v17, v5;
	v17 =	vor.u32 v20, v21;
	v13 =	vld.idx.msk [tilespmem:v24+s3+$0x0], $0xffff  }
0x2a7: {  	_ = 	snop  }
0x2a8: {  	v6 =	vadd.s32 s28, v6;
	_ =	sdelay $0x1  }
0x2a9: {  	v20 =	vmov s28  }
0x2aa: {  	v18 =	vor.u32 v18, v19;
	v19 =	vand.u32 $0x18, v20  }
0x2ab: {  	[tilespmem:v16+s16+$0x0] =	vst.idx.msk vm0, v10;
	v20 =	vand.u32 $0x6, v20;
	v5 =	vadd.s32 v19, v5  }
0x2ac: {  	[tilespmem:v14+s16+$0x0] =	vst.idx.msk vm0, v9;
	v5 =	vor.u32 v20, v5;
	v6 =	vld.idx.msk [tilespmem:v6+s3+$0x0], $0xffff  }
0x2ad: {  	v9 =	vor.u32 $0x5, v4;
	[tilespmem:v15+s16+$0x0] =	vst.idx.msk vm0, v11  }
0x2ae: {  	[tilespmem:v8+s16+$0x0] =	vst.idx.msk vm0, v7  }
0x2af: {  	[tilespmem:v17+s16+$0x0] =	vst.idx.msk vm0, v12  }
0x2b0: {  	[tilespmem:v18+s16+$0x0] =	vst.idx.msk vm0, v13  }
0x2b1: {  	[tilespmem:v5+s16+$0x0] =	vst.idx.msk vm0, v6  }
0x2b2: {  	v5 =	vld.idx.msk [tilespmem:v9+s12+$0x0], vm0;
	_ =	sdelay $0x4  }
0x2b3: {  	s10 =	simm.s32 $0x5;
	s11 =	simm.s32 $0x3;
	v5 =	vand.u32 $0xFF, v5  }
0x2b4: {  	s1 =	simm.s32 $0x1;
	v10 =	vmov s11;
	v11 =	vmov s10;
	v5 =	vmul.u32 $0x1E, v5  }
0x2b5: {  	v16 =	vmov s1;
	v19 =	vadd.s32 $0x96, v11;
	v10 =	vadd.s32 $0x96, v10  }
0x2b6: {  	v11 =	vand.u32 $0xF8, v19;
	v20 =	vadd.s32 $0x96, v16;
	v5 =	vadd.s32 $0x9600, v5  }
0x2b7: {  	s0 =	simm.s32 $0x0;
	v22 =	vand.u32 $0xF8, v10;
	v23 =	vand.u32 $0x7, v10;
	v7 =	vadd.s32 s1, v5  }
0x2b8: {  	v21 =	vadd.s32 v3, v11;
	v6 =	vmov s0;
	v8 =	vadd.s32 s10, v5  }
0x2b9: {  	s8 =	simm.s32 $0x4;
	v62 =	vadd.s32 v3, v22;
	v6 =	vadd.s32 $0x96, v6;
	v14 =	vadd.s32 s0, v5  }
0x2ba: {  	s6 =	simm.s32 $0x2;
	v18 =	vmov s8;
	v9 =	vand.u32 $0xB8, v6;
	v13 =	vadd.s32 s8, v5  }
0x2bb: {  	v15 =	vand.u32 $0x6, v6;
	v6 =	vmov s6;
	v12 =	vadd.s32 s6, v5  }
0x2bc: {  	v18 =	vadd.s32 $0x96, v18;
	v16 =	vadd.s32 $0x96, v6;
	v17 =	vadd.s32 s11, v5;
	v6 =	vld.idx.msk [tilespmem:v7+s3+$0x0], $0xffff  }
0x2bd: {  	v11 =	vand.u32 $0x6, v18;
	v7 =	vand.u32 $0x7, v19;
	v8 =	vld.idx.msk [tilespmem:v8+s3+$0x0], $0xffff;
	v19 =	vadd.s32 v3, v9  }
0x2be: {  	v63 =	vand.u32 $0xF8, v18;
	v9 =	vld.idx.msk [tilespmem:v14+s3+$0x0], $0xffff;
	v10 =	vor.u32 v7, v21;
	v14 =	vor.u32 v15, v19  }
0x2bf: {  	v19 =	vand.u32 $0xB8, v20;
	v15 =	vand.u32 $0xF8, v16;
	v7 =	vld.idx.msk [tilespmem:v13+s3+$0x0], $0xffff;
	v13 =	vand.u32 $0x6, v16  }
0x2c0: {  	v12 =	vld.idx.msk [tilespmem:v12+s3+$0x0], $0xffff;
	v15 =	vadd.s32 v3, v15;
	v18 =	vadd.s32 v3, v19;
	v19 =	vadd.s32 v3, v63  }
0x2c1: {  	s28 =	simm.s32 $0x6;
	v16 =	vor.u32 v13, v15;
	v15 =	vor.u32 v23, v62;
	v13 =	vld.idx.msk [tilespmem:v17+s3+$0x0], $0xffff;
	v17 =	vand.u32 $0x7, v20  }
.LBB2_36:
0x2c2: {  	s0 =	sadd.s32 $0x1, s28  }
0x2c3: {  	v20 =	vmov s28;
	s1 =	sadd.s32 $0x2, s28;
	s6 =	sadd.s32 $0x3, s28;
	v17 =	vor.u32 v17, v18;
	v11 =	vor.u32 v11, v19;
	s8 =	smov.u32 s28  }
0x2c4: {  	s29 =	sadd.s32 $0x6, s28;
	v18 =	vadd.s32 $0x96, v20;
	v19 =	vadd.s32 s0, v5;
	v20 =	vadd.s32 s1, v5;
	s10 =	sadd.s32 $0x4, s8;
	s11 =	sadd.s32 $0x5, s8;
	[tilespmem:v14+s16+$0x0] =	vst.idx.msk vm0, v9  }
0x2c5: {  	p0 =	slt.u32 s28, $0x18;
	v14 =	vand.u32 $0xB8, v18;
	v21 =	vadd.s32 s10, v5;
	v9 =	vadd.s32 s11, v5;
	[tilespmem:v10+s16+$0x0] =	vst.idx.msk vm0, v8  }
0x2c6: {  	v10 =	vadd.s32 s8, v5;
	v18 =	vand.u32 $0x6, v18;
	v8 =	vmov s1;
	[tilespmem:v16+s16+$0x0] =	vst.idx.msk vm0, v12  }
0x2c7: {  	v22 =	vmov s11;
	v12 =	vmov s6;
	v16 =	vadd.s32 s6, v5;
	[tilespmem:v15+s16+$0x0] =	vst.idx.msk vm0, v13  }
0x2c8: {  	v22 =	vadd.s32 $0x96, v22;
	v13 =	vmov s0;
	v15 =	vmov s10;
	[tilespmem:v17+s16+$0x0] =	vst.idx.msk vm0, v6  }
0x2c9: {  	v12 =	vadd.s32 $0x96, v12;
	v17 =	vadd.s32 $0x96, v15;
	v15 =	vand.u32 $0xF8, v22;
	v6 =	vld.idx.msk [tilespmem:v19+s3+$0x0], $0xffff;
	[tilespmem:v11+s16+$0x0] =	vst.idx.msk vm0, v7  }
0x2ca: {  	v19 =	vadd.s32 $0x96, v13;
	v13 =	vadd.s32 $0x96, v8;
	v15 =	vadd.s32 v3, v15;
	v8 =	vld.idx.msk [tilespmem:v9+s3+$0x0], $0xffff  }
0x2cb: {  	v23 =	vand.u32 $0xF8, v12;
	v11 =	vand.u32 $0x6, v17;
	v9 =	vld.idx.msk [tilespmem:v10+s3+$0x0], $0xffff;
	v10 =	vand.u32 $0x7, v22  }
.Ltmp16:
0x2cc: {  	v14 =	vadd.s32 v3, v14;
	v22 =	vand.u32 $0x7, v12;
	v7 =	vld.idx.msk [tilespmem:v21+s3+$0x0], $0xffff;
	v10 =	vor.u32 v10, v15;
	(pc) =	sbr.rel @p0 .LBB2_36-.Ltmp16, $4  }
0x2cd: {  	v14 =	vor.u32 v18, v14;
	v18 =	vand.u32 $0xB8, v19;
	v15 =	vand.u32 $0xF8, v13;
	v12 =	vld.idx.msk [tilespmem:v20+s3+$0x0], $0xffff  }
0x2ce: {  	v21 =	vadd.s32 v3, v23;
	v20 =	vand.u32 $0x6, v13;
	v15 =	vadd.s32 v3, v15;
	v13 =	vld.idx.msk [tilespmem:v16+s3+$0x0], $0xffff  }
0x2cf: {  	v16 =	vor.u32 v20, v15;
	v15 =	vor.u32 v22, v21;
	v20 =	vand.u32 $0xF8, v17  }
0x2d0: {  	s28 =	smov.u32 s29;
	v18 =	vadd.s32 v3, v18;
	v17 =	vand.u32 $0x7, v19;
	v19 =	vadd.s32 v3, v20  }
0x2d1: {  	_ =	sdelay $0x3  }
0x2d2: {  	v5 =	vor.u32 v17, v18  }
0x2d3: {  	v11 =	vor.u32 v11, v19;
	[tilespmem:v14+s16+$0x0] =	vst.idx.msk vm0, v9  }
0x2d4: {  	[tilespmem:v10+s16+$0x0] =	vst.idx.msk vm0, v8;
	v8 =	vor.u32 $0x6, v4  }
0x2d5: {  	[tilespmem:v16+s16+$0x0] =	vst.idx.msk vm0, v12  }
0x2d6: {  	[tilespmem:v15+s16+$0x0] =	vst.idx.msk vm0, v13  }
0x2d7: {  	[tilespmem:v5+s16+$0x0] =	vst.idx.msk vm0, v6  }
0x2d8: {  	[tilespmem:v11+s16+$0x0] =	vst.idx.msk vm0, v7  }
0x2d9: {  	v5 =	vld.idx.msk [tilespmem:v8+s12+$0x0], vm0;
	_ =	sdelay $0x4  }
0x2da: {  	s8 =	simm.s32 $0x4;
	s11 =	simm.s32 $0x3;
	v5 =	vand.u32 $0xFF, v5  }
0x2db: {  	s1 =	simm.s32 $0x1;
	v10 =	vmov s11;
	v18 =	vmov s8;
	v5 =	vmul.u32 $0x1E, v5  }
0x2dc: {  	v16 =	vmov s1;
	v10 =	vadd.s32 $0xB4, v10;
	v18 =	vadd.s32 $0xB4, v18  }
0x2dd: {  	v20 =	vadd.s32 $0xB4, v16;
	v22 =	vand.u32 $0xF8, v10;
	v5 =	vadd.s32 $0xB400, v5  }
0x2de: {  	s0 =	simm.s32 $0x0;
	s10 =	simm.s32 $0x5;
	v23 =	vand.u32 $0x7, v10;
	v63 =	vand.u32 $0xF8, v18;
	v7 =	vadd.s32 s1, v5  }
0x2df: {  	v62 =	vadd.s32 v3, v22;
	v6 =	vmov s0;
	v8 =	vadd.s32 s10, v5  }
0x2e0: {  	v11 =	vmov s10;
	v6 =	vadd.s32 $0xB4, v6;
	v14 =	vadd.s32 s0, v5  }
0x2e1: {  	s6 =	simm.s32 $0x2;
	v19 =	vadd.s32 $0xB4, v11;
	v9 =	vand.u32 $0xF8, v6;
	v13 =	vadd.s32 s8, v5  }
0x2e2: {  	v15 =	vand.u32 $0x6, v6;
	v6 =	vmov s6;
	v12 =	vadd.s32 s6, v5  }
0x2e3: {  	v11 =	vand.u32 $0xF8, v19;
	v16 =	vadd.s32 $0xB4, v6;
	v17 =	vadd.s32 s11, v5;
	v6 =	vld.idx.msk [tilespmem:v7+s3+$0x0], $0xffff  }
0x2e4: {  	v21 =	vadd.s32 v3, v11;
	v7 =	vand.u32 $0x7, v19;
	v8 =	vld.idx.msk [tilespmem:v8+s3+$0x0], $0xffff;
	v19 =	vadd.s32 v3, v9  }
0x2e5: {  	v11 =	vand.u32 $0x6, v18;
	v9 =	vld.idx.msk [tilespmem:v14+s3+$0x0], $0xffff;
	v10 =	vor.u32 v7, v21;
	v14 =	vor.u32 v15, v19  }
0x2e6: {  	v19 =	vand.u32 $0xF8, v20;
	v15 =	vand.u32 $0xF8, v16;
	v7 =	vld.idx.msk [tilespmem:v13+s3+$0x0], $0xffff;
	v13 =	vand.u32 $0x6, v16  }
0x2e7: {  	v12 =	vld.idx.msk [tilespmem:v12+s3+$0x0], $0xffff;
	v15 =	vadd.s32 v3, v15;
	v18 =	vadd.s32 v3, v19;
	v19 =	vadd.s32 v3, v63  }
0x2e8: {  	s28 =	simm.s32 $0x6;
	v16 =	vor.u32 v13, v15;
	v15 =	vor.u32 v23, v62;
	v13 =	vld.idx.msk [tilespmem:v17+s3+$0x0], $0xffff;
	v17 =	vand.u32 $0x7, v20  }
.LBB2_38:
0x2e9: {  	s0 =	sadd.s32 $0x1, s28  }
0x2ea: {  	v20 =	vmov s28;
	s1 =	sadd.s32 $0x2, s28;
	s6 =	sadd.s32 $0x3, s28;
	v17 =	vor.u32 v17, v18;
	v11 =	vor.u32 v11, v19;
	s8 =	smov.u32 s28  }
0x2eb: {  	s29 =	sadd.s32 $0x6, s28;
	v18 =	vadd.s32 $0xB4, v20;
	v19 =	vadd.s32 s0, v5;
	v20 =	vadd.s32 s1, v5;
	s10 =	sadd.s32 $0x4, s8;
	s11 =	sadd.s32 $0x5, s8;
	[tilespmem:v14+s16+$0x0] =	vst.idx.msk vm0, v9  }
0x2ec: {  	p0 =	slt.u32 s28, $0x18;
	v14 =	vand.u32 $0xF8, v18;
	v21 =	vadd.s32 s10, v5;
	v9 =	vadd.s32 s11, v5;
	[tilespmem:v10+s16+$0x0] =	vst.idx.msk vm0, v8  }
0x2ed: {  	v10 =	vadd.s32 s8, v5;
	v18 =	vand.u32 $0x6, v18;
	v8 =	vmov s1;
	[tilespmem:v16+s16+$0x0] =	vst.idx.msk vm0, v12  }
0x2ee: {  	v22 =	vmov s11;
	v12 =	vmov s6;
	v16 =	vadd.s32 s6, v5;
	[tilespmem:v15+s16+$0x0] =	vst.idx.msk vm0, v13  }
0x2ef: {  	v22 =	vadd.s32 $0xB4, v22;
	v13 =	vmov s0;
	v15 =	vmov s10;
	[tilespmem:v17+s16+$0x0] =	vst.idx.msk vm0, v6  }
0x2f0: {  	v12 =	vadd.s32 $0xB4, v12;
	v17 =	vadd.s32 $0xB4, v15;
	v15 =	vand.u32 $0xF8, v22;
	v6 =	vld.idx.msk [tilespmem:v19+s3+$0x0], $0xffff;
	[tilespmem:v11+s16+$0x0] =	vst.idx.msk vm0, v7  }
0x2f1: {  	v19 =	vadd.s32 $0xB4, v13;
	v13 =	vadd.s32 $0xB4, v8;
	v15 =	vadd.s32 v3, v15;
	v8 =	vld.idx.msk [tilespmem:v9+s3+$0x0], $0xffff  }
0x2f2: {  	v23 =	vand.u32 $0xF8, v12;
	v11 =	vand.u32 $0x6, v17;
	v9 =	vld.idx.msk [tilespmem:v10+s3+$0x0], $0xffff;
	v10 =	vand.u32 $0x7, v22  }
.Ltmp17:
0x2f3: {  	v14 =	vadd.s32 v3, v14;
	v22 =	vand.u32 $0x7, v12;
	v7 =	vld.idx.msk [tilespmem:v21+s3+$0x0], $0xffff;
	v10 =	vor.u32 v10, v15;
	(pc) =	sbr.rel @p0 .LBB2_38-.Ltmp17, $4  }
0x2f4: {  	v14 =	vor.u32 v18, v14;
	v18 =	vand.u32 $0xF8, v19;
	v15 =	vand.u32 $0xF8, v13;
	v12 =	vld.idx.msk [tilespmem:v20+s3+$0x0], $0xffff  }
0x2f5: {  	v21 =	vadd.s32 v3, v23;
	v20 =	vand.u32 $0x6, v13;
	v15 =	vadd.s32 v3, v15;
	v13 =	vld.idx.msk [tilespmem:v16+s3+$0x0], $0xffff  }
0x2f6: {  	v16 =	vor.u32 v20, v15;
	v15 =	vor.u32 v22, v21;
	v20 =	vand.u32 $0xF8, v17  }
0x2f7: {  	s28 =	smov.u32 s29;
	v18 =	vadd.s32 v3, v18;
	v17 =	vand.u32 $0x7, v19;
	v19 =	vadd.s32 v3, v20  }
0x2f8: {  	_ =	sdelay $0x3  }
0x2f9: {  	v5 =	vor.u32 v17, v18  }
0x2fa: {  	v11 =	vor.u32 v11, v19;
	[tilespmem:v14+s16+$0x0] =	vst.idx.msk vm0, v9  }
0x2fb: {  	[tilespmem:v10+s16+$0x0] =	vst.idx.msk vm0, v8;
	v8 =	vor.u32 $0x7, v4  }
0x2fc: {  	[tilespmem:v16+s16+$0x0] =	vst.idx.msk vm0, v12  }
0x2fd: {  	[tilespmem:v15+s16+$0x0] =	vst.idx.msk vm0, v13  }
0x2fe: {  	[tilespmem:v5+s16+$0x0] =	vst.idx.msk vm0, v6  }
0x2ff: {  	[tilespmem:v11+s16+$0x0] =	vst.idx.msk vm0, v7  }
0x300: {  	v5 =	vld.idx.msk [tilespmem:v8+s12+$0x0], vm0;
	_ =	sdelay $0x4  }
0x301: {  	s8 =	simm.s32 $0x4;
	s11 =	simm.s32 $0x3;
	v5 =	vand.u32 $0xFF, v5  }
0x302: {  	s1 =	simm.s32 $0x1;
	v10 =	vmov s11;
	v18 =	vmov s8;
	v5 =	vmul.u32 $0x1E, v5  }
0x303: {  	v16 =	vmov s1;
	v10 =	vadd.s32 $0xD2, v10;
	v18 =	vadd.s32 $0xD2, v18  }
0x304: {  	v20 =	vadd.s32 $0xD2, v16;
	v22 =	vand.u32 $0x1F8, v10;
	v5 =	vadd.s32 $0xD200, v5  }
0x305: {  	s0 =	simm.s32 $0x0;
	s10 =	simm.s32 $0x5;
	v23 =	vand.u32 $0x7, v10;
	v63 =	vand.u32 $0x1F8, v18;
	v7 =	vadd.s32 s1, v5  }
0x306: {  	v62 =	vadd.s32 v3, v22;
	v6 =	vmov s0;
	v8 =	vadd.s32 s10, v5  }
0x307: {  	v11 =	vmov s10;
	v6 =	vadd.s32 $0xD2, v6;
	v14 =	vadd.s32 s0, v5  }
0x308: {  	s6 =	simm.s32 $0x2;
	v19 =	vadd.s32 $0xD2, v11;
	v9 =	vand.u32 $0xF8, v6;
	v13 =	vadd.s32 s8, v5  }
0x309: {  	v15 =	vand.u32 $0x6, v6;
	v6 =	vmov s6;
	v12 =	vadd.s32 s6, v5  }
0x30a: {  	v11 =	vand.u32 $0x1F8, v19;
	v16 =	vadd.s32 $0xD2, v6;
	v17 =	vadd.s32 s11, v5;
	v6 =	vld.idx.msk [tilespmem:v7+s3+$0x0], $0xffff  }
0x30b: {  	v21 =	vadd.s32 v3, v11;
	v7 =	vand.u32 $0x7, v19;
	v8 =	vld.idx.msk [tilespmem:v8+s3+$0x0], $0xffff;
	v19 =	vadd.s32 v3, v9  }
0x30c: {  	v11 =	vand.u32 $0x6, v18;
	v9 =	vld.idx.msk [tilespmem:v14+s3+$0x0], $0xffff;
	v10 =	vor.u32 v7, v21;
	v14 =	vor.u32 v15, v19  }
0x30d: {  	v19 =	vand.u32 $0xF8, v20;
	v15 =	vand.u32 $0x1F8, v16;
	v7 =	vld.idx.msk [tilespmem:v13+s3+$0x0], $0xffff;
	v13 =	vand.u32 $0x6, v16  }
0x30e: {  	v12 =	vld.idx.msk [tilespmem:v12+s3+$0x0], $0xffff;
	v15 =	vadd.s32 v3, v15;
	v18 =	vadd.s32 v3, v19;
	v19 =	vadd.s32 v3, v63  }
0x30f: {  	s28 =	simm.s32 $0x6;
	v16 =	vor.u32 v13, v15;
	v15 =	vor.u32 v23, v62;
	v13 =	vld.idx.msk [tilespmem:v17+s3+$0x0], $0xffff;
	v17 =	vand.u32 $0x7, v20  }
.LBB2_40:
0x310: {  	s0 =	sadd.s32 $0x1, s28  }
0x311: {  	v20 =	vmov s28;
	s1 =	sadd.s32 $0x2, s28;
	s6 =	sadd.s32 $0x3, s28;
	v17 =	vor.u32 v17, v18;
	v11 =	vor.u32 v11, v19;
	s8 =	smov.u32 s28  }
0x312: {  	s29 =	sadd.s32 $0x6, s28;
	v18 =	vadd.s32 $0xD2, v20;
	v19 =	vadd.s32 s0, v5;
	v20 =	vadd.s32 s1, v5;
	s10 =	sadd.s32 $0x4, s8;
	s11 =	sadd.s32 $0x5, s8;
	[tilespmem:v14+s16+$0x0] =	vst.idx.msk vm0, v9  }
0x313: {  	p0 =	slt.u32 s28, $0x18;
	v14 =	vand.u32 $0xF8, v18;
	v21 =	vadd.s32 s10, v5;
	v9 =	vadd.s32 s11, v5;
	[tilespmem:v10+s16+$0x0] =	vst.idx.msk vm0, v8  }
0x314: {  	v10 =	vadd.s32 s8, v5;
	v18 =	vand.u32 $0x6, v18;
	v8 =	vmov s1;
	[tilespmem:v16+s16+$0x0] =	vst.idx.msk vm0, v12  }
0x315: {  	v22 =	vmov s11;
	v12 =	vmov s6;
	v16 =	vadd.s32 s6, v5;
	[tilespmem:v15+s16+$0x0] =	vst.idx.msk vm0, v13  }
0x316: {  	v22 =	vadd.s32 $0xD2, v22;
	v13 =	vmov s0;
	v15 =	vmov s10;
	[tilespmem:v17+s16+$0x0] =	vst.idx.msk vm0, v6  }
0x317: {  	v12 =	vadd.s32 $0xD2, v12;
	v17 =	vadd.s32 $0xD2, v15;
	v15 =	vand.u32 $0x1F8, v22;
	v6 =	vld.idx.msk [tilespmem:v19+s3+$0x0], $0xffff;
	[tilespmem:v11+s16+$0x0] =	vst.idx.msk vm0, v7  }
0x318: {  	v19 =	vadd.s32 $0xD2, v13;
	v13 =	vadd.s32 $0xD2, v8;
	v15 =	vadd.s32 v3, v15;
	v8 =	vld.idx.msk [tilespmem:v9+s3+$0x0], $0xffff  }
0x319: {  	v23 =	vand.u32 $0x1F8, v12;
	v11 =	vand.u32 $0x6, v17;
	v9 =	vld.idx.msk [tilespmem:v10+s3+$0x0], $0xffff;
	v10 =	vand.u32 $0x7, v22  }
.Ltmp18:
0x31a: {  	v14 =	vadd.s32 v3, v14;
	v22 =	vand.u32 $0x7, v12;
	v7 =	vld.idx.msk [tilespmem:v21+s3+$0x0], $0xffff;
	v10 =	vor.u32 v10, v15;
	(pc) =	sbr.rel @p0 .LBB2_40-.Ltmp18, $4  }
0x31b: {  	v14 =	vor.u32 v18, v14;
	v18 =	vand.u32 $0xF8, v19;
	v15 =	vand.u32 $0x1F8, v13;
	v12 =	vld.idx.msk [tilespmem:v20+s3+$0x0], $0xffff  }
0x31c: {  	v21 =	vadd.s32 v3, v23;
	v20 =	vand.u32 $0x6, v13;
	v15 =	vadd.s32 v3, v15;
	v13 =	vld.idx.msk [tilespmem:v16+s3+$0x0], $0xffff  }
0x31d: {  	v16 =	vor.u32 v20, v15;
	v15 =	vor.u32 v22, v21;
	v20 =	vand.u32 $0x1F8, v17  }
0x31e: {  	s28 =	smov.u32 s29;
	v18 =	vadd.s32 v3, v18;
	v17 =	vand.u32 $0x7, v19;
	v19 =	vadd.s32 v3, v20  }
0x31f: {  	_ =	sdelay $0x3  }
0x320: {  	v5 =	vor.u32 v17, v18  }
0x321: {  	v11 =	vor.u32 v11, v19;
	[tilespmem:v14+s16+$0x0] =	vst.idx.msk vm0, v9  }
0x322: {  	[tilespmem:v10+s16+$0x0] =	vst.idx.msk vm0, v8;
	v8 =	vor.u32 $0x8, v4  }
0x323: {  	[tilespmem:v16+s16+$0x0] =	vst.idx.msk vm0, v12  }
0x324: {  	[tilespmem:v15+s16+$0x0] =	vst.idx.msk vm0, v13  }
0x325: {  	[tilespmem:v5+s16+$0x0] =	vst.idx.msk vm0, v6  }
0x326: {  	[tilespmem:v11+s16+$0x0] =	vst.idx.msk vm0, v7  }
0x327: {  	v5 =	vld.idx.msk [tilespmem:v8+s12+$0x0], vm0;
	_ =	sdelay $0x4  }
0x328: {  	s8 =	simm.s32 $0x4;
	v5 =	vand.u32 $0xFF, v5  }
0x329: {  	s0 =	simm.s32 $0x1;
	s6 =	simm.s32 $0x3;
	s10 =	simm.s32 $0x5;
	v10 =	vmov s8;
	v5 =	vmul.u32 $0x1E, v5  }
0x32a: {  	s30 =	simm.s32 $0xA;
	s31 =	simm.s32 $0xB;
	v12 =	vmov s0;
	v14 =	vmov s10;
	v16 =	vmov s6  }
0x32b: {  	s1 =	simm.s32 $0x2;
	v23 =	vmov s30;
	v25 =	vmov s31;
	v6 =	vadd.s32 $0xF000, v5  }
0x32c: {  	v13 =	vmov s1;
	v15 =	vand.u32 $0x18, v12;
	v8 =	vadd.s32 s1, v6  }
0x32d: {  	v18 =	vand.u32 $0x38, v16;
	v12 =	vand.u32 $0x7, v12;
	v7 =	vadd.s32 s0, v6  }
0x32e: {  	v20 =	vand.u32 $0x38, v14;
	v14 =	vand.u32 $0x7, v14;
	v11 =	vadd.s32 s8, v6  }
0x32f: {  	v19 =	vand.u32 $0x38, v13;
	v5 =	vadd.s32 $0xF0, v3;
	v17 =	vadd.s32 s10, v6  }
0x330: {  	v13 =	vand.u32 $0x6, v13;
	v9 =	vadd.s32 s6, v6;
	v19 =	vadd.s32 v19, v5  }
0x331: {  	v15 =	vadd.s32 v15, v5;
	v13 =	vor.u32 v13, v19;
	v19 =	vand.u32 $0x38, v10;
	v8 =	vld.idx.msk [tilespmem:v8+s3+$0x0], $0xffff  }
0x332: {  	v12 =	vor.u32 v12, v15;
	v10 =	vand.u32 $0x6, v10;
	v15 =	vadd.s32 v19, v5;
	v7 =	vld.idx.msk [tilespmem:v7+s3+$0x0], $0xffff  }
0x333: {  	v16 =	vand.u32 $0x7, v16;
	v20 =	vadd.s32 v20, v5;
	s1 =	simm.s32 $0x0;
	v10 =	vor.u32 v10, v15;
	v11 =	vld.idx.msk [tilespmem:v11+s3+$0x0], $0xffff  }
0x334: {  	s11 =	simm.s32 $0x9;
	v18 =	vadd.s32 v18, v5;
	s6 =	simm.s32 $0x7;
	v14 =	vor.u32 v14, v20;
	v19 =	vadd.s32 s1, v6;
	v17 =	vld.idx.msk [tilespmem:v17+s3+$0x0], $0xffff  }
0x335: {  	v26 =	vmov s11;
	v16 =	vor.u32 v16, v18;
	v18 =	vadd.s32 s6, v6  }
0x336: {  	v28 =	vand.u32 $0x38, v26;
	s10 =	simm.s32 $0x8;
	v22 =	vadd.s32 s11, v6;
	v15 =	vmov s1;
	v9 =	vld.idx.msk [tilespmem:v9+s3+$0x0], $0xffff;
	[tilespmem:v13+s16+$0x0] =	vst.idx.msk vm0, v8  }
0x337: {  	v24 =	vadd.s32 s30, v6;
	v20 =	vadd.s32 s10, v6;
	v21 =	vand.u32 $0x6, v15;
	[tilespmem:v12+s16+$0x0] =	vst.idx.msk vm0, v7  }
0x338: {  	v8 =	vmov s6;
	v13 =	vmov s10;
	v12 =	vadd.s32 s31, v6;
	[tilespmem:v10+s16+$0x0] =	vst.idx.msk vm0, v11  }
0x339: {  	v10 =	vld.idx.msk [tilespmem:v19+s3+$0x0], $0xffff;
	[tilespmem:v14+s16+$0x0] =	vst.idx.msk vm0, v17;
	v14 =	vand.u32 $0x38, v25;
	v17 =	vand.u32 $0x7, v25;
	v7 =	vand.u32 $0x18, v8  }
0x33a: {  	v11 =	vld.idx.msk [tilespmem:v18+s3+$0x0], $0xffff;
	v19 =	vadd.s32 v28, v5;
	v18 =	vadd.s32 v14, v5;
	v27 =	vadd.s32 v7, v5  }
0x33b: {  	[tilespmem:v16+s16+$0x0] =	vst.idx.msk vm0, v9;
	v7 =	vand.u32 $0x18, v15;
	v15 =	vand.u32 $0x7, v8;
	v8 =	vand.u32 $0x38, v13  }
0x33c: {  	v9 =	vld.idx.msk [tilespmem:v20+s3+$0x0], $0xffff;
	v13 =	vand.u32 $0x6, v13;
	v7 =	vadd.s32 v7, v5;
	v8 =	vadd.s32 v8, v5  }
0x33d: {  	v16 =	vor.u32 v21, v7;
	v14 =	vor.u32 v13, v8;
	v13 =	vand.u32 $0x38, v23;
	v7 =	vld.idx.msk [tilespmem:v12+s3+$0x0], $0xffff  }
0x33e: {  	v8 =	vor.u32 v17, v18;
	v17 =	vand.u32 $0x6, v23;
	v12 =	vld.idx.msk [tilespmem:v24+s3+$0x0], $0xffff;
	v20 =	vadd.s32 v13, v5  }
0x33f: {  	s28 =	simm.s32 $0x6;
	s29 =	simm.s32 $0xC;
	v15 =	vor.u32 v15, v27;
	v18 =	vand.u32 $0x7, v26;
	v13 =	vld.idx.msk [tilespmem:v22+s3+$0x0], $0xffff;
	v17 =	vor.u32 v17, v20  }
.LBB2_42:
0x340: {  	s0 =	sadd.s32 $0x1, s29  }
0x341: {  	s1 =	sadd.s32 $0x2, s29;
	v20 =	vmov s28;
	v21 =	vadd.s32 s28, v6;
	v18 =	vor.u32 v18, v19;
	s28 =	smov.u32 s29;
	s6 =	sadd.s32 $0x6, s29  }
0x342: {  	v19 =	vadd.s32 s0, v6;
	v22 =	vadd.s32 s1, v6;
	s8 =	sadd.s32 $0x3, s28;
	s10 =	sadd.s32 $0x4, s28;
	s11 =	sadd.s32 $0x5, s28;
	v23 =	vand.u32 $0x6, v20;
	[tilespmem:v16+s16+$0x0] =	vst.idx.msk vm0, v10  }
0x343: {  	p0 =	slt.u32 s29, $0x18;
	v24 =	vadd.s32 s8, v6;
	v25 =	vmov s10;
	v26 =	vadd.s32 s10, v6;
	[tilespmem:v14+s16+$0x0] =	vst.idx.msk vm0, v9  }
0x344: {  	v9 =	vmov s0;
	v14 =	vmov s1;
	v16 =	vmov s11;
	[tilespmem:v15+s16+$0x0] =	vst.idx.msk vm0, v11  }
0x345: {  	v27 =	vmov s8;
	v10 =	vand.u32 $0x18, v9;
	v15 =	vadd.s32 s11, v6;
	[tilespmem:v17+s16+$0x0] =	vst.idx.msk vm0, v12  }
0x346: {  	v11 =	vand.u32 $0x18, v20;
	v12 =	vadd.s32 v10, v5;
	v17 =	vand.u32 $0x38, v27;
	[tilespmem:v18+s16+$0x0] =	vst.idx.msk vm0, v13  }
0x347: {  	v20 =	vadd.s32 v11, v5;
	v13 =	vand.u32 $0x7, v9;
	v18 =	vand.u32 $0x38, v14;
	v10 =	vld.idx.msk [tilespmem:v21+s3+$0x0], $0xffff;
	[tilespmem:v8+s16+$0x0] =	vst.idx.msk vm0, v7  }
.Ltmp19:
0x348: {  	v7 =	vand.u32 $0x6, v14;
	v8 =	vand.u32 $0x38, v16;
	v21 =	vand.u32 $0x7, v16;
	v9 =	vld.idx.msk [tilespmem:v22+s3+$0x0], $0xffff;
	(pc) =	sbr.rel @p0 .LBB2_42-.Ltmp19, $4  }
0x349: {  	v14 =	vadd.s32 v18, v5;
	v16 =	vor.u32 v23, v20;
	v8 =	vadd.s32 v8, v5;
	v11 =	vld.idx.msk [tilespmem:v19+s3+$0x0], $0xffff  }
0x34a: {  	v18 =	vand.u32 $0x38, v25;
	v14 =	vor.u32 v7, v14;
	v8 =	vor.u32 v21, v8;
	v7 =	vld.idx.msk [tilespmem:v15+s3+$0x0], $0xffff  }
0x34b: {  	v20 =	vand.u32 $0x6, v25;
	v21 =	vadd.s32 v18, v5;
	v15 =	vor.u32 v13, v12;
	v12 =	vld.idx.msk [tilespmem:v26+s3+$0x0], $0xffff  }
0x34c: {  	s29 =	smov.u32 s6;
	v18 =	vand.u32 $0x7, v27;
	v19 =	vadd.s32 v17, v5;
	v17 =	vor.u32 v20, v21;
	v13 =	vld.idx.msk [tilespmem:v24+s3+$0x0], $0xffff  }
0x34d: {  	_ = 	snop  }
0x34e: {  	v6 =	vadd.s32 s28, v6;
	_ =	sdelay $0x1  }
0x34f: {  	v20 =	vmov s28  }
0x350: {  	v18 =	vor.u32 v18, v19;
	v19 =	vand.u32 $0x18, v20  }
0x351: {  	[tilespmem:v16+s16+$0x0] =	vst.idx.msk vm0, v10;
	v20 =	vand.u32 $0x6, v20;
	v5 =	vadd.s32 v19, v5  }
0x352: {  	[tilespmem:v14+s16+$0x0] =	vst.idx.msk vm0, v9;
	v5 =	vor.u32 v20, v5;
	v6 =	vld.idx.msk [tilespmem:v6+s3+$0x0], $0xffff  }
0x353: {  	v4 =	vor.u32 $0x9, v4;
	[tilespmem:v15+s16+$0x0] =	vst.idx.msk vm0, v11  }
0x354: {  	[tilespmem:v8+s16+$0x0] =	vst.idx.msk vm0, v7  }
0x355: {  	[tilespmem:v17+s16+$0x0] =	vst.idx.msk vm0, v12  }
0x356: {  	[tilespmem:v18+s16+$0x0] =	vst.idx.msk vm0, v13  }
0x357: {  	[tilespmem:v5+s16+$0x0] =	vst.idx.msk vm0, v6  }
0x358: {  	v4 =	vld.idx.msk [tilespmem:v4+s12+$0x0], vm0;
	_ =	sdelay $0x4  }
0x359: {  	s10 =	simm.s32 $0x5;
	s11 =	simm.s32 $0x3;
	v4 =	vand.u32 $0xFF, v4  }
0x35a: {  	s1 =	simm.s32 $0x1;
	s8 =	simm.s32 $0x4;
	v11 =	vmov s11;
	v14 =	vmov s10;
	v4 =	vmul.u32 $0x1E, v4  }
0x35b: {  	v15 =	vmov s1;
	v14 =	vadd.s32 $0x10E, v14;
	v17 =	vmov s8  }
0x35c: {  	v19 =	vadd.s32 $0x10E, v15;
	v17 =	vadd.s32 $0x10E, v17;
	v4 =	vadd.s32 $0x10E00, v4  }
0x35d: {  	s0 =	simm.s32 $0x0;
	v18 =	vadd.s32 $0x10E, v11;
	v11 =	vand.u32 $0x178, v14;
	v6 =	vadd.s32 s1, v4  }
0x35e: {  	v20 =	vadd.s32 v3, v11;
	v5 =	vmov s0;
	v7 =	vadd.s32 s10, v4  }
0x35f: {  	v21 =	vand.u32 $0x178, v18;
	v5 =	vadd.s32 $0x10E, v5;
	v9 =	vadd.s32 s0, v4  }
0x360: {  	s6 =	simm.s32 $0x2;
	v11 =	vand.u32 $0x6, v17;
	v8 =	vand.u32 $0x138, v5;
	v12 =	vadd.s32 s8, v4  }
0x361: {  	v13 =	vand.u32 $0x6, v5;
	v5 =	vmov s6;
	v10 =	vadd.s32 s6, v4  }
0x362: {  	v18 =	vand.u32 $0x7, v18;
	v15 =	vadd.s32 $0x10E, v5;
	v16 =	vadd.s32 s11, v4;
	v5 =	vld.idx.msk [tilespmem:v6+s3+$0x0], $0xffff  }
0x363: {  	v21 =	vadd.s32 v3, v21;
	v6 =	vand.u32 $0x7, v14;
	v7 =	vld.idx.msk [tilespmem:v7+s3+$0x0], $0xffff;
	v14 =	vadd.s32 v3, v8  }
0x364: {  	v9 =	vld.idx.msk [tilespmem:v9+s3+$0x0], $0xffff;
	v8 =	vor.u32 v6, v20;
	v14 =	vor.u32 v13, v14;
	v13 =	vand.u32 $0x178, v15  }
0x365: {  	v20 =	vand.u32 $0x138, v19;
	v6 =	vld.idx.msk [tilespmem:v12+s3+$0x0], $0xffff;
	v12 =	vand.u32 $0x6, v15;
	v13 =	vadd.s32 v3, v13  }
0x366: {  	v10 =	vld.idx.msk [tilespmem:v10+s3+$0x0], $0xffff;
	v15 =	vor.u32 v12, v13;
	v13 =	vor.u32 v18, v21;
	v18 =	vand.u32 $0x178, v17  }
0x367: {  	s28 =	simm.s32 $0x6;
	v12 =	vld.idx.msk [tilespmem:v16+s3+$0x0], $0xffff;
	v16 =	vand.u32 $0x7, v19;
	v17 =	vadd.s32 v3, v20;
	v18 =	vadd.s32 v3, v18  }
.LBB2_44:
0x368: {  	s0 =	sadd.s32 $0x1, s28  }
0x369: {  	v19 =	vmov s28;
	s1 =	sadd.s32 $0x2, s28;
	s6 =	sadd.s32 $0x3, s28;
	v16 =	vor.u32 v16, v17;
	v11 =	vor.u32 v11, v18;
	s8 =	smov.u32 s28  }
0x36a: {  	s29 =	sadd.s32 $0x6, s28;
	v17 =	vadd.s32 $0x10E, v19;
	v18 =	vadd.s32 s0, v4;
	v19 =	vadd.s32 s1, v4;
	s10 =	sadd.s32 $0x4, s8;
	s11 =	sadd.s32 $0x5, s8;
	[tilespmem:v14+s16+$0x0] =	vst.idx.msk vm0, v9  }
0x36b: {  	p0 =	slt.u32 s28, $0x18;
	v14 =	vand.u32 $0x138, v17;
	v20 =	vadd.s32 s10, v4;
	v9 =	vadd.s32 s11, v4;
	[tilespmem:v8+s16+$0x0] =	vst.idx.msk vm0, v7  }
0x36c: {  	v8 =	vadd.s32 s8, v4;
	v17 =	vand.u32 $0x6, v17;
	v7 =	vmov s1;
	[tilespmem:v15+s16+$0x0] =	vst.idx.msk vm0, v10  }
0x36d: {  	v21 =	vmov s11;
	v10 =	vmov s6;
	v15 =	vadd.s32 s6, v4;
	[tilespmem:v13+s16+$0x0] =	vst.idx.msk vm0, v12  }
0x36e: {  	v21 =	vadd.s32 $0x10E, v21;
	v12 =	vmov s0;
	v13 =	vmov s10;
	[tilespmem:v16+s16+$0x0] =	vst.idx.msk vm0, v5  }
0x36f: {  	v10 =	vadd.s32 $0x10E, v10;
	v16 =	vadd.s32 $0x10E, v13;
	v13 =	vand.u32 $0x178, v21;
	v5 =	vld.idx.msk [tilespmem:v18+s3+$0x0], $0xffff;
	[tilespmem:v11+s16+$0x0] =	vst.idx.msk vm0, v6  }
0x370: {  	v18 =	vadd.s32 $0x10E, v12;
	v12 =	vadd.s32 $0x10E, v7;
	v13 =	vadd.s32 v3, v13;
	v7 =	vld.idx.msk [tilespmem:v9+s3+$0x0], $0xffff  }
0x371: {  	v22 =	vand.u32 $0x178, v10;
	v11 =	vand.u32 $0x6, v16;
	v9 =	vld.idx.msk [tilespmem:v8+s3+$0x0], $0xffff;
	v8 =	vand.u32 $0x7, v21  }
.Ltmp20:
0x372: {  	v14 =	vadd.s32 v3, v14;
	v21 =	vand.u32 $0x7, v10;
	v6 =	vld.idx.msk [tilespmem:v20+s3+$0x0], $0xffff;
	v8 =	vor.u32 v8, v13;
	(pc) =	sbr.rel @p0 .LBB2_44-.Ltmp20, $4  }
0x373: {  	v14 =	vor.u32 v17, v14;
	v17 =	vand.u32 $0x138, v18;
	v13 =	vand.u32 $0x178, v12;
	v10 =	vld.idx.msk [tilespmem:v19+s3+$0x0], $0xffff  }
0x374: {  	v20 =	vadd.s32 v3, v22;
	v19 =	vand.u32 $0x6, v12;
	v13 =	vadd.s32 v3, v13;
	v12 =	vld.idx.msk [tilespmem:v15+s3+$0x0], $0xffff  }
0x375: {  	v15 =	vor.u32 v19, v13;
	v13 =	vor.u32 v21, v20;
	v19 =	vand.u32 $0x178, v16  }
0x376: {  	s28 =	smov.u32 s29;
	v17 =	vadd.s32 v3, v17;
	v16 =	vand.u32 $0x7, v18;
	v18 =	vadd.s32 v3, v19  }
0x377: {  	_ =	sdelay $0x3  }
0x378: {  	v3 =	vor.u32 v16, v17  }
0x379: {  	v4 =	vor.u32 v11, v18;
	[tilespmem:v14+s16+$0x0] =	vst.idx.msk vm0, v9  }
0x37a: {  	s0 =	sor.u32 s26, s25;
	p0 =	seq.s32 s24, $0x3;
	[tilespmem:v8+s16+$0x0] =	vst.idx.msk vm0, v7  }
0x37b: {  	s1 =	sadd.s32 @p0 s7, s0;
	[tilespmem:v15+s16+$0x0] =	vst.idx.msk vm0, v10  }
0x37c: {  	s1 =	smul.u32 @p0 $0x76C, s1;
	[tilespmem:v13+s16+$0x0] =	vst.idx.msk vm0, v12  }
0x37d: {  	s22 =	sadd.s32 $0x1, s22;
	p1 =	sne.s32 @!p0 s24, $0x1;
	[tilespmem:v3+s16+$0x0] =	vst.idx.msk vm0, v5  }
0x37e: {  	s6 =	simm.s32 @p0 $0x0;
	s8 =	simm.s32 @p0 $0x18060;
	s1 =	sadd.s32 @p0 s2, s1;
	[tilespmem:v4+s16+$0x0] =	vst.idx.msk vm0, v6  }
0x37f: {  	[hbm4b:s1+s6] =	stream.linear.scatter @p0 [tilespmem:s8], [sflag:$0x4], $0x3B60, $0x38;
	[tilespmem:$0x1BBC0] =	vst v63  }
0x380: {  	p1 =	por p1, p0;
	p0 =	sne.s32 s22, $0x8  }
.Ltmp21:
0x381: {  	s0 =	sadd.s32 @!p1 s7, s0;
	(pc) =	sbr.rel @p0 .LBB2_3-.Ltmp21, $3  }
0x382: {  	s0 =	smul.u32 @!p1 $0x76C, s0;
	_ =	sdelay $0x1  }
0x383: {  	s0 =	sadd.s32 @!p1 s2, s0;
	s1 =	simm.s32 @!p1 $0x0;
	s6 =	simm.s32 @!p1 $0x14500  }
0x384: {  	[hbm4b:s0+s1] =	stream.linear.scatter @!p1 [tilespmem:s6], [sflag:$0x3], $0x3B60, $0x38;
	[tilespmem:$0x1BBC0] =	vst v63  }
0x385: {  	p0 =	seq.s32 s20, $0xF  }
0x386: {  	s0 =	smul.u32 @!p0 $0x190, s20;
	_ =	sdelay $0x1  }
0x387: {  	_ =	swait.ge [sflag:s17], $0xC80;
	s0 =	sadd.s32 @!p0 s0, s9  }
0x388: {  	s21 =	sshll.u32 s21, $0x2;
	s22 =	simm.s32 $0x0;
	s0 =	sshll.u32 @!p0 s0, $0x1  }
0x389: {  	[sflag:s17] =	ssyncset.done $0x0;
	s1 =	simm.s32 @!p0 $0x0;
	s0 =	sand.u32 @!p0 $0x1FFFFFE0, s0  }
0x38a: {  	s6 =	simm.s32 @!p0 $0x12C00;
	[sflag:s17] =	ssyncadd.s32 $0xFFFFF380;
	s0 =	sadd.s32 @!p0 s5, s0  }
0x38b: {  	[tilespmem:s6], [sflag:$0x1] =	stream.linear.gather @!p0 [hbm4b:s0+s1], $0xC80, $0x38;
	[tilespmem:$0x1BBC0] =	vst v63  }
.LBB2_47:
0x38c: {  	s23 =	sand.u32 $0x3, s22  }
0x38d: {  	p0 =	seq.s32 s23, $0x0  }
.Ltmp22:
0x38e: {  	_ = 	snop;
	(pc) =	sbr.rel @p0 .LBB2_48-.Ltmp22, $1  }
0x38f: {  	_ =	sdelay $0x3  }
0x390: {  	p0 =	sne.s32 s23, $0x2  }
.Ltmp23:
0x391: {  	_ = 	snop;
	(pc) =	sbr.rel @p0 .LBB2_52-.Ltmp23, $1  }
0x392: {  	_ =	sdelay $0x3  }
.Ltmp24:
0x393: {  	(pc) =	sbr.rel .LBB2_51-.Ltmp24, $2  }
0x394: {  	_ =	sdelay $0x2  }
0x395: {  	s24 =	simm.s32 $0x4  }
.LBB2_48:
0x396: {  	s24 =	simm.s32 $0x3  }
.LBB2_51:
0x397: {  	_ =	swait.ge [sflag:s24], $0x3B60  }
0x398: {  	[sflag:s24] =	ssyncset.done $0x0  }
0x399: {  	[sflag:s24] =	ssyncadd.s32 $0xFFFFC4A0  }
.LBB2_52:
0x39a: {  	s25 =	sshrl.u32 s22, $0x2  }
0x39b: {  	s24 =	sshrl.u32 s23, $0x1;
	s0 =	smul.u32 $0x64, s25  }
0x39c: {  	s1 =	smul.u32 $0x32, s24  }
0x39d: {  	s6 =	sshll.u32 s22, $0x5  }
0x39e: {  	s31 =	sand.u32 $0x20, s6;
	s26 =	sadd.s32 s0, s1  }
0x39f: {  	s1 =	sadd.s32 s31, s26  }
0x3a0: {  	v3 =	vmov s1  }
0x3a1: {  	v3 =	vshll.u32 v3, $0x4  }
0x3a2: {  	v5 =	vadd.s32 v1, v3;
	_ =	sdelay $0x4  }
0x3a3: {  	v3 =	vld.idx.msk [tilespmem:v5+s14+$0x0], $0xffff;
	_ =	sdelay $0x1  }
0x3a4: {  	s11 =	simm.s32 $0x2;
	s8 =	simm.s32 $0x4  }
0x3a5: {  	s10 =	simm.s32 $0x5;
	v6 =	vmov s24;
	v10 =	vmov s8;
	v13 =	vmov s11  }
0x3a6: {  	s6 =	simm.s32 $0x1;
	v14 =	vmov s10;
	v4 =	vmov s31;
	v7 =	vmul.u32 $0x3B60, v6  }
0x3a7: {  	v12 =	vmov s6;
	v19 =	vand.u32 $0x38, v13;
	v3 =	vand.u32 $0xFF, v3  }
0x3a8: {  	v13 =	vand.u32 $0x6, v13;
	v4 =	vmul.u32 $0x130, v4;
	v6 =	vmul.u32 $0x1E, v3  }
0x3a9: {  	v20 =	vand.u32 $0x38, v14;
	v14 =	vand.u32 $0x7, v14;
	v15 =	vand.u32 $0x18, v12;
	s31 =	simm.s32 $0x3  }
0x3aa: {  	v4 =	vadd.s32 v7, v4;
	v16 =	vmov s31;
	v8 =	vadd.s32 s11, v6  }
0x3ab: {  	v4 =	vbroadcast v4, $0x0;
	v3 =	vbroadcast v7, $0x0;
	v7 =	vadd.s32 s6, v6  }
0x3ac: {  	v12 =	vand.u32 $0x7, v12;
	v18 =	vand.u32 $0x38, v16;
	v11 =	vadd.s32 s8, v6  }
0x3ad: {  	v16 =	vand.u32 $0x7, v16;
	v4 =	vadd.s32 v2, v4;
	v17 =	vadd.s32 s10, v6  }
0x3ae: {  	v15 =	vadd.s32 v4, v15;
	v19 =	vadd.s32 v4, v19;
	v20 =	vadd.s32 v4, v20  }
0x3af: {  	v13 =	vor.u32 v13, v19;
	v19 =	vand.u32 $0x38, v10;
	v9 =	vadd.s32 s31, v6;
	v8 =	vld.idx.msk [tilespmem:v8+s3+$0x0], $0xffff  }
0x3b0: {  	v12 =	vor.u32 v12, v15;
	v10 =	vand.u32 $0x6, v10;
	v15 =	vadd.s32 v4, v19;
	v7 =	vld.idx.msk [tilespmem:v7+s3+$0x0], $0xffff  }
0x3b1: {  	s1 =	simm.s32 $0x7;
	v18 =	vadd.s32 v4, v18;
	v14 =	vor.u32 v14, v20;
	v10 =	vor.u32 v10, v15;
	s11 =	simm.s32 $0x0;
	v11 =	vld.idx.msk [tilespmem:v11+s3+$0x0], $0xffff  }
0x3b2: {  	v16 =	vor.u32 v16, v18;
	s6 =	simm.s32 $0x8;
	v18 =	vadd.s32 s1, v6;
	s31 =	simm.s32 $0x9;
	v15 =	vmov s11;
	v17 =	vld.idx.msk [tilespmem:v17+s3+$0x0], $0xffff  }
0x3b3: {  	s10 =	simm.s32 $0xA;
	v19 =	vadd.s32 s11, v6;
	v20 =	vadd.s32 s6, v6;
	v22 =	vadd.s32 s31, v6  }
0x3b4: {  	s11 =	simm.s32 $0xB;
	v23 =	vmov s10;
	v24 =	vadd.s32 s10, v6;
	v26 =	vmov s31;
	v9 =	vld.idx.msk [tilespmem:v9+s3+$0x0], $0xffff;
	[tilespmem:v13+s16+$0x0] =	vst.idx.msk $0xffff, v8  }
0x3b5: {  	v21 =	vand.u32 $0x6, v15;
	v25 =	vmov s11;
	v28 =	vand.u32 $0x38, v26;
	[tilespmem:v12+s16+$0x0] =	vst.idx.msk $0xffff, v7  }
0x3b6: {  	v8 =	vmov s1;
	v13 =	vmov s6;
	v12 =	vadd.s32 s11, v6;
	[tilespmem:v10+s16+$0x0] =	vst.idx.msk $0xffff, v11  }
0x3b7: {  	[tilespmem:v14+s16+$0x0] =	vst.idx.msk $0xffff, v17;
	v14 =	vand.u32 $0x38, v25;
	v17 =	vand.u32 $0x7, v25;
	v7 =	vand.u32 $0x18, v8  }
0x3b8: {  	v11 =	vld.idx.msk [tilespmem:v18+s3+$0x0], $0xffff;
	v18 =	vand.u32 $0x38, v23;
	v14 =	vadd.s32 v4, v14;
	v27 =	vadd.s32 v4, v7  }
0x3b9: {  	[tilespmem:v16+s16+$0x0] =	vst.idx.msk $0xffff, v9;
	v10 =	vld.idx.msk [tilespmem:v19+s3+$0x0], $0xffff;
	v7 =	vand.u32 $0x18, v15;
	v15 =	vand.u32 $0x7, v8;
	v8 =	vand.u32 $0x38, v13  }
0x3ba: {  	v9 =	vld.idx.msk [tilespmem:v20+s3+$0x0], $0xffff;
	v13 =	vand.u32 $0x6, v13;
	v7 =	vadd.s32 v4, v7;
	v8 =	vadd.s32 v4, v8  }
0x3bb: {  	v16 =	vor.u32 v21, v7;
	v13 =	vor.u32 v13, v8;
	v8 =	vor.u32 v17, v14;
	v14 =	vld.idx.msk [tilespmem:v22+s3+$0x0], $0xffff  }
0x3bc: {  	s28 =	sshll.u32 s22, $0x1;
	s31 =	sshll.u32 s25, $0x1;
	v19 =	vadd.s32 v4, v28;
	v20 =	vadd.s32 v4, v18;
	v17 =	vand.u32 $0x6, v23;
	v7 =	vld.idx.msk [tilespmem:v12+s3+$0x0], $0xffff  }
0x3bd: {  	s29 =	simm.s32 $0x6;
	s30 =	simm.s32 $0xC;
	s25 =	sadd.s32 s21, s31;
	v18 =	vand.u32 $0x7, v26;
	v15 =	vor.u32 v15, v27;
	v12 =	vld.idx.msk [tilespmem:v24+s3+$0x0], $0xffff;
	v17 =	vor.u32 v17, v20  }
.LBB2_53:
0x3be: {  	s0 =	sadd.s32 $0x1, s30  }
0x3bf: {  	s1 =	sadd.s32 $0x2, s30;
	v20 =	vmov s29;
	v21 =	vadd.s32 s29, v6;
	v18 =	vor.u32 v18, v19;
	s29 =	smov.u32 s30;
	s6 =	sadd.s32 $0x6, s30  }
0x3c0: {  	v19 =	vadd.s32 s0, v6;
	v22 =	vadd.s32 s1, v6;
	s8 =	sadd.s32 $0x3, s29;
	s10 =	sadd.s32 $0x4, s29;
	s11 =	sadd.s32 $0x5, s29;
	v23 =	vand.u32 $0x6, v20;
	[tilespmem:v16+s16+$0x0] =	vst.idx.msk $0xffff, v10  }
0x3c1: {  	p0 =	slt.u32 s30, $0x18;
	v24 =	vadd.s32 s8, v6;
	v25 =	vmov s10;
	v26 =	vadd.s32 s10, v6;
	[tilespmem:v13+s16+$0x0] =	vst.idx.msk $0xffff, v9  }
0x3c2: {  	v9 =	vmov s0;
	v13 =	vmov s1;
	v16 =	vmov s11;
	[tilespmem:v15+s16+$0x0] =	vst.idx.msk $0xffff, v11  }
0x3c3: {  	v27 =	vmov s8;
	v10 =	vand.u32 $0x18, v9;
	v15 =	vadd.s32 s11, v6;
	[tilespmem:v17+s16+$0x0] =	vst.idx.msk $0xffff, v12  }
0x3c4: {  	v11 =	vand.u32 $0x18, v20;
	v12 =	vadd.s32 v4, v10;
	v17 =	vand.u32 $0x38, v27;
	[tilespmem:v18+s16+$0x0] =	vst.idx.msk $0xffff, v14  }
0x3c5: {  	v20 =	vadd.s32 v4, v11;
	v14 =	vand.u32 $0x7, v9;
	v18 =	vand.u32 $0x38, v13;
	v10 =	vld.idx.msk [tilespmem:v21+s3+$0x0], $0xffff;
	[tilespmem:v8+s16+$0x0] =	vst.idx.msk $0xffff, v7  }
.Ltmp25:
0x3c6: {  	v7 =	vand.u32 $0x6, v13;
	v8 =	vand.u32 $0x38, v16;
	v21 =	vand.u32 $0x7, v16;
	v9 =	vld.idx.msk [tilespmem:v22+s3+$0x0], $0xffff;
	(pc) =	sbr.rel @p0 .LBB2_53-.Ltmp25, $4  }
0x3c7: {  	v13 =	vadd.s32 v4, v18;
	v16 =	vor.u32 v23, v20;
	v8 =	vadd.s32 v4, v8;
	v11 =	vld.idx.msk [tilespmem:v19+s3+$0x0], $0xffff  }
0x3c8: {  	v18 =	vand.u32 $0x38, v25;
	v13 =	vor.u32 v7, v13;
	v8 =	vor.u32 v21, v8;
	v7 =	vld.idx.msk [tilespmem:v15+s3+$0x0], $0xffff  }
0x3c9: {  	v20 =	vand.u32 $0x6, v25;
	v21 =	vadd.s32 v4, v18;
	v15 =	vor.u32 v14, v12;
	v12 =	vld.idx.msk [tilespmem:v26+s3+$0x0], $0xffff  }
0x3ca: {  	s30 =	smov.u32 s6;
	v18 =	vand.u32 $0x7, v27;
	v19 =	vadd.s32 v4, v17;
	v17 =	vor.u32 v20, v21;
	v14 =	vld.idx.msk [tilespmem:v24+s3+$0x0], $0xffff  }
0x3cb: {  	v6 =	vadd.s32 s29, v6;
	_ =	sdelay $0x1  }
0x3cc: {  	v20 =	vmov s29  }
0x3cd: {  	v18 =	vor.u32 v18, v19;
	v19 =	vand.u32 $0x18, v20  }
0x3ce: {  	[tilespmem:v16+s16+$0x0] =	vst.idx.msk $0xffff, v10;
	v20 =	vand.u32 $0x6, v20;
	v10 =	vadd.s32 v4, v19  }
0x3cf: {  	[tilespmem:v13+s16+$0x0] =	vst.idx.msk $0xffff, v9;
	v9 =	vor.u32 v20, v10;
	v6 =	vld.idx.msk [tilespmem:v6+s3+$0x0], $0xffff  }
0x3d0: {  	[tilespmem:v15+s16+$0x0] =	vst.idx.msk $0xffff, v11;
	v10 =	vor.u32 $0x1, v5  }
0x3d1: {  	[tilespmem:v8+s16+$0x0] =	vst.idx.msk $0xffff, v7  }
0x3d2: {  	[tilespmem:v17+s16+$0x0] =	vst.idx.msk $0xffff, v12  }
0x3d3: {  	[tilespmem:v18+s16+$0x0] =	vst.idx.msk $0xffff, v14  }
0x3d4: {  	[tilespmem:v9+s16+$0x0] =	vst.idx.msk $0xffff, v6  }
0x3d5: {  	v6 =	vld.idx.msk [tilespmem:v10+s14+$0x0], $0xffff;
	_ =	sdelay $0x4  }
0x3d6: {  	s0 =	simm.s32 $0x0;
	s11 =	simm.s32 $0x3;
	v6 =	vand.u32 $0xFF, v6  }
0x3d7: {  	s8 =	simm.s32 $0x4;
	v11 =	vmov s11;
	v7 =	vmov s0;
	v6 =	vmul.u32 $0x1E, v6  }
0x3d8: {  	s1 =	simm.s32 $0x1;
	s10 =	simm.s32 $0x5;
	v19 =	vmov s8;
	v11 =	vadd.s32 $0x1E, v11;
	v7 =	vadd.s32 $0x1E, v7  }
0x3d9: {  	v12 =	vmov s10;
	v17 =	vmov s1;
	v6 =	vadd.s32 $0x1E00, v6  }
0x3da: {  	v19 =	vadd.s32 $0x1E, v19;
	v23 =	vand.u32 $0x78, v11;
	v8 =	vadd.s32 s1, v6  }
0x3db: {  	v24 =	vand.u32 $0x7, v11;
	v20 =	vadd.s32 $0x1E, v12;
	v9 =	vadd.s32 s10, v6  }
0x3dc: {  	v16 =	vand.u32 $0x6, v7;
	v12 =	vand.u32 $0x78, v20;
	v15 =	vadd.s32 s0, v6  }
0x3dd: {  	s6 =	simm.s32 $0x2;
	v21 =	vadd.s32 $0x1E, v17;
	v22 =	vadd.s32 v4, v12;
	v14 =	vadd.s32 s8, v6  }
0x3de: {  	v10 =	vand.u32 $0x38, v7;
	v7 =	vmov s6;
	v13 =	vadd.s32 s6, v6  }
0x3df: {  	v17 =	vadd.s32 $0x1E, v7;
	v18 =	vadd.s32 s11, v6;
	v7 =	vld.idx.msk [tilespmem:v8+s3+$0x0], $0xffff;
	v8 =	vand.u32 $0x7, v20  }
0x3e0: {  	v12 =	vand.u32 $0x6, v19;
	v9 =	vld.idx.msk [tilespmem:v9+s3+$0x0], $0xffff;
	v20 =	vadd.s32 v4, v10;
	v11 =	vor.u32 v8, v22  }
0x3e1: {  	v10 =	vld.idx.msk [tilespmem:v15+s3+$0x0], $0xffff;
	v15 =	vor.u32 v16, v20;
	v20 =	vand.u32 $0x38, v21;
	v16 =	vand.u32 $0x78, v17  }
0x3e2: {  	v8 =	vld.idx.msk [tilespmem:v14+s3+$0x0], $0xffff;
	v14 =	vand.u32 $0x6, v17;
	v22 =	vadd.s32 v4, v23;
	v16 =	vadd.s32 v4, v16  }
0x3e3: {  	v13 =	vld.idx.msk [tilespmem:v13+s3+$0x0], $0xffff;
	v17 =	vor.u32 v14, v16;
	v16 =	vor.u32 v24, v22;
	v22 =	vand.u32 $0x78, v19  }
0x3e4: {  	s29 =	simm.s32 $0x6;
	v14 =	vld.idx.msk [tilespmem:v18+s3+$0x0], $0xffff;
	v18 =	vand.u32 $0x7, v21;
	v19 =	vadd.s32 v4, v20;
	v20 =	vadd.s32 v4, v22  }
.LBB2_55:
0x3e5: {  	s0 =	sadd.s32 $0x1, s29  }
0x3e6: {  	v21 =	vmov s29;
	s1 =	sadd.s32 $0x2, s29;
	s6 =	sadd.s32 $0x3, s29;
	v18 =	vor.u32 v18, v19;
	v12 =	vor.u32 v12, v20;
	s8 =	smov.u32 s29  }
0x3e7: {  	s30 =	sadd.s32 $0x6, s29;
	v19 =	vadd.s32 $0x1E, v21;
	v20 =	vadd.s32 s0, v6;
	v21 =	vadd.s32 s1, v6;
	s10 =	sadd.s32 $0x4, s8;
	s11 =	sadd.s32 $0x5, s8;
	[tilespmem:v15+s16+$0x0] =	vst.idx.msk $0xffff, v10  }
0x3e8: {  	p0 =	slt.u32 s29, $0x18;
	v15 =	vand.u32 $0x38, v19;
	v22 =	vadd.s32 s10, v6;
	v10 =	vadd.s32 s11, v6;
	[tilespmem:v11+s16+$0x0] =	vst.idx.msk $0xffff, v9  }
0x3e9: {  	v11 =	vadd.s32 s8, v6;
	v19 =	vand.u32 $0x6, v19;
	v9 =	vmov s1;
	[tilespmem:v17+s16+$0x0] =	vst.idx.msk $0xffff, v13  }
0x3ea: {  	v23 =	vmov s11;
	v13 =	vmov s6;
	v17 =	vadd.s32 s6, v6;
	[tilespmem:v16+s16+$0x0] =	vst.idx.msk $0xffff, v14  }
0x3eb: {  	v23 =	vadd.s32 $0x1E, v23;
	v14 =	vmov s0;
	v16 =	vmov s10;
	[tilespmem:v18+s16+$0x0] =	vst.idx.msk $0xffff, v7  }
0x3ec: {  	v13 =	vadd.s32 $0x1E, v13;
	v18 =	vadd.s32 $0x1E, v16;
	v16 =	vand.u32 $0x78, v23;
	v7 =	vld.idx.msk [tilespmem:v20+s3+$0x0], $0xffff;
	[tilespmem:v12+s16+$0x0] =	vst.idx.msk $0xffff, v8  }
0x3ed: {  	v20 =	vadd.s32 $0x1E, v14;
	v14 =	vadd.s32 $0x1E, v9;
	v16 =	vadd.s32 v4, v16;
	v9 =	vld.idx.msk [tilespmem:v10+s3+$0x0], $0xffff  }
0x3ee: {  	v24 =	vand.u32 $0x78, v13;
	v12 =	vand.u32 $0x6, v18;
	v10 =	vld.idx.msk [tilespmem:v11+s3+$0x0], $0xffff;
	v11 =	vand.u32 $0x7, v23  }
.Ltmp26:
0x3ef: {  	v15 =	vadd.s32 v4, v15;
	v23 =	vand.u32 $0x7, v13;
	v8 =	vld.idx.msk [tilespmem:v22+s3+$0x0], $0xffff;
	v11 =	vor.u32 v11, v16;
	(pc) =	sbr.rel @p0 .LBB2_55-.Ltmp26, $4  }
0x3f0: {  	v15 =	vor.u32 v19, v15;
	v19 =	vand.u32 $0x38, v20;
	v16 =	vand.u32 $0x78, v14;
	v13 =	vld.idx.msk [tilespmem:v21+s3+$0x0], $0xffff  }
0x3f1: {  	v22 =	vadd.s32 v4, v24;
	v21 =	vand.u32 $0x6, v14;
	v16 =	vadd.s32 v4, v16;
	v14 =	vld.idx.msk [tilespmem:v17+s3+$0x0], $0xffff  }
0x3f2: {  	v17 =	vor.u32 v21, v16;
	v16 =	vor.u32 v23, v22;
	v21 =	vand.u32 $0x78, v18  }
0x3f3: {  	s29 =	smov.u32 s30;
	v19 =	vadd.s32 v4, v19;
	v18 =	vand.u32 $0x7, v20;
	v20 =	vadd.s32 v4, v21  }
0x3f4: {  	_ =	sdelay $0x2  }
0x3f5: {  	v6 =	vor.u32 v18, v19  }
0x3f6: {  	v12 =	vor.u32 v12, v20;
	[tilespmem:v15+s16+$0x0] =	vst.idx.msk $0xffff, v10  }
0x3f7: {  	[tilespmem:v11+s16+$0x0] =	vst.idx.msk $0xffff, v9;
	v9 =	vor.u32 $0x2, v5  }
0x3f8: {  	[tilespmem:v17+s16+$0x0] =	vst.idx.msk $0xffff, v13  }
0x3f9: {  	[tilespmem:v16+s16+$0x0] =	vst.idx.msk $0xffff, v14  }
0x3fa: {  	[tilespmem:v6+s16+$0x0] =	vst.idx.msk $0xffff, v7  }
0x3fb: {  	[tilespmem:v12+s16+$0x0] =	vst.idx.msk $0xffff, v8  }
0x3fc: {  	v6 =	vld.idx.msk [tilespmem:v9+s14+$0x0], $0xffff;
	_ =	sdelay $0x4  }
0x3fd: {  	s8 =	simm.s32 $0x4;
	s11 =	simm.s32 $0x3;
	v6 =	vand.u32 $0xFF, v6  }
0x3fe: {  	s1 =	simm.s32 $0x1;
	v11 =	vmov s11;
	v19 =	vmov s8;
	v6 =	vmul.u32 $0x1E, v6  }
0x3ff: {  	v17 =	vmov s1;
	v11 =	vadd.s32 $0x3C, v11;
	v19 =	vadd.s32 $0x3C, v19  }
0x400: {  	s0 =	simm.s32 $0x0;
	v21 =	vadd.s32 $0x3C, v17;
	v23 =	vand.u32 $0x78, v11;
	v6 =	vadd.s32 $0x3C00, v6  }
0x401: {  	s10 =	simm.s32 $0x5;
	v24 =	vand.u32 $0x7, v11;
	v7 =	vmov s0;
	v8 =	vadd.s32 s1, v6  }
0x402: {  	v12 =	vmov s10;
	v7 =	vadd.s32 $0x3C, v7;
	v9 =	vadd.s32 s10, v6  }
0x403: {  	s6 =	simm.s32 $0x2;
	v20 =	vadd.s32 $0x3C, v12;
	v10 =	vand.u32 $0x78, v7;
	v15 =	vadd.s32 s0, v6  }
0x404: {  	v16 =	vand.u32 $0x6, v7;
	v7 =	vmov s6;
	v14 =	vadd.s32 s8, v6  }
0x405: {  	v12 =	vand.u32 $0x78, v20;
	v17 =	vadd.s32 $0x3C, v7;
	v13 =	vadd.s32 s6, v6  }
0x406: {  	v22 =	vadd.s32 v4, v12;
	v18 =	vadd.s32 s11, v6;
	v7 =	vld.idx.msk [tilespmem:v8+s3+$0x0], $0xffff;
	v8 =	vand.u32 $0x7, v20  }
0x407: {  	v12 =	vand.u32 $0x6, v19;
	v9 =	vld.idx.msk [tilespmem:v9+s3+$0x0], $0xffff;
	v20 =	vadd.s32 v4, v10;
	v11 =	vor.u32 v8, v22  }
0x408: {  	v10 =	vld.idx.msk [tilespmem:v15+s3+$0x0], $0xffff;
	v15 =	vor.u32 v16, v20;
	v20 =	vand.u32 $0x78, v21;
	v16 =	vand.u32 $0x78, v17  }
0x409: {  	v8 =	vld.idx.msk [tilespmem:v14+s3+$0x0], $0xffff;
	v14 =	vand.u32 $0x6, v17;
	v22 =	vadd.s32 v4, v23;
	v16 =	vadd.s32 v4, v16  }
0x40a: {  	v13 =	vld.idx.msk [tilespmem:v13+s3+$0x0], $0xffff;
	v17 =	vor.u32 v14, v16;
	v16 =	vor.u32 v24, v22;
	v22 =	vand.u32 $0x78, v19  }
0x40b: {  	s29 =	simm.s32 $0x6;
	v14 =	vld.idx.msk [tilespmem:v18+s3+$0x0], $0xffff;
	v18 =	vand.u32 $0x7, v21;
	v19 =	vadd.s32 v4, v20;
	v20 =	vadd.s32 v4, v22  }
.LBB2_57:
0x40c: {  	s0 =	sadd.s32 $0x1, s29  }
0x40d: {  	v21 =	vmov s29;
	s1 =	sadd.s32 $0x2, s29;
	s6 =	sadd.s32 $0x3, s29;
	v18 =	vor.u32 v18, v19;
	v12 =	vor.u32 v12, v20;
	s8 =	smov.u32 s29  }
0x40e: {  	s30 =	sadd.s32 $0x6, s29;
	v19 =	vadd.s32 $0x3C, v21;
	v20 =	vadd.s32 s0, v6;
	v21 =	vadd.s32 s1, v6;
	s10 =	sadd.s32 $0x4, s8;
	s11 =	sadd.s32 $0x5, s8;
	[tilespmem:v15+s16+$0x0] =	vst.idx.msk $0xffff, v10  }
0x40f: {  	p0 =	slt.u32 s29, $0x18;
	v15 =	vand.u32 $0x78, v19;
	v22 =	vadd.s32 s10, v6;
	v10 =	vadd.s32 s11, v6;
	[tilespmem:v11+s16+$0x0] =	vst.idx.msk $0xffff, v9  }
0x410: {  	v11 =	vadd.s32 s8, v6;
	v19 =	vand.u32 $0x6, v19;
	v9 =	vmov s1;
	[tilespmem:v17+s16+$0x0] =	vst.idx.msk $0xffff, v13  }
0x411: {  	v23 =	vmov s11;
	v13 =	vmov s6;
	v17 =	vadd.s32 s6, v6;
	[tilespmem:v16+s16+$0x0] =	vst.idx.msk $0xffff, v14  }
0x412: {  	v23 =	vadd.s32 $0x3C, v23;
	v14 =	vmov s0;
	v16 =	vmov s10;
	[tilespmem:v18+s16+$0x0] =	vst.idx.msk $0xffff, v7  }
0x413: {  	v13 =	vadd.s32 $0x3C, v13;
	v18 =	vadd.s32 $0x3C, v16;
	v16 =	vand.u32 $0x78, v23;
	v7 =	vld.idx.msk [tilespmem:v20+s3+$0x0], $0xffff;
	[tilespmem:v12+s16+$0x0] =	vst.idx.msk $0xffff, v8  }
0x414: {  	v20 =	vadd.s32 $0x3C, v14;
	v14 =	vadd.s32 $0x3C, v9;
	v16 =	vadd.s32 v4, v16;
	v9 =	vld.idx.msk [tilespmem:v10+s3+$0x0], $0xffff  }
0x415: {  	v24 =	vand.u32 $0x78, v13;
	v12 =	vand.u32 $0x6, v18;
	v10 =	vld.idx.msk [tilespmem:v11+s3+$0x0], $0xffff;
	v11 =	vand.u32 $0x7, v23  }
.Ltmp27:
0x416: {  	v15 =	vadd.s32 v4, v15;
	v23 =	vand.u32 $0x7, v13;
	v8 =	vld.idx.msk [tilespmem:v22+s3+$0x0], $0xffff;
	v11 =	vor.u32 v11, v16;
	(pc) =	sbr.rel @p0 .LBB2_57-.Ltmp27, $4  }
0x417: {  	v15 =	vor.u32 v19, v15;
	v19 =	vand.u32 $0x78, v20;
	v16 =	vand.u32 $0x78, v14;
	v13 =	vld.idx.msk [tilespmem:v21+s3+$0x0], $0xffff  }
0x418: {  	v22 =	vadd.s32 v4, v24;
	v21 =	vand.u32 $0x6, v14;
	v16 =	vadd.s32 v4, v16;
	v14 =	vld.idx.msk [tilespmem:v17+s3+$0x0], $0xffff  }
0x419: {  	v17 =	vor.u32 v21, v16;
	v16 =	vor.u32 v23, v22;
	v21 =	vand.u32 $0x78, v18  }
0x41a: {  	s29 =	smov.u32 s30;
	v19 =	vadd.s32 v4, v19;
	v18 =	vand.u32 $0x7, v20;
	v20 =	vadd.s32 v4, v21  }
0x41b: {  	_ =	sdelay $0x2  }
0x41c: {  	v6 =	vor.u32 v18, v19  }
0x41d: {  	v12 =	vor.u32 v12, v20;
	[tilespmem:v15+s16+$0x0] =	vst.idx.msk $0xffff, v10  }
0x41e: {  	[tilespmem:v11+s16+$0x0] =	vst.idx.msk $0xffff, v9;
	v9 =	vor.u32 $0x3, v5  }
0x41f: {  	[tilespmem:v17+s16+$0x0] =	vst.idx.msk $0xffff, v13  }
0x420: {  	[tilespmem:v16+s16+$0x0] =	vst.idx.msk $0xffff, v14  }
0x421: {  	[tilespmem:v6+s16+$0x0] =	vst.idx.msk $0xffff, v7  }
0x422: {  	[tilespmem:v12+s16+$0x0] =	vst.idx.msk $0xffff, v8  }
0x423: {  	v6 =	vld.idx.msk [tilespmem:v9+s14+$0x0], $0xffff;
	_ =	sdelay $0x4  }
0x424: {  	s8 =	simm.s32 $0x4;
	s11 =	simm.s32 $0x3;
	v6 =	vand.u32 $0xFF, v6  }
0x425: {  	s1 =	simm.s32 $0x1;
	v11 =	vmov s11;
	v19 =	vmov s8;
	v6 =	vmul.u32 $0x1E, v6  }
0x426: {  	v17 =	vmov s1;
	v11 =	vadd.s32 $0x5A, v11;
	v19 =	vadd.s32 $0x5A, v19  }
0x427: {  	s0 =	simm.s32 $0x0;
	v21 =	vadd.s32 $0x5A, v17;
	v23 =	vand.u32 $0xF8, v11;
	v6 =	vadd.s32 $0x5A00, v6  }
0x428: {  	s10 =	simm.s32 $0x5;
	v24 =	vand.u32 $0x7, v11;
	v7 =	vmov s0;
	v8 =	vadd.s32 s1, v6  }
0x429: {  	v12 =	vmov s10;
	v7 =	vadd.s32 $0x5A, v7;
	v9 =	vadd.s32 s10, v6  }
0x42a: {  	s6 =	simm.s32 $0x2;
	v20 =	vadd.s32 $0x5A, v12;
	v10 =	vand.u32 $0x78, v7;
	v15 =	vadd.s32 s0, v6  }
0x42b: {  	v16 =	vand.u32 $0x6, v7;
	v7 =	vmov s6;
	v14 =	vadd.s32 s8, v6  }
0x42c: {  	v12 =	vand.u32 $0xF8, v20;
	v17 =	vadd.s32 $0x5A, v7;
	v13 =	vadd.s32 s6, v6  }
0x42d: {  	v22 =	vadd.s32 v4, v12;
	v18 =	vadd.s32 s11, v6;
	v7 =	vld.idx.msk [tilespmem:v8+s3+$0x0], $0xffff;
	v8 =	vand.u32 $0x7, v20  }
0x42e: {  	v12 =	vand.u32 $0x6, v19;
	v9 =	vld.idx.msk [tilespmem:v9+s3+$0x0], $0xffff;
	v20 =	vadd.s32 v4, v10;
	v11 =	vor.u32 v8, v22  }
0x42f: {  	v10 =	vld.idx.msk [tilespmem:v15+s3+$0x0], $0xffff;
	v15 =	vor.u32 v16, v20;
	v20 =	vand.u32 $0x78, v21;
	v16 =	vand.u32 $0xF8, v17  }
0x430: {  	v8 =	vld.idx.msk [tilespmem:v14+s3+$0x0], $0xffff;
	v14 =	vand.u32 $0x6, v17;
	v22 =	vadd.s32 v4, v23;
	v16 =	vadd.s32 v4, v16  }
0x431: {  	v13 =	vld.idx.msk [tilespmem:v13+s3+$0x0], $0xffff;
	v17 =	vor.u32 v14, v16;
	v16 =	vor.u32 v24, v22;
	v22 =	vand.u32 $0xF8, v19  }
0x432: {  	s29 =	simm.s32 $0x6;
	v14 =	vld.idx.msk [tilespmem:v18+s3+$0x0], $0xffff;
	v18 =	vand.u32 $0x7, v21;
	v19 =	vadd.s32 v4, v20;
	v20 =	vadd.s32 v4, v22  }
.LBB2_59:
0x433: {  	s0 =	sadd.s32 $0x1, s29  }
0x434: {  	v21 =	vmov s29;
	s1 =	sadd.s32 $0x2, s29;
	s6 =	sadd.s32 $0x3, s29;
	v18 =	vor.u32 v18, v19;
	v12 =	vor.u32 v12, v20;
	s8 =	smov.u32 s29  }
0x435: {  	s30 =	sadd.s32 $0x6, s29;
	v19 =	vadd.s32 $0x5A, v21;
	v20 =	vadd.s32 s0, v6;
	v21 =	vadd.s32 s1, v6;
	s10 =	sadd.s32 $0x4, s8;
	s11 =	sadd.s32 $0x5, s8;
	[tilespmem:v15+s16+$0x0] =	vst.idx.msk $0xffff, v10  }
0x436: {  	p0 =	slt.u32 s29, $0x18;
	v15 =	vand.u32 $0x78, v19;
	v22 =	vadd.s32 s10, v6;
	v10 =	vadd.s32 s11, v6;
	[tilespmem:v11+s16+$0x0] =	vst.idx.msk $0xffff, v9  }
0x437: {  	v11 =	vadd.s32 s8, v6;
	v19 =	vand.u32 $0x6, v19;
	v9 =	vmov s1;
	[tilespmem:v17+s16+$0x0] =	vst.idx.msk $0xffff, v13  }
0x438: {  	v23 =	vmov s11;
	v13 =	vmov s6;
	v17 =	vadd.s32 s6, v6;
	[tilespmem:v16+s16+$0x0] =	vst.idx.msk $0xffff, v14  }
0x439: {  	v23 =	vadd.s32 $0x5A, v23;
	v14 =	vmov s0;
	v16 =	vmov s10;
	[tilespmem:v18+s16+$0x0] =	vst.idx.msk $0xffff, v7  }
0x43a: {  	v13 =	vadd.s32 $0x5A, v13;
	v18 =	vadd.s32 $0x5A, v16;
	v16 =	vand.u32 $0xF8, v23;
	v7 =	vld.idx.msk [tilespmem:v20+s3+$0x0], $0xffff;
	[tilespmem:v12+s16+$0x0] =	vst.idx.msk $0xffff, v8  }
0x43b: {  	v20 =	vadd.s32 $0x5A, v14;
	v14 =	vadd.s32 $0x5A, v9;
	v16 =	vadd.s32 v4, v16;
	v9 =	vld.idx.msk [tilespmem:v10+s3+$0x0], $0xffff  }
0x43c: {  	v24 =	vand.u32 $0xF8, v13;
	v12 =	vand.u32 $0x6, v18;
	v10 =	vld.idx.msk [tilespmem:v11+s3+$0x0], $0xffff;
	v11 =	vand.u32 $0x7, v23  }
.Ltmp28:
0x43d: {  	v15 =	vadd.s32 v4, v15;
	v23 =	vand.u32 $0x7, v13;
	v8 =	vld.idx.msk [tilespmem:v22+s3+$0x0], $0xffff;
	v11 =	vor.u32 v11, v16;
	(pc) =	sbr.rel @p0 .LBB2_59-.Ltmp28, $4  }
0x43e: {  	v15 =	vor.u32 v19, v15;
	v19 =	vand.u32 $0x78, v20;
	v16 =	vand.u32 $0xF8, v14;
	v13 =	vld.idx.msk [tilespmem:v21+s3+$0x0], $0xffff  }
0x43f: {  	v22 =	vadd.s32 v4, v24;
	v21 =	vand.u32 $0x6, v14;
	v16 =	vadd.s32 v4, v16;
	v14 =	vld.idx.msk [tilespmem:v17+s3+$0x0], $0xffff  }
0x440: {  	v17 =	vor.u32 v21, v16;
	v16 =	vor.u32 v23, v22;
	v21 =	vand.u32 $0xF8, v18  }
0x441: {  	s29 =	smov.u32 s30;
	v19 =	vadd.s32 v4, v19;
	v18 =	vand.u32 $0x7, v20;
	v20 =	vadd.s32 v4, v21  }
0x442: {  	_ =	sdelay $0x2  }
0x443: {  	v6 =	vor.u32 v18, v19  }
0x444: {  	v12 =	vor.u32 v12, v20;
	[tilespmem:v15+s16+$0x0] =	vst.idx.msk $0xffff, v10  }
0x445: {  	[tilespmem:v11+s16+$0x0] =	vst.idx.msk $0xffff, v9;
	v9 =	vor.u32 $0x4, v5  }
0x446: {  	[tilespmem:v17+s16+$0x0] =	vst.idx.msk $0xffff, v13  }
0x447: {  	[tilespmem:v16+s16+$0x0] =	vst.idx.msk $0xffff, v14  }
0x448: {  	[tilespmem:v6+s16+$0x0] =	vst.idx.msk $0xffff, v7  }
0x449: {  	[tilespmem:v12+s16+$0x0] =	vst.idx.msk $0xffff, v8  }
0x44a: {  	v6 =	vld.idx.msk [tilespmem:v9+s14+$0x0], $0xffff;
	_ =	sdelay $0x4  }
0x44b: {  	s0 =	simm.s32 $0x1;
	s8 =	simm.s32 $0x4;
	v6 =	vand.u32 $0xFF, v6  }
0x44c: {  	s6 =	simm.s32 $0x3;
	s10 =	simm.s32 $0x5;
	s11 =	simm.s32 $0xA;
	v11 =	vmov s8;
	v13 =	vmov s0;
	v6 =	vmul.u32 $0x1E, v6  }
0x44d: {  	s1 =	simm.s32 $0x2;
	s31 =	simm.s32 $0xB;
	v15 =	vmov s10;
	v17 =	vmov s6;
	v24 =	vmov s11  }
0x44e: {  	v26 =	vmov s31;
	v14 =	vmov s1;
	v7 =	vadd.s32 $0x7800, v6  }
0x44f: {  	v16 =	vand.u32 $0x18, v13;
	v19 =	vand.u32 $0x38, v17;
	v9 =	vadd.s32 s1, v7  }
0x450: {  	v13 =	vand.u32 $0x7, v13;
	v21 =	vand.u32 $0x38, v15;
	v8 =	vadd.s32 s0, v7  }
0x451: {  	v15 =	vand.u32 $0x7, v15;
	v17 =	vand.u32 $0x7, v17;
	v12 =	vadd.s32 s8, v7  }
0x452: {  	v20 =	vand.u32 $0x38, v14;
	v6 =	vadd.s32 $0x78, v4;
	v18 =	vadd.s32 s10, v7  }
0x453: {  	v14 =	vand.u32 $0x6, v14;
	v10 =	vadd.s32 s6, v7;
	v20 =	vadd.s32 v20, v6  }
0x454: {  	v16 =	vadd.s32 v16, v6;
	v14 =	vor.u32 v14, v20;
	v20 =	vand.u32 $0x38, v11;
	v9 =	vld.idx.msk [tilespmem:v9+s3+$0x0], $0xffff  }
0x455: {  	v13 =	vor.u32 v13, v16;
	v11 =	vand.u32 $0x6, v11;
	v16 =	vadd.s32 v20, v6;
	v8 =	vld.idx.msk [tilespmem:v8+s3+$0x0], $0xffff  }
0x456: {  	v21 =	vadd.s32 v21, v6;
	s8 =	simm.s32 $0x0;
	v19 =	vadd.s32 v19, v6;
	v11 =	vor.u32 v11, v16;
	v12 =	vld.idx.msk [tilespmem:v12+s3+$0x0], $0xffff  }
0x457: {  	s1 =	simm.s32 $0x7;
	s6 =	simm.s32 $0x8;
	v25 =	vadd.s32 s11, v7;
	v15 =	vor.u32 v15, v21;
	v20 =	vadd.s32 s8, v7;
	v18 =	vld.idx.msk [tilespmem:v18+s3+$0x0], $0xffff  }
0x458: {  	s10 =	simm.s32 $0x9;
	v17 =	vor.u32 v17, v19;
	v19 =	vadd.s32 s1, v7;
	v21 =	vadd.s32 s6, v7  }
0x459: {  	v27 =	vmov s10;
	v16 =	vmov s8;
	v10 =	vld.idx.msk [tilespmem:v10+s3+$0x0], $0xffff;
	[tilespmem:v14+s16+$0x0] =	vst.idx.msk $0xffff, v9  }
0x45a: {  	v23 =	vadd.s32 s10, v7;
	v29 =	vand.u32 $0x38, v27;
	v22 =	vand.u32 $0x6, v16;
	[tilespmem:v13+s16+$0x0] =	vst.idx.msk $0xffff, v8  }
0x45b: {  	v9 =	vmov s1;
	v14 =	vmov s6;
	v13 =	vadd.s32 s31, v7;
	[tilespmem:v11+s16+$0x0] =	vst.idx.msk $0xffff, v12  }
0x45c: {  	v11 =	vld.idx.msk [tilespmem:v20+s3+$0x0], $0xffff;
	[tilespmem:v15+s16+$0x0] =	vst.idx.msk $0xffff, v18;
	v15 =	vand.u32 $0x38, v26;
	v18 =	vand.u32 $0x7, v26;
	v8 =	vand.u32 $0x18, v9  }
0x45d: {  	v12 =	vld.idx.msk [tilespmem:v19+s3+$0x0], $0xffff;
	v20 =	vadd.s32 v29, v6;
	v19 =	vadd.s32 v15, v6;
	v28 =	vadd.s32 v8, v6  }
0x45e: {  	[tilespmem:v17+s16+$0x0] =	vst.idx.msk $0xffff, v10;
	v8 =	vand.u32 $0x18, v16;
	v16 =	vand.u32 $0x7, v9;
	v9 =	vand.u32 $0x38, v14  }
0x45f: {  	v10 =	vld.idx.msk [tilespmem:v21+s3+$0x0], $0xffff;
	v14 =	vand.u32 $0x6, v14;
	v8 =	vadd.s32 v8, v6;
	v9 =	vadd.s32 v9, v6  }
0x460: {  	v17 =	vor.u32 v22, v8;
	v15 =	vor.u32 v14, v9;
	v14 =	vand.u32 $0x38, v24;
	v8 =	vld.idx.msk [tilespmem:v13+s3+$0x0], $0xffff  }
0x461: {  	v9 =	vor.u32 v18, v19;
	v18 =	vand.u32 $0x6, v24;
	v13 =	vld.idx.msk [tilespmem:v25+s3+$0x0], $0xffff;
	v21 =	vadd.s32 v14, v6  }
0x462: {  	s29 =	simm.s32 $0x6;
	s30 =	simm.s32 $0xC;
	v16 =	vor.u32 v16, v28;
	v19 =	vand.u32 $0x7, v27;
	v14 =	vld.idx.msk [tilespmem:v23+s3+$0x0], $0xffff;
	v18 =	vor.u32 v18, v21  }
.LBB2_61:
0x463: {  	s0 =	sadd.s32 $0x1, s30  }
0x464: {  	s1 =	sadd.s32 $0x2, s30;
	v21 =	vmov s29;
	v22 =	vadd.s32 s29, v7;
	v19 =	vor.u32 v19, v20;
	s29 =	smov.u32 s30;
	s6 =	sadd.s32 $0x6, s30  }
0x465: {  	v20 =	vadd.s32 s0, v7;
	v23 =	vadd.s32 s1, v7;
	s8 =	sadd.s32 $0x3, s29;
	s10 =	sadd.s32 $0x4, s29;
	s11 =	sadd.s32 $0x5, s29;
	v24 =	vand.u32 $0x6, v21;
	[tilespmem:v17+s16+$0x0] =	vst.idx.msk $0xffff, v11  }
0x466: {  	p0 =	slt.u32 s30, $0x18;
	v25 =	vadd.s32 s8, v7;
	v26 =	vmov s10;
	v27 =	vadd.s32 s10, v7;
	[tilespmem:v15+s16+$0x0] =	vst.idx.msk $0xffff, v10  }
0x467: {  	v10 =	vmov s0;
	v15 =	vmov s1;
	v17 =	vmov s11;
	[tilespmem:v16+s16+$0x0] =	vst.idx.msk $0xffff, v12  }
0x468: {  	v28 =	vmov s8;
	v11 =	vand.u32 $0x18, v10;
	v16 =	vadd.s32 s11, v7;
	[tilespmem:v18+s16+$0x0] =	vst.idx.msk $0xffff, v13  }
0x469: {  	v12 =	vand.u32 $0x18, v21;
	v13 =	vadd.s32 v11, v6;
	v18 =	vand.u32 $0x38, v28;
	[tilespmem:v19+s16+$0x0] =	vst.idx.msk $0xffff, v14  }
0x46a: {  	v21 =	vadd.s32 v12, v6;
	v14 =	vand.u32 $0x7, v10;
	v19 =	vand.u32 $0x38, v15;
	v11 =	vld.idx.msk [tilespmem:v22+s3+$0x0], $0xffff;
	[tilespmem:v9+s16+$0x0] =	vst.idx.msk $0xffff, v8  }
.Ltmp29:
0x46b: {  	v8 =	vand.u32 $0x6, v15;
	v9 =	vand.u32 $0x38, v17;
	v22 =	vand.u32 $0x7, v17;
	v10 =	vld.idx.msk [tilespmem:v23+s3+$0x0], $0xffff;
	(pc) =	sbr.rel @p0 .LBB2_61-.Ltmp29, $4  }
0x46c: {  	v15 =	vadd.s32 v19, v6;
	v17 =	vor.u32 v24, v21;
	v9 =	vadd.s32 v9, v6;
	v12 =	vld.idx.msk [tilespmem:v20+s3+$0x0], $0xffff  }
0x46d: {  	v19 =	vand.u32 $0x38, v26;
	v15 =	vor.u32 v8, v15;
	v9 =	vor.u32 v22, v9;
	v8 =	vld.idx.msk [tilespmem:v16+s3+$0x0], $0xffff  }
0x46e: {  	v21 =	vand.u32 $0x6, v26;
	v22 =	vadd.s32 v19, v6;
	v16 =	vor.u32 v14, v13;
	v13 =	vld.idx.msk [tilespmem:v27+s3+$0x0], $0xffff  }
0x46f: {  	s30 =	smov.u32 s6;
	v19 =	vand.u32 $0x7, v28;
	v20 =	vadd.s32 v18, v6;
	v18 =	vor.u32 v21, v22;
	v14 =	vld.idx.msk [tilespmem:v25+s3+$0x0], $0xffff  }
0x470: {  	v7 =	vadd.s32 s29, v7;
	_ =	sdelay $0x1  }
0x471: {  	v21 =	vmov s29  }
0x472: {  	v19 =	vor.u32 v19, v20;
	v20 =	vand.u32 $0x18, v21  }
0x473: {  	[tilespmem:v17+s16+$0x0] =	vst.idx.msk $0xffff, v11;
	v21 =	vand.u32 $0x6, v21;
	v6 =	vadd.s32 v20, v6  }
0x474: {  	[tilespmem:v15+s16+$0x0] =	vst.idx.msk $0xffff, v10;
	v6 =	vor.u32 v21, v6;
	v7 =	vld.idx.msk [tilespmem:v7+s3+$0x0], $0xffff  }
0x475: {  	v10 =	vor.u32 $0x5, v5;
	[tilespmem:v16+s16+$0x0] =	vst.idx.msk $0xffff, v12  }
0x476: {  	[tilespmem:v9+s16+$0x0] =	vst.idx.msk $0xffff, v8  }
0x477: {  	[tilespmem:v18+s16+$0x0] =	vst.idx.msk $0xffff, v13  }
0x478: {  	[tilespmem:v19+s16+$0x0] =	vst.idx.msk $0xffff, v14  }
0x479: {  	[tilespmem:v6+s16+$0x0] =	vst.idx.msk $0xffff, v7  }
0x47a: {  	v6 =	vld.idx.msk [tilespmem:v10+s14+$0x0], $0xffff;
	_ =	sdelay $0x4  }
0x47b: {  	s10 =	simm.s32 $0x5;
	s11 =	simm.s32 $0x3;
	v6 =	vand.u32 $0xFF, v6  }
0x47c: {  	s1 =	simm.s32 $0x1;
	v11 =	vmov s11;
	v12 =	vmov s10;
	v6 =	vmul.u32 $0x1E, v6  }
0x47d: {  	v17 =	vmov s1;
	v20 =	vadd.s32 $0x96, v12;
	v11 =	vadd.s32 $0x96, v11  }
0x47e: {  	v12 =	vand.u32 $0xF8, v20;
	v21 =	vadd.s32 $0x96, v17;
	v6 =	vadd.s32 $0x9600, v6  }
0x47f: {  	s0 =	simm.s32 $0x0;
	v23 =	vand.u32 $0xF8, v11;
	v24 =	vand.u32 $0x7, v11;
	v8 =	vadd.s32 s1, v6  }
0x480: {  	s8 =	simm.s32 $0x4;
	v22 =	vadd.s32 v4, v12;
	v7 =	vmov s0;
	v9 =	vadd.s32 s10, v6  }
0x481: {  	v19 =	vmov s8;
	v7 =	vadd.s32 $0x96, v7;
	v15 =	vadd.s32 s0, v6  }
0x482: {  	s6 =	simm.s32 $0x2;
	v19 =	vadd.s32 $0x96, v19;
	v10 =	vand.u32 $0xB8, v7;
	v14 =	vadd.s32 s8, v6  }
0x483: {  	v16 =	vand.u32 $0x6, v7;
	v7 =	vmov s6;
	v13 =	vadd.s32 s6, v6  }
0x484: {  	v17 =	vadd.s32 $0x96, v7;
	v18 =	vadd.s32 s11, v6;
	v7 =	vld.idx.msk [tilespmem:v8+s3+$0x0], $0xffff;
	v8 =	vand.u32 $0x7, v20  }
0x485: {  	v12 =	vand.u32 $0x6, v19;
	v9 =	vld.idx.msk [tilespmem:v9+s3+$0x0], $0xffff;
	v20 =	vadd.s32 v4, v10;
	v11 =	vor.u32 v8, v22  }
0x486: {  	v10 =	vld.idx.msk [tilespmem:v15+s3+$0x0], $0xffff;
	v15 =	vor.u32 v16, v20;
	v20 =	vand.u32 $0xB8, v21;
	v16 =	vand.u32 $0xF8, v17  }
0x487: {  	v8 =	vld.idx.msk [tilespmem:v14+s3+$0x0], $0xffff;
	v14 =	vand.u32 $0x6, v17;
	v22 =	vadd.s32 v4, v23;
	v16 =	vadd.s32 v4, v16  }
0x488: {  	v13 =	vld.idx.msk [tilespmem:v13+s3+$0x0], $0xffff;
	v17 =	vor.u32 v14, v16;
	v16 =	vor.u32 v24, v22;
	v22 =	vand.u32 $0xF8, v19  }
0x489: {  	s29 =	simm.s32 $0x6;
	v14 =	vld.idx.msk [tilespmem:v18+s3+$0x0], $0xffff;
	v18 =	vand.u32 $0x7, v21;
	v19 =	vadd.s32 v4, v20;
	v20 =	vadd.s32 v4, v22  }
.LBB2_63:
0x48a: {  	s0 =	sadd.s32 $0x1, s29  }
0x48b: {  	v21 =	vmov s29;
	s1 =	sadd.s32 $0x2, s29;
	s6 =	sadd.s32 $0x3, s29;
	v18 =	vor.u32 v18, v19;
	v12 =	vor.u32 v12, v20;
	s8 =	smov.u32 s29  }
0x48c: {  	s30 =	sadd.s32 $0x6, s29;
	v19 =	vadd.s32 $0x96, v21;
	v20 =	vadd.s32 s0, v6;
	v21 =	vadd.s32 s1, v6;
	s10 =	sadd.s32 $0x4, s8;
	s11 =	sadd.s32 $0x5, s8;
	[tilespmem:v15+s16+$0x0] =	vst.idx.msk $0xffff, v10  }
0x48d: {  	p0 =	slt.u32 s29, $0x18;
	v15 =	vand.u32 $0xB8, v19;
	v22 =	vadd.s32 s10, v6;
	v10 =	vadd.s32 s11, v6;
	[tilespmem:v11+s16+$0x0] =	vst.idx.msk $0xffff, v9  }
0x48e: {  	v11 =	vadd.s32 s8, v6;
	v19 =	vand.u32 $0x6, v19;
	v9 =	vmov s1;
	[tilespmem:v17+s16+$0x0] =	vst.idx.msk $0xffff, v13  }
0x48f: {  	v23 =	vmov s11;
	v13 =	vmov s6;
	v17 =	vadd.s32 s6, v6;
	[tilespmem:v16+s16+$0x0] =	vst.idx.msk $0xffff, v14  }
0x490: {  	v23 =	vadd.s32 $0x96, v23;
	v14 =	vmov s0;
	v16 =	vmov s10;
	[tilespmem:v18+s16+$0x0] =	vst.idx.msk $0xffff, v7  }
0x491: {  	v13 =	vadd.s32 $0x96, v13;
	v18 =	vadd.s32 $0x96, v16;
	v16 =	vand.u32 $0xF8, v23;
	v7 =	vld.idx.msk [tilespmem:v20+s3+$0x0], $0xffff;
	[tilespmem:v12+s16+$0x0] =	vst.idx.msk $0xffff, v8  }
0x492: {  	v20 =	vadd.s32 $0x96, v14;
	v14 =	vadd.s32 $0x96, v9;
	v16 =	vadd.s32 v4, v16;
	v9 =	vld.idx.msk [tilespmem:v10+s3+$0x0], $0xffff  }
0x493: {  	v24 =	vand.u32 $0xF8, v13;
	v12 =	vand.u32 $0x6, v18;
	v10 =	vld.idx.msk [tilespmem:v11+s3+$0x0], $0xffff;
	v11 =	vand.u32 $0x7, v23  }
.Ltmp30:
0x494: {  	v15 =	vadd.s32 v4, v15;
	v23 =	vand.u32 $0x7, v13;
	v8 =	vld.idx.msk [tilespmem:v22+s3+$0x0], $0xffff;
	v11 =	vor.u32 v11, v16;
	(pc) =	sbr.rel @p0 .LBB2_63-.Ltmp30, $4  }
0x495: {  	v15 =	vor.u32 v19, v15;
	v19 =	vand.u32 $0xB8, v20;
	v16 =	vand.u32 $0xF8, v14;
	v13 =	vld.idx.msk [tilespmem:v21+s3+$0x0], $0xffff  }
0x496: {  	v22 =	vadd.s32 v4, v24;
	v21 =	vand.u32 $0x6, v14;
	v16 =	vadd.s32 v4, v16;
	v14 =	vld.idx.msk [tilespmem:v17+s3+$0x0], $0xffff  }
0x497: {  	v17 =	vor.u32 v21, v16;
	v16 =	vor.u32 v23, v22;
	v21 =	vand.u32 $0xF8, v18  }
0x498: {  	s29 =	smov.u32 s30;
	v19 =	vadd.s32 v4, v19;
	v18 =	vand.u32 $0x7, v20;
	v20 =	vadd.s32 v4, v21  }
0x499: {  	_ =	sdelay $0x2  }
0x49a: {  	v6 =	vor.u32 v18, v19  }
0x49b: {  	v12 =	vor.u32 v12, v20;
	[tilespmem:v15+s16+$0x0] =	vst.idx.msk $0xffff, v10  }
0x49c: {  	[tilespmem:v11+s16+$0x0] =	vst.idx.msk $0xffff, v9;
	v9 =	vor.u32 $0x6, v5  }
0x49d: {  	[tilespmem:v17+s16+$0x0] =	vst.idx.msk $0xffff, v13  }
0x49e: {  	[tilespmem:v16+s16+$0x0] =	vst.idx.msk $0xffff, v14  }
0x49f: {  	[tilespmem:v6+s16+$0x0] =	vst.idx.msk $0xffff, v7  }
0x4a0: {  	[tilespmem:v12+s16+$0x0] =	vst.idx.msk $0xffff, v8  }
0x4a1: {  	v6 =	vld.idx.msk [tilespmem:v9+s14+$0x0], $0xffff;
	_ =	sdelay $0x4  }
0x4a2: {  	s8 =	simm.s32 $0x4;
	s11 =	simm.s32 $0x3;
	v6 =	vand.u32 $0xFF, v6  }
0x4a3: {  	s1 =	simm.s32 $0x1;
	v11 =	vmov s11;
	v19 =	vmov s8;
	v6 =	vmul.u32 $0x1E, v6  }
0x4a4: {  	v17 =	vmov s1;
	v11 =	vadd.s32 $0xB4, v11;
	v19 =	vadd.s32 $0xB4, v19  }
0x4a5: {  	s0 =	simm.s32 $0x0;
	v21 =	vadd.s32 $0xB4, v17;
	v23 =	vand.u32 $0xF8, v11;
	v6 =	vadd.s32 $0xB400, v6  }
0x4a6: {  	s10 =	simm.s32 $0x5;
	v24 =	vand.u32 $0x7, v11;
	v7 =	vmov s0;
	v8 =	vadd.s32 s1, v6  }
0x4a7: {  	v12 =	vmov s10;
	v7 =	vadd.s32 $0xB4, v7;
	v9 =	vadd.s32 s10, v6  }
0x4a8: {  	s6 =	simm.s32 $0x2;
	v20 =	vadd.s32 $0xB4, v12;
	v10 =	vand.u32 $0xF8, v7;
	v15 =	vadd.s32 s0, v6  }
0x4a9: {  	v16 =	vand.u32 $0x6, v7;
	v7 =	vmov s6;
	v14 =	vadd.s32 s8, v6  }
0x4aa: {  	v12 =	vand.u32 $0xF8, v20;
	v17 =	vadd.s32 $0xB4, v7;
	v13 =	vadd.s32 s6, v6  }
0x4ab: {  	v22 =	vadd.s32 v4, v12;
	v18 =	vadd.s32 s11, v6;
	v7 =	vld.idx.msk [tilespmem:v8+s3+$0x0], $0xffff;
	v8 =	vand.u32 $0x7, v20  }
0x4ac: {  	v12 =	vand.u32 $0x6, v19;
	v9 =	vld.idx.msk [tilespmem:v9+s3+$0x0], $0xffff;
	v20 =	vadd.s32 v4, v10;
	v11 =	vor.u32 v8, v22  }
0x4ad: {  	v10 =	vld.idx.msk [tilespmem:v15+s3+$0x0], $0xffff;
	v15 =	vor.u32 v16, v20;
	v20 =	vand.u32 $0xF8, v21;
	v16 =	vand.u32 $0xF8, v17  }
0x4ae: {  	v8 =	vld.idx.msk [tilespmem:v14+s3+$0x0], $0xffff;
	v14 =	vand.u32 $0x6, v17;
	v22 =	vadd.s32 v4, v23;
	v16 =	vadd.s32 v4, v16  }
0x4af: {  	v13 =	vld.idx.msk [tilespmem:v13+s3+$0x0], $0xffff;
	v17 =	vor.u32 v14, v16;
	v16 =	vor.u32 v24, v22;
	v22 =	vand.u32 $0xF8, v19  }
0x4b0: {  	s29 =	simm.s32 $0x6;
	v14 =	vld.idx.msk [tilespmem:v18+s3+$0x0], $0xffff;
	v18 =	vand.u32 $0x7, v21;
	v19 =	vadd.s32 v4, v20;
	v20 =	vadd.s32 v4, v22  }
.LBB2_65:
0x4b1: {  	s0 =	sadd.s32 $0x1, s29  }
0x4b2: {  	v21 =	vmov s29;
	s1 =	sadd.s32 $0x2, s29;
	s6 =	sadd.s32 $0x3, s29;
	v18 =	vor.u32 v18, v19;
	v12 =	vor.u32 v12, v20;
	s8 =	smov.u32 s29  }
0x4b3: {  	s30 =	sadd.s32 $0x6, s29;
	v19 =	vadd.s32 $0xB4, v21;
	v20 =	vadd.s32 s0, v6;
	v21 =	vadd.s32 s1, v6;
	s10 =	sadd.s32 $0x4, s8;
	s11 =	sadd.s32 $0x5, s8;
	[tilespmem:v15+s16+$0x0] =	vst.idx.msk $0xffff, v10  }
0x4b4: {  	p0 =	slt.u32 s29, $0x18;
	v15 =	vand.u32 $0xF8, v19;
	v22 =	vadd.s32 s10, v6;
	v10 =	vadd.s32 s11, v6;
	[tilespmem:v11+s16+$0x0] =	vst.idx.msk $0xffff, v9  }
0x4b5: {  	v11 =	vadd.s32 s8, v6;
	v19 =	vand.u32 $0x6, v19;
	v9 =	vmov s1;
	[tilespmem:v17+s16+$0x0] =	vst.idx.msk $0xffff, v13  }
0x4b6: {  	v23 =	vmov s11;
	v13 =	vmov s6;
	v17 =	vadd.s32 s6, v6;
	[tilespmem:v16+s16+$0x0] =	vst.idx.msk $0xffff, v14  }
0x4b7: {  	v23 =	vadd.s32 $0xB4, v23;
	v14 =	vmov s0;
	v16 =	vmov s10;
	[tilespmem:v18+s16+$0x0] =	vst.idx.msk $0xffff, v7  }
0x4b8: {  	v13 =	vadd.s32 $0xB4, v13;
	v18 =	vadd.s32 $0xB4, v16;
	v16 =	vand.u32 $0xF8, v23;
	v7 =	vld.idx.msk [tilespmem:v20+s3+$0x0], $0xffff;
	[tilespmem:v12+s16+$0x0] =	vst.idx.msk $0xffff, v8  }
0x4b9: {  	v20 =	vadd.s32 $0xB4, v14;
	v14 =	vadd.s32 $0xB4, v9;
	v16 =	vadd.s32 v4, v16;
	v9 =	vld.idx.msk [tilespmem:v10+s3+$0x0], $0xffff  }
0x4ba: {  	v24 =	vand.u32 $0xF8, v13;
	v12 =	vand.u32 $0x6, v18;
	v10 =	vld.idx.msk [tilespmem:v11+s3+$0x0], $0xffff;
	v11 =	vand.u32 $0x7, v23  }
.Ltmp31:
0x4bb: {  	v15 =	vadd.s32 v4, v15;
	v23 =	vand.u32 $0x7, v13;
	v8 =	vld.idx.msk [tilespmem:v22+s3+$0x0], $0xffff;
	v11 =	vor.u32 v11, v16;
	(pc) =	sbr.rel @p0 .LBB2_65-.Ltmp31, $4  }
0x4bc: {  	v15 =	vor.u32 v19, v15;
	v19 =	vand.u32 $0xF8, v20;
	v16 =	vand.u32 $0xF8, v14;
	v13 =	vld.idx.msk [tilespmem:v21+s3+$0x0], $0xffff  }
0x4bd: {  	v22 =	vadd.s32 v4, v24;
	v21 =	vand.u32 $0x6, v14;
	v16 =	vadd.s32 v4, v16;
	v14 =	vld.idx.msk [tilespmem:v17+s3+$0x0], $0xffff  }
0x4be: {  	v17 =	vor.u32 v21, v16;
	v16 =	vor.u32 v23, v22;
	v21 =	vand.u32 $0xF8, v18  }
0x4bf: {  	s29 =	smov.u32 s30;
	v19 =	vadd.s32 v4, v19;
	v18 =	vand.u32 $0x7, v20;
	v20 =	vadd.s32 v4, v21  }
0x4c0: {  	_ =	sdelay $0x2  }
0x4c1: {  	v6 =	vor.u32 v18, v19  }
0x4c2: {  	v12 =	vor.u32 v12, v20;
	[tilespmem:v15+s16+$0x0] =	vst.idx.msk $0xffff, v10  }
0x4c3: {  	[tilespmem:v11+s16+$0x0] =	vst.idx.msk $0xffff, v9;
	v9 =	vor.u32 $0x7, v5  }
0x4c4: {  	[tilespmem:v17+s16+$0x0] =	vst.idx.msk $0xffff, v13  }
0x4c5: {  	[tilespmem:v16+s16+$0x0] =	vst.idx.msk $0xffff, v14  }
0x4c6: {  	[tilespmem:v6+s16+$0x0] =	vst.idx.msk $0xffff, v7  }
0x4c7: {  	[tilespmem:v12+s16+$0x0] =	vst.idx.msk $0xffff, v8  }
0x4c8: {  	v6 =	vld.idx.msk [tilespmem:v9+s14+$0x0], $0xffff;
	_ =	sdelay $0x4  }
0x4c9: {  	s8 =	simm.s32 $0x4;
	s11 =	simm.s32 $0x3;
	v6 =	vand.u32 $0xFF, v6  }
0x4ca: {  	s1 =	simm.s32 $0x1;
	v11 =	vmov s11;
	v19 =	vmov s8;
	v6 =	vmul.u32 $0x1E, v6  }
0x4cb: {  	v17 =	vmov s1;
	v11 =	vadd.s32 $0xD2, v11;
	v19 =	vadd.s32 $0xD2, v19  }
0x4cc: {  	s0 =	simm.s32 $0x0;
	v21 =	vadd.s32 $0xD2, v17;
	v23 =	vand.u32 $0x1F8, v11;
	v6 =	vadd.s32 $0xD200, v6  }
0x4cd: {  	s10 =	simm.s32 $0x5;
	v24 =	vand.u32 $0x7, v11;
	v7 =	vmov s0;
	v8 =	vadd.s32 s1, v6  }
0x4ce: {  	v12 =	vmov s10;
	v7 =	vadd.s32 $0xD2, v7;
	v9 =	vadd.s32 s10, v6  }
0x4cf: {  	s6 =	simm.s32 $0x2;
	v20 =	vadd.s32 $0xD2, v12;
	v10 =	vand.u32 $0xF8, v7;
	v15 =	vadd.s32 s0, v6  }
0x4d0: {  	v16 =	vand.u32 $0x6, v7;
	v7 =	vmov s6;
	v14 =	vadd.s32 s8, v6  }
0x4d1: {  	v12 =	vand.u32 $0x1F8, v20;
	v17 =	vadd.s32 $0xD2, v7;
	v13 =	vadd.s32 s6, v6  }
0x4d2: {  	v22 =	vadd.s32 v4, v12;
	v18 =	vadd.s32 s11, v6;
	v7 =	vld.idx.msk [tilespmem:v8+s3+$0x0], $0xffff;
	v8 =	vand.u32 $0x7, v20  }
0x4d3: {  	v12 =	vand.u32 $0x6, v19;
	v9 =	vld.idx.msk [tilespmem:v9+s3+$0x0], $0xffff;
	v20 =	vadd.s32 v4, v10;
	v11 =	vor.u32 v8, v22  }
0x4d4: {  	v10 =	vld.idx.msk [tilespmem:v15+s3+$0x0], $0xffff;
	v15 =	vor.u32 v16, v20;
	v20 =	vand.u32 $0xF8, v21;
	v16 =	vand.u32 $0x1F8, v17  }
0x4d5: {  	v8 =	vld.idx.msk [tilespmem:v14+s3+$0x0], $0xffff;
	v14 =	vand.u32 $0x6, v17;
	v22 =	vadd.s32 v4, v23;
	v16 =	vadd.s32 v4, v16  }
0x4d6: {  	v13 =	vld.idx.msk [tilespmem:v13+s3+$0x0], $0xffff;
	v17 =	vor.u32 v14, v16;
	v16 =	vor.u32 v24, v22;
	v22 =	vand.u32 $0x1F8, v19  }
0x4d7: {  	s29 =	simm.s32 $0x6;
	v14 =	vld.idx.msk [tilespmem:v18+s3+$0x0], $0xffff;
	v18 =	vand.u32 $0x7, v21;
	v19 =	vadd.s32 v4, v20;
	v20 =	vadd.s32 v4, v22  }
.LBB2_67:
0x4d8: {  	s0 =	sadd.s32 $0x1, s29  }
0x4d9: {  	v21 =	vmov s29;
	s1 =	sadd.s32 $0x2, s29;
	s6 =	sadd.s32 $0x3, s29;
	v18 =	vor.u32 v18, v19;
	v12 =	vor.u32 v12, v20;
	s8 =	smov.u32 s29  }
0x4da: {  	s30 =	sadd.s32 $0x6, s29;
	v19 =	vadd.s32 $0xD2, v21;
	v20 =	vadd.s32 s0, v6;
	v21 =	vadd.s32 s1, v6;
	s10 =	sadd.s32 $0x4, s8;
	s11 =	sadd.s32 $0x5, s8;
	[tilespmem:v15+s16+$0x0] =	vst.idx.msk $0xffff, v10  }
0x4db: {  	p0 =	slt.u32 s29, $0x18;
	v15 =	vand.u32 $0xF8, v19;
	v22 =	vadd.s32 s10, v6;
	v10 =	vadd.s32 s11, v6;
	[tilespmem:v11+s16+$0x0] =	vst.idx.msk $0xffff, v9  }
0x4dc: {  	v11 =	vadd.s32 s8, v6;
	v19 =	vand.u32 $0x6, v19;
	v9 =	vmov s1;
	[tilespmem:v17+s16+$0x0] =	vst.idx.msk $0xffff, v13  }
0x4dd: {  	v23 =	vmov s11;
	v13 =	vmov s6;
	v17 =	vadd.s32 s6, v6;
	[tilespmem:v16+s16+$0x0] =	vst.idx.msk $0xffff, v14  }
0x4de: {  	v23 =	vadd.s32 $0xD2, v23;
	v14 =	vmov s0;
	v16 =	vmov s10;
	[tilespmem:v18+s16+$0x0] =	vst.idx.msk $0xffff, v7  }
0x4df: {  	v13 =	vadd.s32 $0xD2, v13;
	v18 =	vadd.s32 $0xD2, v16;
	v16 =	vand.u32 $0x1F8, v23;
	v7 =	vld.idx.msk [tilespmem:v20+s3+$0x0], $0xffff;
	[tilespmem:v12+s16+$0x0] =	vst.idx.msk $0xffff, v8  }
0x4e0: {  	v20 =	vadd.s32 $0xD2, v14;
	v14 =	vadd.s32 $0xD2, v9;
	v16 =	vadd.s32 v4, v16;
	v9 =	vld.idx.msk [tilespmem:v10+s3+$0x0], $0xffff  }
0x4e1: {  	v24 =	vand.u32 $0x1F8, v13;
	v12 =	vand.u32 $0x6, v18;
	v10 =	vld.idx.msk [tilespmem:v11+s3+$0x0], $0xffff;
	v11 =	vand.u32 $0x7, v23  }
.Ltmp32:
0x4e2: {  	v15 =	vadd.s32 v4, v15;
	v23 =	vand.u32 $0x7, v13;
	v8 =	vld.idx.msk [tilespmem:v22+s3+$0x0], $0xffff;
	v11 =	vor.u32 v11, v16;
	(pc) =	sbr.rel @p0 .LBB2_67-.Ltmp32, $4  }
0x4e3: {  	v15 =	vor.u32 v19, v15;
	v19 =	vand.u32 $0xF8, v20;
	v16 =	vand.u32 $0x1F8, v14;
	v13 =	vld.idx.msk [tilespmem:v21+s3+$0x0], $0xffff  }
0x4e4: {  	v22 =	vadd.s32 v4, v24;
	v21 =	vand.u32 $0x6, v14;
	v16 =	vadd.s32 v4, v16;
	v14 =	vld.idx.msk [tilespmem:v17+s3+$0x0], $0xffff  }
0x4e5: {  	v17 =	vor.u32 v21, v16;
	v16 =	vor.u32 v23, v22;
	v21 =	vand.u32 $0x1F8, v18  }
0x4e6: {  	s29 =	smov.u32 s30;
	v19 =	vadd.s32 v4, v19;
	v18 =	vand.u32 $0x7, v20;
	v20 =	vadd.s32 v4, v21  }
0x4e7: {  	_ =	sdelay $0x2  }
0x4e8: {  	v6 =	vor.u32 v18, v19  }
0x4e9: {  	v12 =	vor.u32 v12, v20;
	[tilespmem:v15+s16+$0x0] =	vst.idx.msk $0xffff, v10  }
0x4ea: {  	[tilespmem:v11+s16+$0x0] =	vst.idx.msk $0xffff, v9;
	v9 =	vor.u32 $0x8, v5  }
0x4eb: {  	[tilespmem:v17+s16+$0x0] =	vst.idx.msk $0xffff, v13  }
0x4ec: {  	[tilespmem:v16+s16+$0x0] =	vst.idx.msk $0xffff, v14  }
0x4ed: {  	[tilespmem:v6+s16+$0x0] =	vst.idx.msk $0xffff, v7  }
0x4ee: {  	[tilespmem:v12+s16+$0x0] =	vst.idx.msk $0xffff, v8  }
0x4ef: {  	v6 =	vld.idx.msk [tilespmem:v9+s14+$0x0], $0xffff;
	_ =	sdelay $0x4  }
0x4f0: {  	s0 =	simm.s32 $0x1;
	s8 =	simm.s32 $0x4;
	v6 =	vand.u32 $0xFF, v6  }
0x4f1: {  	s6 =	simm.s32 $0x3;
	s10 =	simm.s32 $0x5;
	s11 =	simm.s32 $0xA;
	v11 =	vmov s8;
	v13 =	vmov s0;
	v6 =	vmul.u32 $0x1E, v6  }
0x4f2: {  	s1 =	simm.s32 $0x2;
	s31 =	simm.s32 $0xB;
	v15 =	vmov s10;
	v17 =	vmov s6;
	v24 =	vmov s11  }
0x4f3: {  	v26 =	vmov s31;
	v14 =	vmov s1;
	v7 =	vadd.s32 $0xF000, v6  }
0x4f4: {  	v16 =	vand.u32 $0x18, v13;
	v19 =	vand.u32 $0x38, v17;
	v9 =	vadd.s32 s1, v7  }
0x4f5: {  	v13 =	vand.u32 $0x7, v13;
	v21 =	vand.u32 $0x38, v15;
	v8 =	vadd.s32 s0, v7  }
0x4f6: {  	v15 =	vand.u32 $0x7, v15;
	v17 =	vand.u32 $0x7, v17;
	v12 =	vadd.s32 s8, v7  }
0x4f7: {  	v20 =	vand.u32 $0x38, v14;
	v6 =	vadd.s32 $0xF0, v4;
	v18 =	vadd.s32 s10, v7  }
0x4f8: {  	v14 =	vand.u32 $0x6, v14;
	v10 =	vadd.s32 s6, v7;
	v20 =	vadd.s32 v20, v6  }
0x4f9: {  	v16 =	vadd.s32 v16, v6;
	v14 =	vor.u32 v14, v20;
	v20 =	vand.u32 $0x38, v11;
	v9 =	vld.idx.msk [tilespmem:v9+s3+$0x0], $0xffff  }
0x4fa: {  	v13 =	vor.u32 v13, v16;
	v11 =	vand.u32 $0x6, v11;
	v16 =	vadd.s32 v20, v6;
	v8 =	vld.idx.msk [tilespmem:v8+s3+$0x0], $0xffff  }
0x4fb: {  	v21 =	vadd.s32 v21, v6;
	s8 =	simm.s32 $0x0;
	v19 =	vadd.s32 v19, v6;
	v11 =	vor.u32 v11, v16;
	v12 =	vld.idx.msk [tilespmem:v12+s3+$0x0], $0xffff  }
0x4fc: {  	s1 =	simm.s32 $0x7;
	s6 =	simm.s32 $0x8;
	v25 =	vadd.s32 s11, v7;
	v15 =	vor.u32 v15, v21;
	v20 =	vadd.s32 s8, v7;
	v18 =	vld.idx.msk [tilespmem:v18+s3+$0x0], $0xffff  }
0x4fd: {  	s10 =	simm.s32 $0x9;
	v17 =	vor.u32 v17, v19;
	v19 =	vadd.s32 s1, v7;
	v21 =	vadd.s32 s6, v7  }
0x4fe: {  	v27 =	vmov s10;
	v16 =	vmov s8;
	v10 =	vld.idx.msk [tilespmem:v10+s3+$0x0], $0xffff;
	[tilespmem:v14+s16+$0x0] =	vst.idx.msk $0xffff, v9  }
0x4ff: {  	v23 =	vadd.s32 s10, v7;
	v29 =	vand.u32 $0x38, v27;
	v22 =	vand.u32 $0x6, v16;
	[tilespmem:v13+s16+$0x0] =	vst.idx.msk $0xffff, v8  }
0x500: {  	v9 =	vmov s1;
	v14 =	vmov s6;
	v13 =	vadd.s32 s31, v7;
	[tilespmem:v11+s16+$0x0] =	vst.idx.msk $0xffff, v12  }
0x501: {  	v11 =	vld.idx.msk [tilespmem:v20+s3+$0x0], $0xffff;
	[tilespmem:v15+s16+$0x0] =	vst.idx.msk $0xffff, v18;
	v15 =	vand.u32 $0x38, v26;
	v18 =	vand.u32 $0x7, v26;
	v8 =	vand.u32 $0x18, v9  }
0x502: {  	v12 =	vld.idx.msk [tilespmem:v19+s3+$0x0], $0xffff;
	v20 =	vadd.s32 v29, v6;
	v19 =	vadd.s32 v15, v6;
	v28 =	vadd.s32 v8, v6  }
0x503: {  	[tilespmem:v17+s16+$0x0] =	vst.idx.msk $0xffff, v10;
	v8 =	vand.u32 $0x18, v16;
	v16 =	vand.u32 $0x7, v9;
	v9 =	vand.u32 $0x38, v14  }
0x504: {  	v10 =	vld.idx.msk [tilespmem:v21+s3+$0x0], $0xffff;
	v14 =	vand.u32 $0x6, v14;
	v8 =	vadd.s32 v8, v6;
	v9 =	vadd.s32 v9, v6  }
0x505: {  	v17 =	vor.u32 v22, v8;
	v15 =	vor.u32 v14, v9;
	v14 =	vand.u32 $0x38, v24;
	v8 =	vld.idx.msk [tilespmem:v13+s3+$0x0], $0xffff  }
0x506: {  	v9 =	vor.u32 v18, v19;
	v18 =	vand.u32 $0x6, v24;
	v13 =	vld.idx.msk [tilespmem:v25+s3+$0x0], $0xffff;
	v21 =	vadd.s32 v14, v6  }
0x507: {  	s29 =	simm.s32 $0x6;
	s30 =	simm.s32 $0xC;
	v16 =	vor.u32 v16, v28;
	v19 =	vand.u32 $0x7, v27;
	v14 =	vld.idx.msk [tilespmem:v23+s3+$0x0], $0xffff;
	v18 =	vor.u32 v18, v21  }
.LBB2_69:
0x508: {  	s0 =	sadd.s32 $0x1, s30  }
0x509: {  	s1 =	sadd.s32 $0x2, s30;
	v21 =	vmov s29;
	v22 =	vadd.s32 s29, v7;
	v19 =	vor.u32 v19, v20;
	s29 =	smov.u32 s30;
	s6 =	sadd.s32 $0x6, s30  }
0x50a: {  	v20 =	vadd.s32 s0, v7;
	v23 =	vadd.s32 s1, v7;
	s8 =	sadd.s32 $0x3, s29;
	s10 =	sadd.s32 $0x4, s29;
	s11 =	sadd.s32 $0x5, s29;
	v24 =	vand.u32 $0x6, v21;
	[tilespmem:v17+s16+$0x0] =	vst.idx.msk $0xffff, v11  }
0x50b: {  	p0 =	slt.u32 s30, $0x18;
	v25 =	vadd.s32 s8, v7;
	v26 =	vmov s10;
	v27 =	vadd.s32 s10, v7;
	[tilespmem:v15+s16+$0x0] =	vst.idx.msk $0xffff, v10  }
0x50c: {  	v10 =	vmov s0;
	v15 =	vmov s1;
	v17 =	vmov s11;
	[tilespmem:v16+s16+$0x0] =	vst.idx.msk $0xffff, v12  }
0x50d: {  	v28 =	vmov s8;
	v11 =	vand.u32 $0x18, v10;
	v16 =	vadd.s32 s11, v7;
	[tilespmem:v18+s16+$0x0] =	vst.idx.msk $0xffff, v13  }
0x50e: {  	v12 =	vand.u32 $0x18, v21;
	v13 =	vadd.s32 v11, v6;
	v18 =	vand.u32 $0x38, v28;
	[tilespmem:v19+s16+$0x0] =	vst.idx.msk $0xffff, v14  }
0x50f: {  	v21 =	vadd.s32 v12, v6;
	v14 =	vand.u32 $0x7, v10;
	v19 =	vand.u32 $0x38, v15;
	v11 =	vld.idx.msk [tilespmem:v22+s3+$0x0], $0xffff;
	[tilespmem:v9+s16+$0x0] =	vst.idx.msk $0xffff, v8  }
.Ltmp33:
0x510: {  	v8 =	vand.u32 $0x6, v15;
	v9 =	vand.u32 $0x38, v17;
	v22 =	vand.u32 $0x7, v17;
	v10 =	vld.idx.msk [tilespmem:v23+s3+$0x0], $0xffff;
	(pc) =	sbr.rel @p0 .LBB2_69-.Ltmp33, $4  }
0x511: {  	v15 =	vadd.s32 v19, v6;
	v17 =	vor.u32 v24, v21;
	v9 =	vadd.s32 v9, v6;
	v12 =	vld.idx.msk [tilespmem:v20+s3+$0x0], $0xffff  }
0x512: {  	v19 =	vand.u32 $0x38, v26;
	v15 =	vor.u32 v8, v15;
	v9 =	vor.u32 v22, v9;
	v8 =	vld.idx.msk [tilespmem:v16+s3+$0x0], $0xffff  }
0x513: {  	v21 =	vand.u32 $0x6, v26;
	v22 =	vadd.s32 v19, v6;
	v16 =	vor.u32 v14, v13;
	v13 =	vld.idx.msk [tilespmem:v27+s3+$0x0], $0xffff  }
0x514: {  	s30 =	smov.u32 s6;
	v19 =	vand.u32 $0x7, v28;
	v20 =	vadd.s32 v18, v6;
	v18 =	vor.u32 v21, v22;
	v14 =	vld.idx.msk [tilespmem:v25+s3+$0x0], $0xffff  }
0x515: {  	v7 =	vadd.s32 s29, v7;
	_ =	sdelay $0x1  }
0x516: {  	v21 =	vmov s29  }
0x517: {  	v19 =	vor.u32 v19, v20;
	v20 =	vand.u32 $0x18, v21  }
0x518: {  	[tilespmem:v17+s16+$0x0] =	vst.idx.msk $0xffff, v11;
	v21 =	vand.u32 $0x6, v21;
	v6 =	vadd.s32 v20, v6  }
0x519: {  	[tilespmem:v15+s16+$0x0] =	vst.idx.msk $0xffff, v10;
	v6 =	vor.u32 v21, v6;
	v7 =	vld.idx.msk [tilespmem:v7+s3+$0x0], $0xffff  }
0x51a: {  	v5 =	vor.u32 $0x9, v5;
	[tilespmem:v16+s16+$0x0] =	vst.idx.msk $0xffff, v12  }
0x51b: {  	[tilespmem:v9+s16+$0x0] =	vst.idx.msk $0xffff, v8  }
0x51c: {  	[tilespmem:v18+s16+$0x0] =	vst.idx.msk $0xffff, v13  }
0x51d: {  	[tilespmem:v19+s16+$0x0] =	vst.idx.msk $0xffff, v14  }
0x51e: {  	[tilespmem:v6+s16+$0x0] =	vst.idx.msk $0xffff, v7  }
0x51f: {  	v5 =	vld.idx.msk [tilespmem:v5+s14+$0x0], $0xffff;
	_ =	sdelay $0x4  }
0x520: {  	s1 =	simm.s32 $0x1;
	s10 =	simm.s32 $0x5;
	v5 =	vand.u32 $0xFF, v5  }
0x521: {  	s11 =	simm.s32 $0x3;
	v15 =	vmov s10;
	v16 =	vmov s1;
	v5 =	vmul.u32 $0x1E, v5  }
0x522: {  	s8 =	simm.s32 $0x4;
	v12 =	vmov s11;
	v15 =	vadd.s32 $0x10E, v15;
	v20 =	vadd.s32 $0x10E, v16  }
0x523: {  	v18 =	vmov s8;
	v63 =	vand.u32 $0x138, v20;
	v5 =	vadd.s32 $0x10E00, v5  }
0x524: {  	s0 =	simm.s32 $0x0;
	v18 =	vadd.s32 $0x10E, v18;
	v19 =	vadd.s32 $0x10E, v12;
	v7 =	vadd.s32 s1, v5  }
0x525: {  	v12 =	vand.u32 $0x178, v15;
	v6 =	vmov s0;
	v8 =	vadd.s32 s10, v5  }
0x526: {  	v62 =	vadd.s32 v4, v12;
	v6 =	vadd.s32 $0x10E, v6;
	v10 =	vadd.s32 s0, v5  }
0x527: {  	s6 =	simm.s32 $0x2;
	v22 =	vand.u32 $0x178, v19;
	v9 =	vand.u32 $0x138, v6;
	v13 =	vadd.s32 s8, v5  }
0x528: {  	v14 =	vand.u32 $0x6, v6;
	v6 =	vmov s6;
	v11 =	vadd.s32 s6, v5  }
0x529: {  	v12 =	vand.u32 $0x6, v18;
	v16 =	vadd.s32 $0x10E, v6;
	v17 =	vadd.s32 s11, v5;
	v6 =	vld.idx.msk [tilespmem:v7+s3+$0x0], $0xffff  }
0x52a: {  	v19 =	vand.u32 $0x7, v19;
	v7 =	vand.u32 $0x7, v15;
	v8 =	vld.idx.msk [tilespmem:v8+s3+$0x0], $0xffff;
	v15 =	vadd.s32 v4, v9  }
0x52b: {  	v18 =	vand.u32 $0x178, v18;
	v10 =	vld.idx.msk [tilespmem:v10+s3+$0x0], $0xffff;
	v15 =	vor.u32 v14, v15;
	v14 =	vand.u32 $0x178, v16  }
0x52c: {  	v9 =	vor.u32 v7, v62;
	v7 =	vld.idx.msk [tilespmem:v13+s3+$0x0], $0xffff;
	v13 =	vand.u32 $0x6, v16;
	v14 =	vadd.s32 v4, v14  }
0x52d: {  	v22 =	vadd.s32 v4, v22;
	v18 =	vadd.s32 v4, v18;
	v11 =	vld.idx.msk [tilespmem:v11+s3+$0x0], $0xffff;
	v16 =	vor.u32 v13, v14  }
0x52e: {  	s29 =	simm.s32 $0x6;
	v14 =	vor.u32 v19, v22;
	v13 =	vld.idx.msk [tilespmem:v17+s3+$0x0], $0xffff;
	v17 =	vand.u32 $0x7, v20;
	v19 =	vadd.s32 v4, v63  }
.LBB2_71:
0x52f: {  	s0 =	sadd.s32 $0x1, s29  }
0x530: {  	v20 =	vmov s29;
	s1 =	sadd.s32 $0x2, s29;
	s6 =	sadd.s32 $0x3, s29;
	v17 =	vor.u32 v17, v19;
	v12 =	vor.u32 v12, v18;
	s8 =	smov.u32 s29  }
0x531: {  	s30 =	sadd.s32 $0x6, s29;
	v18 =	vadd.s32 $0x10E, v20;
	v19 =	vadd.s32 s0, v5;
	v20 =	vadd.s32 s1, v5;
	s10 =	sadd.s32 $0x4, s8;
	s11 =	sadd.s32 $0x5, s8;
	[tilespmem:v15+s16+$0x0] =	vst.idx.msk $0xffff, v10  }
0x532: {  	p0 =	slt.u32 s29, $0x18;
	v15 =	vand.u32 $0x138, v18;
	v21 =	vadd.s32 s10, v5;
	v10 =	vadd.s32 s11, v5;
	[tilespmem:v9+s16+$0x0] =	vst.idx.msk $0xffff, v8  }
0x533: {  	v9 =	vadd.s32 s8, v5;
	v18 =	vand.u32 $0x6, v18;
	v8 =	vmov s1;
	[tilespmem:v16+s16+$0x0] =	vst.idx.msk $0xffff, v11  }
0x534: {  	v22 =	vmov s11;
	v11 =	vmov s6;
	v16 =	vadd.s32 s6, v5;
	[tilespmem:v14+s16+$0x0] =	vst.idx.msk $0xffff, v13  }
0x535: {  	v22 =	vadd.s32 $0x10E, v22;
	v13 =	vmov s0;
	v14 =	vmov s10;
	[tilespmem:v17+s16+$0x0] =	vst.idx.msk $0xffff, v6  }
0x536: {  	v11 =	vadd.s32 $0x10E, v11;
	v17 =	vadd.s32 $0x10E, v14;
	v14 =	vand.u32 $0x178, v22;
	v6 =	vld.idx.msk [tilespmem:v19+s3+$0x0], $0xffff;
	[tilespmem:v12+s16+$0x0] =	vst.idx.msk $0xffff, v7  }
0x537: {  	v19 =	vadd.s32 $0x10E, v13;
	v13 =	vadd.s32 $0x10E, v8;
	v14 =	vadd.s32 v4, v14;
	v8 =	vld.idx.msk [tilespmem:v10+s3+$0x0], $0xffff  }
0x538: {  	v23 =	vand.u32 $0x178, v11;
	v12 =	vand.u32 $0x6, v17;
	v10 =	vld.idx.msk [tilespmem:v9+s3+$0x0], $0xffff;
	v9 =	vand.u32 $0x7, v22  }
.Ltmp34:
0x539: {  	v15 =	vadd.s32 v4, v15;
	v22 =	vand.u32 $0x7, v11;
	v7 =	vld.idx.msk [tilespmem:v21+s3+$0x0], $0xffff;
	v9 =	vor.u32 v9, v14;
	(pc) =	sbr.rel @p0 .LBB2_71-.Ltmp34, $4  }
0x53a: {  	v15 =	vor.u32 v18, v15;
	v18 =	vand.u32 $0x138, v19;
	v14 =	vand.u32 $0x178, v13;
	v11 =	vld.idx.msk [tilespmem:v20+s3+$0x0], $0xffff  }
0x53b: {  	v21 =	vadd.s32 v4, v23;
	v20 =	vand.u32 $0x6, v13;
	v14 =	vadd.s32 v4, v14;
	v13 =	vld.idx.msk [tilespmem:v16+s3+$0x0], $0xffff  }
0x53c: {  	v16 =	vor.u32 v20, v14;
	v14 =	vor.u32 v22, v21;
	v20 =	vand.u32 $0x178, v17  }
0x53d: {  	s29 =	smov.u32 s30;
	v17 =	vand.u32 $0x7, v19;
	v19 =	vadd.s32 v4, v18;
	v18 =	vadd.s32 v4, v20  }
0x53e: {  	s0 =	sand.u32 $0x2, s28  }
0x53f: {  	s1 =	sshll.u32 s0, $0x4  }
0x540: {  	p0 =	seq.s32 s0, $0x0;
	s0 =	simm.s32 $0x10;
	s1 =	sor.u32 $0x10, s1  }
0x541: {  	s0 =	simm.s32 @!p0 $0x2;
	s6 =	sadd.s32 s1, s26  }
0x542: {  	v5 =	vor.u32 v17, v19;
	v4 =	vmov s0;
	v17 =	vmov s6  }
0x543: {  	v12 =	vor.u32 v12, v18;
	[tilespmem:v15+s16+$0x0] =	vst.idx.msk $0xffff, v10;
	vm0 =	vgt.u32 v4, v0;
	v4 =	vshll.u32 v17, $0x4  }
0x544: {  	[tilespmem:v9+s16+$0x0] =	vst.idx.msk $0xffff, v8;
	v4 =	vadd.s32 v1, v4  }
0x545: {  	[tilespmem:v16+s16+$0x0] =	vst.idx.msk $0xffff, v11  }
0x546: {  	[tilespmem:v14+s16+$0x0] =	vst.idx.msk $0xffff, v13  }
0x547: {  	[tilespmem:v5+s16+$0x0] =	vst.idx.msk $0xffff, v6  }
0x548: {  	[tilespmem:v12+s16+$0x0] =	vst.idx.msk $0xffff, v7  }
0x549: {  	v5 =	vld.idx.msk [tilespmem:v4+s14+$0x0], vm0;
	_ =	sdelay $0x2  }
0x54a: {  	s29 =	simm.s32 $0x1;
	s8 =	simm.s32 $0x4  }
0x54b: {  	s31 =	simm.s32 $0x3;
	v9 =	vmov s8;
	v11 =	vmov s29;
	v6 =	vmov s1  }
0x54c: {  	s10 =	simm.s32 $0x5;
	v15 =	vmov s31;
	v6 =	vmul.u32 $0x130, v6;
	v5 =	vand.u32 $0xFF, v5  }
0x54d: {  	v13 =	vmov s10;
	v14 =	vand.u32 $0x18, v11;
	v5 =	vmul.u32 $0x1E, v5  }
0x54e: {  	s30 =	simm.s32 $0x2;
	v11 =	vand.u32 $0x7, v11;
	v19 =	vand.u32 $0x38, v13;
	v6 =	vbroadcast v6, $0x0  }
0x54f: {  	v13 =	vand.u32 $0x7, v13;
	v12 =	vmov s30;
	v7 =	vadd.s32 s30, v5  }
0x550: {  	v17 =	vand.u32 $0x38, v15;
	v3 =	vadd.s32 v3, v6;
	v6 =	vadd.s32 s29, v5  }
0x551: {  	v15 =	vand.u32 $0x7, v15;
	v18 =	vand.u32 $0x38, v12;
	v10 =	vadd.s32 s8, v5  }
0x552: {  	v12 =	vand.u32 $0x6, v12;
	v3 =	vadd.s32 v2, v3;
	v16 =	vadd.s32 s10, v5  }
0x553: {  	v14 =	vadd.s32 v3, v14;
	v18 =	vadd.s32 v3, v18;
	v19 =	vadd.s32 v3, v19  }
0x554: {  	v12 =	vor.u32 v12, v18;
	v18 =	vand.u32 $0x38, v9;
	v8 =	vadd.s32 s31, v5;
	v7 =	vld.idx.msk [tilespmem:v7+s3+$0x0], $0xffff  }
0x555: {  	v11 =	vor.u32 v11, v14;
	v9 =	vand.u32 $0x6, v9;
	v14 =	vadd.s32 v3, v18;
	v6 =	vld.idx.msk [tilespmem:v6+s3+$0x0], $0xffff  }
0x556: {  	s11 =	simm.s32 $0x7;
	v17 =	vadd.s32 v3, v17;
	v13 =	vor.u32 v13, v19;
	v9 =	vor.u32 v9, v14;
	s10 =	simm.s32 $0x0;
	v10 =	vld.idx.msk [tilespmem:v10+s3+$0x0], $0xffff  }
0x557: {  	s26 =	simm.s32 $0x8;
	v15 =	vor.u32 v15, v17;
	v17 =	vadd.s32 s11, v5;
	s29 =	simm.s32 $0x9;
	v18 =	vadd.s32 s10, v5;
	v16 =	vld.idx.msk [tilespmem:v16+s3+$0x0], $0xffff  }
0x558: {  	v19 =	vadd.s32 s26, v5;
	s30 =	simm.s32 $0xA;
	v14 =	vmov s10;
	v21 =	vadd.s32 s29, v5  }
0x559: {  	s31 =	simm.s32 $0xB;
	v22 =	vmov s30;
	v23 =	vadd.s32 s30, v5;
	v25 =	vmov s29;
	v8 =	vld.idx.msk [tilespmem:v8+s3+$0x0], $0xffff;
	[tilespmem:v12+s16+$0x0] =	vst.idx.msk vm0, v7  }
0x55a: {  	v24 =	vmov s31;
	v20 =	vand.u32 $0x6, v14;
	v27 =	vand.u32 $0x38, v25;
	[tilespmem:v11+s16+$0x0] =	vst.idx.msk vm0, v6  }
0x55b: {  	v7 =	vmov s11;
	v12 =	vmov s26;
	v11 =	vadd.s32 s31, v5;
	[tilespmem:v9+s16+$0x0] =	vst.idx.msk vm0, v10  }
0x55c: {  	v9 =	vld.idx.msk [tilespmem:v18+s3+$0x0], $0xffff;
	[tilespmem:v13+s16+$0x0] =	vst.idx.msk vm0, v16;
	v13 =	vand.u32 $0x38, v24;
	v16 =	vand.u32 $0x7, v24;
	v6 =	vand.u32 $0x18, v7  }
0x55d: {  	v10 =	vld.idx.msk [tilespmem:v17+s3+$0x0], $0xffff;
	v18 =	vadd.s32 v3, v27;
	v17 =	vadd.s32 v3, v13;
	v26 =	vadd.s32 v3, v6  }
0x55e: {  	[tilespmem:v15+s16+$0x0] =	vst.idx.msk vm0, v8;
	v6 =	vand.u32 $0x18, v14;
	v14 =	vand.u32 $0x7, v7;
	v7 =	vand.u32 $0x38, v12  }
0x55f: {  	v8 =	vld.idx.msk [tilespmem:v19+s3+$0x0], $0xffff;
	v12 =	vand.u32 $0x6, v12;
	v6 =	vadd.s32 v3, v6;
	v7 =	vadd.s32 v3, v7  }
0x560: {  	v15 =	vor.u32 v20, v6;
	v13 =	vor.u32 v12, v7;
	v12 =	vand.u32 $0x38, v22;
	v6 =	vld.idx.msk [tilespmem:v11+s3+$0x0], $0xffff  }
0x561: {  	v7 =	vor.u32 v16, v17;
	v16 =	vand.u32 $0x6, v22;
	v11 =	vld.idx.msk [tilespmem:v23+s3+$0x0], $0xffff;
	v19 =	vadd.s32 v3, v12  }
0x562: {  	s28 =	simm.s32 $0xC;
	s26 =	simm.s32 $0x6;
	v14 =	vor.u32 v14, v26;
	v17 =	vand.u32 $0x7, v25;
	v12 =	vld.idx.msk [tilespmem:v21+s3+$0x0], $0xffff;
	v16 =	vor.u32 v16, v19  }
.LBB2_73:
0x563: {  	s0 =	sadd.s32 $0x1, s28  }
0x564: {  	s1 =	sadd.s32 $0x2, s28;
	v19 =	vmov s26;
	v20 =	vadd.s32 s26, v5;
	v17 =	vor.u32 v17, v18;
	s26 =	smov.u32 s28;
	s6 =	sadd.s32 $0x6, s28  }
0x565: {  	v18 =	vadd.s32 s0, v5;
	v21 =	vadd.s32 s1, v5;
	s8 =	sadd.s32 $0x3, s26;
	s10 =	sadd.s32 $0x4, s26;
	s11 =	sadd.s32 $0x5, s26;
	v22 =	vand.u32 $0x6, v19;
	[tilespmem:v15+s16+$0x0] =	vst.idx.msk vm0, v9  }
0x566: {  	p0 =	slt.u32 s28, $0x18;
	v23 =	vadd.s32 s8, v5;
	v24 =	vmov s10;
	v25 =	vadd.s32 s10, v5;
	[tilespmem:v13+s16+$0x0] =	vst.idx.msk vm0, v8  }
0x567: {  	v8 =	vmov s0;
	v13 =	vmov s1;
	v15 =	vmov s11;
	[tilespmem:v14+s16+$0x0] =	vst.idx.msk vm0, v10  }
0x568: {  	v26 =	vmov s8;
	v9 =	vand.u32 $0x18, v8;
	v14 =	vadd.s32 s11, v5;
	[tilespmem:v16+s16+$0x0] =	vst.idx.msk vm0, v11  }
0x569: {  	v10 =	vand.u32 $0x18, v19;
	v11 =	vadd.s32 v3, v9;
	v16 =	vand.u32 $0x38, v26;
	[tilespmem:v17+s16+$0x0] =	vst.idx.msk vm0, v12  }
0x56a: {  	v19 =	vadd.s32 v3, v10;
	v12 =	vand.u32 $0x7, v8;
	v17 =	vand.u32 $0x38, v13;
	v9 =	vld.idx.msk [tilespmem:v20+s3+$0x0], $0xffff;
	[tilespmem:v7+s16+$0x0] =	vst.idx.msk vm0, v6  }
.Ltmp35:
0x56b: {  	v6 =	vand.u32 $0x6, v13;
	v7 =	vand.u32 $0x38, v15;
	v20 =	vand.u32 $0x7, v15;
	v8 =	vld.idx.msk [tilespmem:v21+s3+$0x0], $0xffff;
	(pc) =	sbr.rel @p0 .LBB2_73-.Ltmp35, $4  }
0x56c: {  	v13 =	vadd.s32 v3, v17;
	v15 =	vor.u32 v22, v19;
	v7 =	vadd.s32 v3, v7;
	v10 =	vld.idx.msk [tilespmem:v18+s3+$0x0], $0xffff  }
0x56d: {  	v17 =	vand.u32 $0x38, v24;
	v13 =	vor.u32 v6, v13;
	v7 =	vor.u32 v20, v7;
	v6 =	vld.idx.msk [tilespmem:v14+s3+$0x0], $0xffff  }
0x56e: {  	v19 =	vand.u32 $0x6, v24;
	v20 =	vadd.s32 v3, v17;
	v14 =	vor.u32 v12, v11;
	v11 =	vld.idx.msk [tilespmem:v25+s3+$0x0], $0xffff  }
0x56f: {  	s28 =	smov.u32 s6;
	v17 =	vand.u32 $0x7, v26;
	v18 =	vadd.s32 v3, v16;
	v16 =	vor.u32 v19, v20;
	v12 =	vld.idx.msk [tilespmem:v23+s3+$0x0], $0xffff  }
0x570: {  	_ = 	snop  }
0x571: {  	v5 =	vadd.s32 s26, v5;
	_ =	sdelay $0x1  }
0x572: {  	v19 =	vmov s26  }
0x573: {  	v17 =	vor.u32 v17, v18;
	v18 =	vand.u32 $0x18, v19  }
0x574: {  	[tilespmem:v15+s16+$0x0] =	vst.idx.msk vm0, v9;
	v19 =	vand.u32 $0x6, v19;
	v9 =	vadd.s32 v3, v18  }
0x575: {  	[tilespmem:v13+s16+$0x0] =	vst.idx.msk vm0, v8;
	v8 =	vor.u32 v19, v9;
	v5 =	vld.idx.msk [tilespmem:v5+s3+$0x0], $0xffff  }
0x576: {  	[tilespmem:v14+s16+$0x0] =	vst.idx.msk vm0, v10;
	v9 =	vor.u32 $0x1, v4  }
0x577: {  	[tilespmem:v7+s16+$0x0] =	vst.idx.msk vm0, v6  }
0x578: {  	[tilespmem:v16+s16+$0x0] =	vst.idx.msk vm0, v11  }
0x579: {  	[tilespmem:v17+s16+$0x0] =	vst.idx.msk vm0, v12  }
0x57a: {  	[tilespmem:v8+s16+$0x0] =	vst.idx.msk vm0, v5  }
0x57b: {  	v5 =	vld.idx.msk [tilespmem:v9+s14+$0x0], vm0;
	_ =	sdelay $0x4  }
0x57c: {  	s0 =	simm.s32 $0x0;
	s11 =	simm.s32 $0x3;
	v5 =	vand.u32 $0xFF, v5  }
0x57d: {  	s8 =	simm.s32 $0x4;
	v10 =	vmov s11;
	v6 =	vmov s0;
	v5 =	vmul.u32 $0x1E, v5  }
0x57e: {  	s1 =	simm.s32 $0x1;
	s10 =	simm.s32 $0x5;
	v18 =	vmov s8;
	v10 =	vadd.s32 $0x1E, v10;
	v6 =	vadd.s32 $0x1E, v6  }
0x57f: {  	v11 =	vmov s10;
	v16 =	vmov s1;
	v5 =	vadd.s32 $0x1E00, v5  }
0x580: {  	v18 =	vadd.s32 $0x1E, v18;
	v22 =	vand.u32 $0x78, v10;
	v7 =	vadd.s32 s1, v5  }
0x581: {  	v23 =	vand.u32 $0x7, v10;
	v15 =	vand.u32 $0x6, v6;
	v8 =	vadd.s32 s10, v5  }
0x582: {  	v19 =	vadd.s32 $0x1E, v11;
	v20 =	vadd.s32 $0x1E, v16;
	v14 =	vadd.s32 s0, v5  }
0x583: {  	s6 =	simm.s32 $0x2;
	v62 =	vadd.s32 v3, v22;
	v63 =	vand.u32 $0x78, v18;
	v13 =	vadd.s32 s8, v5  }
0x584: {  	v9 =	vand.u32 $0x38, v6;
	v6 =	vmov s6;
	v12 =	vadd.s32 s6, v5  }
0x585: {  	v11 =	vand.u32 $0x78, v19;
	v16 =	vadd.s32 $0x1E, v6;
	v17 =	vadd.s32 s11, v5;
	v6 =	vld.idx.msk [tilespmem:v7+s3+$0x0], $0xffff  }
0x586: {  	v21 =	vadd.s32 v3, v11;
	v7 =	vand.u32 $0x7, v19;
	v8 =	vld.idx.msk [tilespmem:v8+s3+$0x0], $0xffff;
	v19 =	vadd.s32 v3, v9  }
0x587: {  	v11 =	vand.u32 $0x6, v18;
	v9 =	vld.idx.msk [tilespmem:v14+s3+$0x0], $0xffff;
	v10 =	vor.u32 v7, v21;
	v14 =	vor.u32 v15, v19  }
0x588: {  	v19 =	vand.u32 $0x38, v20;
	v15 =	vand.u32 $0x78, v16;
	v7 =	vld.idx.msk [tilespmem:v13+s3+$0x0], $0xffff;
	v13 =	vand.u32 $0x6, v16  }
0x589: {  	v12 =	vld.idx.msk [tilespmem:v12+s3+$0x0], $0xffff;
	v15 =	vadd.s32 v3, v15;
	v18 =	vadd.s32 v3, v19;
	v19 =	vadd.s32 v3, v63  }
0x58a: {  	s26 =	simm.s32 $0x6;
	v16 =	vor.u32 v13, v15;
	v15 =	vor.u32 v23, v62;
	v13 =	vld.idx.msk [tilespmem:v17+s3+$0x0], $0xffff;
	v17 =	vand.u32 $0x7, v20  }
.LBB2_75:
0x58b: {  	s0 =	sadd.s32 $0x1, s26  }
0x58c: {  	v20 =	vmov s26;
	s1 =	sadd.s32 $0x2, s26;
	s6 =	sadd.s32 $0x3, s26;
	v17 =	vor.u32 v17, v18;
	v11 =	vor.u32 v11, v19;
	s8 =	smov.u32 s26  }
0x58d: {  	s28 =	sadd.s32 $0x6, s26;
	v18 =	vadd.s32 $0x1E, v20;
	v19 =	vadd.s32 s0, v5;
	v20 =	vadd.s32 s1, v5;
	s10 =	sadd.s32 $0x4, s8;
	s11 =	sadd.s32 $0x5, s8;
	[tilespmem:v14+s16+$0x0] =	vst.idx.msk vm0, v9  }
0x58e: {  	p0 =	slt.u32 s26, $0x18;
	v14 =	vand.u32 $0x38, v18;
	v21 =	vadd.s32 s10, v5;
	v9 =	vadd.s32 s11, v5;
	[tilespmem:v10+s16+$0x0] =	vst.idx.msk vm0, v8  }
0x58f: {  	v10 =	vadd.s32 s8, v5;
	v18 =	vand.u32 $0x6, v18;
	v8 =	vmov s1;
	[tilespmem:v16+s16+$0x0] =	vst.idx.msk vm0, v12  }
0x590: {  	v22 =	vmov s11;
	v12 =	vmov s6;
	v16 =	vadd.s32 s6, v5;
	[tilespmem:v15+s16+$0x0] =	vst.idx.msk vm0, v13  }
0x591: {  	v22 =	vadd.s32 $0x1E, v22;
	v13 =	vmov s0;
	v15 =	vmov s10;
	[tilespmem:v17+s16+$0x0] =	vst.idx.msk vm0, v6  }
0x592: {  	v12 =	vadd.s32 $0x1E, v12;
	v17 =	vadd.s32 $0x1E, v15;
	v15 =	vand.u32 $0x78, v22;
	v6 =	vld.idx.msk [tilespmem:v19+s3+$0x0], $0xffff;
	[tilespmem:v11+s16+$0x0] =	vst.idx.msk vm0, v7  }
0x593: {  	v19 =	vadd.s32 $0x1E, v13;
	v13 =	vadd.s32 $0x1E, v8;
	v15 =	vadd.s32 v3, v15;
	v8 =	vld.idx.msk [tilespmem:v9+s3+$0x0], $0xffff  }
0x594: {  	v23 =	vand.u32 $0x78, v12;
	v11 =	vand.u32 $0x6, v17;
	v9 =	vld.idx.msk [tilespmem:v10+s3+$0x0], $0xffff;
	v10 =	vand.u32 $0x7, v22  }
.Ltmp36:
0x595: {  	v14 =	vadd.s32 v3, v14;
	v22 =	vand.u32 $0x7, v12;
	v7 =	vld.idx.msk [tilespmem:v21+s3+$0x0], $0xffff;
	v10 =	vor.u32 v10, v15;
	(pc) =	sbr.rel @p0 .LBB2_75-.Ltmp36, $4  }
0x596: {  	v14 =	vor.u32 v18, v14;
	v18 =	vand.u32 $0x38, v19;
	v15 =	vand.u32 $0x78, v13;
	v12 =	vld.idx.msk [tilespmem:v20+s3+$0x0], $0xffff  }
0x597: {  	v21 =	vadd.s32 v3, v23;
	v20 =	vand.u32 $0x6, v13;
	v15 =	vadd.s32 v3, v15;
	v13 =	vld.idx.msk [tilespmem:v16+s3+$0x0], $0xffff  }
0x598: {  	v16 =	vor.u32 v20, v15;
	v15 =	vor.u32 v22, v21;
	v20 =	vand.u32 $0x78, v17  }
0x599: {  	s26 =	smov.u32 s28;
	v18 =	vadd.s32 v3, v18;
	v17 =	vand.u32 $0x7, v19;
	v19 =	vadd.s32 v3, v20  }
0x59a: {  	_ =	sdelay $0x3  }
0x59b: {  	v5 =	vor.u32 v17, v18  }
0x59c: {  	v11 =	vor.u32 v11, v19;
	[tilespmem:v14+s16+$0x0] =	vst.idx.msk vm0, v9  }
0x59d: {  	[tilespmem:v10+s16+$0x0] =	vst.idx.msk vm0, v8;
	v8 =	vor.u32 $0x2, v4  }
0x59e: {  	[tilespmem:v16+s16+$0x0] =	vst.idx.msk vm0, v12  }
0x59f: {  	[tilespmem:v15+s16+$0x0] =	vst.idx.msk vm0, v13  }
0x5a0: {  	[tilespmem:v5+s16+$0x0] =	vst.idx.msk vm0, v6  }
0x5a1: {  	[tilespmem:v11+s16+$0x0] =	vst.idx.msk vm0, v7  }
0x5a2: {  	v5 =	vld.idx.msk [tilespmem:v8+s14+$0x0], vm0;
	_ =	sdelay $0x4  }
0x5a3: {  	s8 =	simm.s32 $0x4;
	s11 =	simm.s32 $0x3;
	v5 =	vand.u32 $0xFF, v5  }
0x5a4: {  	s1 =	simm.s32 $0x1;
	v10 =	vmov s11;
	v18 =	vmov s8;
	v5 =	vmul.u32 $0x1E, v5  }
0x5a5: {  	v16 =	vmov s1;
	v10 =	vadd.s32 $0x3C, v10;
	v18 =	vadd.s32 $0x3C, v18  }
0x5a6: {  	v20 =	vadd.s32 $0x3C, v16;
	v22 =	vand.u32 $0x78, v10;
	v5 =	vadd.s32 $0x3C00, v5  }
0x5a7: {  	s0 =	simm.s32 $0x0;
	s10 =	simm.s32 $0x5;
	v23 =	vand.u32 $0x7, v10;
	v63 =	vand.u32 $0x78, v18;
	v7 =	vadd.s32 s1, v5  }
0x5a8: {  	v62 =	vadd.s32 v3, v22;
	v6 =	vmov s0;
	v8 =	vadd.s32 s10, v5  }
0x5a9: {  	v11 =	vmov s10;
	v6 =	vadd.s32 $0x3C, v6;
	v14 =	vadd.s32 s0, v5  }
0x5aa: {  	s6 =	simm.s32 $0x2;
	v19 =	vadd.s32 $0x3C, v11;
	v9 =	vand.u32 $0x78, v6;
	v13 =	vadd.s32 s8, v5  }
0x5ab: {  	v15 =	vand.u32 $0x6, v6;
	v6 =	vmov s6;
	v12 =	vadd.s32 s6, v5  }
0x5ac: {  	v11 =	vand.u32 $0x78, v19;
	v16 =	vadd.s32 $0x3C, v6;
	v17 =	vadd.s32 s11, v5;
	v6 =	vld.idx.msk [tilespmem:v7+s3+$0x0], $0xffff  }
0x5ad: {  	v21 =	vadd.s32 v3, v11;
	v7 =	vand.u32 $0x7, v19;
	v8 =	vld.idx.msk [tilespmem:v8+s3+$0x0], $0xffff;
	v19 =	vadd.s32 v3, v9  }
0x5ae: {  	v11 =	vand.u32 $0x6, v18;
	v9 =	vld.idx.msk [tilespmem:v14+s3+$0x0], $0xffff;
	v10 =	vor.u32 v7, v21;
	v14 =	vor.u32 v15, v19  }
0x5af: {  	v19 =	vand.u32 $0x78, v20;
	v15 =	vand.u32 $0x78, v16;
	v7 =	vld.idx.msk [tilespmem:v13+s3+$0x0], $0xffff;
	v13 =	vand.u32 $0x6, v16  }
0x5b0: {  	v12 =	vld.idx.msk [tilespmem:v12+s3+$0x0], $0xffff;
	v15 =	vadd.s32 v3, v15;
	v18 =	vadd.s32 v3, v19;
	v19 =	vadd.s32 v3, v63  }
0x5b1: {  	s26 =	simm.s32 $0x6;
	v16 =	vor.u32 v13, v15;
	v15 =	vor.u32 v23, v62;
	v13 =	vld.idx.msk [tilespmem:v17+s3+$0x0], $0xffff;
	v17 =	vand.u32 $0x7, v20  }
.LBB2_77:
0x5b2: {  	s0 =	sadd.s32 $0x1, s26  }
0x5b3: {  	v20 =	vmov s26;
	s1 =	sadd.s32 $0x2, s26;
	s6 =	sadd.s32 $0x3, s26;
	v17 =	vor.u32 v17, v18;
	v11 =	vor.u32 v11, v19;
	s8 =	smov.u32 s26  }
0x5b4: {  	s28 =	sadd.s32 $0x6, s26;
	v18 =	vadd.s32 $0x3C, v20;
	v19 =	vadd.s32 s0, v5;
	v20 =	vadd.s32 s1, v5;
	s10 =	sadd.s32 $0x4, s8;
	s11 =	sadd.s32 $0x5, s8;
	[tilespmem:v14+s16+$0x0] =	vst.idx.msk vm0, v9  }
0x5b5: {  	p0 =	slt.u32 s26, $0x18;
	v14 =	vand.u32 $0x78, v18;
	v21 =	vadd.s32 s10, v5;
	v9 =	vadd.s32 s11, v5;
	[tilespmem:v10+s16+$0x0] =	vst.idx.msk vm0, v8  }
0x5b6: {  	v10 =	vadd.s32 s8, v5;
	v18 =	vand.u32 $0x6, v18;
	v8 =	vmov s1;
	[tilespmem:v16+s16+$0x0] =	vst.idx.msk vm0, v12  }
0x5b7: {  	v22 =	vmov s11;
	v12 =	vmov s6;
	v16 =	vadd.s32 s6, v5;
	[tilespmem:v15+s16+$0x0] =	vst.idx.msk vm0, v13  }
0x5b8: {  	v22 =	vadd.s32 $0x3C, v22;
	v13 =	vmov s0;
	v15 =	vmov s10;
	[tilespmem:v17+s16+$0x0] =	vst.idx.msk vm0, v6  }
0x5b9: {  	v12 =	vadd.s32 $0x3C, v12;
	v17 =	vadd.s32 $0x3C, v15;
	v15 =	vand.u32 $0x78, v22;
	v6 =	vld.idx.msk [tilespmem:v19+s3+$0x0], $0xffff;
	[tilespmem:v11+s16+$0x0] =	vst.idx.msk vm0, v7  }
0x5ba: {  	v19 =	vadd.s32 $0x3C, v13;
	v13 =	vadd.s32 $0x3C, v8;
	v15 =	vadd.s32 v3, v15;
	v8 =	vld.idx.msk [tilespmem:v9+s3+$0x0], $0xffff  }
0x5bb: {  	v23 =	vand.u32 $0x78, v12;
	v11 =	vand.u32 $0x6, v17;
	v9 =	vld.idx.msk [tilespmem:v10+s3+$0x0], $0xffff;
	v10 =	vand.u32 $0x7, v22  }
.Ltmp37:
0x5bc: {  	v14 =	vadd.s32 v3, v14;
	v22 =	vand.u32 $0x7, v12;
	v7 =	vld.idx.msk [tilespmem:v21+s3+$0x0], $0xffff;
	v10 =	vor.u32 v10, v15;
	(pc) =	sbr.rel @p0 .LBB2_77-.Ltmp37, $4  }
0x5bd: {  	v14 =	vor.u32 v18, v14;
	v18 =	vand.u32 $0x78, v19;
	v15 =	vand.u32 $0x78, v13;
	v12 =	vld.idx.msk [tilespmem:v20+s3+$0x0], $0xffff  }
0x5be: {  	v21 =	vadd.s32 v3, v23;
	v20 =	vand.u32 $0x6, v13;
	v15 =	vadd.s32 v3, v15;
	v13 =	vld.idx.msk [tilespmem:v16+s3+$0x0], $0xffff  }
0x5bf: {  	v16 =	vor.u32 v20, v15;
	v15 =	vor.u32 v22, v21;
	v20 =	vand.u32 $0x78, v17  }
0x5c0: {  	s26 =	smov.u32 s28;
	v18 =	vadd.s32 v3, v18;
	v17 =	vand.u32 $0x7, v19;
	v19 =	vadd.s32 v3, v20  }
0x5c1: {  	_ =	sdelay $0x3  }
0x5c2: {  	v5 =	vor.u32 v17, v18  }
0x5c3: {  	v11 =	vor.u32 v11, v19;
	[tilespmem:v14+s16+$0x0] =	vst.idx.msk vm0, v9  }
0x5c4: {  	[tilespmem:v10+s16+$0x0] =	vst.idx.msk vm0, v8;
	v8 =	vor.u32 $0x3, v4  }
0x5c5: {  	[tilespmem:v16+s16+$0x0] =	vst.idx.msk vm0, v12  }
0x5c6: {  	[tilespmem:v15+s16+$0x0] =	vst.idx.msk vm0, v13  }
0x5c7: {  	[tilespmem:v5+s16+$0x0] =	vst.idx.msk vm0, v6  }
0x5c8: {  	[tilespmem:v11+s16+$0x0] =	vst.idx.msk vm0, v7  }
0x5c9: {  	v5 =	vld.idx.msk [tilespmem:v8+s14+$0x0], vm0;
	_ =	sdelay $0x4  }
0x5ca: {  	s8 =	simm.s32 $0x4;
	s11 =	simm.s32 $0x3;
	v5 =	vand.u32 $0xFF, v5  }
0x5cb: {  	s1 =	simm.s32 $0x1;
	v10 =	vmov s11;
	v18 =	vmov s8;
	v5 =	vmul.u32 $0x1E, v5  }
0x5cc: {  	v16 =	vmov s1;
	v10 =	vadd.s32 $0x5A, v10;
	v18 =	vadd.s32 $0x5A, v18  }
0x5cd: {  	v20 =	vadd.s32 $0x5A, v16;
	v22 =	vand.u32 $0xF8, v10;
	v5 =	vadd.s32 $0x5A00, v5  }
0x5ce: {  	s0 =	simm.s32 $0x0;
	s10 =	simm.s32 $0x5;
	v23 =	vand.u32 $0x7, v10;
	v63 =	vand.u32 $0xF8, v18;
	v7 =	vadd.s32 s1, v5  }
0x5cf: {  	v62 =	vadd.s32 v3, v22;
	v6 =	vmov s0;
	v8 =	vadd.s32 s10, v5  }
0x5d0: {  	v11 =	vmov s10;
	v6 =	vadd.s32 $0x5A, v6;
	v14 =	vadd.s32 s0, v5  }
0x5d1: {  	s6 =	simm.s32 $0x2;
	v19 =	vadd.s32 $0x5A, v11;
	v9 =	vand.u32 $0x78, v6;
	v13 =	vadd.s32 s8, v5  }
0x5d2: {  	v15 =	vand.u32 $0x6, v6;
	v6 =	vmov s6;
	v12 =	vadd.s32 s6, v5  }
0x5d3: {  	v11 =	vand.u32 $0xF8, v19;
	v16 =	vadd.s32 $0x5A, v6;
	v17 =	vadd.s32 s11, v5;
	v6 =	vld.idx.msk [tilespmem:v7+s3+$0x0], $0xffff  }
0x5d4: {  	v21 =	vadd.s32 v3, v11;
	v7 =	vand.u32 $0x7, v19;
	v8 =	vld.idx.msk [tilespmem:v8+s3+$0x0], $0xffff;
	v19 =	vadd.s32 v3, v9  }
0x5d5: {  	v11 =	vand.u32 $0x6, v18;
	v9 =	vld.idx.msk [tilespmem:v14+s3+$0x0], $0xffff;
	v10 =	vor.u32 v7, v21;
	v14 =	vor.u32 v15, v19  }
0x5d6: {  	v19 =	vand.u32 $0x78, v20;
	v15 =	vand.u32 $0xF8, v16;
	v7 =	vld.idx.msk [tilespmem:v13+s3+$0x0], $0xffff;
	v13 =	vand.u32 $0x6, v16  }
0x5d7: {  	v12 =	vld.idx.msk [tilespmem:v12+s3+$0x0], $0xffff;
	v15 =	vadd.s32 v3, v15;
	v18 =	vadd.s32 v3, v19;
	v19 =	vadd.s32 v3, v63  }
0x5d8: {  	s26 =	simm.s32 $0x6;
	v16 =	vor.u32 v13, v15;
	v15 =	vor.u32 v23, v62;
	v13 =	vld.idx.msk [tilespmem:v17+s3+$0x0], $0xffff;
	v17 =	vand.u32 $0x7, v20  }
.LBB2_79:
0x5d9: {  	s0 =	sadd.s32 $0x1, s26  }
0x5da: {  	v20 =	vmov s26;
	s1 =	sadd.s32 $0x2, s26;
	s6 =	sadd.s32 $0x3, s26;
	v17 =	vor.u32 v17, v18;
	v11 =	vor.u32 v11, v19;
	s8 =	smov.u32 s26  }
0x5db: {  	s28 =	sadd.s32 $0x6, s26;
	v18 =	vadd.s32 $0x5A, v20;
	v19 =	vadd.s32 s0, v5;
	v20 =	vadd.s32 s1, v5;
	s10 =	sadd.s32 $0x4, s8;
	s11 =	sadd.s32 $0x5, s8;
	[tilespmem:v14+s16+$0x0] =	vst.idx.msk vm0, v9  }
0x5dc: {  	p0 =	slt.u32 s26, $0x18;
	v14 =	vand.u32 $0x78, v18;
	v21 =	vadd.s32 s10, v5;
	v9 =	vadd.s32 s11, v5;
	[tilespmem:v10+s16+$0x0] =	vst.idx.msk vm0, v8  }
0x5dd: {  	v10 =	vadd.s32 s8, v5;
	v18 =	vand.u32 $0x6, v18;
	v8 =	vmov s1;
	[tilespmem:v16+s16+$0x0] =	vst.idx.msk vm0, v12  }
0x5de: {  	v22 =	vmov s11;
	v12 =	vmov s6;
	v16 =	vadd.s32 s6, v5;
	[tilespmem:v15+s16+$0x0] =	vst.idx.msk vm0, v13  }
0x5df: {  	v22 =	vadd.s32 $0x5A, v22;
	v13 =	vmov s0;
	v15 =	vmov s10;
	[tilespmem:v17+s16+$0x0] =	vst.idx.msk vm0, v6  }
0x5e0: {  	v12 =	vadd.s32 $0x5A, v12;
	v17 =	vadd.s32 $0x5A, v15;
	v15 =	vand.u32 $0xF8, v22;
	v6 =	vld.idx.msk [tilespmem:v19+s3+$0x0], $0xffff;
	[tilespmem:v11+s16+$0x0] =	vst.idx.msk vm0, v7  }
0x5e1: {  	v19 =	vadd.s32 $0x5A, v13;
	v13 =	vadd.s32 $0x5A, v8;
	v15 =	vadd.s32 v3, v15;
	v8 =	vld.idx.msk [tilespmem:v9+s3+$0x0], $0xffff  }
0x5e2: {  	v23 =	vand.u32 $0xF8, v12;
	v11 =	vand.u32 $0x6, v17;
	v9 =	vld.idx.msk [tilespmem:v10+s3+$0x0], $0xffff;
	v10 =	vand.u32 $0x7, v22  }
.Ltmp38:
0x5e3: {  	v14 =	vadd.s32 v3, v14;
	v22 =	vand.u32 $0x7, v12;
	v7 =	vld.idx.msk [tilespmem:v21+s3+$0x0], $0xffff;
	v10 =	vor.u32 v10, v15;
	(pc) =	sbr.rel @p0 .LBB2_79-.Ltmp38, $4  }
0x5e4: {  	v14 =	vor.u32 v18, v14;
	v18 =	vand.u32 $0x78, v19;
	v15 =	vand.u32 $0xF8, v13;
	v12 =	vld.idx.msk [tilespmem:v20+s3+$0x0], $0xffff  }
0x5e5: {  	v21 =	vadd.s32 v3, v23;
	v20 =	vand.u32 $0x6, v13;
	v15 =	vadd.s32 v3, v15;
	v13 =	vld.idx.msk [tilespmem:v16+s3+$0x0], $0xffff  }
0x5e6: {  	v16 =	vor.u32 v20, v15;
	v15 =	vor.u32 v22, v21;
	v20 =	vand.u32 $0xF8, v17  }
0x5e7: {  	s26 =	smov.u32 s28;
	v18 =	vadd.s32 v3, v18;
	v17 =	vand.u32 $0x7, v19;
	v19 =	vadd.s32 v3, v20  }
0x5e8: {  	_ =	sdelay $0x3  }
0x5e9: {  	v5 =	vor.u32 v17, v18  }
0x5ea: {  	v11 =	vor.u32 v11, v19;
	[tilespmem:v14+s16+$0x0] =	vst.idx.msk vm0, v9  }
0x5eb: {  	[tilespmem:v10+s16+$0x0] =	vst.idx.msk vm0, v8;
	v8 =	vor.u32 $0x4, v4  }
0x5ec: {  	[tilespmem:v16+s16+$0x0] =	vst.idx.msk vm0, v12  }
0x5ed: {  	[tilespmem:v15+s16+$0x0] =	vst.idx.msk vm0, v13  }
0x5ee: {  	[tilespmem:v5+s16+$0x0] =	vst.idx.msk vm0, v6  }
0x5ef: {  	[tilespmem:v11+s16+$0x0] =	vst.idx.msk vm0, v7  }
0x5f0: {  	v5 =	vld.idx.msk [tilespmem:v8+s14+$0x0], vm0;
	_ =	sdelay $0x4  }
0x5f1: {  	s8 =	simm.s32 $0x4;
	v5 =	vand.u32 $0xFF, v5  }
0x5f2: {  	s0 =	simm.s32 $0x1;
	s6 =	simm.s32 $0x3;
	s10 =	simm.s32 $0x5;
	v10 =	vmov s8;
	v5 =	vmul.u32 $0x1E, v5  }
0x5f3: {  	s30 =	simm.s32 $0xA;
	s31 =	simm.s32 $0xB;
	v12 =	vmov s0;
	v14 =	vmov s10;
	v16 =	vmov s6  }
0x5f4: {  	s1 =	simm.s32 $0x2;
	v23 =	vmov s30;
	v25 =	vmov s31;
	v6 =	vadd.s32 $0x7800, v5  }
0x5f5: {  	v13 =	vmov s1;
	v15 =	vand.u32 $0x18, v12;
	v8 =	vadd.s32 s1, v6  }
0x5f6: {  	v18 =	vand.u32 $0x38, v16;
	v12 =	vand.u32 $0x7, v12;
	v7 =	vadd.s32 s0, v6  }
0x5f7: {  	v20 =	vand.u32 $0x38, v14;
	v14 =	vand.u32 $0x7, v14;
	v11 =	vadd.s32 s8, v6  }
0x5f8: {  	v19 =	vand.u32 $0x38, v13;
	v5 =	vadd.s32 $0x78, v3;
	v17 =	vadd.s32 s10, v6  }
0x5f9: {  	v13 =	vand.u32 $0x6, v13;
	v9 =	vadd.s32 s6, v6;
	v19 =	vadd.s32 v19, v5  }
0x5fa: {  	v15 =	vadd.s32 v15, v5;
	v13 =	vor.u32 v13, v19;
	v19 =	vand.u32 $0x38, v10;
	v8 =	vld.idx.msk [tilespmem:v8+s3+$0x0], $0xffff  }
0x5fb: {  	v12 =	vor.u32 v12, v15;
	v10 =	vand.u32 $0x6, v10;
	v15 =	vadd.s32 v19, v5;
	v7 =	vld.idx.msk [tilespmem:v7+s3+$0x0], $0xffff  }
0x5fc: {  	v16 =	vand.u32 $0x7, v16;
	v20 =	vadd.s32 v20, v5;
	s10 =	simm.s32 $0x0;
	v10 =	vor.u32 v10, v15;
	v11 =	vld.idx.msk [tilespmem:v11+s3+$0x0], $0xffff  }
0x5fd: {  	s11 =	simm.s32 $0x7;
	s29 =	simm.s32 $0x9;
	v18 =	vadd.s32 v18, v5;
	v14 =	vor.u32 v14, v20;
	v19 =	vadd.s32 s10, v6;
	v17 =	vld.idx.msk [tilespmem:v17+s3+$0x0], $0xffff  }
0x5fe: {  	v26 =	vmov s29;
	v16 =	vor.u32 v16, v18;
	v18 =	vadd.s32 s11, v6  }
0x5ff: {  	s26 =	simm.s32 $0x8;
	v28 =	vand.u32 $0x38, v26;
	v22 =	vadd.s32 s29, v6;
	v15 =	vmov s10;
	v9 =	vld.idx.msk [tilespmem:v9+s3+$0x0], $0xffff;
	[tilespmem:v13+s16+$0x0] =	vst.idx.msk vm0, v8  }
0x600: {  	v24 =	vadd.s32 s30, v6;
	v20 =	vadd.s32 s26, v6;
	v21 =	vand.u32 $0x6, v15;
	[tilespmem:v12+s16+$0x0] =	vst.idx.msk vm0, v7  }
0x601: {  	v8 =	vmov s11;
	v13 =	vmov s26;
	v12 =	vadd.s32 s31, v6;
	[tilespmem:v10+s16+$0x0] =	vst.idx.msk vm0, v11  }
0x602: {  	v10 =	vld.idx.msk [tilespmem:v19+s3+$0x0], $0xffff;
	[tilespmem:v14+s16+$0x0] =	vst.idx.msk vm0, v17;
	v14 =	vand.u32 $0x38, v25;
	v17 =	vand.u32 $0x7, v25;
	v7 =	vand.u32 $0x18, v8  }
0x603: {  	v11 =	vld.idx.msk [tilespmem:v18+s3+$0x0], $0xffff;
	v19 =	vadd.s32 v28, v5;
	v18 =	vadd.s32 v14, v5;
	v27 =	vadd.s32 v7, v5  }
0x604: {  	[tilespmem:v16+s16+$0x0] =	vst.idx.msk vm0, v9;
	v7 =	vand.u32 $0x18, v15;
	v15 =	vand.u32 $0x7, v8;
	v8 =	vand.u32 $0x38, v13  }
0x605: {  	v9 =	vld.idx.msk [tilespmem:v20+s3+$0x0], $0xffff;
	v13 =	vand.u32 $0x6, v13;
	v7 =	vadd.s32 v7, v5;
	v8 =	vadd.s32 v8, v5  }
0x606: {  	v16 =	vor.u32 v21, v7;
	v14 =	vor.u32 v13, v8;
	v13 =	vand.u32 $0x38, v23;
	v7 =	vld.idx.msk [tilespmem:v12+s3+$0x0], $0xffff  }
0x607: {  	v8 =	vor.u32 v17, v18;
	v17 =	vand.u32 $0x6, v23;
	v12 =	vld.idx.msk [tilespmem:v24+s3+$0x0], $0xffff;
	v20 =	vadd.s32 v13, v5  }
0x608: {  	s28 =	simm.s32 $0xC;
	s26 =	simm.s32 $0x6;
	v15 =	vor.u32 v15, v27;
	v18 =	vand.u32 $0x7, v26;
	v13 =	vld.idx.msk [tilespmem:v22+s3+$0x0], $0xffff;
	v17 =	vor.u32 v17, v20  }
.LBB2_81:
0x609: {  	s0 =	sadd.s32 $0x1, s28  }
0x60a: {  	s1 =	sadd.s32 $0x2, s28;
	v20 =	vmov s26;
	v21 =	vadd.s32 s26, v6;
	v18 =	vor.u32 v18, v19;
	s26 =	smov.u32 s28;
	s6 =	sadd.s32 $0x6, s28  }
0x60b: {  	v19 =	vadd.s32 s0, v6;
	v22 =	vadd.s32 s1, v6;
	s8 =	sadd.s32 $0x3, s26;
	s10 =	sadd.s32 $0x4, s26;
	s11 =	sadd.s32 $0x5, s26;
	v23 =	vand.u32 $0x6, v20;
	[tilespmem:v16+s16+$0x0] =	vst.idx.msk vm0, v10  }
0x60c: {  	p0 =	slt.u32 s28, $0x18;
	v24 =	vadd.s32 s8, v6;
	v25 =	vmov s10;
	v26 =	vadd.s32 s10, v6;
	[tilespmem:v14+s16+$0x0] =	vst.idx.msk vm0, v9  }
0x60d: {  	v9 =	vmov s0;
	v14 =	vmov s1;
	v16 =	vmov s11;
	[tilespmem:v15+s16+$0x0] =	vst.idx.msk vm0, v11  }
0x60e: {  	v27 =	vmov s8;
	v10 =	vand.u32 $0x18, v9;
	v15 =	vadd.s32 s11, v6;
	[tilespmem:v17+s16+$0x0] =	vst.idx.msk vm0, v12  }
0x60f: {  	v11 =	vand.u32 $0x18, v20;
	v12 =	vadd.s32 v10, v5;
	v17 =	vand.u32 $0x38, v27;
	[tilespmem:v18+s16+$0x0] =	vst.idx.msk vm0, v13  }
0x610: {  	v20 =	vadd.s32 v11, v5;
	v13 =	vand.u32 $0x7, v9;
	v18 =	vand.u32 $0x38, v14;
	v10 =	vld.idx.msk [tilespmem:v21+s3+$0x0], $0xffff;
	[tilespmem:v8+s16+$0x0] =	vst.idx.msk vm0, v7  }
.Ltmp39:
0x611: {  	v7 =	vand.u32 $0x6, v14;
	v8 =	vand.u32 $0x38, v16;
	v21 =	vand.u32 $0x7, v16;
	v9 =	vld.idx.msk [tilespmem:v22+s3+$0x0], $0xffff;
	(pc) =	sbr.rel @p0 .LBB2_81-.Ltmp39, $4  }
0x612: {  	v14 =	vadd.s32 v18, v5;
	v16 =	vor.u32 v23, v20;
	v8 =	vadd.s32 v8, v5;
	v11 =	vld.idx.msk [tilespmem:v19+s3+$0x0], $0xffff  }
0x613: {  	v18 =	vand.u32 $0x38, v25;
	v14 =	vor.u32 v7, v14;
	v8 =	vor.u32 v21, v8;
	v7 =	vld.idx.msk [tilespmem:v15+s3+$0x0], $0xffff  }
0x614: {  	v20 =	vand.u32 $0x6, v25;
	v21 =	vadd.s32 v18, v5;
	v15 =	vor.u32 v13, v12;
	v12 =	vld.idx.msk [tilespmem:v26+s3+$0x0], $0xffff  }
0x615: {  	s28 =	smov.u32 s6;
	v18 =	vand.u32 $0x7, v27;
	v19 =	vadd.s32 v17, v5;
	v17 =	vor.u32 v20, v21;
	v13 =	vld.idx.msk [tilespmem:v24+s3+$0x0], $0xffff  }
0x616: {  	_ = 	snop  }
0x617: {  	v6 =	vadd.s32 s26, v6;
	_ =	sdelay $0x1  }
0x618: {  	v20 =	vmov s26  }
0x619: {  	v18 =	vor.u32 v18, v19;
	v19 =	vand.u32 $0x18, v20  }
0x61a: {  	[tilespmem:v16+s16+$0x0] =	vst.idx.msk vm0, v10;
	v20 =	vand.u32 $0x6, v20;
	v5 =	vadd.s32 v19, v5  }
0x61b: {  	[tilespmem:v14+s16+$0x0] =	vst.idx.msk vm0, v9;
	v5 =	vor.u32 v20, v5;
	v6 =	vld.idx.msk [tilespmem:v6+s3+$0x0], $0xffff  }
0x61c: {  	v9 =	vor.u32 $0x5, v4;
	[tilespmem:v15+s16+$0x0] =	vst.idx.msk vm0, v11  }
0x61d: {  	[tilespmem:v8+s16+$0x0] =	vst.idx.msk vm0, v7  }
0x61e: {  	[tilespmem:v17+s16+$0x0] =	vst.idx.msk vm0, v12  }
0x61f: {  	[tilespmem:v18+s16+$0x0] =	vst.idx.msk vm0, v13  }
0x620: {  	[tilespmem:v5+s16+$0x0] =	vst.idx.msk vm0, v6  }
0x621: {  	v5 =	vld.idx.msk [tilespmem:v9+s14+$0x0], vm0;
	_ =	sdelay $0x4  }
0x622: {  	s10 =	simm.s32 $0x5;
	s11 =	simm.s32 $0x3;
	v5 =	vand.u32 $0xFF, v5  }
0x623: {  	s1 =	simm.s32 $0x1;
	v10 =	vmov s11;
	v11 =	vmov s10;
	v5 =	vmul.u32 $0x1E, v5  }
0x624: {  	v16 =	vmov s1;
	v19 =	vadd.s32 $0x96, v11;
	v10 =	vadd.s32 $0x96, v10  }
0x625: {  	v11 =	vand.u32 $0xF8, v19;
	v20 =	vadd.s32 $0x96, v16;
	v5 =	vadd.s32 $0x9600, v5  }
0x626: {  	s0 =	simm.s32 $0x0;
	v22 =	vand.u32 $0xF8, v10;
	v23 =	vand.u32 $0x7, v10;
	v7 =	vadd.s32 s1, v5  }
0x627: {  	v21 =	vadd.s32 v3, v11;
	v6 =	vmov s0;
	v8 =	vadd.s32 s10, v5  }
0x628: {  	s8 =	simm.s32 $0x4;
	v62 =	vadd.s32 v3, v22;
	v6 =	vadd.s32 $0x96, v6;
	v14 =	vadd.s32 s0, v5  }
0x629: {  	s6 =	simm.s32 $0x2;
	v18 =	vmov s8;
	v9 =	vand.u32 $0xB8, v6;
	v13 =	vadd.s32 s8, v5  }
0x62a: {  	v15 =	vand.u32 $0x6, v6;
	v6 =	vmov s6;
	v12 =	vadd.s32 s6, v5  }
0x62b: {  	v18 =	vadd.s32 $0x96, v18;
	v16 =	vadd.s32 $0x96, v6;
	v17 =	vadd.s32 s11, v5;
	v6 =	vld.idx.msk [tilespmem:v7+s3+$0x0], $0xffff  }
0x62c: {  	v11 =	vand.u32 $0x6, v18;
	v7 =	vand.u32 $0x7, v19;
	v8 =	vld.idx.msk [tilespmem:v8+s3+$0x0], $0xffff;
	v19 =	vadd.s32 v3, v9  }
0x62d: {  	v63 =	vand.u32 $0xF8, v18;
	v9 =	vld.idx.msk [tilespmem:v14+s3+$0x0], $0xffff;
	v10 =	vor.u32 v7, v21;
	v14 =	vor.u32 v15, v19  }
0x62e: {  	v19 =	vand.u32 $0xB8, v20;
	v15 =	vand.u32 $0xF8, v16;
	v7 =	vld.idx.msk [tilespmem:v13+s3+$0x0], $0xffff;
	v13 =	vand.u32 $0x6, v16  }
0x62f: {  	v12 =	vld.idx.msk [tilespmem:v12+s3+$0x0], $0xffff;
	v15 =	vadd.s32 v3, v15;
	v18 =	vadd.s32 v3, v19;
	v19 =	vadd.s32 v3, v63  }
0x630: {  	s26 =	simm.s32 $0x6;
	v16 =	vor.u32 v13, v15;
	v15 =	vor.u32 v23, v62;
	v13 =	vld.idx.msk [tilespmem:v17+s3+$0x0], $0xffff;
	v17 =	vand.u32 $0x7, v20  }
.LBB2_83:
0x631: {  	s0 =	sadd.s32 $0x1, s26  }
0x632: {  	v20 =	vmov s26;
	s1 =	sadd.s32 $0x2, s26;
	s6 =	sadd.s32 $0x3, s26;
	v17 =	vor.u32 v17, v18;
	v11 =	vor.u32 v11, v19;
	s8 =	smov.u32 s26  }
0x633: {  	s28 =	sadd.s32 $0x6, s26;
	v18 =	vadd.s32 $0x96, v20;
	v19 =	vadd.s32 s0, v5;
	v20 =	vadd.s32 s1, v5;
	s10 =	sadd.s32 $0x4, s8;
	s11 =	sadd.s32 $0x5, s8;
	[tilespmem:v14+s16+$0x0] =	vst.idx.msk vm0, v9  }
0x634: {  	p0 =	slt.u32 s26, $0x18;
	v14 =	vand.u32 $0xB8, v18;
	v21 =	vadd.s32 s10, v5;
	v9 =	vadd.s32 s11, v5;
	[tilespmem:v10+s16+$0x0] =	vst.idx.msk vm0, v8  }
0x635: {  	v10 =	vadd.s32 s8, v5;
	v18 =	vand.u32 $0x6, v18;
	v8 =	vmov s1;
	[tilespmem:v16+s16+$0x0] =	vst.idx.msk vm0, v12  }
0x636: {  	v22 =	vmov s11;
	v12 =	vmov s6;
	v16 =	vadd.s32 s6, v5;
	[tilespmem:v15+s16+$0x0] =	vst.idx.msk vm0, v13  }
0x637: {  	v22 =	vadd.s32 $0x96, v22;
	v13 =	vmov s0;
	v15 =	vmov s10;
	[tilespmem:v17+s16+$0x0] =	vst.idx.msk vm0, v6  }
0x638: {  	v12 =	vadd.s32 $0x96, v12;
	v17 =	vadd.s32 $0x96, v15;
	v15 =	vand.u32 $0xF8, v22;
	v6 =	vld.idx.msk [tilespmem:v19+s3+$0x0], $0xffff;
	[tilespmem:v11+s16+$0x0] =	vst.idx.msk vm0, v7  }
0x639: {  	v19 =	vadd.s32 $0x96, v13;
	v13 =	vadd.s32 $0x96, v8;
	v15 =	vadd.s32 v3, v15;
	v8 =	vld.idx.msk [tilespmem:v9+s3+$0x0], $0xffff  }
0x63a: {  	v23 =	vand.u32 $0xF8, v12;
	v11 =	vand.u32 $0x6, v17;
	v9 =	vld.idx.msk [tilespmem:v10+s3+$0x0], $0xffff;
	v10 =	vand.u32 $0x7, v22  }
.Ltmp40:
0x63b: {  	v14 =	vadd.s32 v3, v14;
	v22 =	vand.u32 $0x7, v12;
	v7 =	vld.idx.msk [tilespmem:v21+s3+$0x0], $0xffff;
	v10 =	vor.u32 v10, v15;
	(pc) =	sbr.rel @p0 .LBB2_83-.Ltmp40, $4  }
0x63c: {  	v14 =	vor.u32 v18, v14;
	v18 =	vand.u32 $0xB8, v19;
	v15 =	vand.u32 $0xF8, v13;
	v12 =	vld.idx.msk [tilespmem:v20+s3+$0x0], $0xffff  }
0x63d: {  	v21 =	vadd.s32 v3, v23;
	v20 =	vand.u32 $0x6, v13;
	v15 =	vadd.s32 v3, v15;
	v13 =	vld.idx.msk [tilespmem:v16+s3+$0x0], $0xffff  }
0x63e: {  	v16 =	vor.u32 v20, v15;
	v15 =	vor.u32 v22, v21;
	v20 =	vand.u32 $0xF8, v17  }
0x63f: {  	s26 =	smov.u32 s28;
	v18 =	vadd.s32 v3, v18;
	v17 =	vand.u32 $0x7, v19;
	v19 =	vadd.s32 v3, v20  }
0x640: {  	_ =	sdelay $0x3  }
0x641: {  	v5 =	vor.u32 v17, v18  }
0x642: {  	v11 =	vor.u32 v11, v19;
	[tilespmem:v14+s16+$0x0] =	vst.idx.msk vm0, v9  }
0x643: {  	[tilespmem:v10+s16+$0x0] =	vst.idx.msk vm0, v8;
	v8 =	vor.u32 $0x6, v4  }
0x644: {  	[tilespmem:v16+s16+$0x0] =	vst.idx.msk vm0, v12  }
0x645: {  	[tilespmem:v15+s16+$0x0] =	vst.idx.msk vm0, v13  }
0x646: {  	[tilespmem:v5+s16+$0x0] =	vst.idx.msk vm0, v6  }
0x647: {  	[tilespmem:v11+s16+$0x0] =	vst.idx.msk vm0, v7  }
0x648: {  	v5 =	vld.idx.msk [tilespmem:v8+s14+$0x0], vm0;
	_ =	sdelay $0x4  }
0x649: {  	s8 =	simm.s32 $0x4;
	s11 =	simm.s32 $0x3;
	v5 =	vand.u32 $0xFF, v5  }
0x64a: {  	s1 =	simm.s32 $0x1;
	v10 =	vmov s11;
	v18 =	vmov s8;
	v5 =	vmul.u32 $0x1E, v5  }
0x64b: {  	v16 =	vmov s1;
	v10 =	vadd.s32 $0xB4, v10;
	v18 =	vadd.s32 $0xB4, v18  }
0x64c: {  	v20 =	vadd.s32 $0xB4, v16;
	v22 =	vand.u32 $0xF8, v10;
	v5 =	vadd.s32 $0xB400, v5  }
0x64d: {  	s0 =	simm.s32 $0x0;
	s10 =	simm.s32 $0x5;
	v23 =	vand.u32 $0x7, v10;
	v63 =	vand.u32 $0xF8, v18;
	v7 =	vadd.s32 s1, v5  }
0x64e: {  	v62 =	vadd.s32 v3, v22;
	v6 =	vmov s0;
	v8 =	vadd.s32 s10, v5  }
0x64f: {  	v11 =	vmov s10;
	v6 =	vadd.s32 $0xB4, v6;
	v14 =	vadd.s32 s0, v5  }
0x650: {  	s6 =	simm.s32 $0x2;
	v19 =	vadd.s32 $0xB4, v11;
	v9 =	vand.u32 $0xF8, v6;
	v13 =	vadd.s32 s8, v5  }
0x651: {  	v15 =	vand.u32 $0x6, v6;
	v6 =	vmov s6;
	v12 =	vadd.s32 s6, v5  }
0x652: {  	v11 =	vand.u32 $0xF8, v19;
	v16 =	vadd.s32 $0xB4, v6;
	v17 =	vadd.s32 s11, v5;
	v6 =	vld.idx.msk [tilespmem:v7+s3+$0x0], $0xffff  }
0x653: {  	v21 =	vadd.s32 v3, v11;
	v7 =	vand.u32 $0x7, v19;
	v8 =	vld.idx.msk [tilespmem:v8+s3+$0x0], $0xffff;
	v19 =	vadd.s32 v3, v9  }
0x654: {  	v11 =	vand.u32 $0x6, v18;
	v9 =	vld.idx.msk [tilespmem:v14+s3+$0x0], $0xffff;
	v10 =	vor.u32 v7, v21;
	v14 =	vor.u32 v15, v19  }
0x655: {  	v19 =	vand.u32 $0xF8, v20;
	v15 =	vand.u32 $0xF8, v16;
	v7 =	vld.idx.msk [tilespmem:v13+s3+$0x0], $0xffff;
	v13 =	vand.u32 $0x6, v16  }
0x656: {  	v12 =	vld.idx.msk [tilespmem:v12+s3+$0x0], $0xffff;
	v15 =	vadd.s32 v3, v15;
	v18 =	vadd.s32 v3, v19;
	v19 =	vadd.s32 v3, v63  }
0x657: {  	s26 =	simm.s32 $0x6;
	v16 =	vor.u32 v13, v15;
	v15 =	vor.u32 v23, v62;
	v13 =	vld.idx.msk [tilespmem:v17+s3+$0x0], $0xffff;
	v17 =	vand.u32 $0x7, v20  }
.LBB2_85:
0x658: {  	s0 =	sadd.s32 $0x1, s26  }
0x659: {  	v20 =	vmov s26;
	s1 =	sadd.s32 $0x2, s26;
	s6 =	sadd.s32 $0x3, s26;
	v17 =	vor.u32 v17, v18;
	v11 =	vor.u32 v11, v19;
	s8 =	smov.u32 s26  }
0x65a: {  	s28 =	sadd.s32 $0x6, s26;
	v18 =	vadd.s32 $0xB4, v20;
	v19 =	vadd.s32 s0, v5;
	v20 =	vadd.s32 s1, v5;
	s10 =	sadd.s32 $0x4, s8;
	s11 =	sadd.s32 $0x5, s8;
	[tilespmem:v14+s16+$0x0] =	vst.idx.msk vm0, v9  }
0x65b: {  	p0 =	slt.u32 s26, $0x18;
	v14 =	vand.u32 $0xF8, v18;
	v21 =	vadd.s32 s10, v5;
	v9 =	vadd.s32 s11, v5;
	[tilespmem:v10+s16+$0x0] =	vst.idx.msk vm0, v8  }
0x65c: {  	v10 =	vadd.s32 s8, v5;
	v18 =	vand.u32 $0x6, v18;
	v8 =	vmov s1;
	[tilespmem:v16+s16+$0x0] =	vst.idx.msk vm0, v12  }
0x65d: {  	v22 =	vmov s11;
	v12 =	vmov s6;
	v16 =	vadd.s32 s6, v5;
	[tilespmem:v15+s16+$0x0] =	vst.idx.msk vm0, v13  }
0x65e: {  	v22 =	vadd.s32 $0xB4, v22;
	v13 =	vmov s0;
	v15 =	vmov s10;
	[tilespmem:v17+s16+$0x0] =	vst.idx.msk vm0, v6  }
0x65f: {  	v12 =	vadd.s32 $0xB4, v12;
	v17 =	vadd.s32 $0xB4, v15;
	v15 =	vand.u32 $0xF8, v22;
	v6 =	vld.idx.msk [tilespmem:v19+s3+$0x0], $0xffff;
	[tilespmem:v11+s16+$0x0] =	vst.idx.msk vm0, v7  }
0x660: {  	v19 =	vadd.s32 $0xB4, v13;
	v13 =	vadd.s32 $0xB4, v8;
	v15 =	vadd.s32 v3, v15;
	v8 =	vld.idx.msk [tilespmem:v9+s3+$0x0], $0xffff  }
0x661: {  	v23 =	vand.u32 $0xF8, v12;
	v11 =	vand.u32 $0x6, v17;
	v9 =	vld.idx.msk [tilespmem:v10+s3+$0x0], $0xffff;
	v10 =	vand.u32 $0x7, v22  }
.Ltmp41:
0x662: {  	v14 =	vadd.s32 v3, v14;
	v22 =	vand.u32 $0x7, v12;
	v7 =	vld.idx.msk [tilespmem:v21+s3+$0x0], $0xffff;
	v10 =	vor.u32 v10, v15;
	(pc) =	sbr.rel @p0 .LBB2_85-.Ltmp41, $4  }
0x663: {  	v14 =	vor.u32 v18, v14;
	v18 =	vand.u32 $0xF8, v19;
	v15 =	vand.u32 $0xF8, v13;
	v12 =	vld.idx.msk [tilespmem:v20+s3+$0x0], $0xffff  }
0x664: {  	v21 =	vadd.s32 v3, v23;
	v20 =	vand.u32 $0x6, v13;
	v15 =	vadd.s32 v3, v15;
	v13 =	vld.idx.msk [tilespmem:v16+s3+$0x0], $0xffff  }
0x665: {  	v16 =	vor.u32 v20, v15;
	v15 =	vor.u32 v22, v21;
	v20 =	vand.u32 $0xF8, v17  }
0x666: {  	s26 =	smov.u32 s28;
	v18 =	vadd.s32 v3, v18;
	v17 =	vand.u32 $0x7, v19;
	v19 =	vadd.s32 v3, v20  }
0x667: {  	_ =	sdelay $0x3  }
0x668: {  	v5 =	vor.u32 v17, v18  }
0x669: {  	v11 =	vor.u32 v11, v19;
	[tilespmem:v14+s16+$0x0] =	vst.idx.msk vm0, v9  }
0x66a: {  	[tilespmem:v10+s16+$0x0] =	vst.idx.msk vm0, v8;
	v8 =	vor.u32 $0x7, v4  }
0x66b: {  	[tilespmem:v16+s16+$0x0] =	vst.idx.msk vm0, v12  }
0x66c: {  	[tilespmem:v15+s16+$0x0] =	vst.idx.msk vm0, v13  }
0x66d: {  	[tilespmem:v5+s16+$0x0] =	vst.idx.msk vm0, v6  }
0x66e: {  	[tilespmem:v11+s16+$0x0] =	vst.idx.msk vm0, v7  }
0x66f: {  	v5 =	vld.idx.msk [tilespmem:v8+s14+$0x0], vm0;
	_ =	sdelay $0x4  }
0x670: {  	s8 =	simm.s32 $0x4;
	s11 =	simm.s32 $0x3;
	v5 =	vand.u32 $0xFF, v5  }
0x671: {  	s1 =	simm.s32 $0x1;
	v10 =	vmov s11;
	v18 =	vmov s8;
	v5 =	vmul.u32 $0x1E, v5  }
0x672: {  	v16 =	vmov s1;
	v10 =	vadd.s32 $0xD2, v10;
	v18 =	vadd.s32 $0xD2, v18  }
0x673: {  	v20 =	vadd.s32 $0xD2, v16;
	v22 =	vand.u32 $0x1F8, v10;
	v5 =	vadd.s32 $0xD200, v5  }
0x674: {  	s0 =	simm.s32 $0x0;
	s10 =	simm.s32 $0x5;
	v23 =	vand.u32 $0x7, v10;
	v63 =	vand.u32 $0x1F8, v18;
	v7 =	vadd.s32 s1, v5  }
0x675: {  	v62 =	vadd.s32 v3, v22;
	v6 =	vmov s0;
	v8 =	vadd.s32 s10, v5  }
0x676: {  	v11 =	vmov s10;
	v6 =	vadd.s32 $0xD2, v6;
	v14 =	vadd.s32 s0, v5  }
0x677: {  	s6 =	simm.s32 $0x2;
	v19 =	vadd.s32 $0xD2, v11;
	v9 =	vand.u32 $0xF8, v6;
	v13 =	vadd.s32 s8, v5  }
0x678: {  	v15 =	vand.u32 $0x6, v6;
	v6 =	vmov s6;
	v12 =	vadd.s32 s6, v5  }
0x679: {  	v11 =	vand.u32 $0x1F8, v19;
	v16 =	vadd.s32 $0xD2, v6;
	v17 =	vadd.s32 s11, v5;
	v6 =	vld.idx.msk [tilespmem:v7+s3+$0x0], $0xffff  }
0x67a: {  	v21 =	vadd.s32 v3, v11;
	v7 =	vand.u32 $0x7, v19;
	v8 =	vld.idx.msk [tilespmem:v8+s3+$0x0], $0xffff;
	v19 =	vadd.s32 v3, v9  }
0x67b: {  	v11 =	vand.u32 $0x6, v18;
	v9 =	vld.idx.msk [tilespmem:v14+s3+$0x0], $0xffff;
	v10 =	vor.u32 v7, v21;
	v14 =	vor.u32 v15, v19  }
0x67c: {  	v19 =	vand.u32 $0xF8, v20;
	v15 =	vand.u32 $0x1F8, v16;
	v7 =	vld.idx.msk [tilespmem:v13+s3+$0x0], $0xffff;
	v13 =	vand.u32 $0x6, v16  }
0x67d: {  	v12 =	vld.idx.msk [tilespmem:v12+s3+$0x0], $0xffff;
	v15 =	vadd.s32 v3, v15;
	v18 =	vadd.s32 v3, v19;
	v19 =	vadd.s32 v3, v63  }
0x67e: {  	s26 =	simm.s32 $0x6;
	v16 =	vor.u32 v13, v15;
	v15 =	vor.u32 v23, v62;
	v13 =	vld.idx.msk [tilespmem:v17+s3+$0x0], $0xffff;
	v17 =	vand.u32 $0x7, v20  }
.LBB2_87:
0x67f: {  	s0 =	sadd.s32 $0x1, s26  }
0x680: {  	v20 =	vmov s26;
	s1 =	sadd.s32 $0x2, s26;
	s6 =	sadd.s32 $0x3, s26;
	v17 =	vor.u32 v17, v18;
	v11 =	vor.u32 v11, v19;
	s8 =	smov.u32 s26  }
0x681: {  	s28 =	sadd.s32 $0x6, s26;
	v18 =	vadd.s32 $0xD2, v20;
	v19 =	vadd.s32 s0, v5;
	v20 =	vadd.s32 s1, v5;
	s10 =	sadd.s32 $0x4, s8;
	s11 =	sadd.s32 $0x5, s8;
	[tilespmem:v14+s16+$0x0] =	vst.idx.msk vm0, v9  }
0x682: {  	p0 =	slt.u32 s26, $0x18;
	v14 =	vand.u32 $0xF8, v18;
	v21 =	vadd.s32 s10, v5;
	v9 =	vadd.s32 s11, v5;
	[tilespmem:v10+s16+$0x0] =	vst.idx.msk vm0, v8  }
0x683: {  	v10 =	vadd.s32 s8, v5;
	v18 =	vand.u32 $0x6, v18;
	v8 =	vmov s1;
	[tilespmem:v16+s16+$0x0] =	vst.idx.msk vm0, v12  }
0x684: {  	v22 =	vmov s11;
	v12 =	vmov s6;
	v16 =	vadd.s32 s6, v5;
	[tilespmem:v15+s16+$0x0] =	vst.idx.msk vm0, v13  }
0x685: {  	v22 =	vadd.s32 $0xD2, v22;
	v13 =	vmov s0;
	v15 =	vmov s10;
	[tilespmem:v17+s16+$0x0] =	vst.idx.msk vm0, v6  }
0x686: {  	v12 =	vadd.s32 $0xD2, v12;
	v17 =	vadd.s32 $0xD2, v15;
	v15 =	vand.u32 $0x1F8, v22;
	v6 =	vld.idx.msk [tilespmem:v19+s3+$0x0], $0xffff;
	[tilespmem:v11+s16+$0x0] =	vst.idx.msk vm0, v7  }
0x687: {  	v19 =	vadd.s32 $0xD2, v13;
	v13 =	vadd.s32 $0xD2, v8;
	v15 =	vadd.s32 v3, v15;
	v8 =	vld.idx.msk [tilespmem:v9+s3+$0x0], $0xffff  }
0x688: {  	v23 =	vand.u32 $0x1F8, v12;
	v11 =	vand.u32 $0x6, v17;
	v9 =	vld.idx.msk [tilespmem:v10+s3+$0x0], $0xffff;
	v10 =	vand.u32 $0x7, v22  }
.Ltmp42:
0x689: {  	v14 =	vadd.s32 v3, v14;
	v22 =	vand.u32 $0x7, v12;
	v7 =	vld.idx.msk [tilespmem:v21+s3+$0x0], $0xffff;
	v10 =	vor.u32 v10, v15;
	(pc) =	sbr.rel @p0 .LBB2_87-.Ltmp42, $4  }
0x68a: {  	v14 =	vor.u32 v18, v14;
	v18 =	vand.u32 $0xF8, v19;
	v15 =	vand.u32 $0x1F8, v13;
	v12 =	vld.idx.msk [tilespmem:v20+s3+$0x0], $0xffff  }
0x68b: {  	v21 =	vadd.s32 v3, v23;
	v20 =	vand.u32 $0x6, v13;
	v15 =	vadd.s32 v3, v15;
	v13 =	vld.idx.msk [tilespmem:v16+s3+$0x0], $0xffff  }
0x68c: {  	v16 =	vor.u32 v20, v15;
	v15 =	vor.u32 v22, v21;
	v20 =	vand.u32 $0x1F8, v17  }
0x68d: {  	s26 =	smov.u32 s28;
	v18 =	vadd.s32 v3, v18;
	v17 =	vand.u32 $0x7, v19;
	v19 =	vadd.s32 v3, v20  }
0x68e: {  	_ =	sdelay $0x3  }
0x68f: {  	v5 =	vor.u32 v17, v18  }
0x690: {  	v11 =	vor.u32 v11, v19;
	[tilespmem:v14+s16+$0x0] =	vst.idx.msk vm0, v9  }
0x691: {  	[tilespmem:v10+s16+$0x0] =	vst.idx.msk vm0, v8;
	v8 =	vor.u32 $0x8, v4  }
0x692: {  	[tilespmem:v16+s16+$0x0] =	vst.idx.msk vm0, v12  }
0x693: {  	[tilespmem:v15+s16+$0x0] =	vst.idx.msk vm0, v13  }
0x694: {  	[tilespmem:v5+s16+$0x0] =	vst.idx.msk vm0, v6  }
0x695: {  	[tilespmem:v11+s16+$0x0] =	vst.idx.msk vm0, v7  }
0x696: {  	v5 =	vld.idx.msk [tilespmem:v8+s14+$0x0], vm0;
	_ =	sdelay $0x4  }
0x697: {  	s8 =	simm.s32 $0x4;
	v5 =	vand.u32 $0xFF, v5  }
0x698: {  	s0 =	simm.s32 $0x1;
	s6 =	simm.s32 $0x3;
	s10 =	simm.s32 $0x5;
	v10 =	vmov s8;
	v5 =	vmul.u32 $0x1E, v5  }
0x699: {  	s30 =	simm.s32 $0xA;
	s31 =	simm.s32 $0xB;
	v12 =	vmov s0;
	v14 =	vmov s10;
	v16 =	vmov s6  }
0x69a: {  	s1 =	simm.s32 $0x2;
	v23 =	vmov s30;
	v25 =	vmov s31;
	v6 =	vadd.s32 $0xF000, v5  }
0x69b: {  	v13 =	vmov s1;
	v15 =	vand.u32 $0x18, v12;
	v8 =	vadd.s32 s1, v6  }
0x69c: {  	v18 =	vand.u32 $0x38, v16;
	v12 =	vand.u32 $0x7, v12;
	v7 =	vadd.s32 s0, v6  }
0x69d: {  	v20 =	vand.u32 $0x38, v14;
	v14 =	vand.u32 $0x7, v14;
	v11 =	vadd.s32 s8, v6  }
0x69e: {  	v19 =	vand.u32 $0x38, v13;
	v5 =	vadd.s32 $0xF0, v3;
	v17 =	vadd.s32 s10, v6  }
0x69f: {  	v13 =	vand.u32 $0x6, v13;
	v9 =	vadd.s32 s6, v6;
	v19 =	vadd.s32 v19, v5  }
0x6a0: {  	v15 =	vadd.s32 v15, v5;
	v13 =	vor.u32 v13, v19;
	v19 =	vand.u32 $0x38, v10;
	v8 =	vld.idx.msk [tilespmem:v8+s3+$0x0], $0xffff  }
0x6a1: {  	v12 =	vor.u32 v12, v15;
	v10 =	vand.u32 $0x6, v10;
	v15 =	vadd.s32 v19, v5;
	v7 =	vld.idx.msk [tilespmem:v7+s3+$0x0], $0xffff  }
0x6a2: {  	v16 =	vand.u32 $0x7, v16;
	v20 =	vadd.s32 v20, v5;
	s10 =	simm.s32 $0x0;
	v10 =	vor.u32 v10, v15;
	v11 =	vld.idx.msk [tilespmem:v11+s3+$0x0], $0xffff  }
0x6a3: {  	s11 =	simm.s32 $0x7;
	s29 =	simm.s32 $0x9;
	v18 =	vadd.s32 v18, v5;
	v14 =	vor.u32 v14, v20;
	v19 =	vadd.s32 s10, v6;
	v17 =	vld.idx.msk [tilespmem:v17+s3+$0x0], $0xffff  }
0x6a4: {  	v26 =	vmov s29;
	v16 =	vor.u32 v16, v18;
	v18 =	vadd.s32 s11, v6  }
0x6a5: {  	s26 =	simm.s32 $0x8;
	v28 =	vand.u32 $0x38, v26;
	v22 =	vadd.s32 s29, v6;
	v15 =	vmov s10;
	v9 =	vld.idx.msk [tilespmem:v9+s3+$0x0], $0xffff;
	[tilespmem:v13+s16+$0x0] =	vst.idx.msk vm0, v8  }
0x6a6: {  	v24 =	vadd.s32 s30, v6;
	v20 =	vadd.s32 s26, v6;
	v21 =	vand.u32 $0x6, v15;
	[tilespmem:v12+s16+$0x0] =	vst.idx.msk vm0, v7  }
0x6a7: {  	v8 =	vmov s11;
	v13 =	vmov s26;
	v12 =	vadd.s32 s31, v6;
	[tilespmem:v10+s16+$0x0] =	vst.idx.msk vm0, v11  }
0x6a8: {  	v10 =	vld.idx.msk [tilespmem:v19+s3+$0x0], $0xffff;
	[tilespmem:v14+s16+$0x0] =	vst.idx.msk vm0, v17;
	v14 =	vand.u32 $0x38, v25;
	v17 =	vand.u32 $0x7, v25;
	v7 =	vand.u32 $0x18, v8  }
0x6a9: {  	v11 =	vld.idx.msk [tilespmem:v18+s3+$0x0], $0xffff;
	v19 =	vadd.s32 v28, v5;
	v18 =	vadd.s32 v14, v5;
	v27 =	vadd.s32 v7, v5  }
0x6aa: {  	[tilespmem:v16+s16+$0x0] =	vst.idx.msk vm0, v9;
	v7 =	vand.u32 $0x18, v15;
	v15 =	vand.u32 $0x7, v8;
	v8 =	vand.u32 $0x38, v13  }
0x6ab: {  	v9 =	vld.idx.msk [tilespmem:v20+s3+$0x0], $0xffff;
	v13 =	vand.u32 $0x6, v13;
	v7 =	vadd.s32 v7, v5;
	v8 =	vadd.s32 v8, v5  }
0x6ac: {  	v16 =	vor.u32 v21, v7;
	v14 =	vor.u32 v13, v8;
	v13 =	vand.u32 $0x38, v23;
	v7 =	vld.idx.msk [tilespmem:v12+s3+$0x0], $0xffff  }
0x6ad: {  	v8 =	vor.u32 v17, v18;
	v17 =	vand.u32 $0x6, v23;
	v12 =	vld.idx.msk [tilespmem:v24+s3+$0x0], $0xffff;
	v20 =	vadd.s32 v13, v5  }
0x6ae: {  	s28 =	simm.s32 $0xC;
	s26 =	simm.s32 $0x6;
	v15 =	vor.u32 v15, v27;
	v18 =	vand.u32 $0x7, v26;
	v13 =	vld.idx.msk [tilespmem:v22+s3+$0x0], $0xffff;
	v17 =	vor.u32 v17, v20  }
.LBB2_89:
0x6af: {  	s0 =	sadd.s32 $0x1, s28  }
0x6b0: {  	s1 =	sadd.s32 $0x2, s28;
	v20 =	vmov s26;
	v21 =	vadd.s32 s26, v6;
	v18 =	vor.u32 v18, v19;
	s26 =	smov.u32 s28;
	s6 =	sadd.s32 $0x6, s28  }
0x6b1: {  	v19 =	vadd.s32 s0, v6;
	v22 =	vadd.s32 s1, v6;
	s8 =	sadd.s32 $0x3, s26;
	s10 =	sadd.s32 $0x4, s26;
	s11 =	sadd.s32 $0x5, s26;
	v23 =	vand.u32 $0x6, v20;
	[tilespmem:v16+s16+$0x0] =	vst.idx.msk vm0, v10  }
0x6b2: {  	p0 =	slt.u32 s28, $0x18;
	v24 =	vadd.s32 s8, v6;
	v25 =	vmov s10;
	v26 =	vadd.s32 s10, v6;
	[tilespmem:v14+s16+$0x0] =	vst.idx.msk vm0, v9  }
0x6b3: {  	v9 =	vmov s0;
	v14 =	vmov s1;
	v16 =	vmov s11;
	[tilespmem:v15+s16+$0x0] =	vst.idx.msk vm0, v11  }
0x6b4: {  	v27 =	vmov s8;
	v10 =	vand.u32 $0x18, v9;
	v15 =	vadd.s32 s11, v6;
	[tilespmem:v17+s16+$0x0] =	vst.idx.msk vm0, v12  }
0x6b5: {  	v11 =	vand.u32 $0x18, v20;
	v12 =	vadd.s32 v10, v5;
	v17 =	vand.u32 $0x38, v27;
	[tilespmem:v18+s16+$0x0] =	vst.idx.msk vm0, v13  }
0x6b6: {  	v20 =	vadd.s32 v11, v5;
	v13 =	vand.u32 $0x7, v9;
	v18 =	vand.u32 $0x38, v14;
	v10 =	vld.idx.msk [tilespmem:v21+s3+$0x0], $0xffff;
	[tilespmem:v8+s16+$0x0] =	vst.idx.msk vm0, v7  }
.Ltmp43:
0x6b7: {  	v7 =	vand.u32 $0x6, v14;
	v8 =	vand.u32 $0x38, v16;
	v21 =	vand.u32 $0x7, v16;
	v9 =	vld.idx.msk [tilespmem:v22+s3+$0x0], $0xffff;
	(pc) =	sbr.rel @p0 .LBB2_89-.Ltmp43, $4  }
0x6b8: {  	v14 =	vadd.s32 v18, v5;
	v16 =	vor.u32 v23, v20;
	v8 =	vadd.s32 v8, v5;
	v11 =	vld.idx.msk [tilespmem:v19+s3+$0x0], $0xffff  }
0x6b9: {  	v18 =	vand.u32 $0x38, v25;
	v14 =	vor.u32 v7, v14;
	v8 =	vor.u32 v21, v8;
	v7 =	vld.idx.msk [tilespmem:v15+s3+$0x0], $0xffff  }
0x6ba: {  	v20 =	vand.u32 $0x6, v25;
	v21 =	vadd.s32 v18, v5;
	v15 =	vor.u32 v13, v12;
	v12 =	vld.idx.msk [tilespmem:v26+s3+$0x0], $0xffff  }
0x6bb: {  	s28 =	smov.u32 s6;
	v18 =	vand.u32 $0x7, v27;
	v19 =	vadd.s32 v17, v5;
	v17 =	vor.u32 v20, v21;
	v13 =	vld.idx.msk [tilespmem:v24+s3+$0x0], $0xffff  }
0x6bc: {  	_ = 	snop  }
0x6bd: {  	v6 =	vadd.s32 s26, v6;
	_ =	sdelay $0x1  }
0x6be: {  	v20 =	vmov s26  }
0x6bf: {  	v18 =	vor.u32 v18, v19;
	v19 =	vand.u32 $0x18, v20  }
0x6c0: {  	[tilespmem:v16+s16+$0x0] =	vst.idx.msk vm0, v10;
	v20 =	vand.u32 $0x6, v20;
	v5 =	vadd.s32 v19, v5  }
0x6c1: {  	[tilespmem:v14+s16+$0x0] =	vst.idx.msk vm0, v9;
	v5 =	vor.u32 v20, v5;
	v6 =	vld.idx.msk [tilespmem:v6+s3+$0x0], $0xffff  }
0x6c2: {  	v4 =	vor.u32 $0x9, v4;
	[tilespmem:v15+s16+$0x0] =	vst.idx.msk vm0, v11  }
0x6c3: {  	[tilespmem:v8+s16+$0x0] =	vst.idx.msk vm0, v7  }
0x6c4: {  	[tilespmem:v17+s16+$0x0] =	vst.idx.msk vm0, v12  }
0x6c5: {  	[tilespmem:v18+s16+$0x0] =	vst.idx.msk vm0, v13  }
0x6c6: {  	[tilespmem:v5+s16+$0x0] =	vst.idx.msk vm0, v6  }
0x6c7: {  	v4 =	vld.idx.msk [tilespmem:v4+s14+$0x0], vm0;
	_ =	sdelay $0x4  }
0x6c8: {  	s10 =	simm.s32 $0x5;
	s11 =	simm.s32 $0x3;
	v4 =	vand.u32 $0xFF, v4  }
0x6c9: {  	s1 =	simm.s32 $0x1;
	s8 =	simm.s32 $0x4;
	v11 =	vmov s11;
	v14 =	vmov s10;
	v4 =	vmul.u32 $0x1E, v4  }
0x6ca: {  	v15 =	vmov s1;
	v14 =	vadd.s32 $0x10E, v14;
	v17 =	vmov s8  }
0x6cb: {  	v19 =	vadd.s32 $0x10E, v15;
	v17 =	vadd.s32 $0x10E, v17;
	v4 =	vadd.s32 $0x10E00, v4  }
0x6cc: {  	s0 =	simm.s32 $0x0;
	v18 =	vadd.s32 $0x10E, v11;
	v11 =	vand.u32 $0x178, v14;
	v6 =	vadd.s32 s1, v4  }
0x6cd: {  	v20 =	vadd.s32 v3, v11;
	v5 =	vmov s0;
	v7 =	vadd.s32 s10, v4  }
0x6ce: {  	v21 =	vand.u32 $0x178, v18;
	v5 =	vadd.s32 $0x10E, v5;
	v9 =	vadd.s32 s0, v4  }
0x6cf: {  	s6 =	simm.s32 $0x2;
	v11 =	vand.u32 $0x6, v17;
	v8 =	vand.u32 $0x138, v5;
	v12 =	vadd.s32 s8, v4  }
0x6d0: {  	v13 =	vand.u32 $0x6, v5;
	v5 =	vmov s6;
	v10 =	vadd.s32 s6, v4  }
0x6d1: {  	v18 =	vand.u32 $0x7, v18;
	v15 =	vadd.s32 $0x10E, v5;
	v16 =	vadd.s32 s11, v4;
	v5 =	vld.idx.msk [tilespmem:v6+s3+$0x0], $0xffff  }
0x6d2: {  	v21 =	vadd.s32 v3, v21;
	v6 =	vand.u32 $0x7, v14;
	v7 =	vld.idx.msk [tilespmem:v7+s3+$0x0], $0xffff;
	v14 =	vadd.s32 v3, v8  }
0x6d3: {  	v9 =	vld.idx.msk [tilespmem:v9+s3+$0x0], $0xffff;
	v8 =	vor.u32 v6, v20;
	v14 =	vor.u32 v13, v14;
	v13 =	vand.u32 $0x178, v15  }
0x6d4: {  	v20 =	vand.u32 $0x138, v19;
	v6 =	vld.idx.msk [tilespmem:v12+s3+$0x0], $0xffff;
	v12 =	vand.u32 $0x6, v15;
	v13 =	vadd.s32 v3, v13  }
0x6d5: {  	v10 =	vld.idx.msk [tilespmem:v10+s3+$0x0], $0xffff;
	v15 =	vor.u32 v12, v13;
	v13 =	vor.u32 v18, v21;
	v18 =	vand.u32 $0x178, v17  }
0x6d6: {  	s26 =	simm.s32 $0x6;
	v12 =	vld.idx.msk [tilespmem:v16+s3+$0x0], $0xffff;
	v16 =	vand.u32 $0x7, v19;
	v17 =	vadd.s32 v3, v20;
	v18 =	vadd.s32 v3, v18  }
.LBB2_91:
0x6d7: {  	s0 =	sadd.s32 $0x1, s26  }
0x6d8: {  	v19 =	vmov s26;
	s1 =	sadd.s32 $0x2, s26;
	s6 =	sadd.s32 $0x3, s26;
	v16 =	vor.u32 v16, v17;
	v11 =	vor.u32 v11, v18;
	s8 =	smov.u32 s26  }
0x6d9: {  	s28 =	sadd.s32 $0x6, s26;
	v17 =	vadd.s32 $0x10E, v19;
	v18 =	vadd.s32 s0, v4;
	v19 =	vadd.s32 s1, v4;
	s10 =	sadd.s32 $0x4, s8;
	s11 =	sadd.s32 $0x5, s8;
	[tilespmem:v14+s16+$0x0] =	vst.idx.msk vm0, v9  }
0x6da: {  	p0 =	slt.u32 s26, $0x18;
	v14 =	vand.u32 $0x138, v17;
	v20 =	vadd.s32 s10, v4;
	v9 =	vadd.s32 s11, v4;
	[tilespmem:v8+s16+$0x0] =	vst.idx.msk vm0, v7  }
0x6db: {  	v8 =	vadd.s32 s8, v4;
	v17 =	vand.u32 $0x6, v17;
	v7 =	vmov s1;
	[tilespmem:v15+s16+$0x0] =	vst.idx.msk vm0, v10  }
0x6dc: {  	v21 =	vmov s11;
	v10 =	vmov s6;
	v15 =	vadd.s32 s6, v4;
	[tilespmem:v13+s16+$0x0] =	vst.idx.msk vm0, v12  }
0x6dd: {  	v21 =	vadd.s32 $0x10E, v21;
	v12 =	vmov s0;
	v13 =	vmov s10;
	[tilespmem:v16+s16+$0x0] =	vst.idx.msk vm0, v5  }
0x6de: {  	v10 =	vadd.s32 $0x10E, v10;
	v16 =	vadd.s32 $0x10E, v13;
	v13 =	vand.u32 $0x178, v21;
	v5 =	vld.idx.msk [tilespmem:v18+s3+$0x0], $0xffff;
	[tilespmem:v11+s16+$0x0] =	vst.idx.msk vm0, v6  }
0x6df: {  	v18 =	vadd.s32 $0x10E, v12;
	v12 =	vadd.s32 $0x10E, v7;
	v13 =	vadd.s32 v3, v13;
	v7 =	vld.idx.msk [tilespmem:v9+s3+$0x0], $0xffff  }
0x6e0: {  	v22 =	vand.u32 $0x178, v10;
	v11 =	vand.u32 $0x6, v16;
	v9 =	vld.idx.msk [tilespmem:v8+s3+$0x0], $0xffff;
	v8 =	vand.u32 $0x7, v21  }
.Ltmp44:
0x6e1: {  	v14 =	vadd.s32 v3, v14;
	v21 =	vand.u32 $0x7, v10;
	v6 =	vld.idx.msk [tilespmem:v20+s3+$0x0], $0xffff;
	v8 =	vor.u32 v8, v13;
	(pc) =	sbr.rel @p0 .LBB2_91-.Ltmp44, $4  }
0x6e2: {  	v14 =	vor.u32 v17, v14;
	v17 =	vand.u32 $0x138, v18;
	v13 =	vand.u32 $0x178, v12;
	v10 =	vld.idx.msk [tilespmem:v19+s3+$0x0], $0xffff  }
0x6e3: {  	v20 =	vadd.s32 v3, v22;
	v19 =	vand.u32 $0x6, v12;
	v13 =	vadd.s32 v3, v13;
	v12 =	vld.idx.msk [tilespmem:v15+s3+$0x0], $0xffff  }
0x6e4: {  	v15 =	vor.u32 v19, v13;
	v13 =	vor.u32 v21, v20;
	v19 =	vand.u32 $0x178, v16  }
0x6e5: {  	s26 =	smov.u32 s28;
	v17 =	vadd.s32 v3, v17;
	v16 =	vand.u32 $0x7, v18;
	v18 =	vadd.s32 v3, v19  }
0x6e6: {  	_ =	sdelay $0x3  }
0x6e7: {  	v3 =	vor.u32 v16, v17  }
0x6e8: {  	v4 =	vor.u32 v11, v18;
	[tilespmem:v14+s16+$0x0] =	vst.idx.msk vm0, v9  }
0x6e9: {  	s0 =	sor.u32 s24, s25;
	p0 =	seq.s32 s23, $0x3;
	[tilespmem:v8+s16+$0x0] =	vst.idx.msk vm0, v7  }
0x6ea: {  	s1 =	sadd.s32 @p0 s7, s0;
	[tilespmem:v15+s16+$0x0] =	vst.idx.msk vm0, v10  }
0x6eb: {  	s1 =	smul.u32 @p0 $0x76C, s1;
	[tilespmem:v13+s16+$0x0] =	vst.idx.msk vm0, v12  }
0x6ec: {  	s22 =	sadd.s32 $0x1, s22;
	p1 =	sne.s32 @!p0 s23, $0x1;
	[tilespmem:v3+s16+$0x0] =	vst.idx.msk vm0, v5  }
0x6ed: {  	s6 =	simm.s32 @p0 $0x0;
	s8 =	simm.s32 @p0 $0x18060;
	s1 =	sadd.s32 @p0 s2, s1;
	[tilespmem:v4+s16+$0x0] =	vst.idx.msk vm0, v6  }
0x6ee: {  	[hbm4b:s1+s6] =	stream.linear.scatter @p0 [tilespmem:s8], [sflag:$0x4], $0x3B60, $0x38;
	[tilespmem:$0x1BBC0] =	vst v63  }
0x6ef: {  	p1 =	por p1, p0;
	p0 =	sne.s32 s22, $0x8  }
.Ltmp45:
0x6f0: {  	s0 =	sadd.s32 @!p1 s7, s0;
	(pc) =	sbr.rel @p0 .LBB2_47-.Ltmp45, $3  }
0x6f1: {  	s0 =	smul.u32 @!p1 $0x76C, s0;
	_ =	sdelay $0x1  }
0x6f2: {  	s0 =	sadd.s32 @!p1 s2, s0;
	s1 =	simm.s32 @!p1 $0x0;
	s6 =	simm.s32 @!p1 $0x14500  }
0x6f3: {  	[hbm4b:s0+s1] =	stream.linear.scatter @!p1 [tilespmem:s6], [sflag:$0x3], $0x3B60, $0x38;
	[tilespmem:$0x1BBC0] =	vst v63  }
0x6f4: {  	s20 =	sadd.s32 $0x1, s20  }
0x6f5: {  	p0 =	sne.s32 s20, $0x10  }
.Ltmp46:
0x6f6: {  	_ = 	snop;
	(pc) =	sbr.rel @p0 .LBB2_2-.Ltmp46, $1  }
0x6f7: {  	_ =	sdelay $0x3  }
0x6f8: {  	_ =	swait.ge [sflag:s15], $0x3B60  }
0x6f9: {  	[sflag:s15] =	ssyncset.done $0x0  }
0x6fa: {  	[sflag:s15] =	ssyncadd.s32 $0xFFFFC4A0  }
0x6fb: {  	_ =	swait.ge [sflag:s18], $0x3B60  }
0x6fc: {  	s19 =	sadd.s32 $0x1, s19;
	s0 =	rddreg [dreg:$0x5]  }
0x6fd: {  	p0 =	sne.s32 s19, s0  }
.Ltmp47:
0x6fe: {  	_ = 	snop;
	(pc) =	sbr.rel @p0 .LBB2_1-.Ltmp47, $3  }
0x6ff: {  	_ =	sdelay $0x1  }
0x700: {  	[sflag:s18] =	ssyncset.done $0x0  }
0x701: {  	[sflag:s18] =	ssyncadd.s32 $0xFFFFC4A0  }
0x702: {  	_ =	sfence.sel $0x180000  }
0x703: {  	[bflag:$0x0] =	sbarrier.arrive $0xFFFF  }
0x704: {  	_ =	strace $0x9000004A  }
0x705: {  	s0 =	stileid.u32;
	[bflag:$0x2] =	sbarrier.arrive $0xFFFF  }
0x706: {  	p0 =	sne.s32 s0, $0x0;
	s0 =	rddreg [dreg:$0x2]  }
0x707: {  	s0 =	sadd.s32 @!p0 $0x100000, s0  }
0x708: {  	[sflag:s0] =	ssyncadd.tile.s32 @!p0 $0x1;
	_ =	shalt  }
.Lfunc_end2:
_tile_overlayer_lowered:
.L_overlay_start_2:
0x709: {  	(tag) =	ssettag $0x2  }
0x70a: {  	s0 =	rddreg [dreg:$0x0];
	s2 =	stileid.u32  }
0x70b: {  	s1 =	rddreg [dreg:$0x1];
	p0 =	sne.s32 s2, $0x0  }
0x70c: {  	s3 =	rddreg [dreg:$0x2];
	[bflag:$0x3] =	sbarrier.arrive $0xFFFF;
	s2 =	simm.s32 @!p0 $0x1C05  }
0x70d: {  	[timem:s3], [sflag:s2] =	dma.local @!p0 [hbm:s0], s1  }
0x70e: {  	s0 =	simm.s32 @!p0 $0x5  }
0x70f: {  	_ =	swait.ge @!p0 [sflag:s0], s1  }
0x710: {  	s1 =	ssub.s32 @!p0 $0x0, s1;
	[sflag:s0] =	ssyncset.done @!p0 $0x0  }
0x711: {  	[sflag:s0] =	ssyncadd.s32 @!p0 s1  }
0x712: {  	[bflag:$0x3] =	sbarrier.arrive $0xFFFF  }
0x713: {  	_ =	shalt  }

// kernel: sparse-core-data-format-call.cloned.1.call-start
scs
called_computation_lowered:
.L_overlay_start_0:
0x0: {  	s2 =	sld [smem:$0x3FD9]  }
0x1: {  	s3 =	sld [smem:$0x3FFE];
	_ =	sdelay $0x1  }
0x2: {  	s1 =	srdreg.scid  }
0x3: {  	s0 =	sand.u32 $0x1, s1  }
0x4: {  	s18 =	sshll.u32 s0, $0xA;
	s2 =	sadd.s32 s3, s2  }
0x5: {  	s2 =	sadd.s32 s2, s18  }
0x6: {  	[smem:$0x3FC5] =	sst s2  }
0x7: {  	_ = 	snop  }
0x8: {  	s2 =	sld [smem:$0x3FD0];
	(tm) =	ssettm $0x1  }
0x9: {  	s19 =	sld [smem:$0x3FFB];
	_ =	sdelay $0x3  }
0xa: {  	_ =	strace s19  }
0xb: {  	s3 =	sld [smem:$0x3FFC];
	_ =	sdelay $0x3  }
0xc: {  	_ =	strace s3  }
0xd: {  	s3 =	sld [smem:$0x3FFD];
	_ =	sdelay $0x3  }
0xe: {  	_ =	strace s3  }
0xf: {  	_ =	strace $0x8FFFFFFF  }
0x10: {  	s20 =	sld [smem:$0x3FDB];
	_ =	sdelay $0x1  }
0x11: {  	s4 =	simm.s32 $_scs_section_size  }
0x12: {  	s5 =	simm.s32 $_size__tile_overlayer_lowered;
	s6 =	simm.s32 $_tile_overlayer_lowered  }
0x13: {  	s23 =	simm.s32 $0x1BFF;
	s22 =	sshll.u32 s6, $0x1;
	s3 =	sadd.s32 s4, s20  }
0x14: {  	s7 =	simm.s32 $0x0;
	s21 =	sshll.u32 s5, $0x1;
	s5 =	sadd.s32 s22, s3  }
0x15: {  	[timem:s7], [sflag:s23] =	dma.local [hbm:s5], s21  }
0x16: {  	_ =	swait.ge [sflag:s23], s21  }
0x17: {  	s4 =	ssub.s32 $0x0, s21;
	[sflag:s23] =	ssyncset.done $0x0  }
0x18: {  	[sflag:s23] =	ssyncadd.s32 s4;
	_ =	sdelay $0x1  }
0x19: {  	s24 =	simm.s32 $0x1B8B  }
0x1a: {  	_ =	swait.ge [sflag:s24], $0x1  }
0x1b: {  	[sflag:s24] =	ssyncset.done $0x0  }
0x1c: {  	s26 =	simm.s32 $0x1B8E;
	s25 =	sld [smem:$0x3FFE];
	[sflag:s24] =	ssyncadd.s32 $0xFFFFFFFF  }
0x1d: {  	s27 =	simm.s32 $execute0_lowered;
	[smem:$0x3FD2] =	sst s26  }
0x1e: {  	s5 =	sshll.u32 s27, $0x1;
	_ =	strace $0x8000004C;
	[dreg:$0x1] =	wrdreg $0xFFFFFFFF  }
0x1f: {  	s28 =	simm.s32 $_size_execute0_lowered;
	s3 =	sadd.s32 s3, s5;
	[dreg:$0x0] =	wrdreg $0x0  }
0x20: {  	s5 =	sshll.u32 s28, $0x1;
	[dreg:$0x2] =	wrdreg s3  }
0x21: {  	[dreg:$0x3] =	wrdreg s5  }
0x22: {  	[dreg:$0x4] =	wrdreg $0xC0  }
0x23: {  	_ =	task [dreg:s7], $0x5FFFF  }
0x24: {  	[dreg:$0x1] =	wrdreg $0xFFFFFFFF  }
0x25: {  	[dreg:$0x0] =	wrdreg $0x60  }
0x26: {  	[dreg:$0x2] =	wrdreg s25  }
0x27: {  	[dreg:$0x3] =	wrdreg s2  }
0x28: {  	[dreg:$0x4] =	wrdreg $0x9  }
0x29: {  	_ =	task.clear_ibuf [dreg:s7], $0x5FFFF;
	_ =	strace $0x9000004C  }
0x2a: {  	s29 =	simm.s32 $0x9;
	_ =	strace $0x8000004E  }
0x2b: {  	_ =	swait.ge [sflag:s29], $0x1  }
0x2c: {  	[sflag:s29] =	ssyncadd.s32 $0xFFFFFFFF  }
0x2d: {  	_ =	strace $0x9000004E  }
0x2e: {  	_ =	sfence  }
0x2f: {  	s30 =	sld [smem:$0x0];
	_ =	sdelay $0x2  }
0x30: {  	s31 =	sshll.u32 s1, $0xD;
	s1 =	sshrl.u32 s1, $0x2  }
0x31: {  	s3 =	sand.u32 $0x4000, s31;
	s1 =	sadd.s32 s1, s30  }
0x32: {  	s0 =	sor.u32 s3, s0;
	s1 =	sshll.u32 s1, $0x11  }
0x33: {  	s0 =	sor.u32 s1, s0  }
0x34: {  	s0 =	sadd.s32 $0x8F2B, s0  }
0x35: {  	[sflag:s0] =	ssyncadd.remote.s32 $0x1  }
0x36: {  	_ =	sfence.sel $0xFFFF  }
0x37: {  	[dreg:$0x0] =	wrdreg $0xFFFFFFFF;
	(pc) =	sbr.abs _section_cstart, $3  }
0x38: {  	[dreg:$0x1] =	wrdreg $0xFFFFFFFF  }
0x39: {  	_ =	task.clear_ibuf [dreg:s7], $0x2FFFF;
	_ =	strace $0x9FFFFFFF  }
0x3a: {  	(tm) =	ssettm $0x7FFFFFFF  }
0x3b: {  	_ =	shalt  }
tec
execute0_lowered:
.L_overlay_start_1:
0x0: {  	(tag) =	ssettag $0x1  }
0x1: {  	s0 =	srdreg.scid;
	s6 =	rddreg [dreg:$0x0]  }
0x2: {  	s3 =	rddreg [dreg:$0x1];
	s1 =	sshll.u32 s0, $0x4  }
0x3: {  	s5 =	simm.s32 $0x1;
	s0 =	stileid.u32;
	s1 =	sand.u32 $0x10, s1  }
0x4: {  	s31 =	simm.s32 $0x2;
	s16 =	simm.s32 $0x0;
	s1 =	sor.u32 s0, s1  }
0x5: {  	s8 =	simm.s32 $0x8000;
	s18 =	simm.s32 $0x0;
	s2 =	sshll.u32 s1, $0x7  }
0x6: {  	s17 =	simm.s32 $0x0;
	s9 =	simm.s32 $0x0;
	s4 =	ssub.s32 $0x1000, s2  }
0x7: {  	s10 =	simm.s32 $0x0;
	s11 =	simm.s32 $0x0;
	s30 =	sand.u32 $0xF80, s4  }
0x8: {  	s12 =	simm.s32 $0x0;
	s13 =	simm.s32 $0x0;
	p0 =	sne.s32 s30, $0x0  }
.Ltmp0:
0x9: {  	s7 =	sshrl.u32 s4, $0xC;
	s5 =	simm.s32 @!p0 $0x0;
	(pc) =	sbr.rel .LBB1_1-.Ltmp0, $4  }
0xa: {  	s15 =	simm.s32 $0x0;
	s1 =	rddreg [dreg:$0x2];
	s5 =	sadd.s32 s5, s7  }
0xb: {  	_ =	strace $0x8000004D;
	s4 =	simm.s32 $0x1;
	s5 =	smul.u32 $0x96, s5  }
0xc: {  	s6 =	sadd.s32 $0xE00, s6;
	s14 =	smov.u32 s2;
	[sflag:s4] =	ssyncpa.u1 $0x0  }
0xd: {  	[sflag:s31] =	ssyncpa.u1 $0x0;
	p0 =	por $0x0, $0x0;
	s7 =	sor.u32 $0x1, s5  }
.LBB1_4:
0xe: {  	s23 =	sshra.s32 s23, $0x2;
	s30 =	sshll.u32 s9, $0xC  }
0xf: {  	p1 =	sgt.s32 s10, $0x31;
	s24 =	smov.u32 s10;
	s25 =	sshra.s32 s10, $0x1F  }
0x10: {  	s26 =	sshll.u32 s11, $0x3;
	s28 =	smov.u32 s11;
	s29 =	sshra.s32 s11, $0x1F  }
0x11: {  	s22 =	sadd.s32 s23, s22;
	s24 =	simm.s32 @!p1 $0x31;
	s25 =	sand.u32 s25, s10  }
0x12: {  	s23 =	sand.u32 $0xFFFF8000, s30;
	s27 =	sand.u32 $0xFFFFFC00, s26;
	p1 =	sgt.s32 s9, $0xB0  }
0x13: {  	s31 =	sand.u32 s29, s11;
	s29 =	sshll.u32 s9, $0x7;
	s30 =	sshra.s32 s9, $0x1F  }
0x14: {  	[tilespmem:s21+$0x2040 ss:$0x81] =	vst.msk $0xffff, v4;
	s24 =	ssub.s32 s24, s25;
	s23 =	sadd.s32 s27, s23;
	s27 =	smov.u32 s9  }
0x15: {  	[tilespmem:s21+$0x2850 ss:$0x81] =	vst.msk $0xffff, v3;
	s29 =	sand.u32 $0x380, s29;
	s25 =	sadd.s32 $0xFFFFFFCF, s24;
	s27 =	simm.s32 @!p1 $0xB0  }
0x16: {  	v5 =	vld [tilespmem:s20+$0xFFFFFFD0];
	[tilespmem:s21+$0x3060 ss:$0x81] =	vst.msk $0xffff, v2;
	p1 =	sgt.s32 s11, $0xF80;
	s23 =	sshrl.u32 s23, $0xC;
	s24 =	ssub.s32 $0x32, s24  }
0x17: {  	v58 =	vld [tilespmem:s20+$0xFFFFFFE0];
	[tilespmem:s21+$0x0 ss:$0x81] =	vst.msk $0xffff, v1;
	s28 =	simm.s32 @!p1 $0xF80;
	p1 =	sgt.s32 s25, $0x0;
	s21 =	smulhi.u32 $0xD79436, s23  }
0x18: {  	v59 =	vld [tilespmem:s20+$0xFFFFFFF0];
	s25 =	ssub.s32 s28, s31;
	s28 =	sand.u32 s30, s9;
	s24 =	simm.s32 @p1 $0x0  }
0x19: {  	v60 =	vld [tilespmem:s20+$0x0];
	s27 =	ssub.s32 s27, s28;
	s31 =	sadd.s32 $0xFFFFF080, s25;
	s25 =	ssub.s32 $0x1000, s25  }
0x1a: {  	v61 =	vld [tilespmem:s20+$0x10];
	[tilespmem:s22+$0x3870 ss:$0x81] =	vst.msk $0xffff, v0;
	s21 =	smul.u32 $0x130, s21;
	s28 =	sand.u32 $0x7, s11;
	p1 =	sgt.s32 s31, $0x7F  }
0x1b: {  	v62 =	vld [tilespmem:s20+$0x20];
	[tilespmem:s22+$0x810 ss:$0x81] =	vst.msk $0xffff, v5;
	s30 =	sadd.s32 $0xFFFFFF50, s27;
	s31 =	sand.u32 $0x78, s11;
	s25 =	simm.s32 @p1 $0x0  }
0x1c: {  	v63 =	vld [tilespmem:s20+$0xFFFFFFC0];
	[tilespmem:s22+$0x1020 ss:$0x81] =	vst.msk $0xffff, v58;
	p1 =	sgt.s32 s30, $0x7F;
	s30 =	sand.u32 $0xC00, s26;
	s24 =	smul.u32 s25, s24  }
0x1d: {  	[tilespmem:s22+$0x1830 ss:$0x81] =	vst.msk $0xffff, v59;
	s26 =	ssub.s32 $0x130, s27;
	s20 =	sor.u32 s31, s30;
	s31 =	smul.u32 $0x26000, s10  }
0x1e: {  	[tilespmem:s22+$0x2040 ss:$0x81] =	vst.msk $0xffff, v60;
	s21 =	ssub.s32 s23, s21;
	s26 =	simm.s32 @p1 $0x0;
	s20 =	sor.u32 s29, s20  }
0x1f: {  	[tilespmem:s22+$0x2850 ss:$0x81] =	vst.msk $0xffff, v61;
	s26 =	smul.u32 s26, s24;
	s20 =	sshrl.u32 s20, $0x3;
	s27 =	sadd.s32 s3, s31  }
0x20: {  	[tilespmem:s22+$0x3060 ss:$0x81] =	vst.msk $0xffff, v62;
	s21 =	sshll.u32 s21, $0x9;
	s29 =	sshll.u32 s28, $0x12;
	s20 =	sadd.s32 s20, s27  }
0x21: {  	[tilespmem:s22+$0x0 ss:$0x81] =	vst.msk $0xffff, v63;
	s31 =	sor.u32 $0x400, s29;
	s30 =	sand.u32 $0x3FFFFFFF, s26;
	s20 =	sadd.s32 s21, s20  }
0x22: {  	[hbm4b:s20+s31] =	stream.strided.scatter [tilespmem:s19], [sflag:$0x2], s30, s8, s31, $0x20;
	[tilespmem:$0x10100] =	vst v63  }
.LBB1_5:
0x23: {  	p1 =	slt.u32 s15, $0x2  }
0x24: {  	p2 =	sgt.s32 @!p1 s18, $0x31  }
0x25: {  	s19 =	smov.u32 s18;
	s20 =	sshra.s32 @!p1 s18, $0x1F;
	p2 =	por !p2, p1  }
0x26: {  	s18 =	sand.u32 @!p1 s20, s18;
	s19 =	simm.s32 @p2 $0x31  }
0x27: {  	p3 =	sgt.s32 @!p1 s16, $0xB0;
	s18 =	ssub.s32 @!p1 s19, s18  }
0x28: {  	p4 =	sgt.s32 @!p1 s17, $0xF80;
	s21 =	sshra.s32 @!p1 s17, $0x1F;
	s19 =	sadd.s32 @!p1 $0xFFFFFFCF, s18  }
0x29: {  	s20 =	smov.u32 s16;
	p2 =	sgt.s32 @!p1 s19, $0x0;
	s19 =	sshra.s32 @!p1 s16, $0x1F  }
0x2a: {  	p4 =	por !p4, p1;
	s16 =	sand.u32 @!p1 s19, s16;
	s19 =	smov.u32 s17  }
0x2b: {  	p3 =	por !p3, p1;
	s17 =	sand.u32 @!p1 s21, s17;
	s19 =	simm.s32 @p4 $0xF80  }
0x2c: {  	s20 =	simm.s32 @p3 $0xB0;
	s18 =	ssub.s32 @!p1 $0x32, s18;
	s17 =	ssub.s32 @!p1 s19, s17  }
0x2d: {  	p2 =	por !p2, p1;
	s16 =	ssub.s32 @!p1 s20, s16;
	s20 =	sadd.s32 @!p1 $0xFFFFF080, s17  }
0x2e: {  	s18 =	simm.s32 @!p2 $0x0;
	p3 =	sgt.s32 @!p1 s20, $0x7F  }
0x2f: {  	s19 =	sadd.s32 @!p1 $0xFFFFFF50, s16;
	s17 =	ssub.s32 @!p1 $0x1000, s17;
	p3 =	por !p3, p1  }
0x30: {  	p2 =	sgt.s32 @!p1 s19, $0x7F;
	s19 =	sadd.s32 $0x80, s12;
	s17 =	simm.s32 @!p3 $0x0  }
0x31: {  	p3 =	sgt.s32 s19, $0x12B;
	s17 =	smul.u32 @!p1 s17, s18;
	s18 =	simm.s32 $0x1  }
0x32: {  	s16 =	ssub.s32 @!p1 $0x130, s16;
	p2 =	por !p2, p1;
	s18 =	simm.s32 @!p3 $0x0  }
0x33: {  	s21 =	smov.u32 s14;
	s16 =	simm.s32 @!p2 $0x0;
	s20 =	sadd.s32 s18, s13  }
0x34: {  	s16 =	smul.u32 @!p1 s16, s17;
	s17 =	sadd.s32 $0x1000, s14;
	p2 =	sgt.s32 s20, $0x31  }
0x35: {  	p0 =	por !p0, !p0;
	s22 =	simm.s32 @!p1 $0x2;
	s21 =	smov.u32 @p2 s17  }
0x36: {  	s19 =	simm.s32 @p3 $0x0;
	s20 =	simm.s32 @p2 $0x0;
	p2 =	sgt.s32 s21, $0xFFF  }
0x37: {  	s18 =	smov.u32 s10;
	s21 =	smov.u32 @p2 s2;
	p2 =	sne.s32 s15, s7  }
.Ltmp1:
0x38: {  	s10 =	smov.u32 s13;
	s16 =	sand.u32 @!p1 $0x3FFFFFFF, s16;
	(pc) =	sbr.rel @!p2 .LBB1_6-.Ltmp1, $4  }
0x39: {  	s17 =	smov.u32 s11;
	s11 =	smov.u32 s14;
	_ =	swait.ge @!p1 [sflag:s22], s16  }
0x3a: {  	s23 =	ssub.s32 @!p1 $0x0, s16;
	s16 =	smov.u32 s9;
	s9 =	smov.u32 s12  }
0x3b: {  	s12 =	smov.u32 s19;
	s13 =	smov.u32 s20;
	[sflag:s22] =	ssyncset.done @!p1 $0x0  }
0x3c: {  	s15 =	sadd.s32 $0x1, s15;
	[sflag:s22] =	ssyncadd.s32 @!p1 s23;
	s14 =	smov.u32 s21  }
.LBB1_1:
0x3d: {  	p1 =	sge.u32 s15, s5  }
0x3e: {  	s19 =	sshrl.u32 @!p1 s13, $0x3  }
0x3f: {  	s20 =	sshll.u32 @!p1 s12, $0x3;
	s19 =	smul.u32 @!p1 $0xC00, s19  }
0x40: {  	s21 =	sshll.u32 @!p1 s13, $0x7;
	s20 =	sand.u32 @!p1 $0xFFFFFC00, s20  }
0x41: {  	s19 =	sadd.s32 @!p1 s19, s20;
	s20 =	sand.u32 @!p1 $0x380, s21  }
0x42: {  	s19 =	sor.u32 @!p1 s20, s19  }
0x43: {  	s20 =	sand.u32 @!p1 $0x7F, s12;
	s21 =	smulhi.u32 @!p1 $0xAAAAAAAB, s19  }
0x44: {  	s19 =	sor.u32 @!p1 s20, s19  }
0x45: {  	s20 =	smulhi.u32 @!p1 $0xAAAAAAAB, s19;
	s21 =	sshrl.u32 @!p1 s21, $0x8  }
0x46: {  	s22 =	smulhi.u32 @!p1 $0x4924925, s21;
	_ =	sdelay $0x1  }
0x47: {  	s20 =	sshrl.u32 @!p1 s20, $0x8;
	s22 =	smul.u32 @!p1 $0x38, s22  }
0x48: {  	s31 =	sadd.s32 $0xFFFFFFFF, s15;
	s20 =	smul.u32 @!p1 $0x180, s20  }
0x49: {  	s23 =	sxor.u32 @!p1 $0xFFFFFFFF, s15;
	s21 =	ssub.s32 @!p1 s21, s22;
	s22 =	smul.u32 @!p1 $0xA80, s14  }
0x4a: {  	s23 =	sshll.u32 @!p1 s23, $0xE;
	s19 =	ssub.s32 @!p1 s19, s20;
	s20 =	smul.u32 @!p1 $0x30, s21  }
0x4b: {  	s21 =	sand.u32 @!p1 $0x4000, s23;
	s23 =	sand.u32 @!p1 $0x7, s19;
	s22 =	sadd.s32 @!p1 s6, s22  }
0x4c: {  	s19 =	sshrl.u32 @!p1 s19, $0x3;
	s20 =	sadd.s32 @!p1 s20, s22;
	s22 =	sshll.u32 @!p1 s23, $0x12  }
0x4d: {  	s19 =	sadd.s32 @!p1 s19, s20;
	s20 =	sor.u32 @!p1 $0x80, s22;
	s22 =	simm.s32 @!p1 $0x5400  }
0x4e: {  	[tilespmem:s21], [sflag:$0x1] =	stream.strided.gather @!p1 [hbm4b:s19+s20], $0x4000, s22, s20, $0x38;
	[tilespmem:$0x10100] =	vst v63  }
0x4f: {  	p1 =	sge.u32 s31, s5  }
.Ltmp2:
0x50: {  	_ = 	snop;
	(pc) =	sbr.rel @p1 .LBB1_5-.Ltmp2, $1  }
0x51: {  	_ =	sdelay $0x3  }
0x52: {  	s19 =	simm.s32 $0x1  }
0x53: {  	_ =	swait.ge [sflag:s4], $0x4000;
	s19 =	simm.s32 @!p0 $0x0  }
0x54: {  	[sflag:s4] =	ssyncset.done $0x0;
	s20 =	sshll.u32 s19, $0xE  }
0x55: {  	[sflag:s4] =	ssyncadd.s32 $0xFFFFC000;
	s20 =	sor.u32 $0x40, s20  }
0x56: {  	s19 =	smul.u32 $0x10200, s19;
	v0 =	vld [tilespmem:s20+$0x30]  }
0x57: {  	v1 =	vld [tilespmem:s20+$0xFFFFFFD0]  }
0x58: {  	s19 =	sshrl.u32 s19, $0x2;
	v5 =	vld [tilespmem:s20+$0xFFFFFFE0]  }
0x59: {  	v6 =	vld [tilespmem:s20+$0xFFFFFFF0];
	s22 =	sor.u32 $0x8000, s19  }
0x5a: {  	s31 =	sand.u32 $0x1, s15;
	v4 =	vld [tilespmem:s20+$0x0];
	s21 =	sadd.s32 $0x0, s22  }
0x5b: {  	v3 =	vld [tilespmem:s20+$0x10];
	s19 =	smul.u32 $0x10200, s31;
	[tilespmem:s21+$0x3870 ss:$0x81] =	vst.msk $0xffff, v0  }
0x5c: {  	v2 =	vld [tilespmem:s20+$0x20];
	[tilespmem:s21+$0x810 ss:$0x81] =	vst.msk $0xffff, v1  }
0x5d: {  	s19 =	sshrl.u32 s19, $0x2;
	v1 =	vld [tilespmem:s20+$0xFFFFFFC0];
	[tilespmem:s21+$0x1020 ss:$0x81] =	vst.msk $0xffff, v5;
	s20 =	sadd.s32 $0x80, s20  }
0x5e: {  	s23 =	simm.s32 $0x4;
	s24 =	simm.s32 $0x8;
	s19 =	sor.u32 $0x8000, s19;
	[tilespmem:s21+$0x1830 ss:$0x81] =	vst.msk $0xffff, v6;
	v0 =	vld [tilespmem:s20+$0x30]  }
.LBB1_3:
0x5f: {  	p1 =	sne.s32 s24, $0x1FC;
	v5 =	vld [tilespmem:s20+$0xFFFFFFD0];
	[tilespmem:s21+$0x2040 ss:$0x81] =	vst.msk $0xffff, v4  }
0x60: {  	v6 =	vld [tilespmem:s20+$0xFFFFFFE0];
	[tilespmem:s21+$0x2850 ss:$0x81] =	vst.msk $0xffff, v3  }
0x61: {  	s25 =	sshra.s32 s23, $0x2;
	s23 =	smov.u32 s24;
	v7 =	vld [tilespmem:s20+$0xFFFFFFF0];
	[tilespmem:s21+$0x3060 ss:$0x81] =	vst.msk $0xffff, v2  }
.Ltmp3:
0x62: {  	v4 =	vld [tilespmem:s20+$0x0];
	[tilespmem:s21+$0x0 ss:$0x81] =	vst.msk $0xffff, v1;
	s21 =	sadd.s32 s25, s22;
	(pc) =	sbr.rel @p1 .LBB1_3-.Ltmp3, $4  }
0x63: {  	v3 =	vld [tilespmem:s20+$0x10];
	[tilespmem:s21+$0x3870 ss:$0x81] =	vst.msk $0xffff, v0  }
0x64: {  	[tilespmem:s21+$0x810 ss:$0x81] =	vst.msk $0xffff, v5;
	v2 =	vld [tilespmem:s20+$0x20]  }
0x65: {  	v1 =	vld [tilespmem:s20+$0xFFFFFFC0];
	[tilespmem:s21+$0x1020 ss:$0x81] =	vst.msk $0xffff, v6;
	s20 =	sadd.s32 $0x80, s20  }
0x66: {  	s24 =	sadd.s32 $0x4, s24;
	v0 =	vld [tilespmem:s20+$0x30];
	[tilespmem:s21+$0x1830 ss:$0x81] =	vst.msk $0xffff, v7  }
.Ltmp4:
0x67: {  	_ = 	snop;
	(pc) =	sbr.rel .LBB1_4-.Ltmp4, $1  }
0x68: {  	_ =	sdelay $0x3  }
.LBB1_6:
0x69: {  	_ =	sfence.sel $0x180000  }
0x6a: {  	s2 =	simm.s32 $0x1;
	[bflag:$0x0] =	sbarrier.arrive $0xFFFF  }
0x6b: {  	s31 =	simm.s32 $0x2;
	[sflag:s2] =	ssyncpa.u1 $0x1  }
0x6c: {  	[sflag:s31] =	ssyncpa.u1 $0x1  }
0x6d: {  	p0 =	sne.s32 s0, $0x0;
	_ =	strace $0x9000004D  }
0x6e: {  	s0 =	sadd.s32 @!p0 $0x100000, s1;
	[bflag:$0x2] =	sbarrier.arrive $0xFFFF  }
0x6f: {  	[sflag:s0] =	ssyncadd.tile.s32 @!p0 $0x1;
	_ =	shalt  }
.Lfunc_end1:
_tile_overlayer_lowered:
.L_overlay_start_2:
0x70: {  	(tag) =	ssettag $0x2  }
0x71: {  	s0 =	rddreg [dreg:$0x0];
	s2 =	stileid.u32  }
0x72: {  	s1 =	rddreg [dreg:$0x1];
	p0 =	sne.s32 s2, $0x0  }
0x73: {  	s3 =	rddreg [dreg:$0x2];
	[bflag:$0x3] =	sbarrier.arrive $0xFFFF;
	s2 =	simm.s32 @!p0 $0x1C01  }
0x74: {  	[timem:s3], [sflag:s2] =	dma.local @!p0 [hbm:s0], s1  }
0x75: {  	s0 =	simm.s32 @!p0 $0x1  }
0x76: {  	_ =	swait.ge @!p0 [sflag:s0], s1  }
0x77: {  	s1 =	ssub.s32 @!p0 $0x0, s1;
	[sflag:s0] =	ssyncset.done @!p0 $0x0  }
0x78: {  	[sflag:s0] =	ssyncadd.s32 @!p0 s1  }
0x79: {  	[bflag:$0x3] =	sbarrier.arrive $0xFFFF  }
0x7a: {  	_ =	shalt  }

</sc_bundles>
